<compile_context>
chip_gen: v7x
topology: tpu7x:2x2x1
jax: 0.10.2.dev20260603
libtpu: 0.0.44.dev20260713+nightly
codegen_flags: <defaults>
</compile_context>

<pallas_src>
import jax
import jax.numpy as jnp
from jax import lax
from jax.experimental import pallas as pl
from jax.experimental.pallas import tpu as pltpu
from jax.experimental.pallas import tpu_sc as plsc

N = 512 * 512
K_SEL = 1024
NS = 16
CH = N // NS
NV = CH // 16
MSB = -0x80000000

_mesh = plsc.VectorSubcoreMesh(
    core_axis_name="c", subcore_axis_name="s", num_cores=1, num_subcores=NS)


def _splat(v, dtype=jnp.int32):
    return jnp.full((16,), v, dtype=dtype)


_SCRATCH = [
    pltpu.VMEM((CH,), jnp.float32),
    pltpu.VMEM((CH + 16,), jnp.float32),
    pltpu.VMEM((CH + 16,), jnp.float32),
    pltpu.VMEM((64,), jnp.int32),
    pltpu.VMEM((NS * 64,), jnp.int32),
    pltpu.VMEM((16,), jnp.float32),
    pltpu.VMEM((32,), jnp.int32),
    pltpu.VMEM_SHARED((2 * NS * 32,), jnp.int32),
    pltpu.VMEM_SHARED((NS * 64,), jnp.int32),
]


def _toploss_body(x_hbm, out_hbm, xv, bT, bB,
                  stage_i, gbuf_i, outv, nbuf, sh_i, sh_w):
    cid = lax.axis_index("c")
    sid = lax.axis_index("s")
    base = sid * CH
    iota = lax.iota(jnp.int32, 16)
    zero_i = _splat(0)
    zero_f = _splat(0.0, jnp.float32)

    def popcnt(m):
        return plsc.all_reduce_population_count(m)

    def exchange_i32(lo_vec, hi_vec, parity, red):
        stage_i[pl.ds(0, 16)] = lo_vec
        stage_i[pl.ds(16, 16)] = hi_vec
        pltpu.sync_copy(stage_i.at[pl.ds(0, 32)],
                        sh_i.at[pl.ds(parity * (NS * 32) + sid * 32, 32)])
        plsc.subcore_barrier()
        pltpu.sync_copy(sh_i.at[pl.ds(parity * (NS * 32), NS * 32)],
                        gbuf_i.at[pl.ds(0, NS * 32)])
        lo = gbuf_i[pl.ds(0, 16)]
        hi = gbuf_i[pl.ds(16, 16)]
        for w in range(1, NS):
            lo = red(lo, gbuf_i[pl.ds(w * 32, 16)])
            hi = red(hi, gbuf_i[pl.ds(w * 32 + 16, 16)])
        return lo, hi

    def skey_of(xvec):
        b = plsc.bitcast(xvec, jnp.int32)
        return jnp.where(b >= 0, b, MSB - b)

    def inv_val(kvv):
        bits = jnp.where(kvv >= 0, kvv, MSB - kvv)
        return plsc.bitcast(bits, jnp.float32)

    pltpu.sync_copy(x_hbm.at[pl.ds(base, CH)], xv)

    @plsc.parallel_loop(0, NV, unroll=8,
                        carry=(_splat(-jnp.inf, jnp.float32),
                               _splat(jnp.inf, jnp.float32)))
    def _minmax(i, carry):
        mxf, mnf = carry
        xvec = xv[pl.ds(i * 16, 16)]
        return jnp.maximum(mxf, xvec), jnp.minimum(mnf, xvec)

    mxf, mnf = _minmax
    mxg, mng_inv = exchange_i32(skey_of(mxf), ~skey_of(mnf), 0, jnp.maximum)
    mng = ~mng_inv
    kmax_v = _splat(jnp.max(mxg))
    kmin_v = _splat(jnp.min(mng))
    x_max = inv_val(kmax_v)
    x_min = inv_val(kmin_v)

    rng_v = (x_max - x_min) * (1.0 / 160.0)
    tau_t_try = x_max - rng_v
    tau_b_try = x_min + rng_v

    def compact_pass(tt, tb):
        @plsc.parallel_loop(0, NV, unroll=8,
                            carry=(_splat(-1), _splat(-1)))
        def _comp(i, carry):
            offTm1, offBm1 = carry
            xvec = xv[pl.ds(i * 16, 16)]
            mT = xvec >= tt
            mB = xvec <= tb
            plsc.store_scatter(
                bT, [offTm1 + plsc.cumsum(mT.astype(jnp.int32))],
                xvec, mask=mT)
            plsc.store_scatter(
                bB, [offBm1 + plsc.cumsum(mB.astype(jnp.int32))],
                xvec, mask=mB)
            return offTm1 + popcnt(mT), offBm1 + popcnt(mB)

        om1T, om1B = _comp
        return om1T + 1, om1B + 1

    offT, offB = compact_pass(tau_t_try, tau_b_try)
    cT, cB = exchange_i32(offT, offB, 1, jnp.add)
    okT = cT >= K_SEL
    okB = cB >= K_SEL
    tau_t = jnp.where(okT, tau_t_try, x_min)
    tau_b = jnp.where(okB, tau_b_try, x_max)
    nbuf[pl.ds(0, 16)] = offT
    nbuf[pl.ds(16, 16)] = offB
    redo = jnp.max(jnp.where(okT & okB, zero_i, _splat(1)))

    @pl.when(redo > 0)
    def _():
        oT, oB = compact_pass(tau_t, tau_b)
        nbuf[pl.ds(0, 16)] = oT
        nbuf[pl.ds(16, 16)] = oB

    nT_v = nbuf[pl.ds(0, 16)]
    nB_v = nbuf[pl.ds(16, 16)]
    tripT = (jnp.max(nT_v) + 15) // 16
    tripB = (jnp.max(nB_v) + 15) // 16
    plsc.store_scatter(bT, [nT_v + iota], _splat(-jnp.inf, jnp.float32))
    plsc.store_scatter(bB, [nB_v + iota], _splat(jnp.inf, jnp.float32))

    ktau_t = skey_of(tau_t)
    ktau_b = skey_of(tau_b)

    def ehigh(diff):
        f = diff.astype(jnp.float32)
        e = lax.shift_right_logical(plsc.bitcast(f, jnp.int32), 23) - 127
        e = jnp.where(diff == 0, _splat(-1000), e)
        return jnp.where(diff < 0, _splat(31), e)

    e_joint = jnp.maximum(ehigh(ktau_t ^ kmax_v), ehigh(ktau_b ^ kmin_v))
    g0_v = jnp.clip((_splat(31) - e_joint) // 4, 0, 8)
    nclear = _splat(32) - 4 * g0_v
    lowmask = jnp.where(g0_v == 0, _splat(-1),
                        lax.shift_left(_splat(1), nclear) - 1)
    ut0 = ((kmax_v ^ MSB) & ~lowmask)
    ub0 = ((kmin_v ^ MSB) & ~lowmask)
    g0 = jnp.max(g0_v)

    def group(g, carry):
        ut, ub = carry
        s = 28 - 4 * g
        low = lax.shift_left(jnp.int32(1), s) - 1
        cand_ts = [inv_val((ut | lax.shift_left(_splat(j), s)) ^ MSB)
                   for j in range(1, 16)]
        cand_bs = [inv_val((ub | lax.shift_left(_splat(j), s) | low) ^ MSB)
                   for j in range(15)]

        def cnt_T(i, accs):
            xfv = bT[pl.ds(i * 16, 16)]
            return tuple(a + popcnt(xfv >= c)
                         for a, c in zip(accs, cand_ts))

        def cnt_B(i, accs):
            xfv = bB[pl.ds(i * 16, 16)]
            return tuple(a + popcnt(xfv <= c)
                         for a, c in zip(accs, cand_bs))

        accT = lax.fori_loop(0, tripT, cnt_T, (zero_i,) * 15)
        accB = lax.fori_loop(0, tripB, cnt_B, (zero_i,) * 15)
        packT = zero_i
        for j, a in enumerate(accT):
            packT = packT + jnp.where(iota == j + 1, a, zero_i)
        packB = zero_i
        for j, a in enumerate(accB):
            packB = packB + jnp.where(iota == j, a, zero_i)
        totT, totB = exchange_i32(packT, packB, lax.rem(g - g0, 2), jnp.add)

        cl_t = (ut | lax.shift_left(iota, s)) ^ MSB
        cl_b = (ub | lax.shift_left(iota, s) | low) ^ MSB
        decT = ((totT >= K_SEL) | (cl_t <= ktau_t)) & (iota >= 1)
        decB = ((totB >= K_SEL) | (cl_b >= ktau_b)) & (iota <= 14)
        sel = popcnt(decT)
        jstar = _splat(15) - popcnt(decB)
        return ut | lax.shift_left(sel, s), ub | lax.shift_left(jstar, s)

    ut, ub = lax.fori_loop(g0, 8, group, (ut0, ub0))
    ts_t = ut ^ MSB
    ts_b = ub ^ MSB
    x_t = inv_val(ts_t)
    x_b = inv_val(ts_b)

    def fin_T(i, acc):
        sv, cv = acc
        xfv = bT[pl.ds(i * 16, 16)]
        m = xfv > x_t
        return sv + jnp.where(m, xfv, zero_f), cv + popcnt(m)

    def fin_B(i, acc):
        sv, cv = acc
        xfv = bB[pl.ds(i * 16, 16)]
        m = xfv < x_b
        return sv + jnp.where(m, xfv, zero_f), cv + popcnt(m)

    sT, cT1 = lax.fori_loop(0, tripT, fin_T, (zero_f, zero_i))
    sB, cB1 = lax.fori_loop(0, tripB, fin_B, (zero_f, zero_i))

    stage_i[pl.ds(0, 16)] = cT1
    stage_i[pl.ds(16, 16)] = cB1
    stage_i[pl.ds(32, 16)] = plsc.bitcast(sT, jnp.int32)
    stage_i[pl.ds(48, 16)] = plsc.bitcast(sB, jnp.int32)
    pltpu.sync_copy(stage_i, sh_w.at[pl.ds(sid * 64, 64)])
    plsc.subcore_barrier()
    pltpu.sync_copy(sh_w, gbuf_i)
    cgt = gbuf_i[pl.ds(0, 16)]
    clt = gbuf_i[pl.ds(16, 16)]
    gs1 = plsc.bitcast(gbuf_i[pl.ds(32, 16)], jnp.float32)
    gs2 = plsc.bitcast(gbuf_i[pl.ds(48, 16)], jnp.float32)
    for w in range(1, NS):
        cgt = cgt + gbuf_i[pl.ds(w * 64, 16)]
        clt = clt + gbuf_i[pl.ds(w * 64 + 16, 16)]
        gs1 = gs1 + plsc.bitcast(gbuf_i[pl.ds(w * 64 + 32, 16)], jnp.float32)
        gs2 = gs2 + plsc.bitcast(gbuf_i[pl.ds(w * 64 + 48, 16)], jnp.float32)
    s_gt = jnp.sum(gs1)
    s_lt = jnp.sum(gs2)

    rem_t = (_splat(K_SEL) - cgt).astype(jnp.float32)
    rem_b = (_splat(K_SEL) - clt).astype(jnp.float32)
    s_top = _splat(s_gt, jnp.float32) + rem_t * x_t
    s_bot = _splat(s_lt, jnp.float32) + rem_b * x_b

    res = 2.0 * (s_top - s_bot) - (x_max - x_min)
    outv[...] = res

    @pl.when(jnp.logical_and(cid == 0, sid == 0))
    def _():
        pltpu.sync_copy(outv, out_hbm)


_toploss_sc = pl.kernel(
    _toploss_body,
    out_type=jax.ShapeDtypeStruct((16,), jnp.float32),
    mesh=_mesh,
    compiler_params=pltpu.CompilerParams(needs_layout_passes=False),
    scratch_types=_SCRATCH,
)


def kernel(beta, ground):
    del ground
    out = _toploss_sc(beta.reshape(-1))
    return out[0]

# --- scband reference (transcript-rebuilt; emitter-appended) ---
"""Pipeline reference for scband-top-loss-76390288326755 (READ-ONLY COPY).

The authoritative reference and input builder live on the scoring server;
editing this copy changes nothing except your own understanding.
"""

import jax, jax.numpy as jnp
import numpy as np

K_PTS = 1024  # number of (birth, death) proxy points per persistence diagram


def _superlevel_diagram(x, k):
    # Differentiable proxy for LevelSetLayer2D(sublevel=False):
    # births = k largest pixel values, deaths = k smallest pixel values
    # (superlevel-set filtration: components born at high values, die at low values).
    flat = x.reshape(-1)
    births, _ = jax.lax.top_k(flat, k)
    neg_deaths, _ = jax.lax.top_k(-flat, k)
    deaths = -neg_deaths
    return jnp.stack([births, deaths], axis=-1)  # [k, 2]


def setup_inputs(seed: int = 0) -> dict:
    key = jax.random.key(seed)
    k1, k2 = jax.random.split(key)
    beta = jax.random.uniform(k1, (512, 512), dtype=jnp.float32)
    ground = jax.random.uniform(k2, (512, 512), dtype=jnp.float32)
    return {"beta": beta, "ground": ground}


def reference(beta, ground):
    # persistence diagrams (proxy) for prediction and ground truth
    dgm_p = _superlevel_diagram(beta, K_PTS)
    dgm_g = _superlevel_diagram(ground, K_PTS)

    # nearest-neighbour matching of prediction points to ground-truth points
    # (the retrieval/kNN step in the original loop; computed but, as in the
    #  original forward, not part of the returned value)
    d2 = jnp.sum((dgm_p[:, None, :] - dgm_g[None, :, :]) ** 2, axis=-1)  # [K, K]
    nn_idx = jnp.argmin(d2, axis=1)
    matched = jnp.take(dgm_g, nn_idx, axis=0)
    final_loss = jnp.sqrt(jnp.sum((dgm_p - matched) ** 2))  # unused, matches original

    # PartialSumBarcodeLengths(dim=1, skip=1): sum of barcode lengths
    # skipping the longest bar
    lengths1 = dgm_p[:, 0] - dgm_p[:, 1]
    sorted_len = jnp.sort(lengths1)[::-1]
    topfn = jnp.sum(sorted_len[1:])

    # SumBarcodeLengths(dim=0): sum of all barcode lengths
    lengths0 = dgm_p[:, 0] - dgm_p[:, 1]
    topfn2 = jnp.sum(lengths0)

    return topfn + topfn2

if __name__ == "__main__":
    import jax
    _d = setup_inputs()
    print(jax.jit(kernel)(*tuple(_d.values())))

</pallas_src>

<mosaic_0001>
#map = affine_map<(d0, d1) -> (0)>
module attributes {stable_mosaic.version = 14 : i64} {
  func.func @_toploss_body(%arg0: i32, %arg1: i32, %arg2: memref<262144xf32, #tpu.memory_space<hbm>>, %arg3: memref<16xf32, #tpu.memory_space<hbm>>, %arg4: memref<16384xf32, #tpu.memory_space<vmem>>, %arg5: memref<16400xf32, #tpu.memory_space<vmem>>, %arg6: memref<16400xf32, #tpu.memory_space<vmem>>, %arg7: memref<64xi32, #tpu.memory_space<vmem>>, %arg8: memref<1024xi32, #tpu.memory_space<vmem>>, %arg9: memref<16xf32, #tpu.memory_space<vmem>>, %arg10: memref<32xi32, #tpu.memory_space<vmem>>, %arg11: memref<1024xi32, #tpu.memory_space<vmem_shared>>, %arg12: memref<1024xi32, #tpu.memory_space<vmem_shared>>) attributes {dimension_semantics = [#tpu.dimension_semantics<core_parallel>, #tpu.dimension_semantics<subcore_parallel>], iteration_bounds = array<i64: 1, 16>, scalar_prefetch = 0 : i64, scratch_operands = 9 : i64, tpu.core_type = #tpu.core_type<sc_vector_subcore>, window_params = [{transform_indices = #map}, {transform_indices = #map}]} {
    %mul3A = arith.constant 16384 : i32
    %mul3A_0 = arith.muli %arg1, %mul3A : i32
    %iota3A = tpu.iota {dimensions = array<i32: 0>} : vector<16xi32>
    %broadcast_in_dim3A = arith.constant 0 : i32
    %broadcast_in_dim3A_1 = vector.broadcast %broadcast_in_dim3A : i32 to vector<16xi32>
    %broadcast_in_dim3A_2 = arith.constant 0.000000e+00 : f32
    %broadcast_in_dim3A_3 = vector.broadcast %broadcast_in_dim3A_2 : f32 to vector<16xf32>
    "tpu.region"() ({
      %run_scoped3A = tpu.sem_alloc : memref<!tpu.dma_semaphore, #tpu.memory_space<semaphore_mem>>
      %dma_start3A = tpu.memref_slice %arg2[%mul3A_0] : memref<262144xf32, #tpu.memory_space<hbm>> -> memref<16384xf32, #tpu.memory_space<hbm>>
      %dma_start3A_832 = tpu.memref_slice %arg2[%mul3A_0] : memref<262144xf32, #tpu.memory_space<hbm>> -> memref<16384xf32, #tpu.memory_space<hbm>>
      tpu.enqueue_dma source(%dma_start3A_832 : memref<16384xf32, #tpu.memory_space<hbm>>) target(%arg4 : memref<16384xf32, #tpu.memory_space<vmem>>) target_semaphore(%run_scoped3A : memref<!tpu.dma_semaphore, #tpu.memory_space<semaphore_mem>>)
      %dma_wait3A = tpu.memref_slice %arg2[%mul3A_0] : memref<262144xf32, #tpu.memory_space<hbm>> -> memref<16384xf32, #tpu.memory_space<hbm>>
      %dma_wait3A_833 = tpu.memref_slice %arg2[%mul3A_0] : memref<262144xf32, #tpu.memory_space<hbm>> -> memref<16384xf32, #tpu.memory_space<hbm>>
      tpu.wait_dma2 semaphore(%run_scoped3A : memref<!tpu.dma_semaphore, #tpu.memory_space<semaphore_mem>>) src(%dma_wait3A_833 : memref<16384xf32, #tpu.memory_space<hbm>>) dst(%arg4 : memref<16384xf32, #tpu.memory_space<vmem>>)
      tpu.yield
    }) : () -> ()
    %broadcast_in_dim3A_4 = arith.constant 0xFF800000 : f32
    %broadcast_in_dim3A_5 = vector.broadcast %broadcast_in_dim3A_4 : f32 to vector<16xf32>
    %broadcast_in_dim3A_6 = arith.constant 0x7F800000 : f32
    %broadcast_in_dim3A_7 = vector.broadcast %broadcast_in_dim3A_6 : f32 to vector<16xf32>
    %parallel_loop3A = arith.constant 0 : i32
    %parallel_loop3A_8 = arith.constant 1024 : i32
    %parallel_loop3A_9 = arith.constant 1 : i32
    %parallel_loop3A_10:2 = scf.for %parallel_loop3A_832 = %parallel_loop3A to %parallel_loop3A_8 step %parallel_loop3A_9 iter_args(%parallel_loop3A_833 = %broadcast_in_dim3A_5, %parallel_loop3A_834 = %broadcast_in_dim3A_7) -> (vector<16xf32>, vector<16xf32>)  : i32 {
      %parallel_loop3A_835 = arith.constant 16 : i32
      %parallel_loop3A_836 = arith.muli %parallel_loop3A_832, %parallel_loop3A_835 : i32
      %parallel_loop3A_837 = arith.index_cast %parallel_loop3A_836 : i32 to index
      %parallel_loop3A_838 = tpu.vector_load %arg4[%parallel_loop3A_837] {strides = array<i32>} : memref<16384xf32, #tpu.memory_space<vmem>>, vector<16xf32>,
      %parallel_loop3A_839 = arith.maximumf %parallel_loop3A_833, %parallel_loop3A_838 : vector<16xf32>
      %parallel_loop3A_840 = arith.minimumf %parallel_loop3A_834, %parallel_loop3A_838 : vector<16xf32>
      scf.yield %parallel_loop3A_839, %parallel_loop3A_840 : vector<16xf32>, vector<16xf32>
    } {sc.loop_unroll_factor = 8 : i64, sc.parallel_access}
    %bitcast3A = vector.bitcast %parallel_loop3A_10#0 : vector<16xf32> to vector<16xi32>
    %ge3A = arith.constant 0 : i32
    %ge3A_11 = vector.broadcast %ge3A : i32 to vector<16xi32>
    %ge3A_12 = arith.cmpi sge, %bitcast3A, %ge3A_11 : vector<16xi32>
    %sub3A = arith.constant -2147483648 : i32
    %sub3A_13 = vector.broadcast %sub3A : i32 to vector<16xi32>
    %sub3A_14 = arith.subi %sub3A_13, %bitcast3A : vector<16xi32>
    %select_n3A = arith.select %ge3A_12, %bitcast3A, %sub3A_14 : vector<16xi1>, vector<16xi32>
    %bitcast3A_15 = vector.bitcast %parallel_loop3A_10#1 : vector<16xf32> to vector<16xi32>
    %ge3A_16 = arith.constant 0 : i32
    %ge3A_17 = vector.broadcast %ge3A_16 : i32 to vector<16xi32>
    %ge3A_18 = arith.cmpi sge, %bitcast3A_15, %ge3A_17 : vector<16xi32>
    %sub3A_19 = arith.constant -2147483648 : i32
    %sub3A_20 = vector.broadcast %sub3A_19 : i32 to vector<16xi32>
    %sub3A_21 = arith.subi %sub3A_20, %bitcast3A_15 : vector<16xi32>
    %select_n3A_22 = arith.select %ge3A_18, %bitcast3A_15, %sub3A_21 : vector<16xi1>, vector<16xi32>
    %not3A = arith.constant dense<-1> : vector<16xi32>
    %not3A_23 = arith.xori %select_n3A_22, %not3A : vector<16xi32>
    %swap3A = arith.constant 0 : index
    %swap3A_24 = tpu.vector_load %arg7[%swap3A] {strides = array<i32>} : memref<64xi32, #tpu.memory_space<vmem>>, vector<16xi32>,
    tpu.vector_store %arg7[%swap3A], %select_n3A {strides = array<i32>} : memref<64xi32, #tpu.memory_space<vmem>>, vector<16xi32>,
    %swap3A_25 = arith.constant 16 : index
    %swap3A_26 = tpu.vector_load %arg7[%swap3A_25] {strides = array<i32>} : memref<64xi32, #tpu.memory_space<vmem>>, vector<16xi32>,
    tpu.vector_store %arg7[%swap3A_25], %not3A_23 {strides = array<i32>} : memref<64xi32, #tpu.memory_space<vmem>>, vector<16xi32>,
    %mul3A_27 = arith.constant 32 : i32
    %mul3A_28 = arith.muli %arg1, %mul3A_27 : i32
    %add3A = arith.constant 0 : i32
    %add3A_29 = arith.addi %add3A, %mul3A_28 : i32
    "tpu.region"() ({
      %run_scoped3A = tpu.sem_alloc : memref<!tpu.dma_semaphore, #tpu.memory_space<semaphore_mem>>
      %dma_start3A = arith.constant 0 : i32
      %dma_start3A_832 = tpu.memref_slice %arg7[%dma_start3A] : memref<64xi32, #tpu.memory_space<vmem>> -> memref<32xi32, #tpu.memory_space<vmem>>
      %dma_start3A_833 = tpu.memref_slice %arg11[%add3A_29] : memref<1024xi32, #tpu.memory_space<vmem_shared>> -> memref<32xi32, #tpu.memory_space<vmem_shared>>
      %dma_start3A_834 = tpu.memref_slice %arg11[%add3A_29] : memref<1024xi32, #tpu.memory_space<vmem_shared>> -> memref<32xi32, #tpu.memory_space<vmem_shared>>
      %dma_start3A_835 = arith.constant 0 : i32
      %dma_start3A_836 = tpu.memref_slice %arg7[%dma_start3A_835] : memref<64xi32, #tpu.memory_space<vmem>> -> memref<32xi32, #tpu.memory_space<vmem>>
      tpu.enqueue_dma source(%dma_start3A_836 : memref<32xi32, #tpu.memory_space<vmem>>) target(%dma_start3A_834 : memref<32xi32, #tpu.memory_space<vmem_shared>>) target_semaphore(%run_scoped3A : memref<!tpu.dma_semaphore, #tpu.memory_space<semaphore_mem>>)
      %dma_wait3A = arith.constant 0 : i32
      %dma_wait3A_837 = tpu.memref_slice %arg7[%dma_wait3A] : memref<64xi32, #tpu.memory_space<vmem>> -> memref<32xi32, #tpu.memory_space<vmem>>
      %dma_wait3A_838 = tpu.memref_slice %arg11[%add3A_29] : memref<1024xi32, #tpu.memory_space<vmem_shared>> -> memref<32xi32, #tpu.memory_space<vmem_shared>>
      %dma_wait3A_839 = tpu.memref_slice %arg11[%add3A_29] : memref<1024xi32, #tpu.memory_space<vmem_shared>> -> memref<32xi32, #tpu.memory_space<vmem_shared>>
      %dma_wait3A_840 = arith.constant 0 : i32
      %dma_wait3A_841 = tpu.memref_slice %arg7[%dma_wait3A_840] : memref<64xi32, #tpu.memory_space<vmem>> -> memref<32xi32, #tpu.memory_space<vmem>>
      tpu.wait_dma2 semaphore(%run_scoped3A : memref<!tpu.dma_semaphore, #tpu.memory_space<semaphore_mem>>) src(%dma_wait3A_841 : memref<32xi32, #tpu.memory_space<vmem>>) dst(%dma_wait3A_839 : memref<32xi32, #tpu.memory_space<vmem_shared>>)
      tpu.yield
    }) : () -> ()
    %barrier3A = arith.constant 0 : index
    tpu.barrier barrier_id(%barrier3A)
    "tpu.region"() ({
      %run_scoped3A = tpu.sem_alloc : memref<!tpu.dma_semaphore, #tpu.memory_space<semaphore_mem>>
      %dma_start3A = arith.constant 0 : i32
      %dma_start3A_832 = tpu.memref_slice %arg8[%dma_start3A] : memref<1024xi32, #tpu.memory_space<vmem>> -> memref<512xi32, #tpu.memory_space<vmem>>
      %dma_start3A_833 = arith.constant 0 : i32
      %dma_start3A_834 = tpu.memref_slice %arg11[%dma_start3A_833] : memref<1024xi32, #tpu.memory_space<vmem_shared>> -> memref<512xi32, #tpu.memory_space<vmem_shared>>
      %dma_start3A_835 = arith.constant 0 : i32
      %dma_start3A_836 = tpu.memref_slice %arg8[%dma_start3A_835] : memref<1024xi32, #tpu.memory_space<vmem>> -> memref<512xi32, #tpu.memory_space<vmem>>
      %dma_start3A_837 = arith.constant 0 : i32
      %dma_start3A_838 = tpu.memref_slice %arg11[%dma_start3A_837] : memref<1024xi32, #tpu.memory_space<vmem_shared>> -> memref<512xi32, #tpu.memory_space<vmem_shared>>
      tpu.enqueue_dma source(%dma_start3A_838 : memref<512xi32, #tpu.memory_space<vmem_shared>>) target(%dma_start3A_836 : memref<512xi32, #tpu.memory_space<vmem>>) target_semaphore(%run_scoped3A : memref<!tpu.dma_semaphore, #tpu.memory_space<semaphore_mem>>)
      %dma_wait3A = arith.constant 0 : i32
      %dma_wait3A_839 = tpu.memref_slice %arg8[%dma_wait3A] : memref<1024xi32, #tpu.memory_space<vmem>> -> memref<512xi32, #tpu.memory_space<vmem>>
      %dma_wait3A_840 = arith.constant 0 : i32
      %dma_wait3A_841 = tpu.memref_slice %arg11[%dma_wait3A_840] : memref<1024xi32, #tpu.memory_space<vmem_shared>> -> memref<512xi32, #tpu.memory_space<vmem_shared>>
      %dma_wait3A_842 = arith.constant 0 : i32
      %dma_wait3A_843 = tpu.memref_slice %arg8[%dma_wait3A_842] : memref<1024xi32, #tpu.memory_space<vmem>> -> memref<512xi32, #tpu.memory_space<vmem>>
      %dma_wait3A_844 = arith.constant 0 : i32
      %dma_wait3A_845 = tpu.memref_slice %arg11[%dma_wait3A_844] : memref<1024xi32, #tpu.memory_space<vmem_shared>> -> memref<512xi32, #tpu.memory_space<vmem_shared>>
      tpu.wait_dma2 semaphore(%run_scoped3A : memref<!tpu.dma_semaphore, #tpu.memory_space<semaphore_mem>>) src(%dma_wait3A_845 : memref<512xi32, #tpu.memory_space<vmem_shared>>) dst(%dma_wait3A_843 : memref<512xi32, #tpu.memory_space<vmem>>)
      tpu.yield
    }) : () -> ()
    %get3A = arith.constant 0 : index
    %get3A_30 = tpu.vector_load %arg8[%get3A] {strides = array<i32>} : memref<1024xi32, #tpu.memory_space<vmem>>, vector<16xi32>,
    %get3A_31 = arith.constant 16 : index
    %get3A_32 = tpu.vector_load %arg8[%get3A_31] {strides = array<i32>} : memref<1024xi32, #tpu.memory_space<vmem>>, vector<16xi32>,
    %get3A_33 = arith.constant 32 : index
    %get3A_34 = tpu.vector_load %arg8[%get3A_33] {strides = array<i32>} : memref<1024xi32, #tpu.memory_space<vmem>>, vector<16xi32>,
    %max3A = arith.maxsi %get3A_30, %get3A_34 : vector<16xi32>
    %get3A_35 = arith.constant 48 : index
    %get3A_36 = tpu.vector_load %arg8[%get3A_35] {strides = array<i32>} : memref<1024xi32, #tpu.memory_space<vmem>>, vector<16xi32>,
    %max3A_37 = arith.maxsi %get3A_32, %get3A_36 : vector<16xi32>
    %get3A_38 = arith.constant 64 : index
    %get3A_39 = tpu.vector_load %arg8[%get3A_38] {strides = array<i32>} : memref<1024xi32, #tpu.memory_space<vmem>>, vector<16xi32>,
    %max3A_40 = arith.maxsi %max3A, %get3A_39 : vector<16xi32>
    %get3A_41 = arith.constant 80 : index
    %get3A_42 = tpu.vector_load %arg8[%get3A_41] {strides = array<i32>} : memref<1024xi32, #tpu.memory_space<vmem>>, vector<16xi32>,
    %max3A_43 = arith.maxsi %max3A_37, %get3A_42 : vector<16xi32>
    %get3A_44 = arith.constant 96 : index
    %get3A_45 = tpu.vector_load %arg8[%get3A_44] {strides = array<i32>} : memref<1024xi32, #tpu.memory_space<vmem>>, vector<16xi32>,
    %max3A_46 = arith.maxsi %max3A_40, %get3A_45 : vector<16xi32>
    %get3A_47 = arith.constant 112 : index
    %get3A_48 = tpu.vector_load %arg8[%get3A_47] {strides = array<i32>} : memref<1024xi32, #tpu.memory_space<vmem>>, vector<16xi32>,
    %max3A_49 = arith.maxsi %max3A_43, %get3A_48 : vector<16xi32>
    %get3A_50 = arith.constant 128 : index
    %get3A_51 = tpu.vector_load %arg8[%get3A_50] {strides = array<i32>} : memref<1024xi32, #tpu.memory_space<vmem>>, vector<16xi32>,
    %max3A_52 = arith.maxsi %max3A_46, %get3A_51 : vector<16xi32>
    %get3A_53 = arith.constant 144 : index
    %get3A_54 = tpu.vector_load %arg8[%get3A_53] {strides = array<i32>} : memref<1024xi32, #tpu.memory_space<vmem>>, vector<16xi32>,
    %max3A_55 = arith.maxsi %max3A_49, %get3A_54 : vector<16xi32>
    %get3A_56 = arith.constant 160 : index
    %get3A_57 = tpu.vector_load %arg8[%get3A_56] {strides = array<i32>} : memref<1024xi32, #tpu.memory_space<vmem>>, vector<16xi32>,
    %max3A_58 = arith.maxsi %max3A_52, %get3A_57 : vector<16xi32>
    %get3A_59 = arith.constant 176 : index
    %get3A_60 = tpu.vector_load %arg8[%get3A_59] {strides = array<i32>} : memref<1024xi32, #tpu.memory_space<vmem>>, vector<16xi32>,
    %max3A_61 = arith.maxsi %max3A_55, %get3A_60 : vector<16xi32>
    %get3A_62 = arith.constant 192 : index
    %get3A_63 = tpu.vector_load %arg8[%get3A_62] {strides = array<i32>} : memref<1024xi32, #tpu.memory_space<vmem>>, vector<16xi32>,
    %max3A_64 = arith.maxsi %max3A_58, %get3A_63 : vector<16xi32>
    %get3A_65 = arith.constant 208 : index
    %get3A_66 = tpu.vector_load %arg8[%get3A_65] {strides = array<i32>} : memref<1024xi32, #tpu.memory_space<vmem>>, vector<16xi32>,
    %max3A_67 = arith.maxsi %max3A_61, %get3A_66 : vector<16xi32>
    %get3A_68 = arith.constant 224 : index
    %get3A_69 = tpu.vector_load %arg8[%get3A_68] {strides = array<i32>} : memref<1024xi32, #tpu.memory_space<vmem>>, vector<16xi32>,
    %max3A_70 = arith.maxsi %max3A_64, %get3A_69 : vector<16xi32>
    %get3A_71 = arith.constant 240 : index
    %get3A_72 = tpu.vector_load %arg8[%get3A_71] {strides = array<i32>} : memref<1024xi32, #tpu.memory_space<vmem>>, vector<16xi32>,
    %max3A_73 = arith.maxsi %max3A_67, %get3A_72 : vector<16xi32>
    %get3A_74 = arith.constant 256 : index
    %get3A_75 = tpu.vector_load %arg8[%get3A_74] {strides = array<i32>} : memref<1024xi32, #tpu.memory_space<vmem>>, vector<16xi32>,
    %max3A_76 = arith.maxsi %max3A_70, %get3A_75 : vector<16xi32>
    %get3A_77 = arith.constant 272 : index
    %get3A_78 = tpu.vector_load %arg8[%get3A_77] {strides = array<i32>} : memref<1024xi32, #tpu.memory_space<vmem>>, vector<16xi32>,
    %max3A_79 = arith.maxsi %max3A_73, %get3A_78 : vector<16xi32>
    %get3A_80 = arith.constant 288 : index
    %get3A_81 = tpu.vector_load %arg8[%get3A_80] {strides = array<i32>} : memref<1024xi32, #tpu.memory_space<vmem>>, vector<16xi32>,
    %max3A_82 = arith.maxsi %max3A_76, %get3A_81 : vector<16xi32>
    %get3A_83 = arith.constant 304 : index
    %get3A_84 = tpu.vector_load %arg8[%get3A_83] {strides = array<i32>} : memref<1024xi32, #tpu.memory_space<vmem>>, vector<16xi32>,
    %max3A_85 = arith.maxsi %max3A_79, %get3A_84 : vector<16xi32>
    %get3A_86 = arith.constant 320 : index
    %get3A_87 = tpu.vector_load %arg8[%get3A_86] {strides = array<i32>} : memref<1024xi32, #tpu.memory_space<vmem>>, vector<16xi32>,
    %max3A_88 = arith.maxsi %max3A_82, %get3A_87 : vector<16xi32>
    %get3A_89 = arith.constant 336 : index
    %get3A_90 = tpu.vector_load %arg8[%get3A_89] {strides = array<i32>} : memref<1024xi32, #tpu.memory_space<vmem>>, vector<16xi32>,
    %max3A_91 = arith.maxsi %max3A_85, %get3A_90 : vector<16xi32>
    %get3A_92 = arith.constant 352 : index
    %get3A_93 = tpu.vector_load %arg8[%get3A_92] {strides = array<i32>} : memref<1024xi32, #tpu.memory_space<vmem>>, vector<16xi32>,
    %max3A_94 = arith.maxsi %max3A_88, %get3A_93 : vector<16xi32>
    %get3A_95 = arith.constant 368 : index
    %get3A_96 = tpu.vector_load %arg8[%get3A_95] {strides = array<i32>} : memref<1024xi32, #tpu.memory_space<vmem>>, vector<16xi32>,
    %max3A_97 = arith.maxsi %max3A_91, %get3A_96 : vector<16xi32>
    %get3A_98 = arith.constant 384 : index
    %get3A_99 = tpu.vector_load %arg8[%get3A_98] {strides = array<i32>} : memref<1024xi32, #tpu.memory_space<vmem>>, vector<16xi32>,
    %max3A_100 = arith.maxsi %max3A_94, %get3A_99 : vector<16xi32>
    %get3A_101 = arith.constant 400 : index
    %get3A_102 = tpu.vector_load %arg8[%get3A_101] {strides = array<i32>} : memref<1024xi32, #tpu.memory_space<vmem>>, vector<16xi32>,
    %max3A_103 = arith.maxsi %max3A_97, %get3A_102 : vector<16xi32>
    %get3A_104 = arith.constant 416 : index
    %get3A_105 = tpu.vector_load %arg8[%get3A_104] {strides = array<i32>} : memref<1024xi32, #tpu.memory_space<vmem>>, vector<16xi32>,
    %max3A_106 = arith.maxsi %max3A_100, %get3A_105 : vector<16xi32>
    %get3A_107 = arith.constant 432 : index
    %get3A_108 = tpu.vector_load %arg8[%get3A_107] {strides = array<i32>} : memref<1024xi32, #tpu.memory_space<vmem>>, vector<16xi32>,
    %max3A_109 = arith.maxsi %max3A_103, %get3A_108 : vector<16xi32>
    %get3A_110 = arith.constant 448 : index
    %get3A_111 = tpu.vector_load %arg8[%get3A_110] {strides = array<i32>} : memref<1024xi32, #tpu.memory_space<vmem>>, vector<16xi32>,
    %max3A_112 = arith.maxsi %max3A_106, %get3A_111 : vector<16xi32>
    %get3A_113 = arith.constant 464 : index
    %get3A_114 = tpu.vector_load %arg8[%get3A_113] {strides = array<i32>} : memref<1024xi32, #tpu.memory_space<vmem>>, vector<16xi32>,
    %max3A_115 = arith.maxsi %max3A_109, %get3A_114 : vector<16xi32>
    %get3A_116 = arith.constant 480 : index
    %get3A_117 = tpu.vector_load %arg8[%get3A_116] {strides = array<i32>} : memref<1024xi32, #tpu.memory_space<vmem>>, vector<16xi32>,
    %max3A_118 = arith.maxsi %max3A_112, %get3A_117 : vector<16xi32>
    %get3A_119 = arith.constant 496 : index
    %get3A_120 = tpu.vector_load %arg8[%get3A_119] {strides = array<i32>} : memref<1024xi32, #tpu.memory_space<vmem>>, vector<16xi32>,
    %max3A_121 = arith.maxsi %max3A_115, %get3A_120 : vector<16xi32>
    %not3A_122 = arith.constant dense<-1> : vector<16xi32>
    %not3A_123 = arith.xori %max3A_121, %not3A_122 : vector<16xi32>
    %reduce_max3A = arith.constant true
    %reduce_max3A_124 = vector.broadcast %reduce_max3A : i1 to vector<16xi1>
    %reduce_max3A_125 = arith.constant -2147483648 : i32
    %reduce_max3A_126 = vector.broadcast %reduce_max3A_125 : i32 to vector<16xi32>
    %reduce_max3A_127 = arith.xori %max3A_118, %reduce_max3A_126 : vector<16xi32>
    %reduce_max3A_128 = tpu.scan <max>, %reduce_max3A_127 masked %reduce_max3A_124 : vector<16xi32>, vector<16xi1> -> vector<16xi32>
    %reduce_max3A_129 = arith.xori %reduce_max3A_128, %reduce_max3A_126 : vector<16xi32>
    %reduce_max3A_130 = vector.extract %reduce_max3A_129[15] : i32 from vector<16xi32>
    %broadcast_in_dim3A_131 = vector.broadcast %reduce_max3A_130 : i32 to vector<16xi32>
    %reduce_min3A = arith.constant true
    %reduce_min3A_132 = vector.broadcast %reduce_min3A : i1 to vector<16xi1>
    %reduce_min3A_133 = arith.constant -2147483648 : i32
    %reduce_min3A_134 = vector.broadcast %reduce_min3A_133 : i32 to vector<16xi32>
    %reduce_min3A_135 = arith.xori %not3A_123, %reduce_min3A_134 : vector<16xi32>
    %reduce_min3A_136 = tpu.scan <min>, %reduce_min3A_135 masked %reduce_min3A_132 : vector<16xi32>, vector<16xi1> -> vector<16xi32>
    %reduce_min3A_137 = arith.xori %reduce_min3A_136, %reduce_min3A_134 : vector<16xi32>
    %reduce_min3A_138 = vector.extract %reduce_min3A_137[15] : i32 from vector<16xi32>
    %broadcast_in_dim3A_139 = vector.broadcast %reduce_min3A_138 : i32 to vector<16xi32>
    %ge3A_140 = arith.constant 0 : i32
    %ge3A_141 = vector.broadcast %ge3A_140 : i32 to vector<16xi32>
    %ge3A_142 = arith.cmpi sge, %broadcast_in_dim3A_131, %ge3A_141 : vector<16xi32>
    %sub3A_143 = arith.constant -2147483648 : i32
    %sub3A_144 = vector.broadcast %sub3A_143 : i32 to vector<16xi32>
    %sub3A_145 = arith.subi %sub3A_144, %broadcast_in_dim3A_131 : vector<16xi32>
    %select_n3A_146 = arith.select %ge3A_142, %broadcast_in_dim3A_131, %sub3A_145 : vector<16xi1>, vector<16xi32>
    %bitcast3A_147 = vector.bitcast %select_n3A_146 : vector<16xi32> to vector<16xf32>
    %ge3A_148 = arith.constant 0 : i32
    %ge3A_149 = vector.broadcast %ge3A_148 : i32 to vector<16xi32>
    %ge3A_150 = arith.cmpi sge, %broadcast_in_dim3A_139, %ge3A_149 : vector<16xi32>
    %sub3A_151 = arith.constant -2147483648 : i32
    %sub3A_152 = vector.broadcast %sub3A_151 : i32 to vector<16xi32>
    %sub3A_153 = arith.subi %sub3A_152, %broadcast_in_dim3A_139 : vector<16xi32>
    %select_n3A_154 = arith.select %ge3A_150, %broadcast_in_dim3A_139, %sub3A_153 : vector<16xi1>, vector<16xi32>
    %bitcast3A_155 = vector.bitcast %select_n3A_154 : vector<16xi32> to vector<16xf32>
    %sub3A_156 = arith.subf %bitcast3A_147, %bitcast3A_155 : vector<16xf32>
    %mul3A_157 = arith.constant 6.250000e-03 : f32
    %mul3A_158 = vector.broadcast %mul3A_157 : f32 to vector<16xf32>
    %mul3A_159 = arith.mulf %sub3A_156, %mul3A_158 : vector<16xf32>
    %sub3A_160 = arith.subf %bitcast3A_147, %mul3A_159 : vector<16xf32>
    %add3A_161 = arith.addf %bitcast3A_155, %mul3A_159 : vector<16xf32>
    %broadcast_in_dim3A_162 = arith.constant -1 : i32
    %broadcast_in_dim3A_163 = vector.broadcast %broadcast_in_dim3A_162 : i32 to vector<16xi32>
    %broadcast_in_dim3A_164 = arith.constant -1 : i32
    %broadcast_in_dim3A_165 = vector.broadcast %broadcast_in_dim3A_164 : i32 to vector<16xi32>
    %parallel_loop3A_166 = arith.constant 0 : i32
    %parallel_loop3A_167 = arith.constant 1024 : i32
    %parallel_loop3A_168 = arith.constant 1 : i32
    %parallel_loop3A_169:2 = scf.for %parallel_loop3A_832 = %parallel_loop3A_166 to %parallel_loop3A_167 step %parallel_loop3A_168 iter_args(%parallel_loop3A_833 = %broadcast_in_dim3A_163, %parallel_loop3A_834 = %broadcast_in_dim3A_165) -> (vector<16xi32>, vector<16xi32>)  : i32 {
      %parallel_loop3A_835 = arith.constant 16 : i32
      %parallel_loop3A_836 = arith.muli %parallel_loop3A_832, %parallel_loop3A_835 : i32
      %parallel_loop3A_837 = arith.index_cast %parallel_loop3A_836 : i32 to index
      %parallel_loop3A_838 = tpu.vector_load %arg4[%parallel_loop3A_837] {strides = array<i32>} : memref<16384xf32, #tpu.memory_space<vmem>>, vector<16xf32>,
      %parallel_loop3A_839 = arith.cmpf oge, %parallel_loop3A_838, %sub3A_160 : vector<16xf32>
      %parallel_loop3A_840 = arith.cmpf ole, %parallel_loop3A_838, %add3A_161 : vector<16xf32>
      %parallel_loop3A_841 = arith.extui %parallel_loop3A_839 : vector<16xi1> to vector<16xi32>
      %parallel_loop3A_842 = arith.constant true
      %parallel_loop3A_843 = vector.broadcast %parallel_loop3A_842 : i1 to vector<16xi1>
      %parallel_loop3A_844 = tpu.scan <sum>, %parallel_loop3A_841 masked %parallel_loop3A_843 : vector<16xi32>, vector<16xi1> -> vector<16xi32>
      %parallel_loop3A_845 = arith.addi %parallel_loop3A_833, %parallel_loop3A_844 : vector<16xi32>
      tpu.vector_store_idx %arg5[%parallel_loop3A_845], %parallel_loop3A_838 masked %parallel_loop3A_839 : memref<16400xf32, #tpu.memory_space<vmem>>[vector<16xi32>], vector<16xf32>, vector<16xi1>
      %parallel_loop3A_846 = arith.extui %parallel_loop3A_840 : vector<16xi1> to vector<16xi32>
      %parallel_loop3A_847 = arith.constant true
      %parallel_loop3A_848 = vector.broadcast %parallel_loop3A_847 : i1 to vector<16xi1>
      %parallel_loop3A_849 = tpu.scan <sum>, %parallel_loop3A_846 masked %parallel_loop3A_848 : vector<16xi32>, vector<16xi1> -> vector<16xi32>
      %parallel_loop3A_850 = arith.addi %parallel_loop3A_834, %parallel_loop3A_849 : vector<16xi32>
      tpu.vector_store_idx %arg6[%parallel_loop3A_850], %parallel_loop3A_838 masked %parallel_loop3A_840 : memref<16400xf32, #tpu.memory_space<vmem>>[vector<16xi32>], vector<16xf32>, vector<16xi1>
      %parallel_loop3A_851 = tpu.all_reduce %parallel_loop3A_839 {dim = 0 : i64, kind = #tpu.reduction_kind<sum>} : vector<16xi1> -> vector<16xi32>
      %parallel_loop3A_852 = arith.addi %parallel_loop3A_833, %parallel_loop3A_851 : vector<16xi32>
      %parallel_loop3A_853 = tpu.all_reduce %parallel_loop3A_840 {dim = 0 : i64, kind = #tpu.reduction_kind<sum>} : vector<16xi1> -> vector<16xi32>
      %parallel_loop3A_854 = arith.addi %parallel_loop3A_834, %parallel_loop3A_853 : vector<16xi32>
      scf.yield %parallel_loop3A_852, %parallel_loop3A_854 : vector<16xi32>, vector<16xi32>
    } {sc.loop_unroll_factor = 8 : i64, sc.parallel_access}
    %add3A_170 = arith.constant 1 : i32
    %add3A_171 = vector.broadcast %add3A_170 : i32 to vector<16xi32>
    %add3A_172 = arith.addi %parallel_loop3A_169#0, %add3A_171 : vector<16xi32>
    %add3A_173 = arith.constant 1 : i32
    %add3A_174 = vector.broadcast %add3A_173 : i32 to vector<16xi32>
    %add3A_175 = arith.addi %parallel_loop3A_169#1, %add3A_174 : vector<16xi32>
    %swap3A_176 = arith.constant 0 : index
    %swap3A_177 = tpu.vector_load %arg7[%swap3A_176] {strides = array<i32>} : memref<64xi32, #tpu.memory_space<vmem>>, vector<16xi32>,
    tpu.vector_store %arg7[%swap3A_176], %add3A_172 {strides = array<i32>} : memref<64xi32, #tpu.memory_space<vmem>>, vector<16xi32>,
    %swap3A_178 = arith.constant 16 : index
    %swap3A_179 = tpu.vector_load %arg7[%swap3A_178] {strides = array<i32>} : memref<64xi32, #tpu.memory_space<vmem>>, vector<16xi32>,
    tpu.vector_store %arg7[%swap3A_178], %add3A_175 {strides = array<i32>} : memref<64xi32, #tpu.memory_space<vmem>>, vector<16xi32>,
    %mul3A_180 = arith.constant 32 : i32
    %mul3A_181 = arith.muli %arg1, %mul3A_180 : i32
    %add3A_182 = arith.constant 512 : i32
    %add3A_183 = arith.addi %add3A_182, %mul3A_181 : i32
    "tpu.region"() ({
      %run_scoped3A = tpu.sem_alloc : memref<!tpu.dma_semaphore, #tpu.memory_space<semaphore_mem>>
      %dma_start3A = arith.constant 0 : i32
      %dma_start3A_832 = tpu.memref_slice %arg7[%dma_start3A] : memref<64xi32, #tpu.memory_space<vmem>> -> memref<32xi32, #tpu.memory_space<vmem>>
      %dma_start3A_833 = tpu.memref_slice %arg11[%add3A_183] : memref<1024xi32, #tpu.memory_space<vmem_shared>> -> memref<32xi32, #tpu.memory_space<vmem_shared>>
      %dma_start3A_834 = tpu.memref_slice %arg11[%add3A_183] : memref<1024xi32, #tpu.memory_space<vmem_shared>> -> memref<32xi32, #tpu.memory_space<vmem_shared>>
      %dma_start3A_835 = arith.constant 0 : i32
      %dma_start3A_836 = tpu.memref_slice %arg7[%dma_start3A_835] : memref<64xi32, #tpu.memory_space<vmem>> -> memref<32xi32, #tpu.memory_space<vmem>>
      tpu.enqueue_dma source(%dma_start3A_836 : memref<32xi32, #tpu.memory_space<vmem>>) target(%dma_start3A_834 : memref<32xi32, #tpu.memory_space<vmem_shared>>) target_semaphore(%run_scoped3A : memref<!tpu.dma_semaphore, #tpu.memory_space<semaphore_mem>>)
      %dma_wait3A = arith.constant 0 : i32
      %dma_wait3A_837 = tpu.memref_slice %arg7[%dma_wait3A] : memref<64xi32, #tpu.memory_space<vmem>> -> memref<32xi32, #tpu.memory_space<vmem>>
      %dma_wait3A_838 = tpu.memref_slice %arg11[%add3A_183] : memref<1024xi32, #tpu.memory_space<vmem_shared>> -> memref<32xi32, #tpu.memory_space<vmem_shared>>
      %dma_wait3A_839 = tpu.memref_slice %arg11[%add3A_183] : memref<1024xi32, #tpu.memory_space<vmem_shared>> -> memref<32xi32, #tpu.memory_space<vmem_shared>>
      %dma_wait3A_840 = arith.constant 0 : i32
      %dma_wait3A_841 = tpu.memref_slice %arg7[%dma_wait3A_840] : memref<64xi32, #tpu.memory_space<vmem>> -> memref<32xi32, #tpu.memory_space<vmem>>
      tpu.wait_dma2 semaphore(%run_scoped3A : memref<!tpu.dma_semaphore, #tpu.memory_space<semaphore_mem>>) src(%dma_wait3A_841 : memref<32xi32, #tpu.memory_space<vmem>>) dst(%dma_wait3A_839 : memref<32xi32, #tpu.memory_space<vmem_shared>>)
      tpu.yield
    }) : () -> ()
    %barrier3A_184 = arith.constant 0 : index
    tpu.barrier barrier_id(%barrier3A_184)
    "tpu.region"() ({
      %run_scoped3A = tpu.sem_alloc : memref<!tpu.dma_semaphore, #tpu.memory_space<semaphore_mem>>
      %dma_start3A = arith.constant 0 : i32
      %dma_start3A_832 = tpu.memref_slice %arg8[%dma_start3A] : memref<1024xi32, #tpu.memory_space<vmem>> -> memref<512xi32, #tpu.memory_space<vmem>>
      %dma_start3A_833 = arith.constant 512 : i32
      %dma_start3A_834 = tpu.memref_slice %arg11[%dma_start3A_833] : memref<1024xi32, #tpu.memory_space<vmem_shared>> -> memref<512xi32, #tpu.memory_space<vmem_shared>>
      %dma_start3A_835 = arith.constant 0 : i32
      %dma_start3A_836 = tpu.memref_slice %arg8[%dma_start3A_835] : memref<1024xi32, #tpu.memory_space<vmem>> -> memref<512xi32, #tpu.memory_space<vmem>>
      %dma_start3A_837 = arith.constant 512 : i32
      %dma_start3A_838 = tpu.memref_slice %arg11[%dma_start3A_837] : memref<1024xi32, #tpu.memory_space<vmem_shared>> -> memref<512xi32, #tpu.memory_space<vmem_shared>>
      tpu.enqueue_dma source(%dma_start3A_838 : memref<512xi32, #tpu.memory_space<vmem_shared>>) target(%dma_start3A_836 : memref<512xi32, #tpu.memory_space<vmem>>) target_semaphore(%run_scoped3A : memref<!tpu.dma_semaphore, #tpu.memory_space<semaphore_mem>>)
      %dma_wait3A = arith.constant 0 : i32
      %dma_wait3A_839 = tpu.memref_slice %arg8[%dma_wait3A] : memref<1024xi32, #tpu.memory_space<vmem>> -> memref<512xi32, #tpu.memory_space<vmem>>
      %dma_wait3A_840 = arith.constant 512 : i32
      %dma_wait3A_841 = tpu.memref_slice %arg11[%dma_wait3A_840] : memref<1024xi32, #tpu.memory_space<vmem_shared>> -> memref<512xi32, #tpu.memory_space<vmem_shared>>
      %dma_wait3A_842 = arith.constant 0 : i32
      %dma_wait3A_843 = tpu.memref_slice %arg8[%dma_wait3A_842] : memref<1024xi32, #tpu.memory_space<vmem>> -> memref<512xi32, #tpu.memory_space<vmem>>
      %dma_wait3A_844 = arith.constant 512 : i32
      %dma_wait3A_845 = tpu.memref_slice %arg11[%dma_wait3A_844] : memref<1024xi32, #tpu.memory_space<vmem_shared>> -> memref<512xi32, #tpu.memory_space<vmem_shared>>
      tpu.wait_dma2 semaphore(%run_scoped3A : memref<!tpu.dma_semaphore, #tpu.memory_space<semaphore_mem>>) src(%dma_wait3A_845 : memref<512xi32, #tpu.memory_space<vmem_shared>>) dst(%dma_wait3A_843 : memref<512xi32, #tpu.memory_space<vmem>>)
      tpu.yield
    }) : () -> ()
    %get3A_185 = arith.constant 0 : index
    %get3A_186 = tpu.vector_load %arg8[%get3A_185] {strides = array<i32>} : memref<1024xi32, #tpu.memory_space<vmem>>, vector<16xi32>,
    %get3A_187 = arith.constant 16 : index
    %get3A_188 = tpu.vector_load %arg8[%get3A_187] {strides = array<i32>} : memref<1024xi32, #tpu.memory_space<vmem>>, vector<16xi32>,
    %get3A_189 = arith.constant 32 : index
    %get3A_190 = tpu.vector_load %arg8[%get3A_189] {strides = array<i32>} : memref<1024xi32, #tpu.memory_space<vmem>>, vector<16xi32>,
    %add3A_191 = arith.addi %get3A_186, %get3A_190 : vector<16xi32>
    %get3A_192 = arith.constant 48 : index
    %get3A_193 = tpu.vector_load %arg8[%get3A_192] {strides = array<i32>} : memref<1024xi32, #tpu.memory_space<vmem>>, vector<16xi32>,
    %add3A_194 = arith.addi %get3A_188, %get3A_193 : vector<16xi32>
    %get3A_195 = arith.constant 64 : index
    %get3A_196 = tpu.vector_load %arg8[%get3A_195] {strides = array<i32>} : memref<1024xi32, #tpu.memory_space<vmem>>, vector<16xi32>,
    %add3A_197 = arith.addi %add3A_191, %get3A_196 : vector<16xi32>
    %get3A_198 = arith.constant 80 : index
    %get3A_199 = tpu.vector_load %arg8[%get3A_198] {strides = array<i32>} : memref<1024xi32, #tpu.memory_space<vmem>>, vector<16xi32>,
    %add3A_200 = arith.addi %add3A_194, %get3A_199 : vector<16xi32>
    %get3A_201 = arith.constant 96 : index
    %get3A_202 = tpu.vector_load %arg8[%get3A_201] {strides = array<i32>} : memref<1024xi32, #tpu.memory_space<vmem>>, vector<16xi32>,
    %add3A_203 = arith.addi %add3A_197, %get3A_202 : vector<16xi32>
    %get3A_204 = arith.constant 112 : index
    %get3A_205 = tpu.vector_load %arg8[%get3A_204] {strides = array<i32>} : memref<1024xi32, #tpu.memory_space<vmem>>, vector<16xi32>,
    %add3A_206 = arith.addi %add3A_200, %get3A_205 : vector<16xi32>
    %get3A_207 = arith.constant 128 : index
    %get3A_208 = tpu.vector_load %arg8[%get3A_207] {strides = array<i32>} : memref<1024xi32, #tpu.memory_space<vmem>>, vector<16xi32>,
    %add3A_209 = arith.addi %add3A_203, %get3A_208 : vector<16xi32>
    %get3A_210 = arith.constant 144 : index
    %get3A_211 = tpu.vector_load %arg8[%get3A_210] {strides = array<i32>} : memref<1024xi32, #tpu.memory_space<vmem>>, vector<16xi32>,
    %add3A_212 = arith.addi %add3A_206, %get3A_211 : vector<16xi32>
    %get3A_213 = arith.constant 160 : index
    %get3A_214 = tpu.vector_load %arg8[%get3A_213] {strides = array<i32>} : memref<1024xi32, #tpu.memory_space<vmem>>, vector<16xi32>,
    %add3A_215 = arith.addi %add3A_209, %get3A_214 : vector<16xi32>
    %get3A_216 = arith.constant 176 : index
    %get3A_217 = tpu.vector_load %arg8[%get3A_216] {strides = array<i32>} : memref<1024xi32, #tpu.memory_space<vmem>>, vector<16xi32>,
    %add3A_218 = arith.addi %add3A_212, %get3A_217 : vector<16xi32>
    %get3A_219 = arith.constant 192 : index
    %get3A_220 = tpu.vector_load %arg8[%get3A_219] {strides = array<i32>} : memref<1024xi32, #tpu.memory_space<vmem>>, vector<16xi32>,
    %add3A_221 = arith.addi %add3A_215, %get3A_220 : vector<16xi32>
    %get3A_222 = arith.constant 208 : index
    %get3A_223 = tpu.vector_load %arg8[%get3A_222] {strides = array<i32>} : memref<1024xi32, #tpu.memory_space<vmem>>, vector<16xi32>,
    %add3A_224 = arith.addi %add3A_218, %get3A_223 : vector<16xi32>
    %get3A_225 = arith.constant 224 : index
    %get3A_226 = tpu.vector_load %arg8[%get3A_225] {strides = array<i32>} : memref<1024xi32, #tpu.memory_space<vmem>>, vector<16xi32>,
    %add3A_227 = arith.addi %add3A_221, %get3A_226 : vector<16xi32>
    %get3A_228 = arith.constant 240 : index
    %get3A_229 = tpu.vector_load %arg8[%get3A_228] {strides = array<i32>} : memref<1024xi32, #tpu.memory_space<vmem>>, vector<16xi32>,
    %add3A_230 = arith.addi %add3A_224, %get3A_229 : vector<16xi32>
    %get3A_231 = arith.constant 256 : index
    %get3A_232 = tpu.vector_load %arg8[%get3A_231] {strides = array<i32>} : memref<1024xi32, #tpu.memory_space<vmem>>, vector<16xi32>,
    %add3A_233 = arith.addi %add3A_227, %get3A_232 : vector<16xi32>
    %get3A_234 = arith.constant 272 : index
    %get3A_235 = tpu.vector_load %arg8[%get3A_234] {strides = array<i32>} : memref<1024xi32, #tpu.memory_space<vmem>>, vector<16xi32>,
    %add3A_236 = arith.addi %add3A_230, %get3A_235 : vector<16xi32>
    %get3A_237 = arith.constant 288 : index
    %get3A_238 = tpu.vector_load %arg8[%get3A_237] {strides = array<i32>} : memref<1024xi32, #tpu.memory_space<vmem>>, vector<16xi32>,
    %add3A_239 = arith.addi %add3A_233, %get3A_238 : vector<16xi32>
    %get3A_240 = arith.constant 304 : index
    %get3A_241 = tpu.vector_load %arg8[%get3A_240] {strides = array<i32>} : memref<1024xi32, #tpu.memory_space<vmem>>, vector<16xi32>,
    %add3A_242 = arith.addi %add3A_236, %get3A_241 : vector<16xi32>
    %get3A_243 = arith.constant 320 : index
    %get3A_244 = tpu.vector_load %arg8[%get3A_243] {strides = array<i32>} : memref<1024xi32, #tpu.memory_space<vmem>>, vector<16xi32>,
    %add3A_245 = arith.addi %add3A_239, %get3A_244 : vector<16xi32>
    %get3A_246 = arith.constant 336 : index
    %get3A_247 = tpu.vector_load %arg8[%get3A_246] {strides = array<i32>} : memref<1024xi32, #tpu.memory_space<vmem>>, vector<16xi32>,
    %add3A_248 = arith.addi %add3A_242, %get3A_247 : vector<16xi32>
    %get3A_249 = arith.constant 352 : index
    %get3A_250 = tpu.vector_load %arg8[%get3A_249] {strides = array<i32>} : memref<1024xi32, #tpu.memory_space<vmem>>, vector<16xi32>,
    %add3A_251 = arith.addi %add3A_245, %get3A_250 : vector<16xi32>
    %get3A_252 = arith.constant 368 : index
    %get3A_253 = tpu.vector_load %arg8[%get3A_252] {strides = array<i32>} : memref<1024xi32, #tpu.memory_space<vmem>>, vector<16xi32>,
    %add3A_254 = arith.addi %add3A_248, %get3A_253 : vector<16xi32>
    %get3A_255 = arith.constant 384 : index
    %get3A_256 = tpu.vector_load %arg8[%get3A_255] {strides = array<i32>} : memref<1024xi32, #tpu.memory_space<vmem>>, vector<16xi32>,
    %add3A_257 = arith.addi %add3A_251, %get3A_256 : vector<16xi32>
    %get3A_258 = arith.constant 400 : index
    %get3A_259 = tpu.vector_load %arg8[%get3A_258] {strides = array<i32>} : memref<1024xi32, #tpu.memory_space<vmem>>, vector<16xi32>,
    %add3A_260 = arith.addi %add3A_254, %get3A_259 : vector<16xi32>
    %get3A_261 = arith.constant 416 : index
    %get3A_262 = tpu.vector_load %arg8[%get3A_261] {strides = array<i32>} : memref<1024xi32, #tpu.memory_space<vmem>>, vector<16xi32>,
    %add3A_263 = arith.addi %add3A_257, %get3A_262 : vector<16xi32>
    %get3A_264 = arith.constant 432 : index
    %get3A_265 = tpu.vector_load %arg8[%get3A_264] {strides = array<i32>} : memref<1024xi32, #tpu.memory_space<vmem>>, vector<16xi32>,
    %add3A_266 = arith.addi %add3A_260, %get3A_265 : vector<16xi32>
    %get3A_267 = arith.constant 448 : index
    %get3A_268 = tpu.vector_load %arg8[%get3A_267] {strides = array<i32>} : memref<1024xi32, #tpu.memory_space<vmem>>, vector<16xi32>,
    %add3A_269 = arith.addi %add3A_263, %get3A_268 : vector<16xi32>
    %get3A_270 = arith.constant 464 : index
    %get3A_271 = tpu.vector_load %arg8[%get3A_270] {strides = array<i32>} : memref<1024xi32, #tpu.memory_space<vmem>>, vector<16xi32>,
    %add3A_272 = arith.addi %add3A_266, %get3A_271 : vector<16xi32>
    %get3A_273 = arith.constant 480 : index
    %get3A_274 = tpu.vector_load %arg8[%get3A_273] {strides = array<i32>} : memref<1024xi32, #tpu.memory_space<vmem>>, vector<16xi32>,
    %add3A_275 = arith.addi %add3A_269, %get3A_274 : vector<16xi32>
    %get3A_276 = arith.constant 496 : index
    %get3A_277 = tpu.vector_load %arg8[%get3A_276] {strides = array<i32>} : memref<1024xi32, #tpu.memory_space<vmem>>, vector<16xi32>,
    %add3A_278 = arith.addi %add3A_272, %get3A_277 : vector<16xi32>
    %ge3A_279 = arith.constant 1024 : i32
    %ge3A_280 = vector.broadcast %ge3A_279 : i32 to vector<16xi32>
    %ge3A_281 = arith.cmpi sge, %add3A_275, %ge3A_280 : vector<16xi32>
    %ge3A_282 = arith.constant 1024 : i32
    %ge3A_283 = vector.broadcast %ge3A_282 : i32 to vector<16xi32>
    %ge3A_284 = arith.cmpi sge, %add3A_278, %ge3A_283 : vector<16xi32>
    %select_n3A_285 = arith.select %ge3A_281, %sub3A_160, %bitcast3A_155 : vector<16xi1>, vector<16xf32>
    %select_n3A_286 = arith.select %ge3A_284, %add3A_161, %bitcast3A_147 : vector<16xi1>, vector<16xf32>
    %swap3A_287 = arith.constant 0 : index
    %swap3A_288 = tpu.vector_load %arg10[%swap3A_287] {strides = array<i32>} : memref<32xi32, #tpu.memory_space<vmem>>, vector<16xi32>,
    tpu.vector_store %arg10[%swap3A_287], %add3A_172 {strides = array<i32>} : memref<32xi32, #tpu.memory_space<vmem>>, vector<16xi32>,
    %swap3A_289 = arith.constant 16 : index
    %swap3A_290 = tpu.vector_load %arg10[%swap3A_289] {strides = array<i32>} : memref<32xi32, #tpu.memory_space<vmem>>, vector<16xi32>,
    tpu.vector_store %arg10[%swap3A_289], %add3A_175 {strides = array<i32>} : memref<32xi32, #tpu.memory_space<vmem>>, vector<16xi32>,
    %and3A = arith.andi %ge3A_281, %ge3A_284 : vector<16xi1>
    %broadcast_in_dim3A_291 = arith.constant 1 : i32
    %broadcast_in_dim3A_292 = vector.broadcast %broadcast_in_dim3A_291 : i32 to vector<16xi32>
    %select_n3A_293 = arith.select %and3A, %broadcast_in_dim3A_1, %broadcast_in_dim3A_292 : vector<16xi1>, vector<16xi32>
    %reduce_max3A_294 = arith.constant true
    %reduce_max3A_295 = vector.broadcast %reduce_max3A_294 : i1 to vector<16xi1>
    %reduce_max3A_296 = arith.constant -2147483648 : i32
    %reduce_max3A_297 = vector.broadcast %reduce_max3A_296 : i32 to vector<16xi32>
    %reduce_max3A_298 = arith.xori %select_n3A_293, %reduce_max3A_297 : vector<16xi32>
    %reduce_max3A_299 = tpu.scan <max>, %reduce_max3A_298 masked %reduce_max3A_295 : vector<16xi32>, vector<16xi1> -> vector<16xi32>
    %reduce_max3A_300 = arith.xori %reduce_max3A_299, %reduce_max3A_297 : vector<16xi32>
    %reduce_max3A_301 = vector.extract %reduce_max3A_300[15] : i32 from vector<16xi32>
    %gt3A = arith.constant 0 : i32
    %gt3A_302 = arith.cmpi sgt, %reduce_max3A_301, %gt3A : i32
    %convert_element_type3A = arith.extui %gt3A_302 : i1 to i32
    %cond3A = arith.constant 0 : i32
    %cond3A_303 = arith.cmpi ne, %convert_element_type3A, %cond3A : i32
    scf.if %cond3A_303 {
      %broadcast_in_dim3A_832 = arith.constant -1 : i32
      %broadcast_in_dim3A_833 = vector.broadcast %broadcast_in_dim3A_832 : i32 to vector<16xi32>
      %broadcast_in_dim3A_834 = arith.constant -1 : i32
      %broadcast_in_dim3A_835 = vector.broadcast %broadcast_in_dim3A_834 : i32 to vector<16xi32>
      %parallel_loop3A_836 = arith.constant 0 : i32
      %parallel_loop3A_837 = arith.constant 1024 : i32
      %parallel_loop3A_838 = arith.constant 1 : i32
      %parallel_loop3A_839:2 = scf.for %parallel_loop3A_850 = %parallel_loop3A_836 to %parallel_loop3A_837 step %parallel_loop3A_838 iter_args(%parallel_loop3A_851 = %broadcast_in_dim3A_833, %parallel_loop3A_852 = %broadcast_in_dim3A_835) -> (vector<16xi32>, vector<16xi32>)  : i32 {
        %parallel_loop3A_853 = arith.constant 16 : i32
        %parallel_loop3A_854 = arith.muli %parallel_loop3A_850, %parallel_loop3A_853 : i32
        %parallel_loop3A_855 = arith.index_cast %parallel_loop3A_854 : i32 to index
        %parallel_loop3A_856 = tpu.vector_load %arg4[%parallel_loop3A_855] {strides = array<i32>} : memref<16384xf32, #tpu.memory_space<vmem>>, vector<16xf32>,
        %parallel_loop3A_857 = arith.cmpf oge, %parallel_loop3A_856, %select_n3A_285 : vector<16xf32>
        %parallel_loop3A_858 = arith.cmpf ole, %parallel_loop3A_856, %select_n3A_286 : vector<16xf32>
        %parallel_loop3A_859 = arith.extui %parallel_loop3A_857 : vector<16xi1> to vector<16xi32>
        %parallel_loop3A_860 = arith.constant true
        %parallel_loop3A_861 = vector.broadcast %parallel_loop3A_860 : i1 to vector<16xi1>
        %parallel_loop3A_862 = tpu.scan <sum>, %parallel_loop3A_859 masked %parallel_loop3A_861 : vector<16xi32>, vector<16xi1> -> vector<16xi32>
        %parallel_loop3A_863 = arith.addi %parallel_loop3A_851, %parallel_loop3A_862 : vector<16xi32>
        tpu.vector_store_idx %arg5[%parallel_loop3A_863], %parallel_loop3A_856 masked %parallel_loop3A_857 : memref<16400xf32, #tpu.memory_space<vmem>>[vector<16xi32>], vector<16xf32>, vector<16xi1>
        %parallel_loop3A_864 = arith.extui %parallel_loop3A_858 : vector<16xi1> to vector<16xi32>
        %parallel_loop3A_865 = arith.constant true
        %parallel_loop3A_866 = vector.broadcast %parallel_loop3A_865 : i1 to vector<16xi1>
        %parallel_loop3A_867 = tpu.scan <sum>, %parallel_loop3A_864 masked %parallel_loop3A_866 : vector<16xi32>, vector<16xi1> -> vector<16xi32>
        %parallel_loop3A_868 = arith.addi %parallel_loop3A_852, %parallel_loop3A_867 : vector<16xi32>
        tpu.vector_store_idx %arg6[%parallel_loop3A_868], %parallel_loop3A_856 masked %parallel_loop3A_858 : memref<16400xf32, #tpu.memory_space<vmem>>[vector<16xi32>], vector<16xf32>, vector<16xi1>
        %parallel_loop3A_869 = tpu.all_reduce %parallel_loop3A_857 {dim = 0 : i64, kind = #tpu.reduction_kind<sum>} : vector<16xi1> -> vector<16xi32>
        %parallel_loop3A_870 = arith.addi %parallel_loop3A_851, %parallel_loop3A_869 : vector<16xi32>
        %parallel_loop3A_871 = tpu.all_reduce %parallel_loop3A_858 {dim = 0 : i64, kind = #tpu.reduction_kind<sum>} : vector<16xi1> -> vector<16xi32>
        %parallel_loop3A_872 = arith.addi %parallel_loop3A_852, %parallel_loop3A_871 : vector<16xi32>
        scf.yield %parallel_loop3A_870, %parallel_loop3A_872 : vector<16xi32>, vector<16xi32>
      } {sc.loop_unroll_factor = 8 : i64, sc.parallel_access}
      %add3A_840 = arith.constant 1 : i32
      %add3A_841 = vector.broadcast %add3A_840 : i32 to vector<16xi32>
      %add3A_842 = arith.addi %parallel_loop3A_839#0, %add3A_841 : vector<16xi32>
      %add3A_843 = arith.constant 1 : i32
      %add3A_844 = vector.broadcast %add3A_843 : i32 to vector<16xi32>
      %add3A_845 = arith.addi %parallel_loop3A_839#1, %add3A_844 : vector<16xi32>
      %swap3A_846 = arith.constant 0 : index
      %swap3A_847 = tpu.vector_load %arg10[%swap3A_846] {strides = array<i32>} : memref<32xi32, #tpu.memory_space<vmem>>, vector<16xi32>,
      tpu.vector_store %arg10[%swap3A_846], %add3A_842 {strides = array<i32>} : memref<32xi32, #tpu.memory_space<vmem>>, vector<16xi32>,
      %swap3A_848 = arith.constant 16 : index
      %swap3A_849 = tpu.vector_load %arg10[%swap3A_848] {strides = array<i32>} : memref<32xi32, #tpu.memory_space<vmem>>, vector<16xi32>,
      tpu.vector_store %arg10[%swap3A_848], %add3A_845 {strides = array<i32>} : memref<32xi32, #tpu.memory_space<vmem>>, vector<16xi32>,
    } else {
    }
    %get3A_304 = arith.constant 0 : index
    %get3A_305 = tpu.vector_load %arg10[%get3A_304] {strides = array<i32>} : memref<32xi32, #tpu.memory_space<vmem>>, vector<16xi32>,
    %get3A_306 = arith.constant 16 : index
    %get3A_307 = tpu.vector_load %arg10[%get3A_306] {strides = array<i32>} : memref<32xi32, #tpu.memory_space<vmem>>, vector<16xi32>,
    %reduce_max3A_308 = arith.constant true
    %reduce_max3A_309 = vector.broadcast %reduce_max3A_308 : i1 to vector<16xi1>
    %reduce_max3A_310 = arith.constant -2147483648 : i32
    %reduce_max3A_311 = vector.broadcast %reduce_max3A_310 : i32 to vector<16xi32>
    %reduce_max3A_312 = arith.xori %get3A_305, %reduce_max3A_311 : vector<16xi32>
    %reduce_max3A_313 = tpu.scan <max>, %reduce_max3A_312 masked %reduce_max3A_309 : vector<16xi32>, vector<16xi1> -> vector<16xi32>
    %reduce_max3A_314 = arith.xori %reduce_max3A_313, %reduce_max3A_311 : vector<16xi32>
    %reduce_max3A_315 = vector.extract %reduce_max3A_314[15] : i32 from vector<16xi32>
    %add3A_316 = arith.constant 15 : i32
    %add3A_317 = arith.addi %reduce_max3A_315, %add3A_316 : i32
    %jit3A = arith.constant 16 : i32
    %div3A = arith.divsi %add3A_317, %jit3A : i32
    %sign3A = arith.constant 0 : i32
    %sign3A_318 = arith.cmpi sgt, %add3A_317, %sign3A : i32
    %sign3A_319 = arith.extui %sign3A_318 : i1 to i32
    %sign3A_320 = arith.constant 0 : i32
    %sign3A_321 = arith.cmpi slt, %add3A_317, %sign3A_320 : i32
    %sign3A_322 = arith.extui %sign3A_321 : i1 to i32
    %sign3A_323 = arith.subi %sign3A_319, %sign3A_322 : i32
    %sign3A_324 = arith.constant 0 : i32
    %sign3A_325 = arith.cmpi sgt, %jit3A, %sign3A_324 : i32
    %sign3A_326 = arith.extui %sign3A_325 : i1 to i32
    %sign3A_327 = arith.constant 0 : i32
    %sign3A_328 = arith.cmpi slt, %jit3A, %sign3A_327 : i32
    %sign3A_329 = arith.extui %sign3A_328 : i1 to i32
    %sign3A_330 = arith.subi %sign3A_326, %sign3A_329 : i32
    %ne3A = arith.cmpi ne, %sign3A_323, %sign3A_330 : i32
    %rem3A = arith.remsi %add3A_317, %jit3A : i32
    %ne3A_331 = arith.constant 0 : i32
    %ne3A_332 = arith.cmpi ne, %rem3A, %ne3A_331 : i32
    %and3A_333 = arith.andi %ne3A, %ne3A_332 : i1
    %sub3A_334 = arith.constant 1 : i32
    %sub3A_335 = arith.subi %div3A, %sub3A_334 : i32
    %select_n3A_336 = arith.select %and3A_333, %sub3A_335, %div3A : i32
    %reduce_max3A_337 = arith.constant true
    %reduce_max3A_338 = vector.broadcast %reduce_max3A_337 : i1 to vector<16xi1>
    %reduce_max3A_339 = arith.constant -2147483648 : i32
    %reduce_max3A_340 = vector.broadcast %reduce_max3A_339 : i32 to vector<16xi32>
    %reduce_max3A_341 = arith.xori %get3A_307, %reduce_max3A_340 : vector<16xi32>
    %reduce_max3A_342 = tpu.scan <max>, %reduce_max3A_341 masked %reduce_max3A_338 : vector<16xi32>, vector<16xi1> -> vector<16xi32>
    %reduce_max3A_343 = arith.xori %reduce_max3A_342, %reduce_max3A_340 : vector<16xi32>
    %reduce_max3A_344 = vector.extract %reduce_max3A_343[15] : i32 from vector<16xi32>
    %add3A_345 = arith.constant 15 : i32
    %add3A_346 = arith.addi %reduce_max3A_344, %add3A_345 : i32
    %jit3A_347 = arith.constant 16 : i32
    %div3A_348 = arith.divsi %add3A_346, %jit3A_347 : i32
    %sign3A_349 = arith.constant 0 : i32
    %sign3A_350 = arith.cmpi sgt, %add3A_346, %sign3A_349 : i32
    %sign3A_351 = arith.extui %sign3A_350 : i1 to i32
    %sign3A_352 = arith.constant 0 : i32
    %sign3A_353 = arith.cmpi slt, %add3A_346, %sign3A_352 : i32
    %sign3A_354 = arith.extui %sign3A_353 : i1 to i32
    %sign3A_355 = arith.subi %sign3A_351, %sign3A_354 : i32
    %sign3A_356 = arith.constant 0 : i32
    %sign3A_357 = arith.cmpi sgt, %jit3A_347, %sign3A_356 : i32
    %sign3A_358 = arith.extui %sign3A_357 : i1 to i32
    %sign3A_359 = arith.constant 0 : i32
    %sign3A_360 = arith.cmpi slt, %jit3A_347, %sign3A_359 : i32
    %sign3A_361 = arith.extui %sign3A_360 : i1 to i32
    %sign3A_362 = arith.subi %sign3A_358, %sign3A_361 : i32
    %ne3A_363 = arith.cmpi ne, %sign3A_355, %sign3A_362 : i32
    %rem3A_364 = arith.remsi %add3A_346, %jit3A_347 : i32
    %ne3A_365 = arith.constant 0 : i32
    %ne3A_366 = arith.cmpi ne, %rem3A_364, %ne3A_365 : i32
    %and3A_367 = arith.andi %ne3A_363, %ne3A_366 : i1
    %sub3A_368 = arith.constant 1 : i32
    %sub3A_369 = arith.subi %div3A_348, %sub3A_368 : i32
    %select_n3A_370 = arith.select %and3A_367, %sub3A_369, %div3A_348 : i32
    %add3A_371 = arith.addi %get3A_305, %iota3A : vector<16xi32>
    %broadcast_in_dim3A_372 = arith.constant 0xFF800000 : f32
    %broadcast_in_dim3A_373 = vector.broadcast %broadcast_in_dim3A_372 : f32 to vector<16xf32>
    tpu.vector_store_idx %arg5[%add3A_371], %broadcast_in_dim3A_373 : memref<16400xf32, #tpu.memory_space<vmem>>[vector<16xi32>], vector<16xf32>,
    %add3A_374 = arith.addi %get3A_307, %iota3A : vector<16xi32>
    %broadcast_in_dim3A_375 = arith.constant 0x7F800000 : f32
    %broadcast_in_dim3A_376 = vector.broadcast %broadcast_in_dim3A_375 : f32 to vector<16xf32>
    tpu.vector_store_idx %arg6[%add3A_374], %broadcast_in_dim3A_376 : memref<16400xf32, #tpu.memory_space<vmem>>[vector<16xi32>], vector<16xf32>,
    %bitcast3A_377 = vector.bitcast %select_n3A_285 : vector<16xf32> to vector<16xi32>
    %ge3A_378 = arith.constant 0 : i32
    %ge3A_379 = vector.broadcast %ge3A_378 : i32 to vector<16xi32>
    %ge3A_380 = arith.cmpi sge, %bitcast3A_377, %ge3A_379 : vector<16xi32>
    %sub3A_381 = arith.constant -2147483648 : i32
    %sub3A_382 = vector.broadcast %sub3A_381 : i32 to vector<16xi32>
    %sub3A_383 = arith.subi %sub3A_382, %bitcast3A_377 : vector<16xi32>
    %select_n3A_384 = arith.select %ge3A_380, %bitcast3A_377, %sub3A_383 : vector<16xi1>, vector<16xi32>
    %bitcast3A_385 = vector.bitcast %select_n3A_286 : vector<16xf32> to vector<16xi32>
    %ge3A_386 = arith.constant 0 : i32
    %ge3A_387 = vector.broadcast %ge3A_386 : i32 to vector<16xi32>
    %ge3A_388 = arith.cmpi sge, %bitcast3A_385, %ge3A_387 : vector<16xi32>
    %sub3A_389 = arith.constant -2147483648 : i32
    %sub3A_390 = vector.broadcast %sub3A_389 : i32 to vector<16xi32>
    %sub3A_391 = arith.subi %sub3A_390, %bitcast3A_385 : vector<16xi32>
    %select_n3A_392 = arith.select %ge3A_388, %bitcast3A_385, %sub3A_391 : vector<16xi1>, vector<16xi32>
    %xor3A = arith.xori %select_n3A_384, %broadcast_in_dim3A_131 : vector<16xi32>
    %convert_element_type3A_393 = arith.sitofp %xor3A : vector<16xi32> to vector<16xf32>
    %bitcast3A_394 = vector.bitcast %convert_element_type3A_393 : vector<16xf32> to vector<16xi32>
    %shift_right_logical3A = arith.constant 23 : i32
    %shift_right_logical3A_395 = vector.broadcast %shift_right_logical3A : i32 to vector<16xi32>
    %shift_right_logical3A_396 = arith.shrui %bitcast3A_394, %shift_right_logical3A_395 : vector<16xi32>
    %sub3A_397 = arith.constant 127 : i32
    %sub3A_398 = vector.broadcast %sub3A_397 : i32 to vector<16xi32>
    %sub3A_399 = arith.subi %shift_right_logical3A_396, %sub3A_398 : vector<16xi32>
    %eq3A = arith.constant 0 : i32
    %eq3A_400 = vector.broadcast %eq3A : i32 to vector<16xi32>
    %eq3A_401 = arith.cmpi eq, %xor3A, %eq3A_400 : vector<16xi32>
    %broadcast_in_dim3A_402 = arith.constant -1000 : i32
    %broadcast_in_dim3A_403 = vector.broadcast %broadcast_in_dim3A_402 : i32 to vector<16xi32>
    %select_n3A_404 = arith.select %eq3A_401, %broadcast_in_dim3A_403, %sub3A_399 : vector<16xi1>, vector<16xi32>
    %lt3A = arith.constant 0 : i32
    %lt3A_405 = vector.broadcast %lt3A : i32 to vector<16xi32>
    %lt3A_406 = arith.cmpi slt, %xor3A, %lt3A_405 : vector<16xi32>
    %broadcast_in_dim3A_407 = arith.constant 31 : i32
    %broadcast_in_dim3A_408 = vector.broadcast %broadcast_in_dim3A_407 : i32 to vector<16xi32>
    %select_n3A_409 = arith.select %lt3A_406, %broadcast_in_dim3A_408, %select_n3A_404 : vector<16xi1>, vector<16xi32>
    %xor3A_410 = arith.xori %select_n3A_392, %broadcast_in_dim3A_139 : vector<16xi32>
    %convert_element_type3A_411 = arith.sitofp %xor3A_410 : vector<16xi32> to vector<16xf32>
    %bitcast3A_412 = vector.bitcast %convert_element_type3A_411 : vector<16xf32> to vector<16xi32>
    %shift_right_logical3A_413 = arith.constant 23 : i32
    %shift_right_logical3A_414 = vector.broadcast %shift_right_logical3A_413 : i32 to vector<16xi32>
    %shift_right_logical3A_415 = arith.shrui %bitcast3A_412, %shift_right_logical3A_414 : vector<16xi32>
    %sub3A_416 = arith.constant 127 : i32
    %sub3A_417 = vector.broadcast %sub3A_416 : i32 to vector<16xi32>
    %sub3A_418 = arith.subi %shift_right_logical3A_415, %sub3A_417 : vector<16xi32>
    %eq3A_419 = arith.constant 0 : i32
    %eq3A_420 = vector.broadcast %eq3A_419 : i32 to vector<16xi32>
    %eq3A_421 = arith.cmpi eq, %xor3A_410, %eq3A_420 : vector<16xi32>
    %broadcast_in_dim3A_422 = arith.constant -1000 : i32
    %broadcast_in_dim3A_423 = vector.broadcast %broadcast_in_dim3A_422 : i32 to vector<16xi32>
    %select_n3A_424 = arith.select %eq3A_421, %broadcast_in_dim3A_423, %sub3A_418 : vector<16xi1>, vector<16xi32>
    %lt3A_425 = arith.constant 0 : i32
    %lt3A_426 = vector.broadcast %lt3A_425 : i32 to vector<16xi32>
    %lt3A_427 = arith.cmpi slt, %xor3A_410, %lt3A_426 : vector<16xi32>
    %broadcast_in_dim3A_428 = arith.constant 31 : i32
    %broadcast_in_dim3A_429 = vector.broadcast %broadcast_in_dim3A_428 : i32 to vector<16xi32>
    %select_n3A_430 = arith.select %lt3A_427, %broadcast_in_dim3A_429, %select_n3A_424 : vector<16xi1>, vector<16xi32>
    %max3A_431 = arith.maxsi %select_n3A_409, %select_n3A_430 : vector<16xi32>
    %broadcast_in_dim3A_432 = arith.constant 31 : i32
    %broadcast_in_dim3A_433 = vector.broadcast %broadcast_in_dim3A_432 : i32 to vector<16xi32>
    %sub3A_434 = arith.subi %broadcast_in_dim3A_433, %max3A_431 : vector<16xi32>
    %jit3A_435 = arith.constant 4 : i32
    %div3A_436 = vector.broadcast %jit3A_435 : i32 to vector<16xi32>
    %div3A_437 = arith.divsi %sub3A_434, %div3A_436 : vector<16xi32>
    %sign3A_438 = arith.constant 0 : i32
    %sign3A_439 = vector.broadcast %sign3A_438 : i32 to vector<16xi32>
    %sign3A_440 = arith.cmpi sgt, %sub3A_434, %sign3A_439 : vector<16xi32>
    %sign3A_441 = arith.extui %sign3A_440 : vector<16xi1> to vector<16xi32>
    %sign3A_442 = arith.constant 0 : i32
    %sign3A_443 = vector.broadcast %sign3A_442 : i32 to vector<16xi32>
    %sign3A_444 = arith.cmpi slt, %sub3A_434, %sign3A_443 : vector<16xi32>
    %sign3A_445 = arith.extui %sign3A_444 : vector<16xi1> to vector<16xi32>
    %sign3A_446 = arith.subi %sign3A_441, %sign3A_445 : vector<16xi32>
    %sign3A_447 = arith.constant 0 : i32
    %sign3A_448 = arith.cmpi sgt, %jit3A_435, %sign3A_447 : i32
    %sign3A_449 = arith.extui %sign3A_448 : i1 to i32
    %sign3A_450 = arith.constant 0 : i32
    %sign3A_451 = arith.cmpi slt, %jit3A_435, %sign3A_450 : i32
    %sign3A_452 = arith.extui %sign3A_451 : i1 to i32
    %sign3A_453 = arith.subi %sign3A_449, %sign3A_452 : i32
    %ne3A_454 = vector.broadcast %sign3A_453 : i32 to vector<16xi32>
    %ne3A_455 = arith.cmpi ne, %sign3A_446, %ne3A_454 : vector<16xi32>
    %rem3A_456 = vector.broadcast %jit3A_435 : i32 to vector<16xi32>
    %rem3A_457 = arith.remsi %sub3A_434, %rem3A_456 : vector<16xi32>
    %ne3A_458 = arith.constant 0 : i32
    %ne3A_459 = vector.broadcast %ne3A_458 : i32 to vector<16xi32>
    %ne3A_460 = arith.cmpi ne, %rem3A_457, %ne3A_459 : vector<16xi32>
    %and3A_461 = arith.andi %ne3A_455, %ne3A_460 : vector<16xi1>
    %sub3A_462 = arith.constant 1 : i32
    %sub3A_463 = vector.broadcast %sub3A_462 : i32 to vector<16xi32>
    %sub3A_464 = arith.subi %div3A_437, %sub3A_463 : vector<16xi32>
    %select_n3A_465 = arith.select %and3A_461, %sub3A_464, %div3A_437 : vector<16xi1>, vector<16xi32>
    %jit3A_466 = arith.constant 0 : i32
    %jit3A_467 = arith.constant 8 : i32
    %max3A_468 = vector.broadcast %jit3A_466 : i32 to vector<16xi32>
    %max3A_469 = arith.maxsi %max3A_468, %select_n3A_465 : vector<16xi32>
    %min3A = vector.broadcast %jit3A_467 : i32 to vector<16xi32>
    %min3A_470 = arith.minsi %min3A, %max3A_469 : vector<16xi32>
    %broadcast_in_dim3A_471 = arith.constant 32 : i32
    %broadcast_in_dim3A_472 = vector.broadcast %broadcast_in_dim3A_471 : i32 to vector<16xi32>
    %mul3A_473 = arith.constant 4 : i32
    %mul3A_474 = vector.broadcast %mul3A_473 : i32 to vector<16xi32>
    %mul3A_475 = arith.muli %mul3A_474, %min3A_470 : vector<16xi32>
    %sub3A_476 = arith.subi %broadcast_in_dim3A_472, %mul3A_475 : vector<16xi32>
    %eq3A_477 = arith.constant 0 : i32
    %eq3A_478 = vector.broadcast %eq3A_477 : i32 to vector<16xi32>
    %eq3A_479 = arith.cmpi eq, %min3A_470, %eq3A_478 : vector<16xi32>
    %broadcast_in_dim3A_480 = arith.constant -1 : i32
    %broadcast_in_dim3A_481 = vector.broadcast %broadcast_in_dim3A_480 : i32 to vector<16xi32>
    %broadcast_in_dim3A_482 = arith.constant 1 : i32
    %broadcast_in_dim3A_483 = vector.broadcast %broadcast_in_dim3A_482 : i32 to vector<16xi32>
    %shift_left3A = arith.shli %broadcast_in_dim3A_483, %sub3A_476 : vector<16xi32>
    %sub3A_484 = arith.constant 1 : i32
    %sub3A_485 = vector.broadcast %sub3A_484 : i32 to vector<16xi32>
    %sub3A_486 = arith.subi %shift_left3A, %sub3A_485 : vector<16xi32>
    %select_n3A_487 = arith.select %eq3A_479, %broadcast_in_dim3A_481, %sub3A_486 : vector<16xi1>, vector<16xi32>
    %xor3A_488 = arith.constant -2147483648 : i32
    %xor3A_489 = vector.broadcast %xor3A_488 : i32 to vector<16xi32>
    %xor3A_490 = arith.xori %broadcast_in_dim3A_131, %xor3A_489 : vector<16xi32>
    %not3A_491 = arith.constant dense<-1> : vector<16xi32>
    %not3A_492 = arith.xori %select_n3A_487, %not3A_491 : vector<16xi32>
    %and3A_493 = arith.andi %xor3A_490, %not3A_492 : vector<16xi32>
    %xor3A_494 = arith.constant -2147483648 : i32
    %xor3A_495 = vector.broadcast %xor3A_494 : i32 to vector<16xi32>
    %xor3A_496 = arith.xori %broadcast_in_dim3A_139, %xor3A_495 : vector<16xi32>
    %not3A_497 = arith.constant dense<-1> : vector<16xi32>
    %not3A_498 = arith.xori %select_n3A_487, %not3A_497 : vector<16xi32>
    %and3A_499 = arith.andi %xor3A_496, %not3A_498 : vector<16xi32>
    %reduce_max3A_500 = arith.constant true
    %reduce_max3A_501 = vector.broadcast %reduce_max3A_500 : i1 to vector<16xi1>
    %reduce_max3A_502 = arith.constant -2147483648 : i32
    %reduce_max3A_503 = vector.broadcast %reduce_max3A_502 : i32 to vector<16xi32>
    %reduce_max3A_504 = arith.xori %min3A_470, %reduce_max3A_503 : vector<16xi32>
    %reduce_max3A_505 = tpu.scan <max>, %reduce_max3A_504 masked %reduce_max3A_501 : vector<16xi32>, vector<16xi1> -> vector<16xi32>
    %reduce_max3A_506 = arith.xori %reduce_max3A_505, %reduce_max3A_503 : vector<16xi32>
    %reduce_max3A_507 = vector.extract %reduce_max3A_506[15] : i32 from vector<16xi32>
    %while3A = arith.constant 8 : i32
    %while3A_508 = arith.subi %while3A, %reduce_max3A_507 : i32
    %while3A_509 = arith.addi %reduce_max3A_507, %while3A_508 : i32
    %while3A_510 = arith.constant 1 : i32
    %while3A_511 = arith.divsi %while3A_508, %while3A_510 : i32
    %while3A_512 = arith.muli %while3A_511, %while3A_510 : i32
    %while3A_513 = arith.addi %reduce_max3A_507, %while3A_512 : i32
    %while3A_514 = arith.constant 1 : i32
    %while3A_515:2 = scf.for %while3A_832 = %reduce_max3A_507 to %while3A_513 step %while3A_514 iter_args(%while3A_833 = %and3A_493, %while3A_834 = %and3A_499) -> (vector<16xi32>, vector<16xi32>)  : i32 {
      %mul3A_835 = arith.constant 4 : i32
      %mul3A_836 = arith.muli %mul3A_835, %while3A_832 : i32
      %sub3A_837 = arith.constant 28 : i32
      %sub3A_838 = arith.subi %sub3A_837, %mul3A_836 : i32
      %shift_left3A_839 = arith.constant 1 : i32
      %shift_left3A_840 = arith.shli %shift_left3A_839, %sub3A_838 : i32
      %sub3A_841 = arith.constant 1 : i32
      %sub3A_842 = arith.subi %shift_left3A_840, %sub3A_841 : i32
      %broadcast_in_dim3A_843 = arith.constant 1 : i32
      %broadcast_in_dim3A_844 = vector.broadcast %broadcast_in_dim3A_843 : i32 to vector<16xi32>
      %shift_left3A_845 = vector.broadcast %sub3A_838 : i32 to vector<16xi32>
      %shift_left3A_846 = arith.shli %broadcast_in_dim3A_844, %shift_left3A_845 : vector<16xi32>
      %or3A = arith.ori %while3A_833, %shift_left3A_846 : vector<16xi32>
      %xor3A_847 = arith.constant -2147483648 : i32
      %xor3A_848 = vector.broadcast %xor3A_847 : i32 to vector<16xi32>
      %xor3A_849 = arith.xori %or3A, %xor3A_848 : vector<16xi32>
      %ge3A_850 = arith.constant 0 : i32
      %ge3A_851 = vector.broadcast %ge3A_850 : i32 to vector<16xi32>
      %ge3A_852 = arith.cmpi sge, %xor3A_849, %ge3A_851 : vector<16xi32>
      %sub3A_853 = arith.constant -2147483648 : i32
      %sub3A_854 = vector.broadcast %sub3A_853 : i32 to vector<16xi32>
      %sub3A_855 = arith.subi %sub3A_854, %xor3A_849 : vector<16xi32>
      %select_n3A_856 = arith.select %ge3A_852, %xor3A_849, %sub3A_855 : vector<16xi1>, vector<16xi32>
      %bitcast3A_857 = vector.bitcast %select_n3A_856 : vector<16xi32> to vector<16xf32>
      %broadcast_in_dim3A_858 = arith.constant 2 : i32
      %broadcast_in_dim3A_859 = vector.broadcast %broadcast_in_dim3A_858 : i32 to vector<16xi32>
      %shift_left3A_860 = vector.broadcast %sub3A_838 : i32 to vector<16xi32>
      %shift_left3A_861 = arith.shli %broadcast_in_dim3A_859, %shift_left3A_860 : vector<16xi32>
      %or3A_862 = arith.ori %while3A_833, %shift_left3A_861 : vector<16xi32>
      %xor3A_863 = arith.constant -2147483648 : i32
      %xor3A_864 = vector.broadcast %xor3A_863 : i32 to vector<16xi32>
      %xor3A_865 = arith.xori %or3A_862, %xor3A_864 : vector<16xi32>
      %ge3A_866 = arith.constant 0 : i32
      %ge3A_867 = vector.broadcast %ge3A_866 : i32 to vector<16xi32>
      %ge3A_868 = arith.cmpi sge, %xor3A_865, %ge3A_867 : vector<16xi32>
      %sub3A_869 = arith.constant -2147483648 : i32
      %sub3A_870 = vector.broadcast %sub3A_869 : i32 to vector<16xi32>
      %sub3A_871 = arith.subi %sub3A_870, %xor3A_865 : vector<16xi32>
      %select_n3A_872 = arith.select %ge3A_868, %xor3A_865, %sub3A_871 : vector<16xi1>, vector<16xi32>
      %bitcast3A_873 = vector.bitcast %select_n3A_872 : vector<16xi32> to vector<16xf32>
      %broadcast_in_dim3A_874 = arith.constant 3 : i32
      %broadcast_in_dim3A_875 = vector.broadcast %broadcast_in_dim3A_874 : i32 to vector<16xi32>
      %shift_left3A_876 = vector.broadcast %sub3A_838 : i32 to vector<16xi32>
      %shift_left3A_877 = arith.shli %broadcast_in_dim3A_875, %shift_left3A_876 : vector<16xi32>
      %or3A_878 = arith.ori %while3A_833, %shift_left3A_877 : vector<16xi32>
      %xor3A_879 = arith.constant -2147483648 : i32
      %xor3A_880 = vector.broadcast %xor3A_879 : i32 to vector<16xi32>
      %xor3A_881 = arith.xori %or3A_878, %xor3A_880 : vector<16xi32>
      %ge3A_882 = arith.constant 0 : i32
      %ge3A_883 = vector.broadcast %ge3A_882 : i32 to vector<16xi32>
      %ge3A_884 = arith.cmpi sge, %xor3A_881, %ge3A_883 : vector<16xi32>
      %sub3A_885 = arith.constant -2147483648 : i32
      %sub3A_886 = vector.broadcast %sub3A_885 : i32 to vector<16xi32>
      %sub3A_887 = arith.subi %sub3A_886, %xor3A_881 : vector<16xi32>
      %select_n3A_888 = arith.select %ge3A_884, %xor3A_881, %sub3A_887 : vector<16xi1>, vector<16xi32>
      %bitcast3A_889 = vector.bitcast %select_n3A_888 : vector<16xi32> to vector<16xf32>
      %broadcast_in_dim3A_890 = arith.constant 4 : i32
      %broadcast_in_dim3A_891 = vector.broadcast %broadcast_in_dim3A_890 : i32 to vector<16xi32>
      %shift_left3A_892 = vector.broadcast %sub3A_838 : i32 to vector<16xi32>
      %shift_left3A_893 = arith.shli %broadcast_in_dim3A_891, %shift_left3A_892 : vector<16xi32>
      %or3A_894 = arith.ori %while3A_833, %shift_left3A_893 : vector<16xi32>
      %xor3A_895 = arith.constant -2147483648 : i32
      %xor3A_896 = vector.broadcast %xor3A_895 : i32 to vector<16xi32>
      %xor3A_897 = arith.xori %or3A_894, %xor3A_896 : vector<16xi32>
      %ge3A_898 = arith.constant 0 : i32
      %ge3A_899 = vector.broadcast %ge3A_898 : i32 to vector<16xi32>
      %ge3A_900 = arith.cmpi sge, %xor3A_897, %ge3A_899 : vector<16xi32>
      %sub3A_901 = arith.constant -2147483648 : i32
      %sub3A_902 = vector.broadcast %sub3A_901 : i32 to vector<16xi32>
      %sub3A_903 = arith.subi %sub3A_902, %xor3A_897 : vector<16xi32>
      %select_n3A_904 = arith.select %ge3A_900, %xor3A_897, %sub3A_903 : vector<16xi1>, vector<16xi32>
      %bitcast3A_905 = vector.bitcast %select_n3A_904 : vector<16xi32> to vector<16xf32>
      %broadcast_in_dim3A_906 = arith.constant 5 : i32
      %broadcast_in_dim3A_907 = vector.broadcast %broadcast_in_dim3A_906 : i32 to vector<16xi32>
      %shift_left3A_908 = vector.broadcast %sub3A_838 : i32 to vector<16xi32>
      %shift_left3A_909 = arith.shli %broadcast_in_dim3A_907, %shift_left3A_908 : vector<16xi32>
      %or3A_910 = arith.ori %while3A_833, %shift_left3A_909 : vector<16xi32>
      %xor3A_911 = arith.constant -2147483648 : i32
      %xor3A_912 = vector.broadcast %xor3A_911 : i32 to vector<16xi32>
      %xor3A_913 = arith.xori %or3A_910, %xor3A_912 : vector<16xi32>
      %ge3A_914 = arith.constant 0 : i32
      %ge3A_915 = vector.broadcast %ge3A_914 : i32 to vector<16xi32>
      %ge3A_916 = arith.cmpi sge, %xor3A_913, %ge3A_915 : vector<16xi32>
      %sub3A_917 = arith.constant -2147483648 : i32
      %sub3A_918 = vector.broadcast %sub3A_917 : i32 to vector<16xi32>
      %sub3A_919 = arith.subi %sub3A_918, %xor3A_913 : vector<16xi32>
      %select_n3A_920 = arith.select %ge3A_916, %xor3A_913, %sub3A_919 : vector<16xi1>, vector<16xi32>
      %bitcast3A_921 = vector.bitcast %select_n3A_920 : vector<16xi32> to vector<16xf32>
      %broadcast_in_dim3A_922 = arith.constant 6 : i32
      %broadcast_in_dim3A_923 = vector.broadcast %broadcast_in_dim3A_922 : i32 to vector<16xi32>
      %shift_left3A_924 = vector.broadcast %sub3A_838 : i32 to vector<16xi32>
      %shift_left3A_925 = arith.shli %broadcast_in_dim3A_923, %shift_left3A_924 : vector<16xi32>
      %or3A_926 = arith.ori %while3A_833, %shift_left3A_925 : vector<16xi32>
      %xor3A_927 = arith.constant -2147483648 : i32
      %xor3A_928 = vector.broadcast %xor3A_927 : i32 to vector<16xi32>
      %xor3A_929 = arith.xori %or3A_926, %xor3A_928 : vector<16xi32>
      %ge3A_930 = arith.constant 0 : i32
      %ge3A_931 = vector.broadcast %ge3A_930 : i32 to vector<16xi32>
      %ge3A_932 = arith.cmpi sge, %xor3A_929, %ge3A_931 : vector<16xi32>
      %sub3A_933 = arith.constant -2147483648 : i32
      %sub3A_934 = vector.broadcast %sub3A_933 : i32 to vector<16xi32>
      %sub3A_935 = arith.subi %sub3A_934, %xor3A_929 : vector<16xi32>
      %select_n3A_936 = arith.select %ge3A_932, %xor3A_929, %sub3A_935 : vector<16xi1>, vector<16xi32>
      %bitcast3A_937 = vector.bitcast %select_n3A_936 : vector<16xi32> to vector<16xf32>
      %broadcast_in_dim3A_938 = arith.constant 7 : i32
      %broadcast_in_dim3A_939 = vector.broadcast %broadcast_in_dim3A_938 : i32 to vector<16xi32>
      %shift_left3A_940 = vector.broadcast %sub3A_838 : i32 to vector<16xi32>
      %shift_left3A_941 = arith.shli %broadcast_in_dim3A_939, %shift_left3A_940 : vector<16xi32>
      %or3A_942 = arith.ori %while3A_833, %shift_left3A_941 : vector<16xi32>
      %xor3A_943 = arith.constant -2147483648 : i32
      %xor3A_944 = vector.broadcast %xor3A_943 : i32 to vector<16xi32>
      %xor3A_945 = arith.xori %or3A_942, %xor3A_944 : vector<16xi32>
      %ge3A_946 = arith.constant 0 : i32
      %ge3A_947 = vector.broadcast %ge3A_946 : i32 to vector<16xi32>
      %ge3A_948 = arith.cmpi sge, %xor3A_945, %ge3A_947 : vector<16xi32>
      %sub3A_949 = arith.constant -2147483648 : i32
      %sub3A_950 = vector.broadcast %sub3A_949 : i32 to vector<16xi32>
      %sub3A_951 = arith.subi %sub3A_950, %xor3A_945 : vector<16xi32>
      %select_n3A_952 = arith.select %ge3A_948, %xor3A_945, %sub3A_951 : vector<16xi1>, vector<16xi32>
      %bitcast3A_953 = vector.bitcast %select_n3A_952 : vector<16xi32> to vector<16xf32>
      %broadcast_in_dim3A_954 = arith.constant 8 : i32
      %broadcast_in_dim3A_955 = vector.broadcast %broadcast_in_dim3A_954 : i32 to vector<16xi32>
      %shift_left3A_956 = vector.broadcast %sub3A_838 : i32 to vector<16xi32>
      %shift_left3A_957 = arith.shli %broadcast_in_dim3A_955, %shift_left3A_956 : vector<16xi32>
      %or3A_958 = arith.ori %while3A_833, %shift_left3A_957 : vector<16xi32>
      %xor3A_959 = arith.constant -2147483648 : i32
      %xor3A_960 = vector.broadcast %xor3A_959 : i32 to vector<16xi32>
      %xor3A_961 = arith.xori %or3A_958, %xor3A_960 : vector<16xi32>
      %ge3A_962 = arith.constant 0 : i32
      %ge3A_963 = vector.broadcast %ge3A_962 : i32 to vector<16xi32>
      %ge3A_964 = arith.cmpi sge, %xor3A_961, %ge3A_963 : vector<16xi32>
      %sub3A_965 = arith.constant -2147483648 : i32
      %sub3A_966 = vector.broadcast %sub3A_965 : i32 to vector<16xi32>
      %sub3A_967 = arith.subi %sub3A_966, %xor3A_961 : vector<16xi32>
      %select_n3A_968 = arith.select %ge3A_964, %xor3A_961, %sub3A_967 : vector<16xi1>, vector<16xi32>
      %bitcast3A_969 = vector.bitcast %select_n3A_968 : vector<16xi32> to vector<16xf32>
      %broadcast_in_dim3A_970 = arith.constant 9 : i32
      %broadcast_in_dim3A_971 = vector.broadcast %broadcast_in_dim3A_970 : i32 to vector<16xi32>
      %shift_left3A_972 = vector.broadcast %sub3A_838 : i32 to vector<16xi32>
      %shift_left3A_973 = arith.shli %broadcast_in_dim3A_971, %shift_left3A_972 : vector<16xi32>
      %or3A_974 = arith.ori %while3A_833, %shift_left3A_973 : vector<16xi32>
      %xor3A_975 = arith.constant -2147483648 : i32
      %xor3A_976 = vector.broadcast %xor3A_975 : i32 to vector<16xi32>
      %xor3A_977 = arith.xori %or3A_974, %xor3A_976 : vector<16xi32>
      %ge3A_978 = arith.constant 0 : i32
      %ge3A_979 = vector.broadcast %ge3A_978 : i32 to vector<16xi32>
      %ge3A_980 = arith.cmpi sge, %xor3A_977, %ge3A_979 : vector<16xi32>
      %sub3A_981 = arith.constant -2147483648 : i32
      %sub3A_982 = vector.broadcast %sub3A_981 : i32 to vector<16xi32>
      %sub3A_983 = arith.subi %sub3A_982, %xor3A_977 : vector<16xi32>
      %select_n3A_984 = arith.select %ge3A_980, %xor3A_977, %sub3A_983 : vector<16xi1>, vector<16xi32>
      %bitcast3A_985 = vector.bitcast %select_n3A_984 : vector<16xi32> to vector<16xf32>
      %broadcast_in_dim3A_986 = arith.constant 10 : i32
      %broadcast_in_dim3A_987 = vector.broadcast %broadcast_in_dim3A_986 : i32 to vector<16xi32>
      %shift_left3A_988 = vector.broadcast %sub3A_838 : i32 to vector<16xi32>
      %shift_left3A_989 = arith.shli %broadcast_in_dim3A_987, %shift_left3A_988 : vector<16xi32>
      %or3A_990 = arith.ori %while3A_833, %shift_left3A_989 : vector<16xi32>
      %xor3A_991 = arith.constant -2147483648 : i32
      %xor3A_992 = vector.broadcast %xor3A_991 : i32 to vector<16xi32>
      %xor3A_993 = arith.xori %or3A_990, %xor3A_992 : vector<16xi32>
      %ge3A_994 = arith.constant 0 : i32
      %ge3A_995 = vector.broadcast %ge3A_994 : i32 to vector<16xi32>
      %ge3A_996 = arith.cmpi sge, %xor3A_993, %ge3A_995 : vector<16xi32>
      %sub3A_997 = arith.constant -2147483648 : i32
      %sub3A_998 = vector.broadcast %sub3A_997 : i32 to vector<16xi32>
      %sub3A_999 = arith.subi %sub3A_998, %xor3A_993 : vector<16xi32>
      %select_n3A_1000 = arith.select %ge3A_996, %xor3A_993, %sub3A_999 : vector<16xi1>, vector<16xi32>
      %bitcast3A_1001 = vector.bitcast %select_n3A_1000 : vector<16xi32> to vector<16xf32>
      %broadcast_in_dim3A_1002 = arith.constant 11 : i32
      %broadcast_in_dim3A_1003 = vector.broadcast %broadcast_in_dim3A_1002 : i32 to vector<16xi32>
      %shift_left3A_1004 = vector.broadcast %sub3A_838 : i32 to vector<16xi32>
      %shift_left3A_1005 = arith.shli %broadcast_in_dim3A_1003, %shift_left3A_1004 : vector<16xi32>
      %or3A_1006 = arith.ori %while3A_833, %shift_left3A_1005 : vector<16xi32>
      %xor3A_1007 = arith.constant -2147483648 : i32
      %xor3A_1008 = vector.broadcast %xor3A_1007 : i32 to vector<16xi32>
      %xor3A_1009 = arith.xori %or3A_1006, %xor3A_1008 : vector<16xi32>
      %ge3A_1010 = arith.constant 0 : i32
      %ge3A_1011 = vector.broadcast %ge3A_1010 : i32 to vector<16xi32>
      %ge3A_1012 = arith.cmpi sge, %xor3A_1009, %ge3A_1011 : vector<16xi32>
      %sub3A_1013 = arith.constant -2147483648 : i32
      %sub3A_1014 = vector.broadcast %sub3A_1013 : i32 to vector<16xi32>
      %sub3A_1015 = arith.subi %sub3A_1014, %xor3A_1009 : vector<16xi32>
      %select_n3A_1016 = arith.select %ge3A_1012, %xor3A_1009, %sub3A_1015 : vector<16xi1>, vector<16xi32>
      %bitcast3A_1017 = vector.bitcast %select_n3A_1016 : vector<16xi32> to vector<16xf32>
      %broadcast_in_dim3A_1018 = arith.constant 12 : i32
      %broadcast_in_dim3A_1019 = vector.broadcast %broadcast_in_dim3A_1018 : i32 to vector<16xi32>
      %shift_left3A_1020 = vector.broadcast %sub3A_838 : i32 to vector<16xi32>
      %shift_left3A_1021 = arith.shli %broadcast_in_dim3A_1019, %shift_left3A_1020 : vector<16xi32>
      %or3A_1022 = arith.ori %while3A_833, %shift_left3A_1021 : vector<16xi32>
      %xor3A_1023 = arith.constant -2147483648 : i32
      %xor3A_1024 = vector.broadcast %xor3A_1023 : i32 to vector<16xi32>
      %xor3A_1025 = arith.xori %or3A_1022, %xor3A_1024 : vector<16xi32>
      %ge3A_1026 = arith.constant 0 : i32
      %ge3A_1027 = vector.broadcast %ge3A_1026 : i32 to vector<16xi32>
      %ge3A_1028 = arith.cmpi sge, %xor3A_1025, %ge3A_1027 : vector<16xi32>
      %sub3A_1029 = arith.constant -2147483648 : i32
      %sub3A_1030 = vector.broadcast %sub3A_1029 : i32 to vector<16xi32>
      %sub3A_1031 = arith.subi %sub3A_1030, %xor3A_1025 : vector<16xi32>
      %select_n3A_1032 = arith.select %ge3A_1028, %xor3A_1025, %sub3A_1031 : vector<16xi1>, vector<16xi32>
      %bitcast3A_1033 = vector.bitcast %select_n3A_1032 : vector<16xi32> to vector<16xf32>
      %broadcast_in_dim3A_1034 = arith.constant 13 : i32
      %broadcast_in_dim3A_1035 = vector.broadcast %broadcast_in_dim3A_1034 : i32 to vector<16xi32>
      %shift_left3A_1036 = vector.broadcast %sub3A_838 : i32 to vector<16xi32>
      %shift_left3A_1037 = arith.shli %broadcast_in_dim3A_1035, %shift_left3A_1036 : vector<16xi32>
      %or3A_1038 = arith.ori %while3A_833, %shift_left3A_1037 : vector<16xi32>
      %xor3A_1039 = arith.constant -2147483648 : i32
      %xor3A_1040 = vector.broadcast %xor3A_1039 : i32 to vector<16xi32>
      %xor3A_1041 = arith.xori %or3A_1038, %xor3A_1040 : vector<16xi32>
      %ge3A_1042 = arith.constant 0 : i32
      %ge3A_1043 = vector.broadcast %ge3A_1042 : i32 to vector<16xi32>
      %ge3A_1044 = arith.cmpi sge, %xor3A_1041, %ge3A_1043 : vector<16xi32>
      %sub3A_1045 = arith.constant -2147483648 : i32
      %sub3A_1046 = vector.broadcast %sub3A_1045 : i32 to vector<16xi32>
      %sub3A_1047 = arith.subi %sub3A_1046, %xor3A_1041 : vector<16xi32>
      %select_n3A_1048 = arith.select %ge3A_1044, %xor3A_1041, %sub3A_1047 : vector<16xi1>, vector<16xi32>
      %bitcast3A_1049 = vector.bitcast %select_n3A_1048 : vector<16xi32> to vector<16xf32>
      %broadcast_in_dim3A_1050 = arith.constant 14 : i32
      %broadcast_in_dim3A_1051 = vector.broadcast %broadcast_in_dim3A_1050 : i32 to vector<16xi32>
      %shift_left3A_1052 = vector.broadcast %sub3A_838 : i32 to vector<16xi32>
      %shift_left3A_1053 = arith.shli %broadcast_in_dim3A_1051, %shift_left3A_1052 : vector<16xi32>
      %or3A_1054 = arith.ori %while3A_833, %shift_left3A_1053 : vector<16xi32>
      %xor3A_1055 = arith.constant -2147483648 : i32
      %xor3A_1056 = vector.broadcast %xor3A_1055 : i32 to vector<16xi32>
      %xor3A_1057 = arith.xori %or3A_1054, %xor3A_1056 : vector<16xi32>
      %ge3A_1058 = arith.constant 0 : i32
      %ge3A_1059 = vector.broadcast %ge3A_1058 : i32 to vector<16xi32>
      %ge3A_1060 = arith.cmpi sge, %xor3A_1057, %ge3A_1059 : vector<16xi32>
      %sub3A_1061 = arith.constant -2147483648 : i32
      %sub3A_1062 = vector.broadcast %sub3A_1061 : i32 to vector<16xi32>
      %sub3A_1063 = arith.subi %sub3A_1062, %xor3A_1057 : vector<16xi32>
      %select_n3A_1064 = arith.select %ge3A_1060, %xor3A_1057, %sub3A_1063 : vector<16xi1>, vector<16xi32>
      %bitcast3A_1065 = vector.bitcast %select_n3A_1064 : vector<16xi32> to vector<16xf32>
      %broadcast_in_dim3A_1066 = arith.constant 15 : i32
      %broadcast_in_dim3A_1067 = vector.broadcast %broadcast_in_dim3A_1066 : i32 to vector<16xi32>
      %shift_left3A_1068 = vector.broadcast %sub3A_838 : i32 to vector<16xi32>
      %shift_left3A_1069 = arith.shli %broadcast_in_dim3A_1067, %shift_left3A_1068 : vector<16xi32>
      %or3A_1070 = arith.ori %while3A_833, %shift_left3A_1069 : vector<16xi32>
      %xor3A_1071 = arith.constant -2147483648 : i32
      %xor3A_1072 = vector.broadcast %xor3A_1071 : i32 to vector<16xi32>
      %xor3A_1073 = arith.xori %or3A_1070, %xor3A_1072 : vector<16xi32>
      %ge3A_1074 = arith.constant 0 : i32
      %ge3A_1075 = vector.broadcast %ge3A_1074 : i32 to vector<16xi32>
      %ge3A_1076 = arith.cmpi sge, %xor3A_1073, %ge3A_1075 : vector<16xi32>
      %sub3A_1077 = arith.constant -2147483648 : i32
      %sub3A_1078 = vector.broadcast %sub3A_1077 : i32 to vector<16xi32>
      %sub3A_1079 = arith.subi %sub3A_1078, %xor3A_1073 : vector<16xi32>
      %select_n3A_1080 = arith.select %ge3A_1076, %xor3A_1073, %sub3A_1079 : vector<16xi1>, vector<16xi32>
      %bitcast3A_1081 = vector.bitcast %select_n3A_1080 : vector<16xi32> to vector<16xf32>
      %broadcast_in_dim3A_1082 = arith.constant 0 : i32
      %broadcast_in_dim3A_1083 = vector.broadcast %broadcast_in_dim3A_1082 : i32 to vector<16xi32>
      %shift_left3A_1084 = vector.broadcast %sub3A_838 : i32 to vector<16xi32>
      %shift_left3A_1085 = arith.shli %broadcast_in_dim3A_1083, %shift_left3A_1084 : vector<16xi32>
      %or3A_1086 = arith.ori %while3A_834, %shift_left3A_1085 : vector<16xi32>
      %or3A_1087 = vector.broadcast %sub3A_842 : i32 to vector<16xi32>
      %or3A_1088 = arith.ori %or3A_1086, %or3A_1087 : vector<16xi32>
      %xor3A_1089 = arith.constant -2147483648 : i32
      %xor3A_1090 = vector.broadcast %xor3A_1089 : i32 to vector<16xi32>
      %xor3A_1091 = arith.xori %or3A_1088, %xor3A_1090 : vector<16xi32>
      %ge3A_1092 = arith.constant 0 : i32
      %ge3A_1093 = vector.broadcast %ge3A_1092 : i32 to vector<16xi32>
      %ge3A_1094 = arith.cmpi sge, %xor3A_1091, %ge3A_1093 : vector<16xi32>
      %sub3A_1095 = arith.constant -2147483648 : i32
      %sub3A_1096 = vector.broadcast %sub3A_1095 : i32 to vector<16xi32>
      %sub3A_1097 = arith.subi %sub3A_1096, %xor3A_1091 : vector<16xi32>
      %select_n3A_1098 = arith.select %ge3A_1094, %xor3A_1091, %sub3A_1097 : vector<16xi1>, vector<16xi32>
      %bitcast3A_1099 = vector.bitcast %select_n3A_1098 : vector<16xi32> to vector<16xf32>
      %broadcast_in_dim3A_1100 = arith.constant 1 : i32
      %broadcast_in_dim3A_1101 = vector.broadcast %broadcast_in_dim3A_1100 : i32 to vector<16xi32>
      %shift_left3A_1102 = vector.broadcast %sub3A_838 : i32 to vector<16xi32>
      %shift_left3A_1103 = arith.shli %broadcast_in_dim3A_1101, %shift_left3A_1102 : vector<16xi32>
      %or3A_1104 = arith.ori %while3A_834, %shift_left3A_1103 : vector<16xi32>
      %or3A_1105 = vector.broadcast %sub3A_842 : i32 to vector<16xi32>
      %or3A_1106 = arith.ori %or3A_1104, %or3A_1105 : vector<16xi32>
      %xor3A_1107 = arith.constant -2147483648 : i32
      %xor3A_1108 = vector.broadcast %xor3A_1107 : i32 to vector<16xi32>
      %xor3A_1109 = arith.xori %or3A_1106, %xor3A_1108 : vector<16xi32>
      %ge3A_1110 = arith.constant 0 : i32
      %ge3A_1111 = vector.broadcast %ge3A_1110 : i32 to vector<16xi32>
      %ge3A_1112 = arith.cmpi sge, %xor3A_1109, %ge3A_1111 : vector<16xi32>
      %sub3A_1113 = arith.constant -2147483648 : i32
      %sub3A_1114 = vector.broadcast %sub3A_1113 : i32 to vector<16xi32>
      %sub3A_1115 = arith.subi %sub3A_1114, %xor3A_1109 : vector<16xi32>
      %select_n3A_1116 = arith.select %ge3A_1112, %xor3A_1109, %sub3A_1115 : vector<16xi1>, vector<16xi32>
      %bitcast3A_1117 = vector.bitcast %select_n3A_1116 : vector<16xi32> to vector<16xf32>
      %broadcast_in_dim3A_1118 = arith.constant 2 : i32
      %broadcast_in_dim3A_1119 = vector.broadcast %broadcast_in_dim3A_1118 : i32 to vector<16xi32>
      %shift_left3A_1120 = vector.broadcast %sub3A_838 : i32 to vector<16xi32>
      %shift_left3A_1121 = arith.shli %broadcast_in_dim3A_1119, %shift_left3A_1120 : vector<16xi32>
      %or3A_1122 = arith.ori %while3A_834, %shift_left3A_1121 : vector<16xi32>
      %or3A_1123 = vector.broadcast %sub3A_842 : i32 to vector<16xi32>
      %or3A_1124 = arith.ori %or3A_1122, %or3A_1123 : vector<16xi32>
      %xor3A_1125 = arith.constant -2147483648 : i32
      %xor3A_1126 = vector.broadcast %xor3A_1125 : i32 to vector<16xi32>
      %xor3A_1127 = arith.xori %or3A_1124, %xor3A_1126 : vector<16xi32>
      %ge3A_1128 = arith.constant 0 : i32
      %ge3A_1129 = vector.broadcast %ge3A_1128 : i32 to vector<16xi32>
      %ge3A_1130 = arith.cmpi sge, %xor3A_1127, %ge3A_1129 : vector<16xi32>
      %sub3A_1131 = arith.constant -2147483648 : i32
      %sub3A_1132 = vector.broadcast %sub3A_1131 : i32 to vector<16xi32>
      %sub3A_1133 = arith.subi %sub3A_1132, %xor3A_1127 : vector<16xi32>
      %select_n3A_1134 = arith.select %ge3A_1130, %xor3A_1127, %sub3A_1133 : vector<16xi1>, vector<16xi32>
      %bitcast3A_1135 = vector.bitcast %select_n3A_1134 : vector<16xi32> to vector<16xf32>
      %broadcast_in_dim3A_1136 = arith.constant 3 : i32
      %broadcast_in_dim3A_1137 = vector.broadcast %broadcast_in_dim3A_1136 : i32 to vector<16xi32>
      %shift_left3A_1138 = vector.broadcast %sub3A_838 : i32 to vector<16xi32>
      %shift_left3A_1139 = arith.shli %broadcast_in_dim3A_1137, %shift_left3A_1138 : vector<16xi32>
      %or3A_1140 = arith.ori %while3A_834, %shift_left3A_1139 : vector<16xi32>
      %or3A_1141 = vector.broadcast %sub3A_842 : i32 to vector<16xi32>
      %or3A_1142 = arith.ori %or3A_1140, %or3A_1141 : vector<16xi32>
      %xor3A_1143 = arith.constant -2147483648 : i32
      %xor3A_1144 = vector.broadcast %xor3A_1143 : i32 to vector<16xi32>
      %xor3A_1145 = arith.xori %or3A_1142, %xor3A_1144 : vector<16xi32>
      %ge3A_1146 = arith.constant 0 : i32
      %ge3A_1147 = vector.broadcast %ge3A_1146 : i32 to vector<16xi32>
      %ge3A_1148 = arith.cmpi sge, %xor3A_1145, %ge3A_1147 : vector<16xi32>
      %sub3A_1149 = arith.constant -2147483648 : i32
      %sub3A_1150 = vector.broadcast %sub3A_1149 : i32 to vector<16xi32>
      %sub3A_1151 = arith.subi %sub3A_1150, %xor3A_1145 : vector<16xi32>
      %select_n3A_1152 = arith.select %ge3A_1148, %xor3A_1145, %sub3A_1151 : vector<16xi1>, vector<16xi32>
      %bitcast3A_1153 = vector.bitcast %select_n3A_1152 : vector<16xi32> to vector<16xf32>
      %broadcast_in_dim3A_1154 = arith.constant 4 : i32
      %broadcast_in_dim3A_1155 = vector.broadcast %broadcast_in_dim3A_1154 : i32 to vector<16xi32>
      %shift_left3A_1156 = vector.broadcast %sub3A_838 : i32 to vector<16xi32>
      %shift_left3A_1157 = arith.shli %broadcast_in_dim3A_1155, %shift_left3A_1156 : vector<16xi32>
      %or3A_1158 = arith.ori %while3A_834, %shift_left3A_1157 : vector<16xi32>
      %or3A_1159 = vector.broadcast %sub3A_842 : i32 to vector<16xi32>
      %or3A_1160 = arith.ori %or3A_1158, %or3A_1159 : vector<16xi32>
      %xor3A_1161 = arith.constant -2147483648 : i32
      %xor3A_1162 = vector.broadcast %xor3A_1161 : i32 to vector<16xi32>
      %xor3A_1163 = arith.xori %or3A_1160, %xor3A_1162 : vector<16xi32>
      %ge3A_1164 = arith.constant 0 : i32
      %ge3A_1165 = vector.broadcast %ge3A_1164 : i32 to vector<16xi32>
      %ge3A_1166 = arith.cmpi sge, %xor3A_1163, %ge3A_1165 : vector<16xi32>
      %sub3A_1167 = arith.constant -2147483648 : i32
      %sub3A_1168 = vector.broadcast %sub3A_1167 : i32 to vector<16xi32>
      %sub3A_1169 = arith.subi %sub3A_1168, %xor3A_1163 : vector<16xi32>
      %select_n3A_1170 = arith.select %ge3A_1166, %xor3A_1163, %sub3A_1169 : vector<16xi1>, vector<16xi32>
      %bitcast3A_1171 = vector.bitcast %select_n3A_1170 : vector<16xi32> to vector<16xf32>
      %broadcast_in_dim3A_1172 = arith.constant 5 : i32
      %broadcast_in_dim3A_1173 = vector.broadcast %broadcast_in_dim3A_1172 : i32 to vector<16xi32>
      %shift_left3A_1174 = vector.broadcast %sub3A_838 : i32 to vector<16xi32>
      %shift_left3A_1175 = arith.shli %broadcast_in_dim3A_1173, %shift_left3A_1174 : vector<16xi32>
      %or3A_1176 = arith.ori %while3A_834, %shift_left3A_1175 : vector<16xi32>
      %or3A_1177 = vector.broadcast %sub3A_842 : i32 to vector<16xi32>
      %or3A_1178 = arith.ori %or3A_1176, %or3A_1177 : vector<16xi32>
      %xor3A_1179 = arith.constant -2147483648 : i32
      %xor3A_1180 = vector.broadcast %xor3A_1179 : i32 to vector<16xi32>
      %xor3A_1181 = arith.xori %or3A_1178, %xor3A_1180 : vector<16xi32>
      %ge3A_1182 = arith.constant 0 : i32
      %ge3A_1183 = vector.broadcast %ge3A_1182 : i32 to vector<16xi32>
      %ge3A_1184 = arith.cmpi sge, %xor3A_1181, %ge3A_1183 : vector<16xi32>
      %sub3A_1185 = arith.constant -2147483648 : i32
      %sub3A_1186 = vector.broadcast %sub3A_1185 : i32 to vector<16xi32>
      %sub3A_1187 = arith.subi %sub3A_1186, %xor3A_1181 : vector<16xi32>
      %select_n3A_1188 = arith.select %ge3A_1184, %xor3A_1181, %sub3A_1187 : vector<16xi1>, vector<16xi32>
      %bitcast3A_1189 = vector.bitcast %select_n3A_1188 : vector<16xi32> to vector<16xf32>
      %broadcast_in_dim3A_1190 = arith.constant 6 : i32
      %broadcast_in_dim3A_1191 = vector.broadcast %broadcast_in_dim3A_1190 : i32 to vector<16xi32>
      %shift_left3A_1192 = vector.broadcast %sub3A_838 : i32 to vector<16xi32>
      %shift_left3A_1193 = arith.shli %broadcast_in_dim3A_1191, %shift_left3A_1192 : vector<16xi32>
      %or3A_1194 = arith.ori %while3A_834, %shift_left3A_1193 : vector<16xi32>
      %or3A_1195 = vector.broadcast %sub3A_842 : i32 to vector<16xi32>
      %or3A_1196 = arith.ori %or3A_1194, %or3A_1195 : vector<16xi32>
      %xor3A_1197 = arith.constant -2147483648 : i32
      %xor3A_1198 = vector.broadcast %xor3A_1197 : i32 to vector<16xi32>
      %xor3A_1199 = arith.xori %or3A_1196, %xor3A_1198 : vector<16xi32>
      %ge3A_1200 = arith.constant 0 : i32
      %ge3A_1201 = vector.broadcast %ge3A_1200 : i32 to vector<16xi32>
      %ge3A_1202 = arith.cmpi sge, %xor3A_1199, %ge3A_1201 : vector<16xi32>
      %sub3A_1203 = arith.constant -2147483648 : i32
      %sub3A_1204 = vector.broadcast %sub3A_1203 : i32 to vector<16xi32>
      %sub3A_1205 = arith.subi %sub3A_1204, %xor3A_1199 : vector<16xi32>
      %select_n3A_1206 = arith.select %ge3A_1202, %xor3A_1199, %sub3A_1205 : vector<16xi1>, vector<16xi32>
      %bitcast3A_1207 = vector.bitcast %select_n3A_1206 : vector<16xi32> to vector<16xf32>
      %broadcast_in_dim3A_1208 = arith.constant 7 : i32
      %broadcast_in_dim3A_1209 = vector.broadcast %broadcast_in_dim3A_1208 : i32 to vector<16xi32>
      %shift_left3A_1210 = vector.broadcast %sub3A_838 : i32 to vector<16xi32>
      %shift_left3A_1211 = arith.shli %broadcast_in_dim3A_1209, %shift_left3A_1210 : vector<16xi32>
      %or3A_1212 = arith.ori %while3A_834, %shift_left3A_1211 : vector<16xi32>
      %or3A_1213 = vector.broadcast %sub3A_842 : i32 to vector<16xi32>
      %or3A_1214 = arith.ori %or3A_1212, %or3A_1213 : vector<16xi32>
      %xor3A_1215 = arith.constant -2147483648 : i32
      %xor3A_1216 = vector.broadcast %xor3A_1215 : i32 to vector<16xi32>
      %xor3A_1217 = arith.xori %or3A_1214, %xor3A_1216 : vector<16xi32>
      %ge3A_1218 = arith.constant 0 : i32
      %ge3A_1219 = vector.broadcast %ge3A_1218 : i32 to vector<16xi32>
      %ge3A_1220 = arith.cmpi sge, %xor3A_1217, %ge3A_1219 : vector<16xi32>
      %sub3A_1221 = arith.constant -2147483648 : i32
      %sub3A_1222 = vector.broadcast %sub3A_1221 : i32 to vector<16xi32>
      %sub3A_1223 = arith.subi %sub3A_1222, %xor3A_1217 : vector<16xi32>
      %select_n3A_1224 = arith.select %ge3A_1220, %xor3A_1217, %sub3A_1223 : vector<16xi1>, vector<16xi32>
      %bitcast3A_1225 = vector.bitcast %select_n3A_1224 : vector<16xi32> to vector<16xf32>
      %broadcast_in_dim3A_1226 = arith.constant 8 : i32
      %broadcast_in_dim3A_1227 = vector.broadcast %broadcast_in_dim3A_1226 : i32 to vector<16xi32>
      %shift_left3A_1228 = vector.broadcast %sub3A_838 : i32 to vector<16xi32>
      %shift_left3A_1229 = arith.shli %broadcast_in_dim3A_1227, %shift_left3A_1228 : vector<16xi32>
      %or3A_1230 = arith.ori %while3A_834, %shift_left3A_1229 : vector<16xi32>
      %or3A_1231 = vector.broadcast %sub3A_842 : i32 to vector<16xi32>
      %or3A_1232 = arith.ori %or3A_1230, %or3A_1231 : vector<16xi32>
      %xor3A_1233 = arith.constant -2147483648 : i32
      %xor3A_1234 = vector.broadcast %xor3A_1233 : i32 to vector<16xi32>
      %xor3A_1235 = arith.xori %or3A_1232, %xor3A_1234 : vector<16xi32>
      %ge3A_1236 = arith.constant 0 : i32
      %ge3A_1237 = vector.broadcast %ge3A_1236 : i32 to vector<16xi32>
      %ge3A_1238 = arith.cmpi sge, %xor3A_1235, %ge3A_1237 : vector<16xi32>
      %sub3A_1239 = arith.constant -2147483648 : i32
      %sub3A_1240 = vector.broadcast %sub3A_1239 : i32 to vector<16xi32>
      %sub3A_1241 = arith.subi %sub3A_1240, %xor3A_1235 : vector<16xi32>
      %select_n3A_1242 = arith.select %ge3A_1238, %xor3A_1235, %sub3A_1241 : vector<16xi1>, vector<16xi32>
      %bitcast3A_1243 = vector.bitcast %select_n3A_1242 : vector<16xi32> to vector<16xf32>
      %broadcast_in_dim3A_1244 = arith.constant 9 : i32
      %broadcast_in_dim3A_1245 = vector.broadcast %broadcast_in_dim3A_1244 : i32 to vector<16xi32>
      %shift_left3A_1246 = vector.broadcast %sub3A_838 : i32 to vector<16xi32>
      %shift_left3A_1247 = arith.shli %broadcast_in_dim3A_1245, %shift_left3A_1246 : vector<16xi32>
      %or3A_1248 = arith.ori %while3A_834, %shift_left3A_1247 : vector<16xi32>
      %or3A_1249 = vector.broadcast %sub3A_842 : i32 to vector<16xi32>
      %or3A_1250 = arith.ori %or3A_1248, %or3A_1249 : vector<16xi32>
      %xor3A_1251 = arith.constant -2147483648 : i32
      %xor3A_1252 = vector.broadcast %xor3A_1251 : i32 to vector<16xi32>
      %xor3A_1253 = arith.xori %or3A_1250, %xor3A_1252 : vector<16xi32>
      %ge3A_1254 = arith.constant 0 : i32
      %ge3A_1255 = vector.broadcast %ge3A_1254 : i32 to vector<16xi32>
      %ge3A_1256 = arith.cmpi sge, %xor3A_1253, %ge3A_1255 : vector<16xi32>
      %sub3A_1257 = arith.constant -2147483648 : i32
      %sub3A_1258 = vector.broadcast %sub3A_1257 : i32 to vector<16xi32>
      %sub3A_1259 = arith.subi %sub3A_1258, %xor3A_1253 : vector<16xi32>
      %select_n3A_1260 = arith.select %ge3A_1256, %xor3A_1253, %sub3A_1259 : vector<16xi1>, vector<16xi32>
      %bitcast3A_1261 = vector.bitcast %select_n3A_1260 : vector<16xi32> to vector<16xf32>
      %broadcast_in_dim3A_1262 = arith.constant 10 : i32
      %broadcast_in_dim3A_1263 = vector.broadcast %broadcast_in_dim3A_1262 : i32 to vector<16xi32>
      %shift_left3A_1264 = vector.broadcast %sub3A_838 : i32 to vector<16xi32>
      %shift_left3A_1265 = arith.shli %broadcast_in_dim3A_1263, %shift_left3A_1264 : vector<16xi32>
      %or3A_1266 = arith.ori %while3A_834, %shift_left3A_1265 : vector<16xi32>
      %or3A_1267 = vector.broadcast %sub3A_842 : i32 to vector<16xi32>
      %or3A_1268 = arith.ori %or3A_1266, %or3A_1267 : vector<16xi32>
      %xor3A_1269 = arith.constant -2147483648 : i32
      %xor3A_1270 = vector.broadcast %xor3A_1269 : i32 to vector<16xi32>
      %xor3A_1271 = arith.xori %or3A_1268, %xor3A_1270 : vector<16xi32>
      %ge3A_1272 = arith.constant 0 : i32
      %ge3A_1273 = vector.broadcast %ge3A_1272 : i32 to vector<16xi32>
      %ge3A_1274 = arith.cmpi sge, %xor3A_1271, %ge3A_1273 : vector<16xi32>
      %sub3A_1275 = arith.constant -2147483648 : i32
      %sub3A_1276 = vector.broadcast %sub3A_1275 : i32 to vector<16xi32>
      %sub3A_1277 = arith.subi %sub3A_1276, %xor3A_1271 : vector<16xi32>
      %select_n3A_1278 = arith.select %ge3A_1274, %xor3A_1271, %sub3A_1277 : vector<16xi1>, vector<16xi32>
      %bitcast3A_1279 = vector.bitcast %select_n3A_1278 : vector<16xi32> to vector<16xf32>
      %broadcast_in_dim3A_1280 = arith.constant 11 : i32
      %broadcast_in_dim3A_1281 = vector.broadcast %broadcast_in_dim3A_1280 : i32 to vector<16xi32>
      %shift_left3A_1282 = vector.broadcast %sub3A_838 : i32 to vector<16xi32>
      %shift_left3A_1283 = arith.shli %broadcast_in_dim3A_1281, %shift_left3A_1282 : vector<16xi32>
      %or3A_1284 = arith.ori %while3A_834, %shift_left3A_1283 : vector<16xi32>
      %or3A_1285 = vector.broadcast %sub3A_842 : i32 to vector<16xi32>
      %or3A_1286 = arith.ori %or3A_1284, %or3A_1285 : vector<16xi32>
      %xor3A_1287 = arith.constant -2147483648 : i32
      %xor3A_1288 = vector.broadcast %xor3A_1287 : i32 to vector<16xi32>
      %xor3A_1289 = arith.xori %or3A_1286, %xor3A_1288 : vector<16xi32>
      %ge3A_1290 = arith.constant 0 : i32
      %ge3A_1291 = vector.broadcast %ge3A_1290 : i32 to vector<16xi32>
      %ge3A_1292 = arith.cmpi sge, %xor3A_1289, %ge3A_1291 : vector<16xi32>
      %sub3A_1293 = arith.constant -2147483648 : i32
      %sub3A_1294 = vector.broadcast %sub3A_1293 : i32 to vector<16xi32>
      %sub3A_1295 = arith.subi %sub3A_1294, %xor3A_1289 : vector<16xi32>
      %select_n3A_1296 = arith.select %ge3A_1292, %xor3A_1289, %sub3A_1295 : vector<16xi1>, vector<16xi32>
      %bitcast3A_1297 = vector.bitcast %select_n3A_1296 : vector<16xi32> to vector<16xf32>
      %broadcast_in_dim3A_1298 = arith.constant 12 : i32
      %broadcast_in_dim3A_1299 = vector.broadcast %broadcast_in_dim3A_1298 : i32 to vector<16xi32>
      %shift_left3A_1300 = vector.broadcast %sub3A_838 : i32 to vector<16xi32>
      %shift_left3A_1301 = arith.shli %broadcast_in_dim3A_1299, %shift_left3A_1300 : vector<16xi32>
      %or3A_1302 = arith.ori %while3A_834, %shift_left3A_1301 : vector<16xi32>
      %or3A_1303 = vector.broadcast %sub3A_842 : i32 to vector<16xi32>
      %or3A_1304 = arith.ori %or3A_1302, %or3A_1303 : vector<16xi32>
      %xor3A_1305 = arith.constant -2147483648 : i32
      %xor3A_1306 = vector.broadcast %xor3A_1305 : i32 to vector<16xi32>
      %xor3A_1307 = arith.xori %or3A_1304, %xor3A_1306 : vector<16xi32>
      %ge3A_1308 = arith.constant 0 : i32
      %ge3A_1309 = vector.broadcast %ge3A_1308 : i32 to vector<16xi32>
      %ge3A_1310 = arith.cmpi sge, %xor3A_1307, %ge3A_1309 : vector<16xi32>
      %sub3A_1311 = arith.constant -2147483648 : i32
      %sub3A_1312 = vector.broadcast %sub3A_1311 : i32 to vector<16xi32>
      %sub3A_1313 = arith.subi %sub3A_1312, %xor3A_1307 : vector<16xi32>
      %select_n3A_1314 = arith.select %ge3A_1310, %xor3A_1307, %sub3A_1313 : vector<16xi1>, vector<16xi32>
      %bitcast3A_1315 = vector.bitcast %select_n3A_1314 : vector<16xi32> to vector<16xf32>
      %broadcast_in_dim3A_1316 = arith.constant 13 : i32
      %broadcast_in_dim3A_1317 = vector.broadcast %broadcast_in_dim3A_1316 : i32 to vector<16xi32>
      %shift_left3A_1318 = vector.broadcast %sub3A_838 : i32 to vector<16xi32>
      %shift_left3A_1319 = arith.shli %broadcast_in_dim3A_1317, %shift_left3A_1318 : vector<16xi32>
      %or3A_1320 = arith.ori %while3A_834, %shift_left3A_1319 : vector<16xi32>
      %or3A_1321 = vector.broadcast %sub3A_842 : i32 to vector<16xi32>
      %or3A_1322 = arith.ori %or3A_1320, %or3A_1321 : vector<16xi32>
      %xor3A_1323 = arith.constant -2147483648 : i32
      %xor3A_1324 = vector.broadcast %xor3A_1323 : i32 to vector<16xi32>
      %xor3A_1325 = arith.xori %or3A_1322, %xor3A_1324 : vector<16xi32>
      %ge3A_1326 = arith.constant 0 : i32
      %ge3A_1327 = vector.broadcast %ge3A_1326 : i32 to vector<16xi32>
      %ge3A_1328 = arith.cmpi sge, %xor3A_1325, %ge3A_1327 : vector<16xi32>
      %sub3A_1329 = arith.constant -2147483648 : i32
      %sub3A_1330 = vector.broadcast %sub3A_1329 : i32 to vector<16xi32>
      %sub3A_1331 = arith.subi %sub3A_1330, %xor3A_1325 : vector<16xi32>
      %select_n3A_1332 = arith.select %ge3A_1328, %xor3A_1325, %sub3A_1331 : vector<16xi1>, vector<16xi32>
      %bitcast3A_1333 = vector.bitcast %select_n3A_1332 : vector<16xi32> to vector<16xf32>
      %broadcast_in_dim3A_1334 = arith.constant 14 : i32
      %broadcast_in_dim3A_1335 = vector.broadcast %broadcast_in_dim3A_1334 : i32 to vector<16xi32>
      %shift_left3A_1336 = vector.broadcast %sub3A_838 : i32 to vector<16xi32>
      %shift_left3A_1337 = arith.shli %broadcast_in_dim3A_1335, %shift_left3A_1336 : vector<16xi32>
      %or3A_1338 = arith.ori %while3A_834, %shift_left3A_1337 : vector<16xi32>
      %or3A_1339 = vector.broadcast %sub3A_842 : i32 to vector<16xi32>
      %or3A_1340 = arith.ori %or3A_1338, %or3A_1339 : vector<16xi32>
      %xor3A_1341 = arith.constant -2147483648 : i32
      %xor3A_1342 = vector.broadcast %xor3A_1341 : i32 to vector<16xi32>
      %xor3A_1343 = arith.xori %or3A_1340, %xor3A_1342 : vector<16xi32>
      %ge3A_1344 = arith.constant 0 : i32
      %ge3A_1345 = vector.broadcast %ge3A_1344 : i32 to vector<16xi32>
      %ge3A_1346 = arith.cmpi sge, %xor3A_1343, %ge3A_1345 : vector<16xi32>
      %sub3A_1347 = arith.constant -2147483648 : i32
      %sub3A_1348 = vector.broadcast %sub3A_1347 : i32 to vector<16xi32>
      %sub3A_1349 = arith.subi %sub3A_1348, %xor3A_1343 : vector<16xi32>
      %select_n3A_1350 = arith.select %ge3A_1346, %xor3A_1343, %sub3A_1349 : vector<16xi1>, vector<16xi32>
      %bitcast3A_1351 = vector.bitcast %select_n3A_1350 : vector<16xi32> to vector<16xf32>
      %while3A_1352 = arith.constant 0 : i32
      %while3A_1353 = arith.subi %select_n3A_336, %while3A_1352 : i32
      %while3A_1354 = arith.addi %while3A_1352, %while3A_1353 : i32
      %while3A_1355 = arith.constant 1 : i32
      %while3A_1356 = arith.divsi %while3A_1353, %while3A_1355 : i32
      %while3A_1357 = arith.muli %while3A_1356, %while3A_1355 : i32
      %while3A_1358 = arith.addi %while3A_1352, %while3A_1357 : i32
      %while3A_1359 = arith.constant 1 : i32
      %while3A_1360:15 = scf.for %while3A_1674 = %while3A_1352 to %while3A_1358 step %while3A_1359 iter_args(%while3A_1675 = %broadcast_in_dim3A_1, %while3A_1676 = %broadcast_in_dim3A_1, %while3A_1677 = %broadcast_in_dim3A_1, %while3A_1678 = %broadcast_in_dim3A_1, %while3A_1679 = %broadcast_in_dim3A_1, %while3A_1680 = %broadcast_in_dim3A_1, %while3A_1681 = %broadcast_in_dim3A_1, %while3A_1682 = %broadcast_in_dim3A_1, %while3A_1683 = %broadcast_in_dim3A_1, %while3A_1684 = %broadcast_in_dim3A_1, %while3A_1685 = %broadcast_in_dim3A_1, %while3A_1686 = %broadcast_in_dim3A_1, %while3A_1687 = %broadcast_in_dim3A_1, %while3A_1688 = %broadcast_in_dim3A_1, %while3A_1689 = %broadcast_in_dim3A_1) -> (vector<16xi32>, vector<16xi32>, vector<16xi32>, vector<16xi32>, vector<16xi32>, vector<16xi32>, vector<16xi32>, vector<16xi32>, vector<16xi32>, vector<16xi32>, vector<16xi32>, vector<16xi32>, vector<16xi32>, vector<16xi32>, vector<16xi32>)  : i32 {
        %mul3A_1690 = arith.constant 16 : i32
        %mul3A_1691 = arith.muli %while3A_1674, %mul3A_1690 : i32
        %get3A_1692 = arith.index_cast %mul3A_1691 : i32 to index
        %get3A_1693 = tpu.vector_load %arg5[%get3A_1692] {strides = array<i32>} : memref<16400xf32, #tpu.memory_space<vmem>>, vector<16xf32>,
        %ge3A_1694 = arith.cmpf oge, %get3A_1693, %bitcast3A_857 : vector<16xf32>
        %all_reduce_population_count3A_1695 = tpu.all_reduce %ge3A_1694 {dim = 0 : i64, kind = #tpu.reduction_kind<sum>} : vector<16xi1> -> vector<16xi32>
        %add3A_1696 = arith.addi %while3A_1675, %all_reduce_population_count3A_1695 : vector<16xi32>
        %ge3A_1697 = arith.cmpf oge, %get3A_1693, %bitcast3A_873 : vector<16xf32>
        %all_reduce_population_count3A_1698 = tpu.all_reduce %ge3A_1697 {dim = 0 : i64, kind = #tpu.reduction_kind<sum>} : vector<16xi1> -> vector<16xi32>
        %add3A_1699 = arith.addi %while3A_1676, %all_reduce_population_count3A_1698 : vector<16xi32>
        %ge3A_1700 = arith.cmpf oge, %get3A_1693, %bitcast3A_889 : vector<16xf32>
        %all_reduce_population_count3A_1701 = tpu.all_reduce %ge3A_1700 {dim = 0 : i64, kind = #tpu.reduction_kind<sum>} : vector<16xi1> -> vector<16xi32>
        %add3A_1702 = arith.addi %while3A_1677, %all_reduce_population_count3A_1701 : vector<16xi32>
        %ge3A_1703 = arith.cmpf oge, %get3A_1693, %bitcast3A_905 : vector<16xf32>
        %all_reduce_population_count3A_1704 = tpu.all_reduce %ge3A_1703 {dim = 0 : i64, kind = #tpu.reduction_kind<sum>} : vector<16xi1> -> vector<16xi32>
        %add3A_1705 = arith.addi %while3A_1678, %all_reduce_population_count3A_1704 : vector<16xi32>
        %ge3A_1706 = arith.cmpf oge, %get3A_1693, %bitcast3A_921 : vector<16xf32>
        %all_reduce_population_count3A_1707 = tpu.all_reduce %ge3A_1706 {dim = 0 : i64, kind = #tpu.reduction_kind<sum>} : vector<16xi1> -> vector<16xi32>
        %add3A_1708 = arith.addi %while3A_1679, %all_reduce_population_count3A_1707 : vector<16xi32>
        %ge3A_1709 = arith.cmpf oge, %get3A_1693, %bitcast3A_937 : vector<16xf32>
        %all_reduce_population_count3A_1710 = tpu.all_reduce %ge3A_1709 {dim = 0 : i64, kind = #tpu.reduction_kind<sum>} : vector<16xi1> -> vector<16xi32>
        %add3A_1711 = arith.addi %while3A_1680, %all_reduce_population_count3A_1710 : vector<16xi32>
        %ge3A_1712 = arith.cmpf oge, %get3A_1693, %bitcast3A_953 : vector<16xf32>
        %all_reduce_population_count3A_1713 = tpu.all_reduce %ge3A_1712 {dim = 0 : i64, kind = #tpu.reduction_kind<sum>} : vector<16xi1> -> vector<16xi32>
        %add3A_1714 = arith.addi %while3A_1681, %all_reduce_population_count3A_1713 : vector<16xi32>
        %ge3A_1715 = arith.cmpf oge, %get3A_1693, %bitcast3A_969 : vector<16xf32>
        %all_reduce_population_count3A_1716 = tpu.all_reduce %ge3A_1715 {dim = 0 : i64, kind = #tpu.reduction_kind<sum>} : vector<16xi1> -> vector<16xi32>
        %add3A_1717 = arith.addi %while3A_1682, %all_reduce_population_count3A_1716 : vector<16xi32>
        %ge3A_1718 = arith.cmpf oge, %get3A_1693, %bitcast3A_985 : vector<16xf32>
        %all_reduce_population_count3A_1719 = tpu.all_reduce %ge3A_1718 {dim = 0 : i64, kind = #tpu.reduction_kind<sum>} : vector<16xi1> -> vector<16xi32>
        %add3A_1720 = arith.addi %while3A_1683, %all_reduce_population_count3A_1719 : vector<16xi32>
        %ge3A_1721 = arith.cmpf oge, %get3A_1693, %bitcast3A_1001 : vector<16xf32>
        %all_reduce_population_count3A_1722 = tpu.all_reduce %ge3A_1721 {dim = 0 : i64, kind = #tpu.reduction_kind<sum>} : vector<16xi1> -> vector<16xi32>
        %add3A_1723 = arith.addi %while3A_1684, %all_reduce_population_count3A_1722 : vector<16xi32>
        %ge3A_1724 = arith.cmpf oge, %get3A_1693, %bitcast3A_1017 : vector<16xf32>
        %all_reduce_population_count3A_1725 = tpu.all_reduce %ge3A_1724 {dim = 0 : i64, kind = #tpu.reduction_kind<sum>} : vector<16xi1> -> vector<16xi32>
        %add3A_1726 = arith.addi %while3A_1685, %all_reduce_population_count3A_1725 : vector<16xi32>
        %ge3A_1727 = arith.cmpf oge, %get3A_1693, %bitcast3A_1033 : vector<16xf32>
        %all_reduce_population_count3A_1728 = tpu.all_reduce %ge3A_1727 {dim = 0 : i64, kind = #tpu.reduction_kind<sum>} : vector<16xi1> -> vector<16xi32>
        %add3A_1729 = arith.addi %while3A_1686, %all_reduce_population_count3A_1728 : vector<16xi32>
        %ge3A_1730 = arith.cmpf oge, %get3A_1693, %bitcast3A_1049 : vector<16xf32>
        %all_reduce_population_count3A_1731 = tpu.all_reduce %ge3A_1730 {dim = 0 : i64, kind = #tpu.reduction_kind<sum>} : vector<16xi1> -> vector<16xi32>
        %add3A_1732 = arith.addi %while3A_1687, %all_reduce_population_count3A_1731 : vector<16xi32>
        %ge3A_1733 = arith.cmpf oge, %get3A_1693, %bitcast3A_1065 : vector<16xf32>
        %all_reduce_population_count3A_1734 = tpu.all_reduce %ge3A_1733 {dim = 0 : i64, kind = #tpu.reduction_kind<sum>} : vector<16xi1> -> vector<16xi32>
        %add3A_1735 = arith.addi %while3A_1688, %all_reduce_population_count3A_1734 : vector<16xi32>
        %ge3A_1736 = arith.cmpf oge, %get3A_1693, %bitcast3A_1081 : vector<16xf32>
        %all_reduce_population_count3A_1737 = tpu.all_reduce %ge3A_1736 {dim = 0 : i64, kind = #tpu.reduction_kind<sum>} : vector<16xi1> -> vector<16xi32>
        %add3A_1738 = arith.addi %while3A_1689, %all_reduce_population_count3A_1737 : vector<16xi32>
        scf.yield %add3A_1696, %add3A_1699, %add3A_1702, %add3A_1705, %add3A_1708, %add3A_1711, %add3A_1714, %add3A_1717, %add3A_1720, %add3A_1723, %add3A_1726, %add3A_1729, %add3A_1732, %add3A_1735, %add3A_1738 : vector<16xi32>, vector<16xi32>, vector<16xi32>, vector<16xi32>, vector<16xi32>, vector<16xi32>, vector<16xi32>, vector<16xi32>, vector<16xi32>, vector<16xi32>, vector<16xi32>, vector<16xi32>, vector<16xi32>, vector<16xi32>, vector<16xi32>
      }
      %while3A_1361 = arith.constant 1 : i32
      %while3A_1362:15 = scf.for %while3A_1674 = %while3A_1358 to %while3A_1354 step %while3A_1361 iter_args(%while3A_1675 = %while3A_1360#0, %while3A_1676 = %while3A_1360#1, %while3A_1677 = %while3A_1360#2, %while3A_1678 = %while3A_1360#3, %while3A_1679 = %while3A_1360#4, %while3A_1680 = %while3A_1360#5, %while3A_1681 = %while3A_1360#6, %while3A_1682 = %while3A_1360#7, %while3A_1683 = %while3A_1360#8, %while3A_1684 = %while3A_1360#9, %while3A_1685 = %while3A_1360#10, %while3A_1686 = %while3A_1360#11, %while3A_1687 = %while3A_1360#12, %while3A_1688 = %while3A_1360#13, %while3A_1689 = %while3A_1360#14) -> (vector<16xi32>, vector<16xi32>, vector<16xi32>, vector<16xi32>, vector<16xi32>, vector<16xi32>, vector<16xi32>, vector<16xi32>, vector<16xi32>, vector<16xi32>, vector<16xi32>, vector<16xi32>, vector<16xi32>, vector<16xi32>, vector<16xi32>)  : i32 {
        %mul3A_1690 = arith.constant 16 : i32
        %mul3A_1691 = arith.muli %while3A_1674, %mul3A_1690 : i32
        %get3A_1692 = arith.index_cast %mul3A_1691 : i32 to index
        %get3A_1693 = tpu.vector_load %arg5[%get3A_1692] {strides = array<i32>} : memref<16400xf32, #tpu.memory_space<vmem>>, vector<16xf32>,
        %ge3A_1694 = arith.cmpf oge, %get3A_1693, %bitcast3A_857 : vector<16xf32>
        %all_reduce_population_count3A_1695 = tpu.all_reduce %ge3A_1694 {dim = 0 : i64, kind = #tpu.reduction_kind<sum>} : vector<16xi1> -> vector<16xi32>
        %add3A_1696 = arith.addi %while3A_1675, %all_reduce_population_count3A_1695 : vector<16xi32>
        %ge3A_1697 = arith.cmpf oge, %get3A_1693, %bitcast3A_873 : vector<16xf32>
        %all_reduce_population_count3A_1698 = tpu.all_reduce %ge3A_1697 {dim = 0 : i64, kind = #tpu.reduction_kind<sum>} : vector<16xi1> -> vector<16xi32>
        %add3A_1699 = arith.addi %while3A_1676, %all_reduce_population_count3A_1698 : vector<16xi32>
        %ge3A_1700 = arith.cmpf oge, %get3A_1693, %bitcast3A_889 : vector<16xf32>
        %all_reduce_population_count3A_1701 = tpu.all_reduce %ge3A_1700 {dim = 0 : i64, kind = #tpu.reduction_kind<sum>} : vector<16xi1> -> vector<16xi32>
        %add3A_1702 = arith.addi %while3A_1677, %all_reduce_population_count3A_1701 : vector<16xi32>
        %ge3A_1703 = arith.cmpf oge, %get3A_1693, %bitcast3A_905 : vector<16xf32>
        %all_reduce_population_count3A_1704 = tpu.all_reduce %ge3A_1703 {dim = 0 : i64, kind = #tpu.reduction_kind<sum>} : vector<16xi1> -> vector<16xi32>
        %add3A_1705 = arith.addi %while3A_1678, %all_reduce_population_count3A_1704 : vector<16xi32>
        %ge3A_1706 = arith.cmpf oge, %get3A_1693, %bitcast3A_921 : vector<16xf32>
        %all_reduce_population_count3A_1707 = tpu.all_reduce %ge3A_1706 {dim = 0 : i64, kind = #tpu.reduction_kind<sum>} : vector<16xi1> -> vector<16xi32>
        %add3A_1708 = arith.addi %while3A_1679, %all_reduce_population_count3A_1707 : vector<16xi32>
        %ge3A_1709 = arith.cmpf oge, %get3A_1693, %bitcast3A_937 : vector<16xf32>
        %all_reduce_population_count3A_1710 = tpu.all_reduce %ge3A_1709 {dim = 0 : i64, kind = #tpu.reduction_kind<sum>} : vector<16xi1> -> vector<16xi32>
        %add3A_1711 = arith.addi %while3A_1680, %all_reduce_population_count3A_1710 : vector<16xi32>
        %ge3A_1712 = arith.cmpf oge, %get3A_1693, %bitcast3A_953 : vector<16xf32>
        %all_reduce_population_count3A_1713 = tpu.all_reduce %ge3A_1712 {dim = 0 : i64, kind = #tpu.reduction_kind<sum>} : vector<16xi1> -> vector<16xi32>
        %add3A_1714 = arith.addi %while3A_1681, %all_reduce_population_count3A_1713 : vector<16xi32>
        %ge3A_1715 = arith.cmpf oge, %get3A_1693, %bitcast3A_969 : vector<16xf32>
        %all_reduce_population_count3A_1716 = tpu.all_reduce %ge3A_1715 {dim = 0 : i64, kind = #tpu.reduction_kind<sum>} : vector<16xi1> -> vector<16xi32>
        %add3A_1717 = arith.addi %while3A_1682, %all_reduce_population_count3A_1716 : vector<16xi32>
        %ge3A_1718 = arith.cmpf oge, %get3A_1693, %bitcast3A_985 : vector<16xf32>
        %all_reduce_population_count3A_1719 = tpu.all_reduce %ge3A_1718 {dim = 0 : i64, kind = #tpu.reduction_kind<sum>} : vector<16xi1> -> vector<16xi32>
        %add3A_1720 = arith.addi %while3A_1683, %all_reduce_population_count3A_1719 : vector<16xi32>
        %ge3A_1721 = arith.cmpf oge, %get3A_1693, %bitcast3A_1001 : vector<16xf32>
        %all_reduce_population_count3A_1722 = tpu.all_reduce %ge3A_1721 {dim = 0 : i64, kind = #tpu.reduction_kind<sum>} : vector<16xi1> -> vector<16xi32>
        %add3A_1723 = arith.addi %while3A_1684, %all_reduce_population_count3A_1722 : vector<16xi32>
        %ge3A_1724 = arith.cmpf oge, %get3A_1693, %bitcast3A_1017 : vector<16xf32>
        %all_reduce_population_count3A_1725 = tpu.all_reduce %ge3A_1724 {dim = 0 : i64, kind = #tpu.reduction_kind<sum>} : vector<16xi1> -> vector<16xi32>
        %add3A_1726 = arith.addi %while3A_1685, %all_reduce_population_count3A_1725 : vector<16xi32>
        %ge3A_1727 = arith.cmpf oge, %get3A_1693, %bitcast3A_1033 : vector<16xf32>
        %all_reduce_population_count3A_1728 = tpu.all_reduce %ge3A_1727 {dim = 0 : i64, kind = #tpu.reduction_kind<sum>} : vector<16xi1> -> vector<16xi32>
        %add3A_1729 = arith.addi %while3A_1686, %all_reduce_population_count3A_1728 : vector<16xi32>
        %ge3A_1730 = arith.cmpf oge, %get3A_1693, %bitcast3A_1049 : vector<16xf32>
        %all_reduce_population_count3A_1731 = tpu.all_reduce %ge3A_1730 {dim = 0 : i64, kind = #tpu.reduction_kind<sum>} : vector<16xi1> -> vector<16xi32>
        %add3A_1732 = arith.addi %while3A_1687, %all_reduce_population_count3A_1731 : vector<16xi32>
        %ge3A_1733 = arith.cmpf oge, %get3A_1693, %bitcast3A_1065 : vector<16xf32>
        %all_reduce_population_count3A_1734 = tpu.all_reduce %ge3A_1733 {dim = 0 : i64, kind = #tpu.reduction_kind<sum>} : vector<16xi1> -> vector<16xi32>
        %add3A_1735 = arith.addi %while3A_1688, %all_reduce_population_count3A_1734 : vector<16xi32>
        %ge3A_1736 = arith.cmpf oge, %get3A_1693, %bitcast3A_1081 : vector<16xf32>
        %all_reduce_population_count3A_1737 = tpu.all_reduce %ge3A_1736 {dim = 0 : i64, kind = #tpu.reduction_kind<sum>} : vector<16xi1> -> vector<16xi32>
        %add3A_1738 = arith.addi %while3A_1689, %all_reduce_population_count3A_1737 : vector<16xi32>
        scf.yield %add3A_1696, %add3A_1699, %add3A_1702, %add3A_1705, %add3A_1708, %add3A_1711, %add3A_1714, %add3A_1717, %add3A_1720, %add3A_1723, %add3A_1726, %add3A_1729, %add3A_1732, %add3A_1735, %add3A_1738 : vector<16xi32>, vector<16xi32>, vector<16xi32>, vector<16xi32>, vector<16xi32>, vector<16xi32>, vector<16xi32>, vector<16xi32>, vector<16xi32>, vector<16xi32>, vector<16xi32>, vector<16xi32>, vector<16xi32>, vector<16xi32>, vector<16xi32>
      }
      %while3A_1363 = arith.constant 0 : i32
      %while3A_1364 = arith.subi %select_n3A_370, %while3A_1363 : i32
      %while3A_1365 = arith.addi %while3A_1363, %while3A_1364 : i32
      %while3A_1366 = arith.constant 1 : i32
      %while3A_1367 = arith.divsi %while3A_1364, %while3A_1366 : i32
      %while3A_1368 = arith.muli %while3A_1367, %while3A_1366 : i32
      %while3A_1369 = arith.addi %while3A_1363, %while3A_1368 : i32
      %while3A_1370 = arith.constant 1 : i32
      %while3A_1371:15 = scf.for %while3A_1674 = %while3A_1363 to %while3A_1369 step %while3A_1370 iter_args(%while3A_1675 = %broadcast_in_dim3A_1, %while3A_1676 = %broadcast_in_dim3A_1, %while3A_1677 = %broadcast_in_dim3A_1, %while3A_1678 = %broadcast_in_dim3A_1, %while3A_1679 = %broadcast_in_dim3A_1, %while3A_1680 = %broadcast_in_dim3A_1, %while3A_1681 = %broadcast_in_dim3A_1, %while3A_1682 = %broadcast_in_dim3A_1, %while3A_1683 = %broadcast_in_dim3A_1, %while3A_1684 = %broadcast_in_dim3A_1, %while3A_1685 = %broadcast_in_dim3A_1, %while3A_1686 = %broadcast_in_dim3A_1, %while3A_1687 = %broadcast_in_dim3A_1, %while3A_1688 = %broadcast_in_dim3A_1, %while3A_1689 = %broadcast_in_dim3A_1) -> (vector<16xi32>, vector<16xi32>, vector<16xi32>, vector<16xi32>, vector<16xi32>, vector<16xi32>, vector<16xi32>, vector<16xi32>, vector<16xi32>, vector<16xi32>, vector<16xi32>, vector<16xi32>, vector<16xi32>, vector<16xi32>, vector<16xi32>)  : i32 {
        %mul3A_1690 = arith.constant 16 : i32
        %mul3A_1691 = arith.muli %while3A_1674, %mul3A_1690 : i32
        %get3A_1692 = arith.index_cast %mul3A_1691 : i32 to index
        %get3A_1693 = tpu.vector_load %arg6[%get3A_1692] {strides = array<i32>} : memref<16400xf32, #tpu.memory_space<vmem>>, vector<16xf32>,
        %le3A_1694 = arith.cmpf ole, %get3A_1693, %bitcast3A_1099 : vector<16xf32>
        %all_reduce_population_count3A_1695 = tpu.all_reduce %le3A_1694 {dim = 0 : i64, kind = #tpu.reduction_kind<sum>} : vector<16xi1> -> vector<16xi32>
        %add3A_1696 = arith.addi %while3A_1675, %all_reduce_population_count3A_1695 : vector<16xi32>
        %le3A_1697 = arith.cmpf ole, %get3A_1693, %bitcast3A_1117 : vector<16xf32>
        %all_reduce_population_count3A_1698 = tpu.all_reduce %le3A_1697 {dim = 0 : i64, kind = #tpu.reduction_kind<sum>} : vector<16xi1> -> vector<16xi32>
        %add3A_1699 = arith.addi %while3A_1676, %all_reduce_population_count3A_1698 : vector<16xi32>
        %le3A_1700 = arith.cmpf ole, %get3A_1693, %bitcast3A_1135 : vector<16xf32>
        %all_reduce_population_count3A_1701 = tpu.all_reduce %le3A_1700 {dim = 0 : i64, kind = #tpu.reduction_kind<sum>} : vector<16xi1> -> vector<16xi32>
        %add3A_1702 = arith.addi %while3A_1677, %all_reduce_population_count3A_1701 : vector<16xi32>
        %le3A_1703 = arith.cmpf ole, %get3A_1693, %bitcast3A_1153 : vector<16xf32>
        %all_reduce_population_count3A_1704 = tpu.all_reduce %le3A_1703 {dim = 0 : i64, kind = #tpu.reduction_kind<sum>} : vector<16xi1> -> vector<16xi32>
        %add3A_1705 = arith.addi %while3A_1678, %all_reduce_population_count3A_1704 : vector<16xi32>
        %le3A_1706 = arith.cmpf ole, %get3A_1693, %bitcast3A_1171 : vector<16xf32>
        %all_reduce_population_count3A_1707 = tpu.all_reduce %le3A_1706 {dim = 0 : i64, kind = #tpu.reduction_kind<sum>} : vector<16xi1> -> vector<16xi32>
        %add3A_1708 = arith.addi %while3A_1679, %all_reduce_population_count3A_1707 : vector<16xi32>
        %le3A_1709 = arith.cmpf ole, %get3A_1693, %bitcast3A_1189 : vector<16xf32>
        %all_reduce_population_count3A_1710 = tpu.all_reduce %le3A_1709 {dim = 0 : i64, kind = #tpu.reduction_kind<sum>} : vector<16xi1> -> vector<16xi32>
        %add3A_1711 = arith.addi %while3A_1680, %all_reduce_population_count3A_1710 : vector<16xi32>
        %le3A_1712 = arith.cmpf ole, %get3A_1693, %bitcast3A_1207 : vector<16xf32>
        %all_reduce_population_count3A_1713 = tpu.all_reduce %le3A_1712 {dim = 0 : i64, kind = #tpu.reduction_kind<sum>} : vector<16xi1> -> vector<16xi32>
        %add3A_1714 = arith.addi %while3A_1681, %all_reduce_population_count3A_1713 : vector<16xi32>
        %le3A_1715 = arith.cmpf ole, %get3A_1693, %bitcast3A_1225 : vector<16xf32>
        %all_reduce_population_count3A_1716 = tpu.all_reduce %le3A_1715 {dim = 0 : i64, kind = #tpu.reduction_kind<sum>} : vector<16xi1> -> vector<16xi32>
        %add3A_1717 = arith.addi %while3A_1682, %all_reduce_population_count3A_1716 : vector<16xi32>
        %le3A_1718 = arith.cmpf ole, %get3A_1693, %bitcast3A_1243 : vector<16xf32>
        %all_reduce_population_count3A_1719 = tpu.all_reduce %le3A_1718 {dim = 0 : i64, kind = #tpu.reduction_kind<sum>} : vector<16xi1> -> vector<16xi32>
        %add3A_1720 = arith.addi %while3A_1683, %all_reduce_population_count3A_1719 : vector<16xi32>
        %le3A_1721 = arith.cmpf ole, %get3A_1693, %bitcast3A_1261 : vector<16xf32>
        %all_reduce_population_count3A_1722 = tpu.all_reduce %le3A_1721 {dim = 0 : i64, kind = #tpu.reduction_kind<sum>} : vector<16xi1> -> vector<16xi32>
        %add3A_1723 = arith.addi %while3A_1684, %all_reduce_population_count3A_1722 : vector<16xi32>
        %le3A_1724 = arith.cmpf ole, %get3A_1693, %bitcast3A_1279 : vector<16xf32>
        %all_reduce_population_count3A_1725 = tpu.all_reduce %le3A_1724 {dim = 0 : i64, kind = #tpu.reduction_kind<sum>} : vector<16xi1> -> vector<16xi32>
        %add3A_1726 = arith.addi %while3A_1685, %all_reduce_population_count3A_1725 : vector<16xi32>
        %le3A_1727 = arith.cmpf ole, %get3A_1693, %bitcast3A_1297 : vector<16xf32>
        %all_reduce_population_count3A_1728 = tpu.all_reduce %le3A_1727 {dim = 0 : i64, kind = #tpu.reduction_kind<sum>} : vector<16xi1> -> vector<16xi32>
        %add3A_1729 = arith.addi %while3A_1686, %all_reduce_population_count3A_1728 : vector<16xi32>
        %le3A_1730 = arith.cmpf ole, %get3A_1693, %bitcast3A_1315 : vector<16xf32>
        %all_reduce_population_count3A_1731 = tpu.all_reduce %le3A_1730 {dim = 0 : i64, kind = #tpu.reduction_kind<sum>} : vector<16xi1> -> vector<16xi32>
        %add3A_1732 = arith.addi %while3A_1687, %all_reduce_population_count3A_1731 : vector<16xi32>
        %le3A_1733 = arith.cmpf ole, %get3A_1693, %bitcast3A_1333 : vector<16xf32>
        %all_reduce_population_count3A_1734 = tpu.all_reduce %le3A_1733 {dim = 0 : i64, kind = #tpu.reduction_kind<sum>} : vector<16xi1> -> vector<16xi32>
        %add3A_1735 = arith.addi %while3A_1688, %all_reduce_population_count3A_1734 : vector<16xi32>
        %le3A_1736 = arith.cmpf ole, %get3A_1693, %bitcast3A_1351 : vector<16xf32>
        %all_reduce_population_count3A_1737 = tpu.all_reduce %le3A_1736 {dim = 0 : i64, kind = #tpu.reduction_kind<sum>} : vector<16xi1> -> vector<16xi32>
        %add3A_1738 = arith.addi %while3A_1689, %all_reduce_population_count3A_1737 : vector<16xi32>
        scf.yield %add3A_1696, %add3A_1699, %add3A_1702, %add3A_1705, %add3A_1708, %add3A_1711, %add3A_1714, %add3A_1717, %add3A_1720, %add3A_1723, %add3A_1726, %add3A_1729, %add3A_1732, %add3A_1735, %add3A_1738 : vector<16xi32>, vector<16xi32>, vector<16xi32>, vector<16xi32>, vector<16xi32>, vector<16xi32>, vector<16xi32>, vector<16xi32>, vector<16xi32>, vector<16xi32>, vector<16xi32>, vector<16xi32>, vector<16xi32>, vector<16xi32>, vector<16xi32>
      }
      %while3A_1372 = arith.constant 1 : i32
      %while3A_1373:15 = scf.for %while3A_1674 = %while3A_1369 to %while3A_1365 step %while3A_1372 iter_args(%while3A_1675 = %while3A_1371#0, %while3A_1676 = %while3A_1371#1, %while3A_1677 = %while3A_1371#2, %while3A_1678 = %while3A_1371#3, %while3A_1679 = %while3A_1371#4, %while3A_1680 = %while3A_1371#5, %while3A_1681 = %while3A_1371#6, %while3A_1682 = %while3A_1371#7, %while3A_1683 = %while3A_1371#8, %while3A_1684 = %while3A_1371#9, %while3A_1685 = %while3A_1371#10, %while3A_1686 = %while3A_1371#11, %while3A_1687 = %while3A_1371#12, %while3A_1688 = %while3A_1371#13, %while3A_1689 = %while3A_1371#14) -> (vector<16xi32>, vector<16xi32>, vector<16xi32>, vector<16xi32>, vector<16xi32>, vector<16xi32>, vector<16xi32>, vector<16xi32>, vector<16xi32>, vector<16xi32>, vector<16xi32>, vector<16xi32>, vector<16xi32>, vector<16xi32>, vector<16xi32>)  : i32 {
        %mul3A_1690 = arith.constant 16 : i32
        %mul3A_1691 = arith.muli %while3A_1674, %mul3A_1690 : i32
        %get3A_1692 = arith.index_cast %mul3A_1691 : i32 to index
        %get3A_1693 = tpu.vector_load %arg6[%get3A_1692] {strides = array<i32>} : memref<16400xf32, #tpu.memory_space<vmem>>, vector<16xf32>,
        %le3A_1694 = arith.cmpf ole, %get3A_1693, %bitcast3A_1099 : vector<16xf32>
        %all_reduce_population_count3A_1695 = tpu.all_reduce %le3A_1694 {dim = 0 : i64, kind = #tpu.reduction_kind<sum>} : vector<16xi1> -> vector<16xi32>
        %add3A_1696 = arith.addi %while3A_1675, %all_reduce_population_count3A_1695 : vector<16xi32>
        %le3A_1697 = arith.cmpf ole, %get3A_1693, %bitcast3A_1117 : vector<16xf32>
        %all_reduce_population_count3A_1698 = tpu.all_reduce %le3A_1697 {dim = 0 : i64, kind = #tpu.reduction_kind<sum>} : vector<16xi1> -> vector<16xi32>
        %add3A_1699 = arith.addi %while3A_1676, %all_reduce_population_count3A_1698 : vector<16xi32>
        %le3A_1700 = arith.cmpf ole, %get3A_1693, %bitcast3A_1135 : vector<16xf32>
        %all_reduce_population_count3A_1701 = tpu.all_reduce %le3A_1700 {dim = 0 : i64, kind = #tpu.reduction_kind<sum>} : vector<16xi1> -> vector<16xi32>
        %add3A_1702 = arith.addi %while3A_1677, %all_reduce_population_count3A_1701 : vector<16xi32>
        %le3A_1703 = arith.cmpf ole, %get3A_1693, %bitcast3A_1153 : vector<16xf32>
        %all_reduce_population_count3A_1704 = tpu.all_reduce %le3A_1703 {dim = 0 : i64, kind = #tpu.reduction_kind<sum>} : vector<16xi1> -> vector<16xi32>
        %add3A_1705 = arith.addi %while3A_1678, %all_reduce_population_count3A_1704 : vector<16xi32>
        %le3A_1706 = arith.cmpf ole, %get3A_1693, %bitcast3A_1171 : vector<16xf32>
        %all_reduce_population_count3A_1707 = tpu.all_reduce %le3A_1706 {dim = 0 : i64, kind = #tpu.reduction_kind<sum>} : vector<16xi1> -> vector<16xi32>
        %add3A_1708 = arith.addi %while3A_1679, %all_reduce_population_count3A_1707 : vector<16xi32>
        %le3A_1709 = arith.cmpf ole, %get3A_1693, %bitcast3A_1189 : vector<16xf32>
        %all_reduce_population_count3A_1710 = tpu.all_reduce %le3A_1709 {dim = 0 : i64, kind = #tpu.reduction_kind<sum>} : vector<16xi1> -> vector<16xi32>
        %add3A_1711 = arith.addi %while3A_1680, %all_reduce_population_count3A_1710 : vector<16xi32>
        %le3A_1712 = arith.cmpf ole, %get3A_1693, %bitcast3A_1207 : vector<16xf32>
        %all_reduce_population_count3A_1713 = tpu.all_reduce %le3A_1712 {dim = 0 : i64, kind = #tpu.reduction_kind<sum>} : vector<16xi1> -> vector<16xi32>
        %add3A_1714 = arith.addi %while3A_1681, %all_reduce_population_count3A_1713 : vector<16xi32>
        %le3A_1715 = arith.cmpf ole, %get3A_1693, %bitcast3A_1225 : vector<16xf32>
        %all_reduce_population_count3A_1716 = tpu.all_reduce %le3A_1715 {dim = 0 : i64, kind = #tpu.reduction_kind<sum>} : vector<16xi1> -> vector<16xi32>
        %add3A_1717 = arith.addi %while3A_1682, %all_reduce_population_count3A_1716 : vector<16xi32>
        %le3A_1718 = arith.cmpf ole, %get3A_1693, %bitcast3A_1243 : vector<16xf32>
        %all_reduce_population_count3A_1719 = tpu.all_reduce %le3A_1718 {dim = 0 : i64, kind = #tpu.reduction_kind<sum>} : vector<16xi1> -> vector<16xi32>
        %add3A_1720 = arith.addi %while3A_1683, %all_reduce_population_count3A_1719 : vector<16xi32>
        %le3A_1721 = arith.cmpf ole, %get3A_1693, %bitcast3A_1261 : vector<16xf32>
        %all_reduce_population_count3A_1722 = tpu.all_reduce %le3A_1721 {dim = 0 : i64, kind = #tpu.reduction_kind<sum>} : vector<16xi1> -> vector<16xi32>
        %add3A_1723 = arith.addi %while3A_1684, %all_reduce_population_count3A_1722 : vector<16xi32>
        %le3A_1724 = arith.cmpf ole, %get3A_1693, %bitcast3A_1279 : vector<16xf32>
        %all_reduce_population_count3A_1725 = tpu.all_reduce %le3A_1724 {dim = 0 : i64, kind = #tpu.reduction_kind<sum>} : vector<16xi1> -> vector<16xi32>
        %add3A_1726 = arith.addi %while3A_1685, %all_reduce_population_count3A_1725 : vector<16xi32>
        %le3A_1727 = arith.cmpf ole, %get3A_1693, %bitcast3A_1297 : vector<16xf32>
        %all_reduce_population_count3A_1728 = tpu.all_reduce %le3A_1727 {dim = 0 : i64, kind = #tpu.reduction_kind<sum>} : vector<16xi1> -> vector<16xi32>
        %add3A_1729 = arith.addi %while3A_1686, %all_reduce_population_count3A_1728 : vector<16xi32>
        %le3A_1730 = arith.cmpf ole, %get3A_1693, %bitcast3A_1315 : vector<16xf32>
        %all_reduce_population_count3A_1731 = tpu.all_reduce %le3A_1730 {dim = 0 : i64, kind = #tpu.reduction_kind<sum>} : vector<16xi1> -> vector<16xi32>
        %add3A_1732 = arith.addi %while3A_1687, %all_reduce_population_count3A_1731 : vector<16xi32>
        %le3A_1733 = arith.cmpf ole, %get3A_1693, %bitcast3A_1333 : vector<16xf32>
        %all_reduce_population_count3A_1734 = tpu.all_reduce %le3A_1733 {dim = 0 : i64, kind = #tpu.reduction_kind<sum>} : vector<16xi1> -> vector<16xi32>
        %add3A_1735 = arith.addi %while3A_1688, %all_reduce_population_count3A_1734 : vector<16xi32>
        %le3A_1736 = arith.cmpf ole, %get3A_1693, %bitcast3A_1351 : vector<16xf32>
        %all_reduce_population_count3A_1737 = tpu.all_reduce %le3A_1736 {dim = 0 : i64, kind = #tpu.reduction_kind<sum>} : vector<16xi1> -> vector<16xi32>
        %add3A_1738 = arith.addi %while3A_1689, %all_reduce_population_count3A_1737 : vector<16xi32>
        scf.yield %add3A_1696, %add3A_1699, %add3A_1702, %add3A_1705, %add3A_1708, %add3A_1711, %add3A_1714, %add3A_1717, %add3A_1720, %add3A_1723, %add3A_1726, %add3A_1729, %add3A_1732, %add3A_1735, %add3A_1738 : vector<16xi32>, vector<16xi32>, vector<16xi32>, vector<16xi32>, vector<16xi32>, vector<16xi32>, vector<16xi32>, vector<16xi32>, vector<16xi32>, vector<16xi32>, vector<16xi32>, vector<16xi32>, vector<16xi32>, vector<16xi32>, vector<16xi32>
      }
      %eq3A_1374 = arith.constant 1 : i32
      %eq3A_1375 = vector.broadcast %eq3A_1374 : i32 to vector<16xi32>
      %eq3A_1376 = arith.cmpi eq, %iota3A, %eq3A_1375 : vector<16xi32>
      %select_n3A_1377 = arith.select %eq3A_1376, %while3A_1362#0, %broadcast_in_dim3A_1 : vector<16xi1>, vector<16xi32>
      %add3A_1378 = arith.addi %broadcast_in_dim3A_1, %select_n3A_1377 : vector<16xi32>
      %eq3A_1379 = arith.constant 2 : i32
      %eq3A_1380 = vector.broadcast %eq3A_1379 : i32 to vector<16xi32>
      %eq3A_1381 = arith.cmpi eq, %iota3A, %eq3A_1380 : vector<16xi32>
      %select_n3A_1382 = arith.select %eq3A_1381, %while3A_1362#1, %broadcast_in_dim3A_1 : vector<16xi1>, vector<16xi32>
      %add3A_1383 = arith.addi %add3A_1378, %select_n3A_1382 : vector<16xi32>
      %eq3A_1384 = arith.constant 3 : i32
      %eq3A_1385 = vector.broadcast %eq3A_1384 : i32 to vector<16xi32>
      %eq3A_1386 = arith.cmpi eq, %iota3A, %eq3A_1385 : vector<16xi32>
      %select_n3A_1387 = arith.select %eq3A_1386, %while3A_1362#2, %broadcast_in_dim3A_1 : vector<16xi1>, vector<16xi32>
      %add3A_1388 = arith.addi %add3A_1383, %select_n3A_1387 : vector<16xi32>
      %eq3A_1389 = arith.constant 4 : i32
      %eq3A_1390 = vector.broadcast %eq3A_1389 : i32 to vector<16xi32>
      %eq3A_1391 = arith.cmpi eq, %iota3A, %eq3A_1390 : vector<16xi32>
      %select_n3A_1392 = arith.select %eq3A_1391, %while3A_1362#3, %broadcast_in_dim3A_1 : vector<16xi1>, vector<16xi32>
      %add3A_1393 = arith.addi %add3A_1388, %select_n3A_1392 : vector<16xi32>
      %eq3A_1394 = arith.constant 5 : i32
      %eq3A_1395 = vector.broadcast %eq3A_1394 : i32 to vector<16xi32>
      %eq3A_1396 = arith.cmpi eq, %iota3A, %eq3A_1395 : vector<16xi32>
      %select_n3A_1397 = arith.select %eq3A_1396, %while3A_1362#4, %broadcast_in_dim3A_1 : vector<16xi1>, vector<16xi32>
      %add3A_1398 = arith.addi %add3A_1393, %select_n3A_1397 : vector<16xi32>
      %eq3A_1399 = arith.constant 6 : i32
      %eq3A_1400 = vector.broadcast %eq3A_1399 : i32 to vector<16xi32>
      %eq3A_1401 = arith.cmpi eq, %iota3A, %eq3A_1400 : vector<16xi32>
      %select_n3A_1402 = arith.select %eq3A_1401, %while3A_1362#5, %broadcast_in_dim3A_1 : vector<16xi1>, vector<16xi32>
      %add3A_1403 = arith.addi %add3A_1398, %select_n3A_1402 : vector<16xi32>
      %eq3A_1404 = arith.constant 7 : i32
      %eq3A_1405 = vector.broadcast %eq3A_1404 : i32 to vector<16xi32>
      %eq3A_1406 = arith.cmpi eq, %iota3A, %eq3A_1405 : vector<16xi32>
      %select_n3A_1407 = arith.select %eq3A_1406, %while3A_1362#6, %broadcast_in_dim3A_1 : vector<16xi1>, vector<16xi32>
      %add3A_1408 = arith.addi %add3A_1403, %select_n3A_1407 : vector<16xi32>
      %eq3A_1409 = arith.constant 8 : i32
      %eq3A_1410 = vector.broadcast %eq3A_1409 : i32 to vector<16xi32>
      %eq3A_1411 = arith.cmpi eq, %iota3A, %eq3A_1410 : vector<16xi32>
      %select_n3A_1412 = arith.select %eq3A_1411, %while3A_1362#7, %broadcast_in_dim3A_1 : vector<16xi1>, vector<16xi32>
      %add3A_1413 = arith.addi %add3A_1408, %select_n3A_1412 : vector<16xi32>
      %eq3A_1414 = arith.constant 9 : i32
      %eq3A_1415 = vector.broadcast %eq3A_1414 : i32 to vector<16xi32>
      %eq3A_1416 = arith.cmpi eq, %iota3A, %eq3A_1415 : vector<16xi32>
      %select_n3A_1417 = arith.select %eq3A_1416, %while3A_1362#8, %broadcast_in_dim3A_1 : vector<16xi1>, vector<16xi32>
      %add3A_1418 = arith.addi %add3A_1413, %select_n3A_1417 : vector<16xi32>
      %eq3A_1419 = arith.constant 10 : i32
      %eq3A_1420 = vector.broadcast %eq3A_1419 : i32 to vector<16xi32>
      %eq3A_1421 = arith.cmpi eq, %iota3A, %eq3A_1420 : vector<16xi32>
      %select_n3A_1422 = arith.select %eq3A_1421, %while3A_1362#9, %broadcast_in_dim3A_1 : vector<16xi1>, vector<16xi32>
      %add3A_1423 = arith.addi %add3A_1418, %select_n3A_1422 : vector<16xi32>
      %eq3A_1424 = arith.constant 11 : i32
      %eq3A_1425 = vector.broadcast %eq3A_1424 : i32 to vector<16xi32>
      %eq3A_1426 = arith.cmpi eq, %iota3A, %eq3A_1425 : vector<16xi32>
      %select_n3A_1427 = arith.select %eq3A_1426, %while3A_1362#10, %broadcast_in_dim3A_1 : vector<16xi1>, vector<16xi32>
      %add3A_1428 = arith.addi %add3A_1423, %select_n3A_1427 : vector<16xi32>
      %eq3A_1429 = arith.constant 12 : i32
      %eq3A_1430 = vector.broadcast %eq3A_1429 : i32 to vector<16xi32>
      %eq3A_1431 = arith.cmpi eq, %iota3A, %eq3A_1430 : vector<16xi32>
      %select_n3A_1432 = arith.select %eq3A_1431, %while3A_1362#11, %broadcast_in_dim3A_1 : vector<16xi1>, vector<16xi32>
      %add3A_1433 = arith.addi %add3A_1428, %select_n3A_1432 : vector<16xi32>
      %eq3A_1434 = arith.constant 13 : i32
      %eq3A_1435 = vector.broadcast %eq3A_1434 : i32 to vector<16xi32>
      %eq3A_1436 = arith.cmpi eq, %iota3A, %eq3A_1435 : vector<16xi32>
      %select_n3A_1437 = arith.select %eq3A_1436, %while3A_1362#12, %broadcast_in_dim3A_1 : vector<16xi1>, vector<16xi32>
      %add3A_1438 = arith.addi %add3A_1433, %select_n3A_1437 : vector<16xi32>
      %eq3A_1439 = arith.constant 14 : i32
      %eq3A_1440 = vector.broadcast %eq3A_1439 : i32 to vector<16xi32>
      %eq3A_1441 = arith.cmpi eq, %iota3A, %eq3A_1440 : vector<16xi32>
      %select_n3A_1442 = arith.select %eq3A_1441, %while3A_1362#13, %broadcast_in_dim3A_1 : vector<16xi1>, vector<16xi32>
      %add3A_1443 = arith.addi %add3A_1438, %select_n3A_1442 : vector<16xi32>
      %eq3A_1444 = arith.constant 15 : i32
      %eq3A_1445 = vector.broadcast %eq3A_1444 : i32 to vector<16xi32>
      %eq3A_1446 = arith.cmpi eq, %iota3A, %eq3A_1445 : vector<16xi32>
      %select_n3A_1447 = arith.select %eq3A_1446, %while3A_1362#14, %broadcast_in_dim3A_1 : vector<16xi1>, vector<16xi32>
      %add3A_1448 = arith.addi %add3A_1443, %select_n3A_1447 : vector<16xi32>
      %eq3A_1449 = arith.constant 0 : i32
      %eq3A_1450 = vector.broadcast %eq3A_1449 : i32 to vector<16xi32>
      %eq3A_1451 = arith.cmpi eq, %iota3A, %eq3A_1450 : vector<16xi32>
      %select_n3A_1452 = arith.select %eq3A_1451, %while3A_1373#0, %broadcast_in_dim3A_1 : vector<16xi1>, vector<16xi32>
      %add3A_1453 = arith.addi %broadcast_in_dim3A_1, %select_n3A_1452 : vector<16xi32>
      %eq3A_1454 = arith.constant 1 : i32
      %eq3A_1455 = vector.broadcast %eq3A_1454 : i32 to vector<16xi32>
      %eq3A_1456 = arith.cmpi eq, %iota3A, %eq3A_1455 : vector<16xi32>
      %select_n3A_1457 = arith.select %eq3A_1456, %while3A_1373#1, %broadcast_in_dim3A_1 : vector<16xi1>, vector<16xi32>
      %add3A_1458 = arith.addi %add3A_1453, %select_n3A_1457 : vector<16xi32>
      %eq3A_1459 = arith.constant 2 : i32
      %eq3A_1460 = vector.broadcast %eq3A_1459 : i32 to vector<16xi32>
      %eq3A_1461 = arith.cmpi eq, %iota3A, %eq3A_1460 : vector<16xi32>
      %select_n3A_1462 = arith.select %eq3A_1461, %while3A_1373#2, %broadcast_in_dim3A_1 : vector<16xi1>, vector<16xi32>
      %add3A_1463 = arith.addi %add3A_1458, %select_n3A_1462 : vector<16xi32>
      %eq3A_1464 = arith.constant 3 : i32
      %eq3A_1465 = vector.broadcast %eq3A_1464 : i32 to vector<16xi32>
      %eq3A_1466 = arith.cmpi eq, %iota3A, %eq3A_1465 : vector<16xi32>
      %select_n3A_1467 = arith.select %eq3A_1466, %while3A_1373#3, %broadcast_in_dim3A_1 : vector<16xi1>, vector<16xi32>
      %add3A_1468 = arith.addi %add3A_1463, %select_n3A_1467 : vector<16xi32>
      %eq3A_1469 = arith.constant 4 : i32
      %eq3A_1470 = vector.broadcast %eq3A_1469 : i32 to vector<16xi32>
      %eq3A_1471 = arith.cmpi eq, %iota3A, %eq3A_1470 : vector<16xi32>
      %select_n3A_1472 = arith.select %eq3A_1471, %while3A_1373#4, %broadcast_in_dim3A_1 : vector<16xi1>, vector<16xi32>
      %add3A_1473 = arith.addi %add3A_1468, %select_n3A_1472 : vector<16xi32>
      %eq3A_1474 = arith.constant 5 : i32
      %eq3A_1475 = vector.broadcast %eq3A_1474 : i32 to vector<16xi32>
      %eq3A_1476 = arith.cmpi eq, %iota3A, %eq3A_1475 : vector<16xi32>
      %select_n3A_1477 = arith.select %eq3A_1476, %while3A_1373#5, %broadcast_in_dim3A_1 : vector<16xi1>, vector<16xi32>
      %add3A_1478 = arith.addi %add3A_1473, %select_n3A_1477 : vector<16xi32>
      %eq3A_1479 = arith.constant 6 : i32
      %eq3A_1480 = vector.broadcast %eq3A_1479 : i32 to vector<16xi32>
      %eq3A_1481 = arith.cmpi eq, %iota3A, %eq3A_1480 : vector<16xi32>
      %select_n3A_1482 = arith.select %eq3A_1481, %while3A_1373#6, %broadcast_in_dim3A_1 : vector<16xi1>, vector<16xi32>
      %add3A_1483 = arith.addi %add3A_1478, %select_n3A_1482 : vector<16xi32>
      %eq3A_1484 = arith.constant 7 : i32
      %eq3A_1485 = vector.broadcast %eq3A_1484 : i32 to vector<16xi32>
      %eq3A_1486 = arith.cmpi eq, %iota3A, %eq3A_1485 : vector<16xi32>
      %select_n3A_1487 = arith.select %eq3A_1486, %while3A_1373#7, %broadcast_in_dim3A_1 : vector<16xi1>, vector<16xi32>
      %add3A_1488 = arith.addi %add3A_1483, %select_n3A_1487 : vector<16xi32>
      %eq3A_1489 = arith.constant 8 : i32
      %eq3A_1490 = vector.broadcast %eq3A_1489 : i32 to vector<16xi32>
      %eq3A_1491 = arith.cmpi eq, %iota3A, %eq3A_1490 : vector<16xi32>
      %select_n3A_1492 = arith.select %eq3A_1491, %while3A_1373#8, %broadcast_in_dim3A_1 : vector<16xi1>, vector<16xi32>
      %add3A_1493 = arith.addi %add3A_1488, %select_n3A_1492 : vector<16xi32>
      %eq3A_1494 = arith.constant 9 : i32
      %eq3A_1495 = vector.broadcast %eq3A_1494 : i32 to vector<16xi32>
      %eq3A_1496 = arith.cmpi eq, %iota3A, %eq3A_1495 : vector<16xi32>
      %select_n3A_1497 = arith.select %eq3A_1496, %while3A_1373#9, %broadcast_in_dim3A_1 : vector<16xi1>, vector<16xi32>
      %add3A_1498 = arith.addi %add3A_1493, %select_n3A_1497 : vector<16xi32>
      %eq3A_1499 = arith.constant 10 : i32
      %eq3A_1500 = vector.broadcast %eq3A_1499 : i32 to vector<16xi32>
      %eq3A_1501 = arith.cmpi eq, %iota3A, %eq3A_1500 : vector<16xi32>
      %select_n3A_1502 = arith.select %eq3A_1501, %while3A_1373#10, %broadcast_in_dim3A_1 : vector<16xi1>, vector<16xi32>
      %add3A_1503 = arith.addi %add3A_1498, %select_n3A_1502 : vector<16xi32>
      %eq3A_1504 = arith.constant 11 : i32
      %eq3A_1505 = vector.broadcast %eq3A_1504 : i32 to vector<16xi32>
      %eq3A_1506 = arith.cmpi eq, %iota3A, %eq3A_1505 : vector<16xi32>
      %select_n3A_1507 = arith.select %eq3A_1506, %while3A_1373#11, %broadcast_in_dim3A_1 : vector<16xi1>, vector<16xi32>
      %add3A_1508 = arith.addi %add3A_1503, %select_n3A_1507 : vector<16xi32>
      %eq3A_1509 = arith.constant 12 : i32
      %eq3A_1510 = vector.broadcast %eq3A_1509 : i32 to vector<16xi32>
      %eq3A_1511 = arith.cmpi eq, %iota3A, %eq3A_1510 : vector<16xi32>
      %select_n3A_1512 = arith.select %eq3A_1511, %while3A_1373#12, %broadcast_in_dim3A_1 : vector<16xi1>, vector<16xi32>
      %add3A_1513 = arith.addi %add3A_1508, %select_n3A_1512 : vector<16xi32>
      %eq3A_1514 = arith.constant 13 : i32
      %eq3A_1515 = vector.broadcast %eq3A_1514 : i32 to vector<16xi32>
      %eq3A_1516 = arith.cmpi eq, %iota3A, %eq3A_1515 : vector<16xi32>
      %select_n3A_1517 = arith.select %eq3A_1516, %while3A_1373#13, %broadcast_in_dim3A_1 : vector<16xi1>, vector<16xi32>
      %add3A_1518 = arith.addi %add3A_1513, %select_n3A_1517 : vector<16xi32>
      %eq3A_1519 = arith.constant 14 : i32
      %eq3A_1520 = vector.broadcast %eq3A_1519 : i32 to vector<16xi32>
      %eq3A_1521 = arith.cmpi eq, %iota3A, %eq3A_1520 : vector<16xi32>
      %select_n3A_1522 = arith.select %eq3A_1521, %while3A_1373#14, %broadcast_in_dim3A_1 : vector<16xi1>, vector<16xi32>
      %add3A_1523 = arith.addi %add3A_1518, %select_n3A_1522 : vector<16xi32>
      %sub3A_1524 = arith.subi %while3A_832, %reduce_max3A_507 : i32
      %rem3A_1525 = arith.constant 2 : i32
      %rem3A_1526 = arith.remsi %sub3A_1524, %rem3A_1525 : i32
      %swap3A_1527 = arith.constant 0 : index
      %swap3A_1528 = tpu.vector_load %arg7[%swap3A_1527] {strides = array<i32>} : memref<64xi32, #tpu.memory_space<vmem>>, vector<16xi32>,
      tpu.vector_store %arg7[%swap3A_1527], %add3A_1448 {strides = array<i32>} : memref<64xi32, #tpu.memory_space<vmem>>, vector<16xi32>,
      %swap3A_1529 = arith.constant 16 : index
      %swap3A_1530 = tpu.vector_load %arg7[%swap3A_1529] {strides = array<i32>} : memref<64xi32, #tpu.memory_space<vmem>>, vector<16xi32>,
      tpu.vector_store %arg7[%swap3A_1529], %add3A_1523 {strides = array<i32>} : memref<64xi32, #tpu.memory_space<vmem>>, vector<16xi32>,
      %mul3A_1531 = arith.constant 512 : i32
      %mul3A_1532 = arith.muli %rem3A_1526, %mul3A_1531 : i32
      %mul3A_1533 = arith.constant 32 : i32
      %mul3A_1534 = arith.muli %arg1, %mul3A_1533 : i32
      %add3A_1535 = arith.addi %mul3A_1532, %mul3A_1534 : i32
      "tpu.region"() ({
        %run_scoped3A = tpu.sem_alloc : memref<!tpu.dma_semaphore, #tpu.memory_space<semaphore_mem>>
        %dma_start3A = arith.constant 0 : i32
        %dma_start3A_1674 = tpu.memref_slice %arg7[%dma_start3A] : memref<64xi32, #tpu.memory_space<vmem>> -> memref<32xi32, #tpu.memory_space<vmem>>
        %dma_start3A_1675 = tpu.memref_slice %arg11[%add3A_1535] : memref<1024xi32, #tpu.memory_space<vmem_shared>> -> memref<32xi32, #tpu.memory_space<vmem_shared>>
        %dma_start3A_1676 = tpu.memref_slice %arg11[%add3A_1535] : memref<1024xi32, #tpu.memory_space<vmem_shared>> -> memref<32xi32, #tpu.memory_space<vmem_shared>>
        %dma_start3A_1677 = arith.constant 0 : i32
        %dma_start3A_1678 = tpu.memref_slice %arg7[%dma_start3A_1677] : memref<64xi32, #tpu.memory_space<vmem>> -> memref<32xi32, #tpu.memory_space<vmem>>
        tpu.enqueue_dma source(%dma_start3A_1678 : memref<32xi32, #tpu.memory_space<vmem>>) target(%dma_start3A_1676 : memref<32xi32, #tpu.memory_space<vmem_shared>>) target_semaphore(%run_scoped3A : memref<!tpu.dma_semaphore, #tpu.memory_space<semaphore_mem>>)
        %dma_wait3A = arith.constant 0 : i32
        %dma_wait3A_1679 = tpu.memref_slice %arg7[%dma_wait3A] : memref<64xi32, #tpu.memory_space<vmem>> -> memref<32xi32, #tpu.memory_space<vmem>>
        %dma_wait3A_1680 = tpu.memref_slice %arg11[%add3A_1535] : memref<1024xi32, #tpu.memory_space<vmem_shared>> -> memref<32xi32, #tpu.memory_space<vmem_shared>>
        %dma_wait3A_1681 = tpu.memref_slice %arg11[%add3A_1535] : memref<1024xi32, #tpu.memory_space<vmem_shared>> -> memref<32xi32, #tpu.memory_space<vmem_shared>>
        %dma_wait3A_1682 = arith.constant 0 : i32
        %dma_wait3A_1683 = tpu.memref_slice %arg7[%dma_wait3A_1682] : memref<64xi32, #tpu.memory_space<vmem>> -> memref<32xi32, #tpu.memory_space<vmem>>
        tpu.wait_dma2 semaphore(%run_scoped3A : memref<!tpu.dma_semaphore, #tpu.memory_space<semaphore_mem>>) src(%dma_wait3A_1683 : memref<32xi32, #tpu.memory_space<vmem>>) dst(%dma_wait3A_1681 : memref<32xi32, #tpu.memory_space<vmem_shared>>)
        tpu.yield
      }) : () -> ()
      %barrier3A_1536 = arith.constant 0 : index
      tpu.barrier barrier_id(%barrier3A_1536)
      %mul3A_1537 = arith.constant 512 : i32
      %mul3A_1538 = arith.muli %rem3A_1526, %mul3A_1537 : i32
      "tpu.region"() ({
        %run_scoped3A = tpu.sem_alloc : memref<!tpu.dma_semaphore, #tpu.memory_space<semaphore_mem>>
        %dma_start3A = arith.constant 0 : i32
        %dma_start3A_1674 = tpu.memref_slice %arg8[%dma_start3A] : memref<1024xi32, #tpu.memory_space<vmem>> -> memref<512xi32, #tpu.memory_space<vmem>>
        %dma_start3A_1675 = tpu.memref_slice %arg11[%mul3A_1538] : memref<1024xi32, #tpu.memory_space<vmem_shared>> -> memref<512xi32, #tpu.memory_space<vmem_shared>>
        %dma_start3A_1676 = arith.constant 0 : i32
        %dma_start3A_1677 = tpu.memref_slice %arg8[%dma_start3A_1676] : memref<1024xi32, #tpu.memory_space<vmem>> -> memref<512xi32, #tpu.memory_space<vmem>>
        %dma_start3A_1678 = tpu.memref_slice %arg11[%mul3A_1538] : memref<1024xi32, #tpu.memory_space<vmem_shared>> -> memref<512xi32, #tpu.memory_space<vmem_shared>>
        tpu.enqueue_dma source(%dma_start3A_1678 : memref<512xi32, #tpu.memory_space<vmem_shared>>) target(%dma_start3A_1677 : memref<512xi32, #tpu.memory_space<vmem>>) target_semaphore(%run_scoped3A : memref<!tpu.dma_semaphore, #tpu.memory_space<semaphore_mem>>)
        %dma_wait3A = arith.constant 0 : i32
        %dma_wait3A_1679 = tpu.memref_slice %arg8[%dma_wait3A] : memref<1024xi32, #tpu.memory_space<vmem>> -> memref<512xi32, #tpu.memory_space<vmem>>
        %dma_wait3A_1680 = tpu.memref_slice %arg11[%mul3A_1538] : memref<1024xi32, #tpu.memory_space<vmem_shared>> -> memref<512xi32, #tpu.memory_space<vmem_shared>>
        %dma_wait3A_1681 = arith.constant 0 : i32
        %dma_wait3A_1682 = tpu.memref_slice %arg8[%dma_wait3A_1681] : memref<1024xi32, #tpu.memory_space<vmem>> -> memref<512xi32, #tpu.memory_space<vmem>>
        %dma_wait3A_1683 = tpu.memref_slice %arg11[%mul3A_1538] : memref<1024xi32, #tpu.memory_space<vmem_shared>> -> memref<512xi32, #tpu.memory_space<vmem_shared>>
        tpu.wait_dma2 semaphore(%run_scoped3A : memref<!tpu.dma_semaphore, #tpu.memory_space<semaphore_mem>>) src(%dma_wait3A_1683 : memref<512xi32, #tpu.memory_space<vmem_shared>>) dst(%dma_wait3A_1682 : memref<512xi32, #tpu.memory_space<vmem>>)
        tpu.yield
      }) : () -> ()
      %get3A_1539 = arith.constant 0 : index
      %get3A_1540 = tpu.vector_load %arg8[%get3A_1539] {strides = array<i32>} : memref<1024xi32, #tpu.memory_space<vmem>>, vector<16xi32>,
      %get3A_1541 = arith.constant 16 : index
      %get3A_1542 = tpu.vector_load %arg8[%get3A_1541] {strides = array<i32>} : memref<1024xi32, #tpu.memory_space<vmem>>, vector<16xi32>,
      %get3A_1543 = arith.constant 32 : index
      %get3A_1544 = tpu.vector_load %arg8[%get3A_1543] {strides = array<i32>} : memref<1024xi32, #tpu.memory_space<vmem>>, vector<16xi32>,
      %add3A_1545 = arith.addi %get3A_1540, %get3A_1544 : vector<16xi32>
      %get3A_1546 = arith.constant 48 : index
      %get3A_1547 = tpu.vector_load %arg8[%get3A_1546] {strides = array<i32>} : memref<1024xi32, #tpu.memory_space<vmem>>, vector<16xi32>,
      %add3A_1548 = arith.addi %get3A_1542, %get3A_1547 : vector<16xi32>
      %get3A_1549 = arith.constant 64 : index
      %get3A_1550 = tpu.vector_load %arg8[%get3A_1549] {strides = array<i32>} : memref<1024xi32, #tpu.memory_space<vmem>>, vector<16xi32>,
      %add3A_1551 = arith.addi %add3A_1545, %get3A_1550 : vector<16xi32>
      %get3A_1552 = arith.constant 80 : index
      %get3A_1553 = tpu.vector_load %arg8[%get3A_1552] {strides = array<i32>} : memref<1024xi32, #tpu.memory_space<vmem>>, vector<16xi32>,
      %add3A_1554 = arith.addi %add3A_1548, %get3A_1553 : vector<16xi32>
      %get3A_1555 = arith.constant 96 : index
      %get3A_1556 = tpu.vector_load %arg8[%get3A_1555] {strides = array<i32>} : memref<1024xi32, #tpu.memory_space<vmem>>, vector<16xi32>,
      %add3A_1557 = arith.addi %add3A_1551, %get3A_1556 : vector<16xi32>
      %get3A_1558 = arith.constant 112 : index
      %get3A_1559 = tpu.vector_load %arg8[%get3A_1558] {strides = array<i32>} : memref<1024xi32, #tpu.memory_space<vmem>>, vector<16xi32>,
      %add3A_1560 = arith.addi %add3A_1554, %get3A_1559 : vector<16xi32>
      %get3A_1561 = arith.constant 128 : index
      %get3A_1562 = tpu.vector_load %arg8[%get3A_1561] {strides = array<i32>} : memref<1024xi32, #tpu.memory_space<vmem>>, vector<16xi32>,
      %add3A_1563 = arith.addi %add3A_1557, %get3A_1562 : vector<16xi32>
      %get3A_1564 = arith.constant 144 : index
      %get3A_1565 = tpu.vector_load %arg8[%get3A_1564] {strides = array<i32>} : memref<1024xi32, #tpu.memory_space<vmem>>, vector<16xi32>,
      %add3A_1566 = arith.addi %add3A_1560, %get3A_1565 : vector<16xi32>
      %get3A_1567 = arith.constant 160 : index
      %get3A_1568 = tpu.vector_load %arg8[%get3A_1567] {strides = array<i32>} : memref<1024xi32, #tpu.memory_space<vmem>>, vector<16xi32>,
      %add3A_1569 = arith.addi %add3A_1563, %get3A_1568 : vector<16xi32>
      %get3A_1570 = arith.constant 176 : index
      %get3A_1571 = tpu.vector_load %arg8[%get3A_1570] {strides = array<i32>} : memref<1024xi32, #tpu.memory_space<vmem>>, vector<16xi32>,
      %add3A_1572 = arith.addi %add3A_1566, %get3A_1571 : vector<16xi32>
      %get3A_1573 = arith.constant 192 : index
      %get3A_1574 = tpu.vector_load %arg8[%get3A_1573] {strides = array<i32>} : memref<1024xi32, #tpu.memory_space<vmem>>, vector<16xi32>,
      %add3A_1575 = arith.addi %add3A_1569, %get3A_1574 : vector<16xi32>
      %get3A_1576 = arith.constant 208 : index
      %get3A_1577 = tpu.vector_load %arg8[%get3A_1576] {strides = array<i32>} : memref<1024xi32, #tpu.memory_space<vmem>>, vector<16xi32>,
      %add3A_1578 = arith.addi %add3A_1572, %get3A_1577 : vector<16xi32>
      %get3A_1579 = arith.constant 224 : index
      %get3A_1580 = tpu.vector_load %arg8[%get3A_1579] {strides = array<i32>} : memref<1024xi32, #tpu.memory_space<vmem>>, vector<16xi32>,
      %add3A_1581 = arith.addi %add3A_1575, %get3A_1580 : vector<16xi32>
      %get3A_1582 = arith.constant 240 : index
      %get3A_1583 = tpu.vector_load %arg8[%get3A_1582] {strides = array<i32>} : memref<1024xi32, #tpu.memory_space<vmem>>, vector<16xi32>,
      %add3A_1584 = arith.addi %add3A_1578, %get3A_1583 : vector<16xi32>
      %get3A_1585 = arith.constant 256 : index
      %get3A_1586 = tpu.vector_load %arg8[%get3A_1585] {strides = array<i32>} : memref<1024xi32, #tpu.memory_space<vmem>>, vector<16xi32>,
      %add3A_1587 = arith.addi %add3A_1581, %get3A_1586 : vector<16xi32>
      %get3A_1588 = arith.constant 272 : index
      %get3A_1589 = tpu.vector_load %arg8[%get3A_1588] {strides = array<i32>} : memref<1024xi32, #tpu.memory_space<vmem>>, vector<16xi32>,
      %add3A_1590 = arith.addi %add3A_1584, %get3A_1589 : vector<16xi32>
      %get3A_1591 = arith.constant 288 : index
      %get3A_1592 = tpu.vector_load %arg8[%get3A_1591] {strides = array<i32>} : memref<1024xi32, #tpu.memory_space<vmem>>, vector<16xi32>,
      %add3A_1593 = arith.addi %add3A_1587, %get3A_1592 : vector<16xi32>
      %get3A_1594 = arith.constant 304 : index
      %get3A_1595 = tpu.vector_load %arg8[%get3A_1594] {strides = array<i32>} : memref<1024xi32, #tpu.memory_space<vmem>>, vector<16xi32>,
      %add3A_1596 = arith.addi %add3A_1590, %get3A_1595 : vector<16xi32>
      %get3A_1597 = arith.constant 320 : index
      %get3A_1598 = tpu.vector_load %arg8[%get3A_1597] {strides = array<i32>} : memref<1024xi32, #tpu.memory_space<vmem>>, vector<16xi32>,
      %add3A_1599 = arith.addi %add3A_1593, %get3A_1598 : vector<16xi32>
      %get3A_1600 = arith.constant 336 : index
      %get3A_1601 = tpu.vector_load %arg8[%get3A_1600] {strides = array<i32>} : memref<1024xi32, #tpu.memory_space<vmem>>, vector<16xi32>,
      %add3A_1602 = arith.addi %add3A_1596, %get3A_1601 : vector<16xi32>
      %get3A_1603 = arith.constant 352 : index
      %get3A_1604 = tpu.vector_load %arg8[%get3A_1603] {strides = array<i32>} : memref<1024xi32, #tpu.memory_space<vmem>>, vector<16xi32>,
      %add3A_1605 = arith.addi %add3A_1599, %get3A_1604 : vector<16xi32>
      %get3A_1606 = arith.constant 368 : index
      %get3A_1607 = tpu.vector_load %arg8[%get3A_1606] {strides = array<i32>} : memref<1024xi32, #tpu.memory_space<vmem>>, vector<16xi32>,
      %add3A_1608 = arith.addi %add3A_1602, %get3A_1607 : vector<16xi32>
      %get3A_1609 = arith.constant 384 : index
      %get3A_1610 = tpu.vector_load %arg8[%get3A_1609] {strides = array<i32>} : memref<1024xi32, #tpu.memory_space<vmem>>, vector<16xi32>,
      %add3A_1611 = arith.addi %add3A_1605, %get3A_1610 : vector<16xi32>
      %get3A_1612 = arith.constant 400 : index
      %get3A_1613 = tpu.vector_load %arg8[%get3A_1612] {strides = array<i32>} : memref<1024xi32, #tpu.memory_space<vmem>>, vector<16xi32>,
      %add3A_1614 = arith.addi %add3A_1608, %get3A_1613 : vector<16xi32>
      %get3A_1615 = arith.constant 416 : index
      %get3A_1616 = tpu.vector_load %arg8[%get3A_1615] {strides = array<i32>} : memref<1024xi32, #tpu.memory_space<vmem>>, vector<16xi32>,
      %add3A_1617 = arith.addi %add3A_1611, %get3A_1616 : vector<16xi32>
      %get3A_1618 = arith.constant 432 : index
      %get3A_1619 = tpu.vector_load %arg8[%get3A_1618] {strides = array<i32>} : memref<1024xi32, #tpu.memory_space<vmem>>, vector<16xi32>,
      %add3A_1620 = arith.addi %add3A_1614, %get3A_1619 : vector<16xi32>
      %get3A_1621 = arith.constant 448 : index
      %get3A_1622 = tpu.vector_load %arg8[%get3A_1621] {strides = array<i32>} : memref<1024xi32, #tpu.memory_space<vmem>>, vector<16xi32>,
      %add3A_1623 = arith.addi %add3A_1617, %get3A_1622 : vector<16xi32>
      %get3A_1624 = arith.constant 464 : index
      %get3A_1625 = tpu.vector_load %arg8[%get3A_1624] {strides = array<i32>} : memref<1024xi32, #tpu.memory_space<vmem>>, vector<16xi32>,
      %add3A_1626 = arith.addi %add3A_1620, %get3A_1625 : vector<16xi32>
      %get3A_1627 = arith.constant 480 : index
      %get3A_1628 = tpu.vector_load %arg8[%get3A_1627] {strides = array<i32>} : memref<1024xi32, #tpu.memory_space<vmem>>, vector<16xi32>,
      %add3A_1629 = arith.addi %add3A_1623, %get3A_1628 : vector<16xi32>
      %get3A_1630 = arith.constant 496 : index
      %get3A_1631 = tpu.vector_load %arg8[%get3A_1630] {strides = array<i32>} : memref<1024xi32, #tpu.memory_space<vmem>>, vector<16xi32>,
      %add3A_1632 = arith.addi %add3A_1626, %get3A_1631 : vector<16xi32>
      %shift_left3A_1633 = vector.broadcast %sub3A_838 : i32 to vector<16xi32>
      %shift_left3A_1634 = arith.shli %iota3A, %shift_left3A_1633 : vector<16xi32>
      %or3A_1635 = arith.ori %while3A_833, %shift_left3A_1634 : vector<16xi32>
      %xor3A_1636 = arith.constant -2147483648 : i32
      %xor3A_1637 = vector.broadcast %xor3A_1636 : i32 to vector<16xi32>
      %xor3A_1638 = arith.xori %or3A_1635, %xor3A_1637 : vector<16xi32>
      %shift_left3A_1639 = vector.broadcast %sub3A_838 : i32 to vector<16xi32>
      %shift_left3A_1640 = arith.shli %iota3A, %shift_left3A_1639 : vector<16xi32>
      %or3A_1641 = arith.ori %while3A_834, %shift_left3A_1640 : vector<16xi32>
      %or3A_1642 = vector.broadcast %sub3A_842 : i32 to vector<16xi32>
      %or3A_1643 = arith.ori %or3A_1641, %or3A_1642 : vector<16xi32>
      %xor3A_1644 = arith.constant -2147483648 : i32
      %xor3A_1645 = vector.broadcast %xor3A_1644 : i32 to vector<16xi32>
      %xor3A_1646 = arith.xori %or3A_1643, %xor3A_1645 : vector<16xi32>
      %ge3A_1647 = arith.constant 1024 : i32
      %ge3A_1648 = vector.broadcast %ge3A_1647 : i32 to vector<16xi32>
      %ge3A_1649 = arith.cmpi sge, %add3A_1629, %ge3A_1648 : vector<16xi32>
      %le3A = arith.cmpi sle, %xor3A_1638, %select_n3A_384 : vector<16xi32>
      %or3A_1650 = arith.ori %ge3A_1649, %le3A : vector<16xi1>
      %ge3A_1651 = arith.constant 1 : i32
      %ge3A_1652 = vector.broadcast %ge3A_1651 : i32 to vector<16xi32>
      %ge3A_1653 = arith.cmpi sge, %iota3A, %ge3A_1652 : vector<16xi32>
      %and3A_1654 = arith.andi %or3A_1650, %ge3A_1653 : vector<16xi1>
      %ge3A_1655 = arith.constant 1024 : i32
      %ge3A_1656 = vector.broadcast %ge3A_1655 : i32 to vector<16xi32>
      %ge3A_1657 = arith.cmpi sge, %add3A_1632, %ge3A_1656 : vector<16xi32>
      %ge3A_1658 = arith.cmpi sge, %xor3A_1646, %select_n3A_392 : vector<16xi32>
      %or3A_1659 = arith.ori %ge3A_1657, %ge3A_1658 : vector<16xi1>
      %le3A_1660 = arith.constant 14 : i32
      %le3A_1661 = vector.broadcast %le3A_1660 : i32 to vector<16xi32>
      %le3A_1662 = arith.cmpi sle, %iota3A, %le3A_1661 : vector<16xi32>
      %and3A_1663 = arith.andi %or3A_1659, %le3A_1662 : vector<16xi1>
      %all_reduce_population_count3A = tpu.all_reduce %and3A_1654 {dim = 0 : i64, kind = #tpu.reduction_kind<sum>} : vector<16xi1> -> vector<16xi32>
      %broadcast_in_dim3A_1664 = arith.constant 15 : i32
      %broadcast_in_dim3A_1665 = vector.broadcast %broadcast_in_dim3A_1664 : i32 to vector<16xi32>
      %all_reduce_population_count3A_1666 = tpu.all_reduce %and3A_1663 {dim = 0 : i64, kind = #tpu.reduction_kind<sum>} : vector<16xi1> -> vector<16xi32>
      %sub3A_1667 = arith.subi %broadcast_in_dim3A_1665, %all_reduce_population_count3A_1666 : vector<16xi32>
      %shift_left3A_1668 = vector.broadcast %sub3A_838 : i32 to vector<16xi32>
      %shift_left3A_1669 = arith.shli %all_reduce_population_count3A, %shift_left3A_1668 : vector<16xi32>
      %or3A_1670 = arith.ori %while3A_833, %shift_left3A_1669 : vector<16xi32>
      %shift_left3A_1671 = vector.broadcast %sub3A_838 : i32 to vector<16xi32>
      %shift_left3A_1672 = arith.shli %sub3A_1667, %shift_left3A_1671 : vector<16xi32>
      %or3A_1673 = arith.ori %while3A_834, %shift_left3A_1672 : vector<16xi32>
      scf.yield %or3A_1670, %or3A_1673 : vector<16xi32>, vector<16xi32>
    }
    %while3A_516 = arith.constant 1 : i32
    %while3A_517:2 = scf.for %while3A_832 = %while3A_513 to %while3A_509 step %while3A_516 iter_args(%while3A_833 = %while3A_515#0, %while3A_834 = %while3A_515#1) -> (vector<16xi32>, vector<16xi32>)  : i32 {
      %mul3A_835 = arith.constant 4 : i32
      %mul3A_836 = arith.muli %mul3A_835, %while3A_832 : i32
      %sub3A_837 = arith.constant 28 : i32
      %sub3A_838 = arith.subi %sub3A_837, %mul3A_836 : i32
      %shift_left3A_839 = arith.constant 1 : i32
      %shift_left3A_840 = arith.shli %shift_left3A_839, %sub3A_838 : i32
      %sub3A_841 = arith.constant 1 : i32
      %sub3A_842 = arith.subi %shift_left3A_840, %sub3A_841 : i32
      %broadcast_in_dim3A_843 = arith.constant 1 : i32
      %broadcast_in_dim3A_844 = vector.broadcast %broadcast_in_dim3A_843 : i32 to vector<16xi32>
      %shift_left3A_845 = vector.broadcast %sub3A_838 : i32 to vector<16xi32>
      %shift_left3A_846 = arith.shli %broadcast_in_dim3A_844, %shift_left3A_845 : vector<16xi32>
      %or3A = arith.ori %while3A_833, %shift_left3A_846 : vector<16xi32>
      %xor3A_847 = arith.constant -2147483648 : i32
      %xor3A_848 = vector.broadcast %xor3A_847 : i32 to vector<16xi32>
      %xor3A_849 = arith.xori %or3A, %xor3A_848 : vector<16xi32>
      %ge3A_850 = arith.constant 0 : i32
      %ge3A_851 = vector.broadcast %ge3A_850 : i32 to vector<16xi32>
      %ge3A_852 = arith.cmpi sge, %xor3A_849, %ge3A_851 : vector<16xi32>
      %sub3A_853 = arith.constant -2147483648 : i32
      %sub3A_854 = vector.broadcast %sub3A_853 : i32 to vector<16xi32>
      %sub3A_855 = arith.subi %sub3A_854, %xor3A_849 : vector<16xi32>
      %select_n3A_856 = arith.select %ge3A_852, %xor3A_849, %sub3A_855 : vector<16xi1>, vector<16xi32>
      %bitcast3A_857 = vector.bitcast %select_n3A_856 : vector<16xi32> to vector<16xf32>
      %broadcast_in_dim3A_858 = arith.constant 2 : i32
      %broadcast_in_dim3A_859 = vector.broadcast %broadcast_in_dim3A_858 : i32 to vector<16xi32>
      %shift_left3A_860 = vector.broadcast %sub3A_838 : i32 to vector<16xi32>
      %shift_left3A_861 = arith.shli %broadcast_in_dim3A_859, %shift_left3A_860 : vector<16xi32>
      %or3A_862 = arith.ori %while3A_833, %shift_left3A_861 : vector<16xi32>
      %xor3A_863 = arith.constant -2147483648 : i32
      %xor3A_864 = vector.broadcast %xor3A_863 : i32 to vector<16xi32>
      %xor3A_865 = arith.xori %or3A_862, %xor3A_864 : vector<16xi32>
      %ge3A_866 = arith.constant 0 : i32
      %ge3A_867 = vector.broadcast %ge3A_866 : i32 to vector<16xi32>
      %ge3A_868 = arith.cmpi sge, %xor3A_865, %ge3A_867 : vector<16xi32>
      %sub3A_869 = arith.constant -2147483648 : i32
      %sub3A_870 = vector.broadcast %sub3A_869 : i32 to vector<16xi32>
      %sub3A_871 = arith.subi %sub3A_870, %xor3A_865 : vector<16xi32>
      %select_n3A_872 = arith.select %ge3A_868, %xor3A_865, %sub3A_871 : vector<16xi1>, vector<16xi32>
      %bitcast3A_873 = vector.bitcast %select_n3A_872 : vector<16xi32> to vector<16xf32>
      %broadcast_in_dim3A_874 = arith.constant 3 : i32
      %broadcast_in_dim3A_875 = vector.broadcast %broadcast_in_dim3A_874 : i32 to vector<16xi32>
      %shift_left3A_876 = vector.broadcast %sub3A_838 : i32 to vector<16xi32>
      %shift_left3A_877 = arith.shli %broadcast_in_dim3A_875, %shift_left3A_876 : vector<16xi32>
      %or3A_878 = arith.ori %while3A_833, %shift_left3A_877 : vector<16xi32>
      %xor3A_879 = arith.constant -2147483648 : i32
      %xor3A_880 = vector.broadcast %xor3A_879 : i32 to vector<16xi32>
      %xor3A_881 = arith.xori %or3A_878, %xor3A_880 : vector<16xi32>
      %ge3A_882 = arith.constant 0 : i32
      %ge3A_883 = vector.broadcast %ge3A_882 : i32 to vector<16xi32>
      %ge3A_884 = arith.cmpi sge, %xor3A_881, %ge3A_883 : vector<16xi32>
      %sub3A_885 = arith.constant -2147483648 : i32
      %sub3A_886 = vector.broadcast %sub3A_885 : i32 to vector<16xi32>
      %sub3A_887 = arith.subi %sub3A_886, %xor3A_881 : vector<16xi32>
      %select_n3A_888 = arith.select %ge3A_884, %xor3A_881, %sub3A_887 : vector<16xi1>, vector<16xi32>
      %bitcast3A_889 = vector.bitcast %select_n3A_888 : vector<16xi32> to vector<16xf32>
      %broadcast_in_dim3A_890 = arith.constant 4 : i32
      %broadcast_in_dim3A_891 = vector.broadcast %broadcast_in_dim3A_890 : i32 to vector<16xi32>
      %shift_left3A_892 = vector.broadcast %sub3A_838 : i32 to vector<16xi32>
      %shift_left3A_893 = arith.shli %broadcast_in_dim3A_891, %shift_left3A_892 : vector<16xi32>
      %or3A_894 = arith.ori %while3A_833, %shift_left3A_893 : vector<16xi32>
      %xor3A_895 = arith.constant -2147483648 : i32
      %xor3A_896 = vector.broadcast %xor3A_895 : i32 to vector<16xi32>
      %xor3A_897 = arith.xori %or3A_894, %xor3A_896 : vector<16xi32>
      %ge3A_898 = arith.constant 0 : i32
      %ge3A_899 = vector.broadcast %ge3A_898 : i32 to vector<16xi32>
      %ge3A_900 = arith.cmpi sge, %xor3A_897, %ge3A_899 : vector<16xi32>
      %sub3A_901 = arith.constant -2147483648 : i32
      %sub3A_902 = vector.broadcast %sub3A_901 : i32 to vector<16xi32>
      %sub3A_903 = arith.subi %sub3A_902, %xor3A_897 : vector<16xi32>
      %select_n3A_904 = arith.select %ge3A_900, %xor3A_897, %sub3A_903 : vector<16xi1>, vector<16xi32>
      %bitcast3A_905 = vector.bitcast %select_n3A_904 : vector<16xi32> to vector<16xf32>
      %broadcast_in_dim3A_906 = arith.constant 5 : i32
      %broadcast_in_dim3A_907 = vector.broadcast %broadcast_in_dim3A_906 : i32 to vector<16xi32>
      %shift_left3A_908 = vector.broadcast %sub3A_838 : i32 to vector<16xi32>
      %shift_left3A_909 = arith.shli %broadcast_in_dim3A_907, %shift_left3A_908 : vector<16xi32>
      %or3A_910 = arith.ori %while3A_833, %shift_left3A_909 : vector<16xi32>
      %xor3A_911 = arith.constant -2147483648 : i32
      %xor3A_912 = vector.broadcast %xor3A_911 : i32 to vector<16xi32>
      %xor3A_913 = arith.xori %or3A_910, %xor3A_912 : vector<16xi32>
      %ge3A_914 = arith.constant 0 : i32
      %ge3A_915 = vector.broadcast %ge3A_914 : i32 to vector<16xi32>
      %ge3A_916 = arith.cmpi sge, %xor3A_913, %ge3A_915 : vector<16xi32>
      %sub3A_917 = arith.constant -2147483648 : i32
      %sub3A_918 = vector.broadcast %sub3A_917 : i32 to vector<16xi32>
      %sub3A_919 = arith.subi %sub3A_918, %xor3A_913 : vector<16xi32>
      %select_n3A_920 = arith.select %ge3A_916, %xor3A_913, %sub3A_919 : vector<16xi1>, vector<16xi32>
      %bitcast3A_921 = vector.bitcast %select_n3A_920 : vector<16xi32> to vector<16xf32>
      %broadcast_in_dim3A_922 = arith.constant 6 : i32
      %broadcast_in_dim3A_923 = vector.broadcast %broadcast_in_dim3A_922 : i32 to vector<16xi32>
      %shift_left3A_924 = vector.broadcast %sub3A_838 : i32 to vector<16xi32>
      %shift_left3A_925 = arith.shli %broadcast_in_dim3A_923, %shift_left3A_924 : vector<16xi32>
      %or3A_926 = arith.ori %while3A_833, %shift_left3A_925 : vector<16xi32>
      %xor3A_927 = arith.constant -2147483648 : i32
      %xor3A_928 = vector.broadcast %xor3A_927 : i32 to vector<16xi32>
      %xor3A_929 = arith.xori %or3A_926, %xor3A_928 : vector<16xi32>
      %ge3A_930 = arith.constant 0 : i32
      %ge3A_931 = vector.broadcast %ge3A_930 : i32 to vector<16xi32>
      %ge3A_932 = arith.cmpi sge, %xor3A_929, %ge3A_931 : vector<16xi32>
      %sub3A_933 = arith.constant -2147483648 : i32
      %sub3A_934 = vector.broadcast %sub3A_933 : i32 to vector<16xi32>
      %sub3A_935 = arith.subi %sub3A_934, %xor3A_929 : vector<16xi32>
      %select_n3A_936 = arith.select %ge3A_932, %xor3A_929, %sub3A_935 : vector<16xi1>, vector<16xi32>
      %bitcast3A_937 = vector.bitcast %select_n3A_936 : vector<16xi32> to vector<16xf32>
      %broadcast_in_dim3A_938 = arith.constant 7 : i32
      %broadcast_in_dim3A_939 = vector.broadcast %broadcast_in_dim3A_938 : i32 to vector<16xi32>
      %shift_left3A_940 = vector.broadcast %sub3A_838 : i32 to vector<16xi32>
      %shift_left3A_941 = arith.shli %broadcast_in_dim3A_939, %shift_left3A_940 : vector<16xi32>
      %or3A_942 = arith.ori %while3A_833, %shift_left3A_941 : vector<16xi32>
      %xor3A_943 = arith.constant -2147483648 : i32
      %xor3A_944 = vector.broadcast %xor3A_943 : i32 to vector<16xi32>
      %xor3A_945 = arith.xori %or3A_942, %xor3A_944 : vector<16xi32>
      %ge3A_946 = arith.constant 0 : i32
      %ge3A_947 = vector.broadcast %ge3A_946 : i32 to vector<16xi32>
      %ge3A_948 = arith.cmpi sge, %xor3A_945, %ge3A_947 : vector<16xi32>
      %sub3A_949 = arith.constant -2147483648 : i32
      %sub3A_950 = vector.broadcast %sub3A_949 : i32 to vector<16xi32>
      %sub3A_951 = arith.subi %sub3A_950, %xor3A_945 : vector<16xi32>
      %select_n3A_952 = arith.select %ge3A_948, %xor3A_945, %sub3A_951 : vector<16xi1>, vector<16xi32>
      %bitcast3A_953 = vector.bitcast %select_n3A_952 : vector<16xi32> to vector<16xf32>
      %broadcast_in_dim3A_954 = arith.constant 8 : i32
      %broadcast_in_dim3A_955 = vector.broadcast %broadcast_in_dim3A_954 : i32 to vector<16xi32>
      %shift_left3A_956 = vector.broadcast %sub3A_838 : i32 to vector<16xi32>
      %shift_left3A_957 = arith.shli %broadcast_in_dim3A_955, %shift_left3A_956 : vector<16xi32>
      %or3A_958 = arith.ori %while3A_833, %shift_left3A_957 : vector<16xi32>
      %xor3A_959 = arith.constant -2147483648 : i32
      %xor3A_960 = vector.broadcast %xor3A_959 : i32 to vector<16xi32>
      %xor3A_961 = arith.xori %or3A_958, %xor3A_960 : vector<16xi32>
      %ge3A_962 = arith.constant 0 : i32
      %ge3A_963 = vector.broadcast %ge3A_962 : i32 to vector<16xi32>
      %ge3A_964 = arith.cmpi sge, %xor3A_961, %ge3A_963 : vector<16xi32>
      %sub3A_965 = arith.constant -2147483648 : i32
      %sub3A_966 = vector.broadcast %sub3A_965 : i32 to vector<16xi32>
      %sub3A_967 = arith.subi %sub3A_966, %xor3A_961 : vector<16xi32>
      %select_n3A_968 = arith.select %ge3A_964, %xor3A_961, %sub3A_967 : vector<16xi1>, vector<16xi32>
      %bitcast3A_969 = vector.bitcast %select_n3A_968 : vector<16xi32> to vector<16xf32>
      %broadcast_in_dim3A_970 = arith.constant 9 : i32
      %broadcast_in_dim3A_971 = vector.broadcast %broadcast_in_dim3A_970 : i32 to vector<16xi32>
      %shift_left3A_972 = vector.broadcast %sub3A_838 : i32 to vector<16xi32>
      %shift_left3A_973 = arith.shli %broadcast_in_dim3A_971, %shift_left3A_972 : vector<16xi32>
      %or3A_974 = arith.ori %while3A_833, %shift_left3A_973 : vector<16xi32>
      %xor3A_975 = arith.constant -2147483648 : i32
      %xor3A_976 = vector.broadcast %xor3A_975 : i32 to vector<16xi32>
      %xor3A_977 = arith.xori %or3A_974, %xor3A_976 : vector<16xi32>
      %ge3A_978 = arith.constant 0 : i32
      %ge3A_979 = vector.broadcast %ge3A_978 : i32 to vector<16xi32>
      %ge3A_980 = arith.cmpi sge, %xor3A_977, %ge3A_979 : vector<16xi32>
      %sub3A_981 = arith.constant -2147483648 : i32
      %sub3A_982 = vector.broadcast %sub3A_981 : i32 to vector<16xi32>
      %sub3A_983 = arith.subi %sub3A_982, %xor3A_977 : vector<16xi32>
      %select_n3A_984 = arith.select %ge3A_980, %xor3A_977, %sub3A_983 : vector<16xi1>, vector<16xi32>
      %bitcast3A_985 = vector.bitcast %select_n3A_984 : vector<16xi32> to vector<16xf32>
      %broadcast_in_dim3A_986 = arith.constant 10 : i32
      %broadcast_in_dim3A_987 = vector.broadcast %broadcast_in_dim3A_986 : i32 to vector<16xi32>
      %shift_left3A_988 = vector.broadcast %sub3A_838 : i32 to vector<16xi32>
      %shift_left3A_989 = arith.shli %broadcast_in_dim3A_987, %shift_left3A_988 : vector<16xi32>
      %or3A_990 = arith.ori %while3A_833, %shift_left3A_989 : vector<16xi32>
      %xor3A_991 = arith.constant -2147483648 : i32
      %xor3A_992 = vector.broadcast %xor3A_991 : i32 to vector<16xi32>
      %xor3A_993 = arith.xori %or3A_990, %xor3A_992 : vector<16xi32>
      %ge3A_994 = arith.constant 0 : i32
      %ge3A_995 = vector.broadcast %ge3A_994 : i32 to vector<16xi32>
      %ge3A_996 = arith.cmpi sge, %xor3A_993, %ge3A_995 : vector<16xi32>
      %sub3A_997 = arith.constant -2147483648 : i32
      %sub3A_998 = vector.broadcast %sub3A_997 : i32 to vector<16xi32>
      %sub3A_999 = arith.subi %sub3A_998, %xor3A_993 : vector<16xi32>
      %select_n3A_1000 = arith.select %ge3A_996, %xor3A_993, %sub3A_999 : vector<16xi1>, vector<16xi32>
      %bitcast3A_1001 = vector.bitcast %select_n3A_1000 : vector<16xi32> to vector<16xf32>
      %broadcast_in_dim3A_1002 = arith.constant 11 : i32
      %broadcast_in_dim3A_1003 = vector.broadcast %broadcast_in_dim3A_1002 : i32 to vector<16xi32>
      %shift_left3A_1004 = vector.broadcast %sub3A_838 : i32 to vector<16xi32>
      %shift_left3A_1005 = arith.shli %broadcast_in_dim3A_1003, %shift_left3A_1004 : vector<16xi32>
      %or3A_1006 = arith.ori %while3A_833, %shift_left3A_1005 : vector<16xi32>
      %xor3A_1007 = arith.constant -2147483648 : i32
      %xor3A_1008 = vector.broadcast %xor3A_1007 : i32 to vector<16xi32>
      %xor3A_1009 = arith.xori %or3A_1006, %xor3A_1008 : vector<16xi32>
      %ge3A_1010 = arith.constant 0 : i32
      %ge3A_1011 = vector.broadcast %ge3A_1010 : i32 to vector<16xi32>
      %ge3A_1012 = arith.cmpi sge, %xor3A_1009, %ge3A_1011 : vector<16xi32>
      %sub3A_1013 = arith.constant -2147483648 : i32
      %sub3A_1014 = vector.broadcast %sub3A_1013 : i32 to vector<16xi32>
      %sub3A_1015 = arith.subi %sub3A_1014, %xor3A_1009 : vector<16xi32>
      %select_n3A_1016 = arith.select %ge3A_1012, %xor3A_1009, %sub3A_1015 : vector<16xi1>, vector<16xi32>
      %bitcast3A_1017 = vector.bitcast %select_n3A_1016 : vector<16xi32> to vector<16xf32>
      %broadcast_in_dim3A_1018 = arith.constant 12 : i32
      %broadcast_in_dim3A_1019 = vector.broadcast %broadcast_in_dim3A_1018 : i32 to vector<16xi32>
      %shift_left3A_1020 = vector.broadcast %sub3A_838 : i32 to vector<16xi32>
      %shift_left3A_1021 = arith.shli %broadcast_in_dim3A_1019, %shift_left3A_1020 : vector<16xi32>
      %or3A_1022 = arith.ori %while3A_833, %shift_left3A_1021 : vector<16xi32>
      %xor3A_1023 = arith.constant -2147483648 : i32
      %xor3A_1024 = vector.broadcast %xor3A_1023 : i32 to vector<16xi32>
      %xor3A_1025 = arith.xori %or3A_1022, %xor3A_1024 : vector<16xi32>
      %ge3A_1026 = arith.constant 0 : i32
      %ge3A_1027 = vector.broadcast %ge3A_1026 : i32 to vector<16xi32>
      %ge3A_1028 = arith.cmpi sge, %xor3A_1025, %ge3A_1027 : vector<16xi32>
      %sub3A_1029 = arith.constant -2147483648 : i32
      %sub3A_1030 = vector.broadcast %sub3A_1029 : i32 to vector<16xi32>
      %sub3A_1031 = arith.subi %sub3A_1030, %xor3A_1025 : vector<16xi32>
      %select_n3A_1032 = arith.select %ge3A_1028, %xor3A_1025, %sub3A_1031 : vector<16xi1>, vector<16xi32>
      %bitcast3A_1033 = vector.bitcast %select_n3A_1032 : vector<16xi32> to vector<16xf32>
      %broadcast_in_dim3A_1034 = arith.constant 13 : i32
      %broadcast_in_dim3A_1035 = vector.broadcast %broadcast_in_dim3A_1034 : i32 to vector<16xi32>
      %shift_left3A_1036 = vector.broadcast %sub3A_838 : i32 to vector<16xi32>
      %shift_left3A_1037 = arith.shli %broadcast_in_dim3A_1035, %shift_left3A_1036 : vector<16xi32>
      %or3A_1038 = arith.ori %while3A_833, %shift_left3A_1037 : vector<16xi32>
      %xor3A_1039 = arith.constant -2147483648 : i32
      %xor3A_1040 = vector.broadcast %xor3A_1039 : i32 to vector<16xi32>
      %xor3A_1041 = arith.xori %or3A_1038, %xor3A_1040 : vector<16xi32>
      %ge3A_1042 = arith.constant 0 : i32
      %ge3A_1043 = vector.broadcast %ge3A_1042 : i32 to vector<16xi32>
      %ge3A_1044 = arith.cmpi sge, %xor3A_1041, %ge3A_1043 : vector<16xi32>
      %sub3A_1045 = arith.constant -2147483648 : i32
      %sub3A_1046 = vector.broadcast %sub3A_1045 : i32 to vector<16xi32>
      %sub3A_1047 = arith.subi %sub3A_1046, %xor3A_1041 : vector<16xi32>
      %select_n3A_1048 = arith.select %ge3A_1044, %xor3A_1041, %sub3A_1047 : vector<16xi1>, vector<16xi32>
      %bitcast3A_1049 = vector.bitcast %select_n3A_1048 : vector<16xi32> to vector<16xf32>
      %broadcast_in_dim3A_1050 = arith.constant 14 : i32
      %broadcast_in_dim3A_1051 = vector.broadcast %broadcast_in_dim3A_1050 : i32 to vector<16xi32>
      %shift_left3A_1052 = vector.broadcast %sub3A_838 : i32 to vector<16xi32>
      %shift_left3A_1053 = arith.shli %broadcast_in_dim3A_1051, %shift_left3A_1052 : vector<16xi32>
      %or3A_1054 = arith.ori %while3A_833, %shift_left3A_1053 : vector<16xi32>
      %xor3A_1055 = arith.constant -2147483648 : i32
      %xor3A_1056 = vector.broadcast %xor3A_1055 : i32 to vector<16xi32>
      %xor3A_1057 = arith.xori %or3A_1054, %xor3A_1056 : vector<16xi32>
      %ge3A_1058 = arith.constant 0 : i32
      %ge3A_1059 = vector.broadcast %ge3A_1058 : i32 to vector<16xi32>
      %ge3A_1060 = arith.cmpi sge, %xor3A_1057, %ge3A_1059 : vector<16xi32>
      %sub3A_1061 = arith.constant -2147483648 : i32
      %sub3A_1062 = vector.broadcast %sub3A_1061 : i32 to vector<16xi32>
      %sub3A_1063 = arith.subi %sub3A_1062, %xor3A_1057 : vector<16xi32>
      %select_n3A_1064 = arith.select %ge3A_1060, %xor3A_1057, %sub3A_1063 : vector<16xi1>, vector<16xi32>
      %bitcast3A_1065 = vector.bitcast %select_n3A_1064 : vector<16xi32> to vector<16xf32>
      %broadcast_in_dim3A_1066 = arith.constant 15 : i32
      %broadcast_in_dim3A_1067 = vector.broadcast %broadcast_in_dim3A_1066 : i32 to vector<16xi32>
      %shift_left3A_1068 = vector.broadcast %sub3A_838 : i32 to vector<16xi32>
      %shift_left3A_1069 = arith.shli %broadcast_in_dim3A_1067, %shift_left3A_1068 : vector<16xi32>
      %or3A_1070 = arith.ori %while3A_833, %shift_left3A_1069 : vector<16xi32>
      %xor3A_1071 = arith.constant -2147483648 : i32
      %xor3A_1072 = vector.broadcast %xor3A_1071 : i32 to vector<16xi32>
      %xor3A_1073 = arith.xori %or3A_1070, %xor3A_1072 : vector<16xi32>
      %ge3A_1074 = arith.constant 0 : i32
      %ge3A_1075 = vector.broadcast %ge3A_1074 : i32 to vector<16xi32>
      %ge3A_1076 = arith.cmpi sge, %xor3A_1073, %ge3A_1075 : vector<16xi32>
      %sub3A_1077 = arith.constant -2147483648 : i32
      %sub3A_1078 = vector.broadcast %sub3A_1077 : i32 to vector<16xi32>
      %sub3A_1079 = arith.subi %sub3A_1078, %xor3A_1073 : vector<16xi32>
      %select_n3A_1080 = arith.select %ge3A_1076, %xor3A_1073, %sub3A_1079 : vector<16xi1>, vector<16xi32>
      %bitcast3A_1081 = vector.bitcast %select_n3A_1080 : vector<16xi32> to vector<16xf32>
      %broadcast_in_dim3A_1082 = arith.constant 0 : i32
      %broadcast_in_dim3A_1083 = vector.broadcast %broadcast_in_dim3A_1082 : i32 to vector<16xi32>
      %shift_left3A_1084 = vector.broadcast %sub3A_838 : i32 to vector<16xi32>
      %shift_left3A_1085 = arith.shli %broadcast_in_dim3A_1083, %shift_left3A_1084 : vector<16xi32>
      %or3A_1086 = arith.ori %while3A_834, %shift_left3A_1085 : vector<16xi32>
      %or3A_1087 = vector.broadcast %sub3A_842 : i32 to vector<16xi32>
      %or3A_1088 = arith.ori %or3A_1086, %or3A_1087 : vector<16xi32>
      %xor3A_1089 = arith.constant -2147483648 : i32
      %xor3A_1090 = vector.broadcast %xor3A_1089 : i32 to vector<16xi32>
      %xor3A_1091 = arith.xori %or3A_1088, %xor3A_1090 : vector<16xi32>
      %ge3A_1092 = arith.constant 0 : i32
      %ge3A_1093 = vector.broadcast %ge3A_1092 : i32 to vector<16xi32>
      %ge3A_1094 = arith.cmpi sge, %xor3A_1091, %ge3A_1093 : vector<16xi32>
      %sub3A_1095 = arith.constant -2147483648 : i32
      %sub3A_1096 = vector.broadcast %sub3A_1095 : i32 to vector<16xi32>
      %sub3A_1097 = arith.subi %sub3A_1096, %xor3A_1091 : vector<16xi32>
      %select_n3A_1098 = arith.select %ge3A_1094, %xor3A_1091, %sub3A_1097 : vector<16xi1>, vector<16xi32>
      %bitcast3A_1099 = vector.bitcast %select_n3A_1098 : vector<16xi32> to vector<16xf32>
      %broadcast_in_dim3A_1100 = arith.constant 1 : i32
      %broadcast_in_dim3A_1101 = vector.broadcast %broadcast_in_dim3A_1100 : i32 to vector<16xi32>
      %shift_left3A_1102 = vector.broadcast %sub3A_838 : i32 to vector<16xi32>
      %shift_left3A_1103 = arith.shli %broadcast_in_dim3A_1101, %shift_left3A_1102 : vector<16xi32>
      %or3A_1104 = arith.ori %while3A_834, %shift_left3A_1103 : vector<16xi32>
      %or3A_1105 = vector.broadcast %sub3A_842 : i32 to vector<16xi32>
      %or3A_1106 = arith.ori %or3A_1104, %or3A_1105 : vector<16xi32>
      %xor3A_1107 = arith.constant -2147483648 : i32
      %xor3A_1108 = vector.broadcast %xor3A_1107 : i32 to vector<16xi32>
      %xor3A_1109 = arith.xori %or3A_1106, %xor3A_1108 : vector<16xi32>
      %ge3A_1110 = arith.constant 0 : i32
      %ge3A_1111 = vector.broadcast %ge3A_1110 : i32 to vector<16xi32>
      %ge3A_1112 = arith.cmpi sge, %xor3A_1109, %ge3A_1111 : vector<16xi32>
      %sub3A_1113 = arith.constant -2147483648 : i32
      %sub3A_1114 = vector.broadcast %sub3A_1113 : i32 to vector<16xi32>
      %sub3A_1115 = arith.subi %sub3A_1114, %xor3A_1109 : vector<16xi32>
      %select_n3A_1116 = arith.select %ge3A_1112, %xor3A_1109, %sub3A_1115 : vector<16xi1>, vector<16xi32>
      %bitcast3A_1117 = vector.bitcast %select_n3A_1116 : vector<16xi32> to vector<16xf32>
      %broadcast_in_dim3A_1118 = arith.constant 2 : i32
      %broadcast_in_dim3A_1119 = vector.broadcast %broadcast_in_dim3A_1118 : i32 to vector<16xi32>
      %shift_left3A_1120 = vector.broadcast %sub3A_838 : i32 to vector<16xi32>
      %shift_left3A_1121 = arith.shli %broadcast_in_dim3A_1119, %shift_left3A_1120 : vector<16xi32>
      %or3A_1122 = arith.ori %while3A_834, %shift_left3A_1121 : vector<16xi32>
      %or3A_1123 = vector.broadcast %sub3A_842 : i32 to vector<16xi32>
      %or3A_1124 = arith.ori %or3A_1122, %or3A_1123 : vector<16xi32>
      %xor3A_1125 = arith.constant -2147483648 : i32
      %xor3A_1126 = vector.broadcast %xor3A_1125 : i32 to vector<16xi32>
      %xor3A_1127 = arith.xori %or3A_1124, %xor3A_1126 : vector<16xi32>
      %ge3A_1128 = arith.constant 0 : i32
      %ge3A_1129 = vector.broadcast %ge3A_1128 : i32 to vector<16xi32>
      %ge3A_1130 = arith.cmpi sge, %xor3A_1127, %ge3A_1129 : vector<16xi32>
      %sub3A_1131 = arith.constant -2147483648 : i32
      %sub3A_1132 = vector.broadcast %sub3A_1131 : i32 to vector<16xi32>
      %sub3A_1133 = arith.subi %sub3A_1132, %xor3A_1127 : vector<16xi32>
      %select_n3A_1134 = arith.select %ge3A_1130, %xor3A_1127, %sub3A_1133 : vector<16xi1>, vector<16xi32>
      %bitcast3A_1135 = vector.bitcast %select_n3A_1134 : vector<16xi32> to vector<16xf32>
      %broadcast_in_dim3A_1136 = arith.constant 3 : i32
      %broadcast_in_dim3A_1137 = vector.broadcast %broadcast_in_dim3A_1136 : i32 to vector<16xi32>
      %shift_left3A_1138 = vector.broadcast %sub3A_838 : i32 to vector<16xi32>
      %shift_left3A_1139 = arith.shli %broadcast_in_dim3A_1137, %shift_left3A_1138 : vector<16xi32>
      %or3A_1140 = arith.ori %while3A_834, %shift_left3A_1139 : vector<16xi32>
      %or3A_1141 = vector.broadcast %sub3A_842 : i32 to vector<16xi32>
      %or3A_1142 = arith.ori %or3A_1140, %or3A_1141 : vector<16xi32>
      %xor3A_1143 = arith.constant -2147483648 : i32
      %xor3A_1144 = vector.broadcast %xor3A_1143 : i32 to vector<16xi32>
      %xor3A_1145 = arith.xori %or3A_1142, %xor3A_1144 : vector<16xi32>
      %ge3A_1146 = arith.constant 0 : i32
      %ge3A_1147 = vector.broadcast %ge3A_1146 : i32 to vector<16xi32>
      %ge3A_1148 = arith.cmpi sge, %xor3A_1145, %ge3A_1147 : vector<16xi32>
      %sub3A_1149 = arith.constant -2147483648 : i32
      %sub3A_1150 = vector.broadcast %sub3A_1149 : i32 to vector<16xi32>
      %sub3A_1151 = arith.subi %sub3A_1150, %xor3A_1145 : vector<16xi32>
      %select_n3A_1152 = arith.select %ge3A_1148, %xor3A_1145, %sub3A_1151 : vector<16xi1>, vector<16xi32>
      %bitcast3A_1153 = vector.bitcast %select_n3A_1152 : vector<16xi32> to vector<16xf32>
      %broadcast_in_dim3A_1154 = arith.constant 4 : i32
      %broadcast_in_dim3A_1155 = vector.broadcast %broadcast_in_dim3A_1154 : i32 to vector<16xi32>
      %shift_left3A_1156 = vector.broadcast %sub3A_838 : i32 to vector<16xi32>
      %shift_left3A_1157 = arith.shli %broadcast_in_dim3A_1155, %shift_left3A_1156 : vector<16xi32>
      %or3A_1158 = arith.ori %while3A_834, %shift_left3A_1157 : vector<16xi32>
      %or3A_1159 = vector.broadcast %sub3A_842 : i32 to vector<16xi32>
      %or3A_1160 = arith.ori %or3A_1158, %or3A_1159 : vector<16xi32>
      %xor3A_1161 = arith.constant -2147483648 : i32
      %xor3A_1162 = vector.broadcast %xor3A_1161 : i32 to vector<16xi32>
      %xor3A_1163 = arith.xori %or3A_1160, %xor3A_1162 : vector<16xi32>
      %ge3A_1164 = arith.constant 0 : i32
      %ge3A_1165 = vector.broadcast %ge3A_1164 : i32 to vector<16xi32>
      %ge3A_1166 = arith.cmpi sge, %xor3A_1163, %ge3A_1165 : vector<16xi32>
      %sub3A_1167 = arith.constant -2147483648 : i32
      %sub3A_1168 = vector.broadcast %sub3A_1167 : i32 to vector<16xi32>
      %sub3A_1169 = arith.subi %sub3A_1168, %xor3A_1163 : vector<16xi32>
      %select_n3A_1170 = arith.select %ge3A_1166, %xor3A_1163, %sub3A_1169 : vector<16xi1>, vector<16xi32>
      %bitcast3A_1171 = vector.bitcast %select_n3A_1170 : vector<16xi32> to vector<16xf32>
      %broadcast_in_dim3A_1172 = arith.constant 5 : i32
      %broadcast_in_dim3A_1173 = vector.broadcast %broadcast_in_dim3A_1172 : i32 to vector<16xi32>
      %shift_left3A_1174 = vector.broadcast %sub3A_838 : i32 to vector<16xi32>
      %shift_left3A_1175 = arith.shli %broadcast_in_dim3A_1173, %shift_left3A_1174 : vector<16xi32>
      %or3A_1176 = arith.ori %while3A_834, %shift_left3A_1175 : vector<16xi32>
      %or3A_1177 = vector.broadcast %sub3A_842 : i32 to vector<16xi32>
      %or3A_1178 = arith.ori %or3A_1176, %or3A_1177 : vector<16xi32>
      %xor3A_1179 = arith.constant -2147483648 : i32
      %xor3A_1180 = vector.broadcast %xor3A_1179 : i32 to vector<16xi32>
      %xor3A_1181 = arith.xori %or3A_1178, %xor3A_1180 : vector<16xi32>
      %ge3A_1182 = arith.constant 0 : i32
      %ge3A_1183 = vector.broadcast %ge3A_1182 : i32 to vector<16xi32>
      %ge3A_1184 = arith.cmpi sge, %xor3A_1181, %ge3A_1183 : vector<16xi32>
      %sub3A_1185 = arith.constant -2147483648 : i32
      %sub3A_1186 = vector.broadcast %sub3A_1185 : i32 to vector<16xi32>
      %sub3A_1187 = arith.subi %sub3A_1186, %xor3A_1181 : vector<16xi32>
      %select_n3A_1188 = arith.select %ge3A_1184, %xor3A_1181, %sub3A_1187 : vector<16xi1>, vector<16xi32>
      %bitcast3A_1189 = vector.bitcast %select_n3A_1188 : vector<16xi32> to vector<16xf32>
      %broadcast_in_dim3A_1190 = arith.constant 6 : i32
      %broadcast_in_dim3A_1191 = vector.broadcast %broadcast_in_dim3A_1190 : i32 to vector<16xi32>
      %shift_left3A_1192 = vector.broadcast %sub3A_838 : i32 to vector<16xi32>
      %shift_left3A_1193 = arith.shli %broadcast_in_dim3A_1191, %shift_left3A_1192 : vector<16xi32>
      %or3A_1194 = arith.ori %while3A_834, %shift_left3A_1193 : vector<16xi32>
      %or3A_1195 = vector.broadcast %sub3A_842 : i32 to vector<16xi32>
      %or3A_1196 = arith.ori %or3A_1194, %or3A_1195 : vector<16xi32>
      %xor3A_1197 = arith.constant -2147483648 : i32
      %xor3A_1198 = vector.broadcast %xor3A_1197 : i32 to vector<16xi32>
      %xor3A_1199 = arith.xori %or3A_1196, %xor3A_1198 : vector<16xi32>
      %ge3A_1200 = arith.constant 0 : i32
      %ge3A_1201 = vector.broadcast %ge3A_1200 : i32 to vector<16xi32>
      %ge3A_1202 = arith.cmpi sge, %xor3A_1199, %ge3A_1201 : vector<16xi32>
      %sub3A_1203 = arith.constant -2147483648 : i32
      %sub3A_1204 = vector.broadcast %sub3A_1203 : i32 to vector<16xi32>
      %sub3A_1205 = arith.subi %sub3A_1204, %xor3A_1199 : vector<16xi32>
      %select_n3A_1206 = arith.select %ge3A_1202, %xor3A_1199, %sub3A_1205 : vector<16xi1>, vector<16xi32>
      %bitcast3A_1207 = vector.bitcast %select_n3A_1206 : vector<16xi32> to vector<16xf32>
      %broadcast_in_dim3A_1208 = arith.constant 7 : i32
      %broadcast_in_dim3A_1209 = vector.broadcast %broadcast_in_dim3A_1208 : i32 to vector<16xi32>
      %shift_left3A_1210 = vector.broadcast %sub3A_838 : i32 to vector<16xi32>
      %shift_left3A_1211 = arith.shli %broadcast_in_dim3A_1209, %shift_left3A_1210 : vector<16xi32>
      %or3A_1212 = arith.ori %while3A_834, %shift_left3A_1211 : vector<16xi32>
      %or3A_1213 = vector.broadcast %sub3A_842 : i32 to vector<16xi32>
      %or3A_1214 = arith.ori %or3A_1212, %or3A_1213 : vector<16xi32>
      %xor3A_1215 = arith.constant -2147483648 : i32
      %xor3A_1216 = vector.broadcast %xor3A_1215 : i32 to vector<16xi32>
      %xor3A_1217 = arith.xori %or3A_1214, %xor3A_1216 : vector<16xi32>
      %ge3A_1218 = arith.constant 0 : i32
      %ge3A_1219 = vector.broadcast %ge3A_1218 : i32 to vector<16xi32>
      %ge3A_1220 = arith.cmpi sge, %xor3A_1217, %ge3A_1219 : vector<16xi32>
      %sub3A_1221 = arith.constant -2147483648 : i32
      %sub3A_1222 = vector.broadcast %sub3A_1221 : i32 to vector<16xi32>
      %sub3A_1223 = arith.subi %sub3A_1222, %xor3A_1217 : vector<16xi32>
      %select_n3A_1224 = arith.select %ge3A_1220, %xor3A_1217, %sub3A_1223 : vector<16xi1>, vector<16xi32>
      %bitcast3A_1225 = vector.bitcast %select_n3A_1224 : vector<16xi32> to vector<16xf32>
      %broadcast_in_dim3A_1226 = arith.constant 8 : i32
      %broadcast_in_dim3A_1227 = vector.broadcast %broadcast_in_dim3A_1226 : i32 to vector<16xi32>
      %shift_left3A_1228 = vector.broadcast %sub3A_838 : i32 to vector<16xi32>
      %shift_left3A_1229 = arith.shli %broadcast_in_dim3A_1227, %shift_left3A_1228 : vector<16xi32>
      %or3A_1230 = arith.ori %while3A_834, %shift_left3A_1229 : vector<16xi32>
      %or3A_1231 = vector.broadcast %sub3A_842 : i32 to vector<16xi32>
      %or3A_1232 = arith.ori %or3A_1230, %or3A_1231 : vector<16xi32>
      %xor3A_1233 = arith.constant -2147483648 : i32
      %xor3A_1234 = vector.broadcast %xor3A_1233 : i32 to vector<16xi32>
      %xor3A_1235 = arith.xori %or3A_1232, %xor3A_1234 : vector<16xi32>
      %ge3A_1236 = arith.constant 0 : i32
      %ge3A_1237 = vector.broadcast %ge3A_1236 : i32 to vector<16xi32>
      %ge3A_1238 = arith.cmpi sge, %xor3A_1235, %ge3A_1237 : vector<16xi32>
      %sub3A_1239 = arith.constant -2147483648 : i32
      %sub3A_1240 = vector.broadcast %sub3A_1239 : i32 to vector<16xi32>
      %sub3A_1241 = arith.subi %sub3A_1240, %xor3A_1235 : vector<16xi32>
      %select_n3A_1242 = arith.select %ge3A_1238, %xor3A_1235, %sub3A_1241 : vector<16xi1>, vector<16xi32>
      %bitcast3A_1243 = vector.bitcast %select_n3A_1242 : vector<16xi32> to vector<16xf32>
      %broadcast_in_dim3A_1244 = arith.constant 9 : i32
      %broadcast_in_dim3A_1245 = vector.broadcast %broadcast_in_dim3A_1244 : i32 to vector<16xi32>
      %shift_left3A_1246 = vector.broadcast %sub3A_838 : i32 to vector<16xi32>
      %shift_left3A_1247 = arith.shli %broadcast_in_dim3A_1245, %shift_left3A_1246 : vector<16xi32>
      %or3A_1248 = arith.ori %while3A_834, %shift_left3A_1247 : vector<16xi32>
      %or3A_1249 = vector.broadcast %sub3A_842 : i32 to vector<16xi32>
      %or3A_1250 = arith.ori %or3A_1248, %or3A_1249 : vector<16xi32>
      %xor3A_1251 = arith.constant -2147483648 : i32
      %xor3A_1252 = vector.broadcast %xor3A_1251 : i32 to vector<16xi32>
      %xor3A_1253 = arith.xori %or3A_1250, %xor3A_1252 : vector<16xi32>
      %ge3A_1254 = arith.constant 0 : i32
      %ge3A_1255 = vector.broadcast %ge3A_1254 : i32 to vector<16xi32>
      %ge3A_1256 = arith.cmpi sge, %xor3A_1253, %ge3A_1255 : vector<16xi32>
      %sub3A_1257 = arith.constant -2147483648 : i32
      %sub3A_1258 = vector.broadcast %sub3A_1257 : i32 to vector<16xi32>
      %sub3A_1259 = arith.subi %sub3A_1258, %xor3A_1253 : vector<16xi32>
      %select_n3A_1260 = arith.select %ge3A_1256, %xor3A_1253, %sub3A_1259 : vector<16xi1>, vector<16xi32>
      %bitcast3A_1261 = vector.bitcast %select_n3A_1260 : vector<16xi32> to vector<16xf32>
      %broadcast_in_dim3A_1262 = arith.constant 10 : i32
      %broadcast_in_dim3A_1263 = vector.broadcast %broadcast_in_dim3A_1262 : i32 to vector<16xi32>
      %shift_left3A_1264 = vector.broadcast %sub3A_838 : i32 to vector<16xi32>
      %shift_left3A_1265 = arith.shli %broadcast_in_dim3A_1263, %shift_left3A_1264 : vector<16xi32>
      %or3A_1266 = arith.ori %while3A_834, %shift_left3A_1265 : vector<16xi32>
      %or3A_1267 = vector.broadcast %sub3A_842 : i32 to vector<16xi32>
      %or3A_1268 = arith.ori %or3A_1266, %or3A_1267 : vector<16xi32>
      %xor3A_1269 = arith.constant -2147483648 : i32
      %xor3A_1270 = vector.broadcast %xor3A_1269 : i32 to vector<16xi32>
      %xor3A_1271 = arith.xori %or3A_1268, %xor3A_1270 : vector<16xi32>
      %ge3A_1272 = arith.constant 0 : i32
      %ge3A_1273 = vector.broadcast %ge3A_1272 : i32 to vector<16xi32>
      %ge3A_1274 = arith.cmpi sge, %xor3A_1271, %ge3A_1273 : vector<16xi32>
      %sub3A_1275 = arith.constant -2147483648 : i32
      %sub3A_1276 = vector.broadcast %sub3A_1275 : i32 to vector<16xi32>
      %sub3A_1277 = arith.subi %sub3A_1276, %xor3A_1271 : vector<16xi32>
      %select_n3A_1278 = arith.select %ge3A_1274, %xor3A_1271, %sub3A_1277 : vector<16xi1>, vector<16xi32>
      %bitcast3A_1279 = vector.bitcast %select_n3A_1278 : vector<16xi32> to vector<16xf32>
      %broadcast_in_dim3A_1280 = arith.constant 11 : i32
      %broadcast_in_dim3A_1281 = vector.broadcast %broadcast_in_dim3A_1280 : i32 to vector<16xi32>
      %shift_left3A_1282 = vector.broadcast %sub3A_838 : i32 to vector<16xi32>
      %shift_left3A_1283 = arith.shli %broadcast_in_dim3A_1281, %shift_left3A_1282 : vector<16xi32>
      %or3A_1284 = arith.ori %while3A_834, %shift_left3A_1283 : vector<16xi32>
      %or3A_1285 = vector.broadcast %sub3A_842 : i32 to vector<16xi32>
      %or3A_1286 = arith.ori %or3A_1284, %or3A_1285 : vector<16xi32>
      %xor3A_1287 = arith.constant -2147483648 : i32
      %xor3A_1288 = vector.broadcast %xor3A_1287 : i32 to vector<16xi32>
      %xor3A_1289 = arith.xori %or3A_1286, %xor3A_1288 : vector<16xi32>
      %ge3A_1290 = arith.constant 0 : i32
      %ge3A_1291 = vector.broadcast %ge3A_1290 : i32 to vector<16xi32>
      %ge3A_1292 = arith.cmpi sge, %xor3A_1289, %ge3A_1291 : vector<16xi32>
      %sub3A_1293 = arith.constant -2147483648 : i32
      %sub3A_1294 = vector.broadcast %sub3A_1293 : i32 to vector<16xi32>
      %sub3A_1295 = arith.subi %sub3A_1294, %xor3A_1289 : vector<16xi32>
      %select_n3A_1296 = arith.select %ge3A_1292, %xor3A_1289, %sub3A_1295 : vector<16xi1>, vector<16xi32>
      %bitcast3A_1297 = vector.bitcast %select_n3A_1296 : vector<16xi32> to vector<16xf32>
      %broadcast_in_dim3A_1298 = arith.constant 12 : i32
      %broadcast_in_dim3A_1299 = vector.broadcast %broadcast_in_dim3A_1298 : i32 to vector<16xi32>
      %shift_left3A_1300 = vector.broadcast %sub3A_838 : i32 to vector<16xi32>
      %shift_left3A_1301 = arith.shli %broadcast_in_dim3A_1299, %shift_left3A_1300 : vector<16xi32>
      %or3A_1302 = arith.ori %while3A_834, %shift_left3A_1301 : vector<16xi32>
      %or3A_1303 = vector.broadcast %sub3A_842 : i32 to vector<16xi32>
      %or3A_1304 = arith.ori %or3A_1302, %or3A_1303 : vector<16xi32>
      %xor3A_1305 = arith.constant -2147483648 : i32
      %xor3A_1306 = vector.broadcast %xor3A_1305 : i32 to vector<16xi32>
      %xor3A_1307 = arith.xori %or3A_1304, %xor3A_1306 : vector<16xi32>
      %ge3A_1308 = arith.constant 0 : i32
      %ge3A_1309 = vector.broadcast %ge3A_1308 : i32 to vector<16xi32>
      %ge3A_1310 = arith.cmpi sge, %xor3A_1307, %ge3A_1309 : vector<16xi32>
      %sub3A_1311 = arith.constant -2147483648 : i32
      %sub3A_1312 = vector.broadcast %sub3A_1311 : i32 to vector<16xi32>
      %sub3A_1313 = arith.subi %sub3A_1312, %xor3A_1307 : vector<16xi32>
      %select_n3A_1314 = arith.select %ge3A_1310, %xor3A_1307, %sub3A_1313 : vector<16xi1>, vector<16xi32>
      %bitcast3A_1315 = vector.bitcast %select_n3A_1314 : vector<16xi32> to vector<16xf32>
      %broadcast_in_dim3A_1316 = arith.constant 13 : i32
      %broadcast_in_dim3A_1317 = vector.broadcast %broadcast_in_dim3A_1316 : i32 to vector<16xi32>
      %shift_left3A_1318 = vector.broadcast %sub3A_838 : i32 to vector<16xi32>
      %shift_left3A_1319 = arith.shli %broadcast_in_dim3A_1317, %shift_left3A_1318 : vector<16xi32>
      %or3A_1320 = arith.ori %while3A_834, %shift_left3A_1319 : vector<16xi32>
      %or3A_1321 = vector.broadcast %sub3A_842 : i32 to vector<16xi32>
      %or3A_1322 = arith.ori %or3A_1320, %or3A_1321 : vector<16xi32>
      %xor3A_1323 = arith.constant -2147483648 : i32
      %xor3A_1324 = vector.broadcast %xor3A_1323 : i32 to vector<16xi32>
      %xor3A_1325 = arith.xori %or3A_1322, %xor3A_1324 : vector<16xi32>
      %ge3A_1326 = arith.constant 0 : i32
      %ge3A_1327 = vector.broadcast %ge3A_1326 : i32 to vector<16xi32>
      %ge3A_1328 = arith.cmpi sge, %xor3A_1325, %ge3A_1327 : vector<16xi32>
      %sub3A_1329 = arith.constant -2147483648 : i32
      %sub3A_1330 = vector.broadcast %sub3A_1329 : i32 to vector<16xi32>
      %sub3A_1331 = arith.subi %sub3A_1330, %xor3A_1325 : vector<16xi32>
      %select_n3A_1332 = arith.select %ge3A_1328, %xor3A_1325, %sub3A_1331 : vector<16xi1>, vector<16xi32>
      %bitcast3A_1333 = vector.bitcast %select_n3A_1332 : vector<16xi32> to vector<16xf32>
      %broadcast_in_dim3A_1334 = arith.constant 14 : i32
      %broadcast_in_dim3A_1335 = vector.broadcast %broadcast_in_dim3A_1334 : i32 to vector<16xi32>
      %shift_left3A_1336 = vector.broadcast %sub3A_838 : i32 to vector<16xi32>
      %shift_left3A_1337 = arith.shli %broadcast_in_dim3A_1335, %shift_left3A_1336 : vector<16xi32>
      %or3A_1338 = arith.ori %while3A_834, %shift_left3A_1337 : vector<16xi32>
      %or3A_1339 = vector.broadcast %sub3A_842 : i32 to vector<16xi32>
      %or3A_1340 = arith.ori %or3A_1338, %or3A_1339 : vector<16xi32>
      %xor3A_1341 = arith.constant -2147483648 : i32
      %xor3A_1342 = vector.broadcast %xor3A_1341 : i32 to vector<16xi32>
      %xor3A_1343 = arith.xori %or3A_1340, %xor3A_1342 : vector<16xi32>
      %ge3A_1344 = arith.constant 0 : i32
      %ge3A_1345 = vector.broadcast %ge3A_1344 : i32 to vector<16xi32>
      %ge3A_1346 = arith.cmpi sge, %xor3A_1343, %ge3A_1345 : vector<16xi32>
      %sub3A_1347 = arith.constant -2147483648 : i32
      %sub3A_1348 = vector.broadcast %sub3A_1347 : i32 to vector<16xi32>
      %sub3A_1349 = arith.subi %sub3A_1348, %xor3A_1343 : vector<16xi32>
      %select_n3A_1350 = arith.select %ge3A_1346, %xor3A_1343, %sub3A_1349 : vector<16xi1>, vector<16xi32>
      %bitcast3A_1351 = vector.bitcast %select_n3A_1350 : vector<16xi32> to vector<16xf32>
      %while3A_1352 = arith.constant 0 : i32
      %while3A_1353 = arith.subi %select_n3A_336, %while3A_1352 : i32
      %while3A_1354 = arith.addi %while3A_1352, %while3A_1353 : i32
      %while3A_1355 = arith.constant 1 : i32
      %while3A_1356 = arith.divsi %while3A_1353, %while3A_1355 : i32
      %while3A_1357 = arith.muli %while3A_1356, %while3A_1355 : i32
      %while3A_1358 = arith.addi %while3A_1352, %while3A_1357 : i32
      %while3A_1359 = arith.constant 1 : i32
      %while3A_1360:15 = scf.for %while3A_1674 = %while3A_1352 to %while3A_1358 step %while3A_1359 iter_args(%while3A_1675 = %broadcast_in_dim3A_1, %while3A_1676 = %broadcast_in_dim3A_1, %while3A_1677 = %broadcast_in_dim3A_1, %while3A_1678 = %broadcast_in_dim3A_1, %while3A_1679 = %broadcast_in_dim3A_1, %while3A_1680 = %broadcast_in_dim3A_1, %while3A_1681 = %broadcast_in_dim3A_1, %while3A_1682 = %broadcast_in_dim3A_1, %while3A_1683 = %broadcast_in_dim3A_1, %while3A_1684 = %broadcast_in_dim3A_1, %while3A_1685 = %broadcast_in_dim3A_1, %while3A_1686 = %broadcast_in_dim3A_1, %while3A_1687 = %broadcast_in_dim3A_1, %while3A_1688 = %broadcast_in_dim3A_1, %while3A_1689 = %broadcast_in_dim3A_1) -> (vector<16xi32>, vector<16xi32>, vector<16xi32>, vector<16xi32>, vector<16xi32>, vector<16xi32>, vector<16xi32>, vector<16xi32>, vector<16xi32>, vector<16xi32>, vector<16xi32>, vector<16xi32>, vector<16xi32>, vector<16xi32>, vector<16xi32>)  : i32 {
        %mul3A_1690 = arith.constant 16 : i32
        %mul3A_1691 = arith.muli %while3A_1674, %mul3A_1690 : i32
        %get3A_1692 = arith.index_cast %mul3A_1691 : i32 to index
        %get3A_1693 = tpu.vector_load %arg5[%get3A_1692] {strides = array<i32>} : memref<16400xf32, #tpu.memory_space<vmem>>, vector<16xf32>,
        %ge3A_1694 = arith.cmpf oge, %get3A_1693, %bitcast3A_857 : vector<16xf32>
        %all_reduce_population_count3A_1695 = tpu.all_reduce %ge3A_1694 {dim = 0 : i64, kind = #tpu.reduction_kind<sum>} : vector<16xi1> -> vector<16xi32>
        %add3A_1696 = arith.addi %while3A_1675, %all_reduce_population_count3A_1695 : vector<16xi32>
        %ge3A_1697 = arith.cmpf oge, %get3A_1693, %bitcast3A_873 : vector<16xf32>
        %all_reduce_population_count3A_1698 = tpu.all_reduce %ge3A_1697 {dim = 0 : i64, kind = #tpu.reduction_kind<sum>} : vector<16xi1> -> vector<16xi32>
        %add3A_1699 = arith.addi %while3A_1676, %all_reduce_population_count3A_1698 : vector<16xi32>
        %ge3A_1700 = arith.cmpf oge, %get3A_1693, %bitcast3A_889 : vector<16xf32>
        %all_reduce_population_count3A_1701 = tpu.all_reduce %ge3A_1700 {dim = 0 : i64, kind = #tpu.reduction_kind<sum>} : vector<16xi1> -> vector<16xi32>
        %add3A_1702 = arith.addi %while3A_1677, %all_reduce_population_count3A_1701 : vector<16xi32>
        %ge3A_1703 = arith.cmpf oge, %get3A_1693, %bitcast3A_905 : vector<16xf32>
        %all_reduce_population_count3A_1704 = tpu.all_reduce %ge3A_1703 {dim = 0 : i64, kind = #tpu.reduction_kind<sum>} : vector<16xi1> -> vector<16xi32>
        %add3A_1705 = arith.addi %while3A_1678, %all_reduce_population_count3A_1704 : vector<16xi32>
        %ge3A_1706 = arith.cmpf oge, %get3A_1693, %bitcast3A_921 : vector<16xf32>
        %all_reduce_population_count3A_1707 = tpu.all_reduce %ge3A_1706 {dim = 0 : i64, kind = #tpu.reduction_kind<sum>} : vector<16xi1> -> vector<16xi32>
        %add3A_1708 = arith.addi %while3A_1679, %all_reduce_population_count3A_1707 : vector<16xi32>
        %ge3A_1709 = arith.cmpf oge, %get3A_1693, %bitcast3A_937 : vector<16xf32>
        %all_reduce_population_count3A_1710 = tpu.all_reduce %ge3A_1709 {dim = 0 : i64, kind = #tpu.reduction_kind<sum>} : vector<16xi1> -> vector<16xi32>
        %add3A_1711 = arith.addi %while3A_1680, %all_reduce_population_count3A_1710 : vector<16xi32>
        %ge3A_1712 = arith.cmpf oge, %get3A_1693, %bitcast3A_953 : vector<16xf32>
        %all_reduce_population_count3A_1713 = tpu.all_reduce %ge3A_1712 {dim = 0 : i64, kind = #tpu.reduction_kind<sum>} : vector<16xi1> -> vector<16xi32>
        %add3A_1714 = arith.addi %while3A_1681, %all_reduce_population_count3A_1713 : vector<16xi32>
        %ge3A_1715 = arith.cmpf oge, %get3A_1693, %bitcast3A_969 : vector<16xf32>
        %all_reduce_population_count3A_1716 = tpu.all_reduce %ge3A_1715 {dim = 0 : i64, kind = #tpu.reduction_kind<sum>} : vector<16xi1> -> vector<16xi32>
        %add3A_1717 = arith.addi %while3A_1682, %all_reduce_population_count3A_1716 : vector<16xi32>
        %ge3A_1718 = arith.cmpf oge, %get3A_1693, %bitcast3A_985 : vector<16xf32>
        %all_reduce_population_count3A_1719 = tpu.all_reduce %ge3A_1718 {dim = 0 : i64, kind = #tpu.reduction_kind<sum>} : vector<16xi1> -> vector<16xi32>
        %add3A_1720 = arith.addi %while3A_1683, %all_reduce_population_count3A_1719 : vector<16xi32>
        %ge3A_1721 = arith.cmpf oge, %get3A_1693, %bitcast3A_1001 : vector<16xf32>
        %all_reduce_population_count3A_1722 = tpu.all_reduce %ge3A_1721 {dim = 0 : i64, kind = #tpu.reduction_kind<sum>} : vector<16xi1> -> vector<16xi32>
        %add3A_1723 = arith.addi %while3A_1684, %all_reduce_population_count3A_1722 : vector<16xi32>
        %ge3A_1724 = arith.cmpf oge, %get3A_1693, %bitcast3A_1017 : vector<16xf32>
        %all_reduce_population_count3A_1725 = tpu.all_reduce %ge3A_1724 {dim = 0 : i64, kind = #tpu.reduction_kind<sum>} : vector<16xi1> -> vector<16xi32>
        %add3A_1726 = arith.addi %while3A_1685, %all_reduce_population_count3A_1725 : vector<16xi32>
        %ge3A_1727 = arith.cmpf oge, %get3A_1693, %bitcast3A_1033 : vector<16xf32>
        %all_reduce_population_count3A_1728 = tpu.all_reduce %ge3A_1727 {dim = 0 : i64, kind = #tpu.reduction_kind<sum>} : vector<16xi1> -> vector<16xi32>
        %add3A_1729 = arith.addi %while3A_1686, %all_reduce_population_count3A_1728 : vector<16xi32>
        %ge3A_1730 = arith.cmpf oge, %get3A_1693, %bitcast3A_1049 : vector<16xf32>
        %all_reduce_population_count3A_1731 = tpu.all_reduce %ge3A_1730 {dim = 0 : i64, kind = #tpu.reduction_kind<sum>} : vector<16xi1> -> vector<16xi32>
        %add3A_1732 = arith.addi %while3A_1687, %all_reduce_population_count3A_1731 : vector<16xi32>
        %ge3A_1733 = arith.cmpf oge, %get3A_1693, %bitcast3A_1065 : vector<16xf32>
        %all_reduce_population_count3A_1734 = tpu.all_reduce %ge3A_1733 {dim = 0 : i64, kind = #tpu.reduction_kind<sum>} : vector<16xi1> -> vector<16xi32>
        %add3A_1735 = arith.addi %while3A_1688, %all_reduce_population_count3A_1734 : vector<16xi32>
        %ge3A_1736 = arith.cmpf oge, %get3A_1693, %bitcast3A_1081 : vector<16xf32>
        %all_reduce_population_count3A_1737 = tpu.all_reduce %ge3A_1736 {dim = 0 : i64, kind = #tpu.reduction_kind<sum>} : vector<16xi1> -> vector<16xi32>
        %add3A_1738 = arith.addi %while3A_1689, %all_reduce_population_count3A_1737 : vector<16xi32>
        scf.yield %add3A_1696, %add3A_1699, %add3A_1702, %add3A_1705, %add3A_1708, %add3A_1711, %add3A_1714, %add3A_1717, %add3A_1720, %add3A_1723, %add3A_1726, %add3A_1729, %add3A_1732, %add3A_1735, %add3A_1738 : vector<16xi32>, vector<16xi32>, vector<16xi32>, vector<16xi32>, vector<16xi32>, vector<16xi32>, vector<16xi32>, vector<16xi32>, vector<16xi32>, vector<16xi32>, vector<16xi32>, vector<16xi32>, vector<16xi32>, vector<16xi32>, vector<16xi32>
      }
      %while3A_1361 = arith.constant 1 : i32
      %while3A_1362:15 = scf.for %while3A_1674 = %while3A_1358 to %while3A_1354 step %while3A_1361 iter_args(%while3A_1675 = %while3A_1360#0, %while3A_1676 = %while3A_1360#1, %while3A_1677 = %while3A_1360#2, %while3A_1678 = %while3A_1360#3, %while3A_1679 = %while3A_1360#4, %while3A_1680 = %while3A_1360#5, %while3A_1681 = %while3A_1360#6, %while3A_1682 = %while3A_1360#7, %while3A_1683 = %while3A_1360#8, %while3A_1684 = %while3A_1360#9, %while3A_1685 = %while3A_1360#10, %while3A_1686 = %while3A_1360#11, %while3A_1687 = %while3A_1360#12, %while3A_1688 = %while3A_1360#13, %while3A_1689 = %while3A_1360#14) -> (vector<16xi32>, vector<16xi32>, vector<16xi32>, vector<16xi32>, vector<16xi32>, vector<16xi32>, vector<16xi32>, vector<16xi32>, vector<16xi32>, vector<16xi32>, vector<16xi32>, vector<16xi32>, vector<16xi32>, vector<16xi32>, vector<16xi32>)  : i32 {
        %mul3A_1690 = arith.constant 16 : i32
        %mul3A_1691 = arith.muli %while3A_1674, %mul3A_1690 : i32
        %get3A_1692 = arith.index_cast %mul3A_1691 : i32 to index
        %get3A_1693 = tpu.vector_load %arg5[%get3A_1692] {strides = array<i32>} : memref<16400xf32, #tpu.memory_space<vmem>>, vector<16xf32>,
        %ge3A_1694 = arith.cmpf oge, %get3A_1693, %bitcast3A_857 : vector<16xf32>
        %all_reduce_population_count3A_1695 = tpu.all_reduce %ge3A_1694 {dim = 0 : i64, kind = #tpu.reduction_kind<sum>} : vector<16xi1> -> vector<16xi32>
        %add3A_1696 = arith.addi %while3A_1675, %all_reduce_population_count3A_1695 : vector<16xi32>
        %ge3A_1697 = arith.cmpf oge, %get3A_1693, %bitcast3A_873 : vector<16xf32>
        %all_reduce_population_count3A_1698 = tpu.all_reduce %ge3A_1697 {dim = 0 : i64, kind = #tpu.reduction_kind<sum>} : vector<16xi1> -> vector<16xi32>
        %add3A_1699 = arith.addi %while3A_1676, %all_reduce_population_count3A_1698 : vector<16xi32>
        %ge3A_1700 = arith.cmpf oge, %get3A_1693, %bitcast3A_889 : vector<16xf32>
        %all_reduce_population_count3A_1701 = tpu.all_reduce %ge3A_1700 {dim = 0 : i64, kind = #tpu.reduction_kind<sum>} : vector<16xi1> -> vector<16xi32>
        %add3A_1702 = arith.addi %while3A_1677, %all_reduce_population_count3A_1701 : vector<16xi32>
        %ge3A_1703 = arith.cmpf oge, %get3A_1693, %bitcast3A_905 : vector<16xf32>
        %all_reduce_population_count3A_1704 = tpu.all_reduce %ge3A_1703 {dim = 0 : i64, kind = #tpu.reduction_kind<sum>} : vector<16xi1> -> vector<16xi32>
        %add3A_1705 = arith.addi %while3A_1678, %all_reduce_population_count3A_1704 : vector<16xi32>
        %ge3A_1706 = arith.cmpf oge, %get3A_1693, %bitcast3A_921 : vector<16xf32>
        %all_reduce_population_count3A_1707 = tpu.all_reduce %ge3A_1706 {dim = 0 : i64, kind = #tpu.reduction_kind<sum>} : vector<16xi1> -> vector<16xi32>
        %add3A_1708 = arith.addi %while3A_1679, %all_reduce_population_count3A_1707 : vector<16xi32>
        %ge3A_1709 = arith.cmpf oge, %get3A_1693, %bitcast3A_937 : vector<16xf32>
        %all_reduce_population_count3A_1710 = tpu.all_reduce %ge3A_1709 {dim = 0 : i64, kind = #tpu.reduction_kind<sum>} : vector<16xi1> -> vector<16xi32>
        %add3A_1711 = arith.addi %while3A_1680, %all_reduce_population_count3A_1710 : vector<16xi32>
        %ge3A_1712 = arith.cmpf oge, %get3A_1693, %bitcast3A_953 : vector<16xf32>
        %all_reduce_population_count3A_1713 = tpu.all_reduce %ge3A_1712 {dim = 0 : i64, kind = #tpu.reduction_kind<sum>} : vector<16xi1> -> vector<16xi32>
        %add3A_1714 = arith.addi %while3A_1681, %all_reduce_population_count3A_1713 : vector<16xi32>
        %ge3A_1715 = arith.cmpf oge, %get3A_1693, %bitcast3A_969 : vector<16xf32>
        %all_reduce_population_count3A_1716 = tpu.all_reduce %ge3A_1715 {dim = 0 : i64, kind = #tpu.reduction_kind<sum>} : vector<16xi1> -> vector<16xi32>
        %add3A_1717 = arith.addi %while3A_1682, %all_reduce_population_count3A_1716 : vector<16xi32>
        %ge3A_1718 = arith.cmpf oge, %get3A_1693, %bitcast3A_985 : vector<16xf32>
        %all_reduce_population_count3A_1719 = tpu.all_reduce %ge3A_1718 {dim = 0 : i64, kind = #tpu.reduction_kind<sum>} : vector<16xi1> -> vector<16xi32>
        %add3A_1720 = arith.addi %while3A_1683, %all_reduce_population_count3A_1719 : vector<16xi32>
        %ge3A_1721 = arith.cmpf oge, %get3A_1693, %bitcast3A_1001 : vector<16xf32>
        %all_reduce_population_count3A_1722 = tpu.all_reduce %ge3A_1721 {dim = 0 : i64, kind = #tpu.reduction_kind<sum>} : vector<16xi1> -> vector<16xi32>
        %add3A_1723 = arith.addi %while3A_1684, %all_reduce_population_count3A_1722 : vector<16xi32>
        %ge3A_1724 = arith.cmpf oge, %get3A_1693, %bitcast3A_1017 : vector<16xf32>
        %all_reduce_population_count3A_1725 = tpu.all_reduce %ge3A_1724 {dim = 0 : i64, kind = #tpu.reduction_kind<sum>} : vector<16xi1> -> vector<16xi32>
        %add3A_1726 = arith.addi %while3A_1685, %all_reduce_population_count3A_1725 : vector<16xi32>
        %ge3A_1727 = arith.cmpf oge, %get3A_1693, %bitcast3A_1033 : vector<16xf32>
        %all_reduce_population_count3A_1728 = tpu.all_reduce %ge3A_1727 {dim = 0 : i64, kind = #tpu.reduction_kind<sum>} : vector<16xi1> -> vector<16xi32>
        %add3A_1729 = arith.addi %while3A_1686, %all_reduce_population_count3A_1728 : vector<16xi32>
        %ge3A_1730 = arith.cmpf oge, %get3A_1693, %bitcast3A_1049 : vector<16xf32>
        %all_reduce_population_count3A_1731 = tpu.all_reduce %ge3A_1730 {dim = 0 : i64, kind = #tpu.reduction_kind<sum>} : vector<16xi1> -> vector<16xi32>
        %add3A_1732 = arith.addi %while3A_1687, %all_reduce_population_count3A_1731 : vector<16xi32>
        %ge3A_1733 = arith.cmpf oge, %get3A_1693, %bitcast3A_1065 : vector<16xf32>
        %all_reduce_population_count3A_1734 = tpu.all_reduce %ge3A_1733 {dim = 0 : i64, kind = #tpu.reduction_kind<sum>} : vector<16xi1> -> vector<16xi32>
        %add3A_1735 = arith.addi %while3A_1688, %all_reduce_population_count3A_1734 : vector<16xi32>
        %ge3A_1736 = arith.cmpf oge, %get3A_1693, %bitcast3A_1081 : vector<16xf32>
        %all_reduce_population_count3A_1737 = tpu.all_reduce %ge3A_1736 {dim = 0 : i64, kind = #tpu.reduction_kind<sum>} : vector<16xi1> -> vector<16xi32>
        %add3A_1738 = arith.addi %while3A_1689, %all_reduce_population_count3A_1737 : vector<16xi32>
        scf.yield %add3A_1696, %add3A_1699, %add3A_1702, %add3A_1705, %add3A_1708, %add3A_1711, %add3A_1714, %add3A_1717, %add3A_1720, %add3A_1723, %add3A_1726, %add3A_1729, %add3A_1732, %add3A_1735, %add3A_1738 : vector<16xi32>, vector<16xi32>, vector<16xi32>, vector<16xi32>, vector<16xi32>, vector<16xi32>, vector<16xi32>, vector<16xi32>, vector<16xi32>, vector<16xi32>, vector<16xi32>, vector<16xi32>, vector<16xi32>, vector<16xi32>, vector<16xi32>
      }
      %while3A_1363 = arith.constant 0 : i32
      %while3A_1364 = arith.subi %select_n3A_370, %while3A_1363 : i32
      %while3A_1365 = arith.addi %while3A_1363, %while3A_1364 : i32
      %while3A_1366 = arith.constant 1 : i32
      %while3A_1367 = arith.divsi %while3A_1364, %while3A_1366 : i32
      %while3A_1368 = arith.muli %while3A_1367, %while3A_1366 : i32
      %while3A_1369 = arith.addi %while3A_1363, %while3A_1368 : i32
      %while3A_1370 = arith.constant 1 : i32
      %while3A_1371:15 = scf.for %while3A_1674 = %while3A_1363 to %while3A_1369 step %while3A_1370 iter_args(%while3A_1675 = %broadcast_in_dim3A_1, %while3A_1676 = %broadcast_in_dim3A_1, %while3A_1677 = %broadcast_in_dim3A_1, %while3A_1678 = %broadcast_in_dim3A_1, %while3A_1679 = %broadcast_in_dim3A_1, %while3A_1680 = %broadcast_in_dim3A_1, %while3A_1681 = %broadcast_in_dim3A_1, %while3A_1682 = %broadcast_in_dim3A_1, %while3A_1683 = %broadcast_in_dim3A_1, %while3A_1684 = %broadcast_in_dim3A_1, %while3A_1685 = %broadcast_in_dim3A_1, %while3A_1686 = %broadcast_in_dim3A_1, %while3A_1687 = %broadcast_in_dim3A_1, %while3A_1688 = %broadcast_in_dim3A_1, %while3A_1689 = %broadcast_in_dim3A_1) -> (vector<16xi32>, vector<16xi32>, vector<16xi32>, vector<16xi32>, vector<16xi32>, vector<16xi32>, vector<16xi32>, vector<16xi32>, vector<16xi32>, vector<16xi32>, vector<16xi32>, vector<16xi32>, vector<16xi32>, vector<16xi32>, vector<16xi32>)  : i32 {
        %mul3A_1690 = arith.constant 16 : i32
        %mul3A_1691 = arith.muli %while3A_1674, %mul3A_1690 : i32
        %get3A_1692 = arith.index_cast %mul3A_1691 : i32 to index
        %get3A_1693 = tpu.vector_load %arg6[%get3A_1692] {strides = array<i32>} : memref<16400xf32, #tpu.memory_space<vmem>>, vector<16xf32>,
        %le3A_1694 = arith.cmpf ole, %get3A_1693, %bitcast3A_1099 : vector<16xf32>
        %all_reduce_population_count3A_1695 = tpu.all_reduce %le3A_1694 {dim = 0 : i64, kind = #tpu.reduction_kind<sum>} : vector<16xi1> -> vector<16xi32>
        %add3A_1696 = arith.addi %while3A_1675, %all_reduce_population_count3A_1695 : vector<16xi32>
        %le3A_1697 = arith.cmpf ole, %get3A_1693, %bitcast3A_1117 : vector<16xf32>
        %all_reduce_population_count3A_1698 = tpu.all_reduce %le3A_1697 {dim = 0 : i64, kind = #tpu.reduction_kind<sum>} : vector<16xi1> -> vector<16xi32>
        %add3A_1699 = arith.addi %while3A_1676, %all_reduce_population_count3A_1698 : vector<16xi32>
        %le3A_1700 = arith.cmpf ole, %get3A_1693, %bitcast3A_1135 : vector<16xf32>
        %all_reduce_population_count3A_1701 = tpu.all_reduce %le3A_1700 {dim = 0 : i64, kind = #tpu.reduction_kind<sum>} : vector<16xi1> -> vector<16xi32>
        %add3A_1702 = arith.addi %while3A_1677, %all_reduce_population_count3A_1701 : vector<16xi32>
        %le3A_1703 = arith.cmpf ole, %get3A_1693, %bitcast3A_1153 : vector<16xf32>
        %all_reduce_population_count3A_1704 = tpu.all_reduce %le3A_1703 {dim = 0 : i64, kind = #tpu.reduction_kind<sum>} : vector<16xi1> -> vector<16xi32>
        %add3A_1705 = arith.addi %while3A_1678, %all_reduce_population_count3A_1704 : vector<16xi32>
        %le3A_1706 = arith.cmpf ole, %get3A_1693, %bitcast3A_1171 : vector<16xf32>
        %all_reduce_population_count3A_1707 = tpu.all_reduce %le3A_1706 {dim = 0 : i64, kind = #tpu.reduction_kind<sum>} : vector<16xi1> -> vector<16xi32>
        %add3A_1708 = arith.addi %while3A_1679, %all_reduce_population_count3A_1707 : vector<16xi32>
        %le3A_1709 = arith.cmpf ole, %get3A_1693, %bitcast3A_1189 : vector<16xf32>
        %all_reduce_population_count3A_1710 = tpu.all_reduce %le3A_1709 {dim = 0 : i64, kind = #tpu.reduction_kind<sum>} : vector<16xi1> -> vector<16xi32>
        %add3A_1711 = arith.addi %while3A_1680, %all_reduce_population_count3A_1710 : vector<16xi32>
        %le3A_1712 = arith.cmpf ole, %get3A_1693, %bitcast3A_1207 : vector<16xf32>
        %all_reduce_population_count3A_1713 = tpu.all_reduce %le3A_1712 {dim = 0 : i64, kind = #tpu.reduction_kind<sum>} : vector<16xi1> -> vector<16xi32>
        %add3A_1714 = arith.addi %while3A_1681, %all_reduce_population_count3A_1713 : vector<16xi32>
        %le3A_1715 = arith.cmpf ole, %get3A_1693, %bitcast3A_1225 : vector<16xf32>
        %all_reduce_population_count3A_1716 = tpu.all_reduce %le3A_1715 {dim = 0 : i64, kind = #tpu.reduction_kind<sum>} : vector<16xi1> -> vector<16xi32>
        %add3A_1717 = arith.addi %while3A_1682, %all_reduce_population_count3A_1716 : vector<16xi32>
        %le3A_1718 = arith.cmpf ole, %get3A_1693, %bitcast3A_1243 : vector<16xf32>
        %all_reduce_population_count3A_1719 = tpu.all_reduce %le3A_1718 {dim = 0 : i64, kind = #tpu.reduction_kind<sum>} : vector<16xi1> -> vector<16xi32>
        %add3A_1720 = arith.addi %while3A_1683, %all_reduce_population_count3A_1719 : vector<16xi32>
        %le3A_1721 = arith.cmpf ole, %get3A_1693, %bitcast3A_1261 : vector<16xf32>
        %all_reduce_population_count3A_1722 = tpu.all_reduce %le3A_1721 {dim = 0 : i64, kind = #tpu.reduction_kind<sum>} : vector<16xi1> -> vector<16xi32>
        %add3A_1723 = arith.addi %while3A_1684, %all_reduce_population_count3A_1722 : vector<16xi32>
        %le3A_1724 = arith.cmpf ole, %get3A_1693, %bitcast3A_1279 : vector<16xf32>
        %all_reduce_population_count3A_1725 = tpu.all_reduce %le3A_1724 {dim = 0 : i64, kind = #tpu.reduction_kind<sum>} : vector<16xi1> -> vector<16xi32>
        %add3A_1726 = arith.addi %while3A_1685, %all_reduce_population_count3A_1725 : vector<16xi32>
        %le3A_1727 = arith.cmpf ole, %get3A_1693, %bitcast3A_1297 : vector<16xf32>
        %all_reduce_population_count3A_1728 = tpu.all_reduce %le3A_1727 {dim = 0 : i64, kind = #tpu.reduction_kind<sum>} : vector<16xi1> -> vector<16xi32>
        %add3A_1729 = arith.addi %while3A_1686, %all_reduce_population_count3A_1728 : vector<16xi32>
        %le3A_1730 = arith.cmpf ole, %get3A_1693, %bitcast3A_1315 : vector<16xf32>
        %all_reduce_population_count3A_1731 = tpu.all_reduce %le3A_1730 {dim = 0 : i64, kind = #tpu.reduction_kind<sum>} : vector<16xi1> -> vector<16xi32>
        %add3A_1732 = arith.addi %while3A_1687, %all_reduce_population_count3A_1731 : vector<16xi32>
        %le3A_1733 = arith.cmpf ole, %get3A_1693, %bitcast3A_1333 : vector<16xf32>
        %all_reduce_population_count3A_1734 = tpu.all_reduce %le3A_1733 {dim = 0 : i64, kind = #tpu.reduction_kind<sum>} : vector<16xi1> -> vector<16xi32>
        %add3A_1735 = arith.addi %while3A_1688, %all_reduce_population_count3A_1734 : vector<16xi32>
        %le3A_1736 = arith.cmpf ole, %get3A_1693, %bitcast3A_1351 : vector<16xf32>
        %all_reduce_population_count3A_1737 = tpu.all_reduce %le3A_1736 {dim = 0 : i64, kind = #tpu.reduction_kind<sum>} : vector<16xi1> -> vector<16xi32>
        %add3A_1738 = arith.addi %while3A_1689, %all_reduce_population_count3A_1737 : vector<16xi32>
        scf.yield %add3A_1696, %add3A_1699, %add3A_1702, %add3A_1705, %add3A_1708, %add3A_1711, %add3A_1714, %add3A_1717, %add3A_1720, %add3A_1723, %add3A_1726, %add3A_1729, %add3A_1732, %add3A_1735, %add3A_1738 : vector<16xi32>, vector<16xi32>, vector<16xi32>, vector<16xi32>, vector<16xi32>, vector<16xi32>, vector<16xi32>, vector<16xi32>, vector<16xi32>, vector<16xi32>, vector<16xi32>, vector<16xi32>, vector<16xi32>, vector<16xi32>, vector<16xi32>
      }
      %while3A_1372 = arith.constant 1 : i32
      %while3A_1373:15 = scf.for %while3A_1674 = %while3A_1369 to %while3A_1365 step %while3A_1372 iter_args(%while3A_1675 = %while3A_1371#0, %while3A_1676 = %while3A_1371#1, %while3A_1677 = %while3A_1371#2, %while3A_1678 = %while3A_1371#3, %while3A_1679 = %while3A_1371#4, %while3A_1680 = %while3A_1371#5, %while3A_1681 = %while3A_1371#6, %while3A_1682 = %while3A_1371#7, %while3A_1683 = %while3A_1371#8, %while3A_1684 = %while3A_1371#9, %while3A_1685 = %while3A_1371#10, %while3A_1686 = %while3A_1371#11, %while3A_1687 = %while3A_1371#12, %while3A_1688 = %while3A_1371#13, %while3A_1689 = %while3A_1371#14) -> (vector<16xi32>, vector<16xi32>, vector<16xi32>, vector<16xi32>, vector<16xi32>, vector<16xi32>, vector<16xi32>, vector<16xi32>, vector<16xi32>, vector<16xi32>, vector<16xi32>, vector<16xi32>, vector<16xi32>, vector<16xi32>, vector<16xi32>)  : i32 {
        %mul3A_1690 = arith.constant 16 : i32
        %mul3A_1691 = arith.muli %while3A_1674, %mul3A_1690 : i32
        %get3A_1692 = arith.index_cast %mul3A_1691 : i32 to index
        %get3A_1693 = tpu.vector_load %arg6[%get3A_1692] {strides = array<i32>} : memref<16400xf32, #tpu.memory_space<vmem>>, vector<16xf32>,
        %le3A_1694 = arith.cmpf ole, %get3A_1693, %bitcast3A_1099 : vector<16xf32>
        %all_reduce_population_count3A_1695 = tpu.all_reduce %le3A_1694 {dim = 0 : i64, kind = #tpu.reduction_kind<sum>} : vector<16xi1> -> vector<16xi32>
        %add3A_1696 = arith.addi %while3A_1675, %all_reduce_population_count3A_1695 : vector<16xi32>
        %le3A_1697 = arith.cmpf ole, %get3A_1693, %bitcast3A_1117 : vector<16xf32>
        %all_reduce_population_count3A_1698 = tpu.all_reduce %le3A_1697 {dim = 0 : i64, kind = #tpu.reduction_kind<sum>} : vector<16xi1> -> vector<16xi32>
        %add3A_1699 = arith.addi %while3A_1676, %all_reduce_population_count3A_1698 : vector<16xi32>
        %le3A_1700 = arith.cmpf ole, %get3A_1693, %bitcast3A_1135 : vector<16xf32>
        %all_reduce_population_count3A_1701 = tpu.all_reduce %le3A_1700 {dim = 0 : i64, kind = #tpu.reduction_kind<sum>} : vector<16xi1> -> vector<16xi32>
        %add3A_1702 = arith.addi %while3A_1677, %all_reduce_population_count3A_1701 : vector<16xi32>
        %le3A_1703 = arith.cmpf ole, %get3A_1693, %bitcast3A_1153 : vector<16xf32>
        %all_reduce_population_count3A_1704 = tpu.all_reduce %le3A_1703 {dim = 0 : i64, kind = #tpu.reduction_kind<sum>} : vector<16xi1> -> vector<16xi32>
        %add3A_1705 = arith.addi %while3A_1678, %all_reduce_population_count3A_1704 : vector<16xi32>
        %le3A_1706 = arith.cmpf ole, %get3A_1693, %bitcast3A_1171 : vector<16xf32>
        %all_reduce_population_count3A_1707 = tpu.all_reduce %le3A_1706 {dim = 0 : i64, kind = #tpu.reduction_kind<sum>} : vector<16xi1> -> vector<16xi32>
        %add3A_1708 = arith.addi %while3A_1679, %all_reduce_population_count3A_1707 : vector<16xi32>
        %le3A_1709 = arith.cmpf ole, %get3A_1693, %bitcast3A_1189 : vector<16xf32>
        %all_reduce_population_count3A_1710 = tpu.all_reduce %le3A_1709 {dim = 0 : i64, kind = #tpu.reduction_kind<sum>} : vector<16xi1> -> vector<16xi32>
        %add3A_1711 = arith.addi %while3A_1680, %all_reduce_population_count3A_1710 : vector<16xi32>
        %le3A_1712 = arith.cmpf ole, %get3A_1693, %bitcast3A_1207 : vector<16xf32>
        %all_reduce_population_count3A_1713 = tpu.all_reduce %le3A_1712 {dim = 0 : i64, kind = #tpu.reduction_kind<sum>} : vector<16xi1> -> vector<16xi32>
        %add3A_1714 = arith.addi %while3A_1681, %all_reduce_population_count3A_1713 : vector<16xi32>
        %le3A_1715 = arith.cmpf ole, %get3A_1693, %bitcast3A_1225 : vector<16xf32>
        %all_reduce_population_count3A_1716 = tpu.all_reduce %le3A_1715 {dim = 0 : i64, kind = #tpu.reduction_kind<sum>} : vector<16xi1> -> vector<16xi32>
        %add3A_1717 = arith.addi %while3A_1682, %all_reduce_population_count3A_1716 : vector<16xi32>
        %le3A_1718 = arith.cmpf ole, %get3A_1693, %bitcast3A_1243 : vector<16xf32>
        %all_reduce_population_count3A_1719 = tpu.all_reduce %le3A_1718 {dim = 0 : i64, kind = #tpu.reduction_kind<sum>} : vector<16xi1> -> vector<16xi32>
        %add3A_1720 = arith.addi %while3A_1683, %all_reduce_population_count3A_1719 : vector<16xi32>
        %le3A_1721 = arith.cmpf ole, %get3A_1693, %bitcast3A_1261 : vector<16xf32>
        %all_reduce_population_count3A_1722 = tpu.all_reduce %le3A_1721 {dim = 0 : i64, kind = #tpu.reduction_kind<sum>} : vector<16xi1> -> vector<16xi32>
        %add3A_1723 = arith.addi %while3A_1684, %all_reduce_population_count3A_1722 : vector<16xi32>
        %le3A_1724 = arith.cmpf ole, %get3A_1693, %bitcast3A_1279 : vector<16xf32>
        %all_reduce_population_count3A_1725 = tpu.all_reduce %le3A_1724 {dim = 0 : i64, kind = #tpu.reduction_kind<sum>} : vector<16xi1> -> vector<16xi32>
        %add3A_1726 = arith.addi %while3A_1685, %all_reduce_population_count3A_1725 : vector<16xi32>
        %le3A_1727 = arith.cmpf ole, %get3A_1693, %bitcast3A_1297 : vector<16xf32>
        %all_reduce_population_count3A_1728 = tpu.all_reduce %le3A_1727 {dim = 0 : i64, kind = #tpu.reduction_kind<sum>} : vector<16xi1> -> vector<16xi32>
        %add3A_1729 = arith.addi %while3A_1686, %all_reduce_population_count3A_1728 : vector<16xi32>
        %le3A_1730 = arith.cmpf ole, %get3A_1693, %bitcast3A_1315 : vector<16xf32>
        %all_reduce_population_count3A_1731 = tpu.all_reduce %le3A_1730 {dim = 0 : i64, kind = #tpu.reduction_kind<sum>} : vector<16xi1> -> vector<16xi32>
        %add3A_1732 = arith.addi %while3A_1687, %all_reduce_population_count3A_1731 : vector<16xi32>
        %le3A_1733 = arith.cmpf ole, %get3A_1693, %bitcast3A_1333 : vector<16xf32>
        %all_reduce_population_count3A_1734 = tpu.all_reduce %le3A_1733 {dim = 0 : i64, kind = #tpu.reduction_kind<sum>} : vector<16xi1> -> vector<16xi32>
        %add3A_1735 = arith.addi %while3A_1688, %all_reduce_population_count3A_1734 : vector<16xi32>
        %le3A_1736 = arith.cmpf ole, %get3A_1693, %bitcast3A_1351 : vector<16xf32>
        %all_reduce_population_count3A_1737 = tpu.all_reduce %le3A_1736 {dim = 0 : i64, kind = #tpu.reduction_kind<sum>} : vector<16xi1> -> vector<16xi32>
        %add3A_1738 = arith.addi %while3A_1689, %all_reduce_population_count3A_1737 : vector<16xi32>
        scf.yield %add3A_1696, %add3A_1699, %add3A_1702, %add3A_1705, %add3A_1708, %add3A_1711, %add3A_1714, %add3A_1717, %add3A_1720, %add3A_1723, %add3A_1726, %add3A_1729, %add3A_1732, %add3A_1735, %add3A_1738 : vector<16xi32>, vector<16xi32>, vector<16xi32>, vector<16xi32>, vector<16xi32>, vector<16xi32>, vector<16xi32>, vector<16xi32>, vector<16xi32>, vector<16xi32>, vector<16xi32>, vector<16xi32>, vector<16xi32>, vector<16xi32>, vector<16xi32>
      }
      %eq3A_1374 = arith.constant 1 : i32
      %eq3A_1375 = vector.broadcast %eq3A_1374 : i32 to vector<16xi32>
      %eq3A_1376 = arith.cmpi eq, %iota3A, %eq3A_1375 : vector<16xi32>
      %select_n3A_1377 = arith.select %eq3A_1376, %while3A_1362#0, %broadcast_in_dim3A_1 : vector<16xi1>, vector<16xi32>
      %add3A_1378 = arith.addi %broadcast_in_dim3A_1, %select_n3A_1377 : vector<16xi32>
      %eq3A_1379 = arith.constant 2 : i32
      %eq3A_1380 = vector.broadcast %eq3A_1379 : i32 to vector<16xi32>
      %eq3A_1381 = arith.cmpi eq, %iota3A, %eq3A_1380 : vector<16xi32>
      %select_n3A_1382 = arith.select %eq3A_1381, %while3A_1362#1, %broadcast_in_dim3A_1 : vector<16xi1>, vector<16xi32>
      %add3A_1383 = arith.addi %add3A_1378, %select_n3A_1382 : vector<16xi32>
      %eq3A_1384 = arith.constant 3 : i32
      %eq3A_1385 = vector.broadcast %eq3A_1384 : i32 to vector<16xi32>
      %eq3A_1386 = arith.cmpi eq, %iota3A, %eq3A_1385 : vector<16xi32>
      %select_n3A_1387 = arith.select %eq3A_1386, %while3A_1362#2, %broadcast_in_dim3A_1 : vector<16xi1>, vector<16xi32>
      %add3A_1388 = arith.addi %add3A_1383, %select_n3A_1387 : vector<16xi32>
      %eq3A_1389 = arith.constant 4 : i32
      %eq3A_1390 = vector.broadcast %eq3A_1389 : i32 to vector<16xi32>
      %eq3A_1391 = arith.cmpi eq, %iota3A, %eq3A_1390 : vector<16xi32>
      %select_n3A_1392 = arith.select %eq3A_1391, %while3A_1362#3, %broadcast_in_dim3A_1 : vector<16xi1>, vector<16xi32>
      %add3A_1393 = arith.addi %add3A_1388, %select_n3A_1392 : vector<16xi32>
      %eq3A_1394 = arith.constant 5 : i32
      %eq3A_1395 = vector.broadcast %eq3A_1394 : i32 to vector<16xi32>
      %eq3A_1396 = arith.cmpi eq, %iota3A, %eq3A_1395 : vector<16xi32>
      %select_n3A_1397 = arith.select %eq3A_1396, %while3A_1362#4, %broadcast_in_dim3A_1 : vector<16xi1>, vector<16xi32>
      %add3A_1398 = arith.addi %add3A_1393, %select_n3A_1397 : vector<16xi32>
      %eq3A_1399 = arith.constant 6 : i32
      %eq3A_1400 = vector.broadcast %eq3A_1399 : i32 to vector<16xi32>
      %eq3A_1401 = arith.cmpi eq, %iota3A, %eq3A_1400 : vector<16xi32>
      %select_n3A_1402 = arith.select %eq3A_1401, %while3A_1362#5, %broadcast_in_dim3A_1 : vector<16xi1>, vector<16xi32>
      %add3A_1403 = arith.addi %add3A_1398, %select_n3A_1402 : vector<16xi32>
      %eq3A_1404 = arith.constant 7 : i32
      %eq3A_1405 = vector.broadcast %eq3A_1404 : i32 to vector<16xi32>
      %eq3A_1406 = arith.cmpi eq, %iota3A, %eq3A_1405 : vector<16xi32>
      %select_n3A_1407 = arith.select %eq3A_1406, %while3A_1362#6, %broadcast_in_dim3A_1 : vector<16xi1>, vector<16xi32>
      %add3A_1408 = arith.addi %add3A_1403, %select_n3A_1407 : vector<16xi32>
      %eq3A_1409 = arith.constant 8 : i32
      %eq3A_1410 = vector.broadcast %eq3A_1409 : i32 to vector<16xi32>
      %eq3A_1411 = arith.cmpi eq, %iota3A, %eq3A_1410 : vector<16xi32>
      %select_n3A_1412 = arith.select %eq3A_1411, %while3A_1362#7, %broadcast_in_dim3A_1 : vector<16xi1>, vector<16xi32>
      %add3A_1413 = arith.addi %add3A_1408, %select_n3A_1412 : vector<16xi32>
      %eq3A_1414 = arith.constant 9 : i32
      %eq3A_1415 = vector.broadcast %eq3A_1414 : i32 to vector<16xi32>
      %eq3A_1416 = arith.cmpi eq, %iota3A, %eq3A_1415 : vector<16xi32>
      %select_n3A_1417 = arith.select %eq3A_1416, %while3A_1362#8, %broadcast_in_dim3A_1 : vector<16xi1>, vector<16xi32>
      %add3A_1418 = arith.addi %add3A_1413, %select_n3A_1417 : vector<16xi32>
      %eq3A_1419 = arith.constant 10 : i32
      %eq3A_1420 = vector.broadcast %eq3A_1419 : i32 to vector<16xi32>
      %eq3A_1421 = arith.cmpi eq, %iota3A, %eq3A_1420 : vector<16xi32>
      %select_n3A_1422 = arith.select %eq3A_1421, %while3A_1362#9, %broadcast_in_dim3A_1 : vector<16xi1>, vector<16xi32>
      %add3A_1423 = arith.addi %add3A_1418, %select_n3A_1422 : vector<16xi32>
      %eq3A_1424 = arith.constant 11 : i32
      %eq3A_1425 = vector.broadcast %eq3A_1424 : i32 to vector<16xi32>
      %eq3A_1426 = arith.cmpi eq, %iota3A, %eq3A_1425 : vector<16xi32>
      %select_n3A_1427 = arith.select %eq3A_1426, %while3A_1362#10, %broadcast_in_dim3A_1 : vector<16xi1>, vector<16xi32>
      %add3A_1428 = arith.addi %add3A_1423, %select_n3A_1427 : vector<16xi32>
      %eq3A_1429 = arith.constant 12 : i32
      %eq3A_1430 = vector.broadcast %eq3A_1429 : i32 to vector<16xi32>
      %eq3A_1431 = arith.cmpi eq, %iota3A, %eq3A_1430 : vector<16xi32>
      %select_n3A_1432 = arith.select %eq3A_1431, %while3A_1362#11, %broadcast_in_dim3A_1 : vector<16xi1>, vector<16xi32>
      %add3A_1433 = arith.addi %add3A_1428, %select_n3A_1432 : vector<16xi32>
      %eq3A_1434 = arith.constant 13 : i32
      %eq3A_1435 = vector.broadcast %eq3A_1434 : i32 to vector<16xi32>
      %eq3A_1436 = arith.cmpi eq, %iota3A, %eq3A_1435 : vector<16xi32>
      %select_n3A_1437 = arith.select %eq3A_1436, %while3A_1362#12, %broadcast_in_dim3A_1 : vector<16xi1>, vector<16xi32>
      %add3A_1438 = arith.addi %add3A_1433, %select_n3A_1437 : vector<16xi32>
      %eq3A_1439 = arith.constant 14 : i32
      %eq3A_1440 = vector.broadcast %eq3A_1439 : i32 to vector<16xi32>
      %eq3A_1441 = arith.cmpi eq, %iota3A, %eq3A_1440 : vector<16xi32>
      %select_n3A_1442 = arith.select %eq3A_1441, %while3A_1362#13, %broadcast_in_dim3A_1 : vector<16xi1>, vector<16xi32>
      %add3A_1443 = arith.addi %add3A_1438, %select_n3A_1442 : vector<16xi32>
      %eq3A_1444 = arith.constant 15 : i32
      %eq3A_1445 = vector.broadcast %eq3A_1444 : i32 to vector<16xi32>
      %eq3A_1446 = arith.cmpi eq, %iota3A, %eq3A_1445 : vector<16xi32>
      %select_n3A_1447 = arith.select %eq3A_1446, %while3A_1362#14, %broadcast_in_dim3A_1 : vector<16xi1>, vector<16xi32>
      %add3A_1448 = arith.addi %add3A_1443, %select_n3A_1447 : vector<16xi32>
      %eq3A_1449 = arith.constant 0 : i32
      %eq3A_1450 = vector.broadcast %eq3A_1449 : i32 to vector<16xi32>
      %eq3A_1451 = arith.cmpi eq, %iota3A, %eq3A_1450 : vector<16xi32>
      %select_n3A_1452 = arith.select %eq3A_1451, %while3A_1373#0, %broadcast_in_dim3A_1 : vector<16xi1>, vector<16xi32>
      %add3A_1453 = arith.addi %broadcast_in_dim3A_1, %select_n3A_1452 : vector<16xi32>
      %eq3A_1454 = arith.constant 1 : i32
      %eq3A_1455 = vector.broadcast %eq3A_1454 : i32 to vector<16xi32>
      %eq3A_1456 = arith.cmpi eq, %iota3A, %eq3A_1455 : vector<16xi32>
      %select_n3A_1457 = arith.select %eq3A_1456, %while3A_1373#1, %broadcast_in_dim3A_1 : vector<16xi1>, vector<16xi32>
      %add3A_1458 = arith.addi %add3A_1453, %select_n3A_1457 : vector<16xi32>
      %eq3A_1459 = arith.constant 2 : i32
      %eq3A_1460 = vector.broadcast %eq3A_1459 : i32 to vector<16xi32>
      %eq3A_1461 = arith.cmpi eq, %iota3A, %eq3A_1460 : vector<16xi32>
      %select_n3A_1462 = arith.select %eq3A_1461, %while3A_1373#2, %broadcast_in_dim3A_1 : vector<16xi1>, vector<16xi32>
      %add3A_1463 = arith.addi %add3A_1458, %select_n3A_1462 : vector<16xi32>
      %eq3A_1464 = arith.constant 3 : i32
      %eq3A_1465 = vector.broadcast %eq3A_1464 : i32 to vector<16xi32>
      %eq3A_1466 = arith.cmpi eq, %iota3A, %eq3A_1465 : vector<16xi32>
      %select_n3A_1467 = arith.select %eq3A_1466, %while3A_1373#3, %broadcast_in_dim3A_1 : vector<16xi1>, vector<16xi32>
      %add3A_1468 = arith.addi %add3A_1463, %select_n3A_1467 : vector<16xi32>
      %eq3A_1469 = arith.constant 4 : i32
      %eq3A_1470 = vector.broadcast %eq3A_1469 : i32 to vector<16xi32>
      %eq3A_1471 = arith.cmpi eq, %iota3A, %eq3A_1470 : vector<16xi32>
      %select_n3A_1472 = arith.select %eq3A_1471, %while3A_1373#4, %broadcast_in_dim3A_1 : vector<16xi1>, vector<16xi32>
      %add3A_1473 = arith.addi %add3A_1468, %select_n3A_1472 : vector<16xi32>
      %eq3A_1474 = arith.constant 5 : i32
      %eq3A_1475 = vector.broadcast %eq3A_1474 : i32 to vector<16xi32>
      %eq3A_1476 = arith.cmpi eq, %iota3A, %eq3A_1475 : vector<16xi32>
      %select_n3A_1477 = arith.select %eq3A_1476, %while3A_1373#5, %broadcast_in_dim3A_1 : vector<16xi1>, vector<16xi32>
      %add3A_1478 = arith.addi %add3A_1473, %select_n3A_1477 : vector<16xi32>
      %eq3A_1479 = arith.constant 6 : i32
      %eq3A_1480 = vector.broadcast %eq3A_1479 : i32 to vector<16xi32>
      %eq3A_1481 = arith.cmpi eq, %iota3A, %eq3A_1480 : vector<16xi32>
      %select_n3A_1482 = arith.select %eq3A_1481, %while3A_1373#6, %broadcast_in_dim3A_1 : vector<16xi1>, vector<16xi32>
      %add3A_1483 = arith.addi %add3A_1478, %select_n3A_1482 : vector<16xi32>
      %eq3A_1484 = arith.constant 7 : i32
      %eq3A_1485 = vector.broadcast %eq3A_1484 : i32 to vector<16xi32>
      %eq3A_1486 = arith.cmpi eq, %iota3A, %eq3A_1485 : vector<16xi32>
      %select_n3A_1487 = arith.select %eq3A_1486, %while3A_1373#7, %broadcast_in_dim3A_1 : vector<16xi1>, vector<16xi32>
      %add3A_1488 = arith.addi %add3A_1483, %select_n3A_1487 : vector<16xi32>
      %eq3A_1489 = arith.constant 8 : i32
      %eq3A_1490 = vector.broadcast %eq3A_1489 : i32 to vector<16xi32>
      %eq3A_1491 = arith.cmpi eq, %iota3A, %eq3A_1490 : vector<16xi32>
      %select_n3A_1492 = arith.select %eq3A_1491, %while3A_1373#8, %broadcast_in_dim3A_1 : vector<16xi1>, vector<16xi32>
      %add3A_1493 = arith.addi %add3A_1488, %select_n3A_1492 : vector<16xi32>
      %eq3A_1494 = arith.constant 9 : i32
      %eq3A_1495 = vector.broadcast %eq3A_1494 : i32 to vector<16xi32>
      %eq3A_1496 = arith.cmpi eq, %iota3A, %eq3A_1495 : vector<16xi32>
      %select_n3A_1497 = arith.select %eq3A_1496, %while3A_1373#9, %broadcast_in_dim3A_1 : vector<16xi1>, vector<16xi32>
      %add3A_1498 = arith.addi %add3A_1493, %select_n3A_1497 : vector<16xi32>
      %eq3A_1499 = arith.constant 10 : i32
      %eq3A_1500 = vector.broadcast %eq3A_1499 : i32 to vector<16xi32>
      %eq3A_1501 = arith.cmpi eq, %iota3A, %eq3A_1500 : vector<16xi32>
      %select_n3A_1502 = arith.select %eq3A_1501, %while3A_1373#10, %broadcast_in_dim3A_1 : vector<16xi1>, vector<16xi32>
      %add3A_1503 = arith.addi %add3A_1498, %select_n3A_1502 : vector<16xi32>
      %eq3A_1504 = arith.constant 11 : i32
      %eq3A_1505 = vector.broadcast %eq3A_1504 : i32 to vector<16xi32>
      %eq3A_1506 = arith.cmpi eq, %iota3A, %eq3A_1505 : vector<16xi32>
      %select_n3A_1507 = arith.select %eq3A_1506, %while3A_1373#11, %broadcast_in_dim3A_1 : vector<16xi1>, vector<16xi32>
      %add3A_1508 = arith.addi %add3A_1503, %select_n3A_1507 : vector<16xi32>
      %eq3A_1509 = arith.constant 12 : i32
      %eq3A_1510 = vector.broadcast %eq3A_1509 : i32 to vector<16xi32>
      %eq3A_1511 = arith.cmpi eq, %iota3A, %eq3A_1510 : vector<16xi32>
      %select_n3A_1512 = arith.select %eq3A_1511, %while3A_1373#12, %broadcast_in_dim3A_1 : vector<16xi1>, vector<16xi32>
      %add3A_1513 = arith.addi %add3A_1508, %select_n3A_1512 : vector<16xi32>
      %eq3A_1514 = arith.constant 13 : i32
      %eq3A_1515 = vector.broadcast %eq3A_1514 : i32 to vector<16xi32>
      %eq3A_1516 = arith.cmpi eq, %iota3A, %eq3A_1515 : vector<16xi32>
      %select_n3A_1517 = arith.select %eq3A_1516, %while3A_1373#13, %broadcast_in_dim3A_1 : vector<16xi1>, vector<16xi32>
      %add3A_1518 = arith.addi %add3A_1513, %select_n3A_1517 : vector<16xi32>
      %eq3A_1519 = arith.constant 14 : i32
      %eq3A_1520 = vector.broadcast %eq3A_1519 : i32 to vector<16xi32>
      %eq3A_1521 = arith.cmpi eq, %iota3A, %eq3A_1520 : vector<16xi32>
      %select_n3A_1522 = arith.select %eq3A_1521, %while3A_1373#14, %broadcast_in_dim3A_1 : vector<16xi1>, vector<16xi32>
      %add3A_1523 = arith.addi %add3A_1518, %select_n3A_1522 : vector<16xi32>
      %sub3A_1524 = arith.subi %while3A_832, %reduce_max3A_507 : i32
      %rem3A_1525 = arith.constant 2 : i32
      %rem3A_1526 = arith.remsi %sub3A_1524, %rem3A_1525 : i32
      %swap3A_1527 = arith.constant 0 : index
      %swap3A_1528 = tpu.vector_load %arg7[%swap3A_1527] {strides = array<i32>} : memref<64xi32, #tpu.memory_space<vmem>>, vector<16xi32>,
      tpu.vector_store %arg7[%swap3A_1527], %add3A_1448 {strides = array<i32>} : memref<64xi32, #tpu.memory_space<vmem>>, vector<16xi32>,
      %swap3A_1529 = arith.constant 16 : index
      %swap3A_1530 = tpu.vector_load %arg7[%swap3A_1529] {strides = array<i32>} : memref<64xi32, #tpu.memory_space<vmem>>, vector<16xi32>,
      tpu.vector_store %arg7[%swap3A_1529], %add3A_1523 {strides = array<i32>} : memref<64xi32, #tpu.memory_space<vmem>>, vector<16xi32>,
      %mul3A_1531 = arith.constant 512 : i32
      %mul3A_1532 = arith.muli %rem3A_1526, %mul3A_1531 : i32
      %mul3A_1533 = arith.constant 32 : i32
      %mul3A_1534 = arith.muli %arg1, %mul3A_1533 : i32
      %add3A_1535 = arith.addi %mul3A_1532, %mul3A_1534 : i32
      "tpu.region"() ({
        %run_scoped3A = tpu.sem_alloc : memref<!tpu.dma_semaphore, #tpu.memory_space<semaphore_mem>>
        %dma_start3A = arith.constant 0 : i32
        %dma_start3A_1674 = tpu.memref_slice %arg7[%dma_start3A] : memref<64xi32, #tpu.memory_space<vmem>> -> memref<32xi32, #tpu.memory_space<vmem>>
        %dma_start3A_1675 = tpu.memref_slice %arg11[%add3A_1535] : memref<1024xi32, #tpu.memory_space<vmem_shared>> -> memref<32xi32, #tpu.memory_space<vmem_shared>>
        %dma_start3A_1676 = tpu.memref_slice %arg11[%add3A_1535] : memref<1024xi32, #tpu.memory_space<vmem_shared>> -> memref<32xi32, #tpu.memory_space<vmem_shared>>
        %dma_start3A_1677 = arith.constant 0 : i32
        %dma_start3A_1678 = tpu.memref_slice %arg7[%dma_start3A_1677] : memref<64xi32, #tpu.memory_space<vmem>> -> memref<32xi32, #tpu.memory_space<vmem>>
        tpu.enqueue_dma source(%dma_start3A_1678 : memref<32xi32, #tpu.memory_space<vmem>>) target(%dma_start3A_1676 : memref<32xi32, #tpu.memory_space<vmem_shared>>) target_semaphore(%run_scoped3A : memref<!tpu.dma_semaphore, #tpu.memory_space<semaphore_mem>>)
        %dma_wait3A = arith.constant 0 : i32
        %dma_wait3A_1679 = tpu.memref_slice %arg7[%dma_wait3A] : memref<64xi32, #tpu.memory_space<vmem>> -> memref<32xi32, #tpu.memory_space<vmem>>
        %dma_wait3A_1680 = tpu.memref_slice %arg11[%add3A_1535] : memref<1024xi32, #tpu.memory_space<vmem_shared>> -> memref<32xi32, #tpu.memory_space<vmem_shared>>
        %dma_wait3A_1681 = tpu.memref_slice %arg11[%add3A_1535] : memref<1024xi32, #tpu.memory_space<vmem_shared>> -> memref<32xi32, #tpu.memory_space<vmem_shared>>
        %dma_wait3A_1682 = arith.constant 0 : i32
        %dma_wait3A_1683 = tpu.memref_slice %arg7[%dma_wait3A_1682] : memref<64xi32, #tpu.memory_space<vmem>> -> memref<32xi32, #tpu.memory_space<vmem>>
        tpu.wait_dma2 semaphore(%run_scoped3A : memref<!tpu.dma_semaphore, #tpu.memory_space<semaphore_mem>>) src(%dma_wait3A_1683 : memref<32xi32, #tpu.memory_space<vmem>>) dst(%dma_wait3A_1681 : memref<32xi32, #tpu.memory_space<vmem_shared>>)
        tpu.yield
      }) : () -> ()
      %barrier3A_1536 = arith.constant 0 : index
      tpu.barrier barrier_id(%barrier3A_1536)
      %mul3A_1537 = arith.constant 512 : i32
      %mul3A_1538 = arith.muli %rem3A_1526, %mul3A_1537 : i32
      "tpu.region"() ({
        %run_scoped3A = tpu.sem_alloc : memref<!tpu.dma_semaphore, #tpu.memory_space<semaphore_mem>>
        %dma_start3A = arith.constant 0 : i32
        %dma_start3A_1674 = tpu.memref_slice %arg8[%dma_start3A] : memref<1024xi32, #tpu.memory_space<vmem>> -> memref<512xi32, #tpu.memory_space<vmem>>
        %dma_start3A_1675 = tpu.memref_slice %arg11[%mul3A_1538] : memref<1024xi32, #tpu.memory_space<vmem_shared>> -> memref<512xi32, #tpu.memory_space<vmem_shared>>
        %dma_start3A_1676 = arith.constant 0 : i32
        %dma_start3A_1677 = tpu.memref_slice %arg8[%dma_start3A_1676] : memref<1024xi32, #tpu.memory_space<vmem>> -> memref<512xi32, #tpu.memory_space<vmem>>
        %dma_start3A_1678 = tpu.memref_slice %arg11[%mul3A_1538] : memref<1024xi32, #tpu.memory_space<vmem_shared>> -> memref<512xi32, #tpu.memory_space<vmem_shared>>
        tpu.enqueue_dma source(%dma_start3A_1678 : memref<512xi32, #tpu.memory_space<vmem_shared>>) target(%dma_start3A_1677 : memref<512xi32, #tpu.memory_space<vmem>>) target_semaphore(%run_scoped3A : memref<!tpu.dma_semaphore, #tpu.memory_space<semaphore_mem>>)
        %dma_wait3A = arith.constant 0 : i32
        %dma_wait3A_1679 = tpu.memref_slice %arg8[%dma_wait3A] : memref<1024xi32, #tpu.memory_space<vmem>> -> memref<512xi32, #tpu.memory_space<vmem>>
        %dma_wait3A_1680 = tpu.memref_slice %arg11[%mul3A_1538] : memref<1024xi32, #tpu.memory_space<vmem_shared>> -> memref<512xi32, #tpu.memory_space<vmem_shared>>
        %dma_wait3A_1681 = arith.constant 0 : i32
        %dma_wait3A_1682 = tpu.memref_slice %arg8[%dma_wait3A_1681] : memref<1024xi32, #tpu.memory_space<vmem>> -> memref<512xi32, #tpu.memory_space<vmem>>
        %dma_wait3A_1683 = tpu.memref_slice %arg11[%mul3A_1538] : memref<1024xi32, #tpu.memory_space<vmem_shared>> -> memref<512xi32, #tpu.memory_space<vmem_shared>>
        tpu.wait_dma2 semaphore(%run_scoped3A : memref<!tpu.dma_semaphore, #tpu.memory_space<semaphore_mem>>) src(%dma_wait3A_1683 : memref<512xi32, #tpu.memory_space<vmem_shared>>) dst(%dma_wait3A_1682 : memref<512xi32, #tpu.memory_space<vmem>>)
        tpu.yield
      }) : () -> ()
      %get3A_1539 = arith.constant 0 : index
      %get3A_1540 = tpu.vector_load %arg8[%get3A_1539] {strides = array<i32>} : memref<1024xi32, #tpu.memory_space<vmem>>, vector<16xi32>,
      %get3A_1541 = arith.constant 16 : index
      %get3A_1542 = tpu.vector_load %arg8[%get3A_1541] {strides = array<i32>} : memref<1024xi32, #tpu.memory_space<vmem>>, vector<16xi32>,
      %get3A_1543 = arith.constant 32 : index
      %get3A_1544 = tpu.vector_load %arg8[%get3A_1543] {strides = array<i32>} : memref<1024xi32, #tpu.memory_space<vmem>>, vector<16xi32>,
      %add3A_1545 = arith.addi %get3A_1540, %get3A_1544 : vector<16xi32>
      %get3A_1546 = arith.constant 48 : index
      %get3A_1547 = tpu.vector_load %arg8[%get3A_1546] {strides = array<i32>} : memref<1024xi32, #tpu.memory_space<vmem>>, vector<16xi32>,
      %add3A_1548 = arith.addi %get3A_1542, %get3A_1547 : vector<16xi32>
      %get3A_1549 = arith.constant 64 : index
      %get3A_1550 = tpu.vector_load %arg8[%get3A_1549] {strides = array<i32>} : memref<1024xi32, #tpu.memory_space<vmem>>, vector<16xi32>,
      %add3A_1551 = arith.addi %add3A_1545, %get3A_1550 : vector<16xi32>
      %get3A_1552 = arith.constant 80 : index
      %get3A_1553 = tpu.vector_load %arg8[%get3A_1552] {strides = array<i32>} : memref<1024xi32, #tpu.memory_space<vmem>>, vector<16xi32>,
      %add3A_1554 = arith.addi %add3A_1548, %get3A_1553 : vector<16xi32>
      %get3A_1555 = arith.constant 96 : index
      %get3A_1556 = tpu.vector_load %arg8[%get3A_1555] {strides = array<i32>} : memref<1024xi32, #tpu.memory_space<vmem>>, vector<16xi32>,
      %add3A_1557 = arith.addi %add3A_1551, %get3A_1556 : vector<16xi32>
      %get3A_1558 = arith.constant 112 : index
      %get3A_1559 = tpu.vector_load %arg8[%get3A_1558] {strides = array<i32>} : memref<1024xi32, #tpu.memory_space<vmem>>, vector<16xi32>,
      %add3A_1560 = arith.addi %add3A_1554, %get3A_1559 : vector<16xi32>
      %get3A_1561 = arith.constant 128 : index
      %get3A_1562 = tpu.vector_load %arg8[%get3A_1561] {strides = array<i32>} : memref<1024xi32, #tpu.memory_space<vmem>>, vector<16xi32>,
      %add3A_1563 = arith.addi %add3A_1557, %get3A_1562 : vector<16xi32>
      %get3A_1564 = arith.constant 144 : index
      %get3A_1565 = tpu.vector_load %arg8[%get3A_1564] {strides = array<i32>} : memref<1024xi32, #tpu.memory_space<vmem>>, vector<16xi32>,
      %add3A_1566 = arith.addi %add3A_1560, %get3A_1565 : vector<16xi32>
      %get3A_1567 = arith.constant 160 : index
      %get3A_1568 = tpu.vector_load %arg8[%get3A_1567] {strides = array<i32>} : memref<1024xi32, #tpu.memory_space<vmem>>, vector<16xi32>,
      %add3A_1569 = arith.addi %add3A_1563, %get3A_1568 : vector<16xi32>
      %get3A_1570 = arith.constant 176 : index
      %get3A_1571 = tpu.vector_load %arg8[%get3A_1570] {strides = array<i32>} : memref<1024xi32, #tpu.memory_space<vmem>>, vector<16xi32>,
      %add3A_1572 = arith.addi %add3A_1566, %get3A_1571 : vector<16xi32>
      %get3A_1573 = arith.constant 192 : index
      %get3A_1574 = tpu.vector_load %arg8[%get3A_1573] {strides = array<i32>} : memref<1024xi32, #tpu.memory_space<vmem>>, vector<16xi32>,
      %add3A_1575 = arith.addi %add3A_1569, %get3A_1574 : vector<16xi32>
      %get3A_1576 = arith.constant 208 : index
      %get3A_1577 = tpu.vector_load %arg8[%get3A_1576] {strides = array<i32>} : memref<1024xi32, #tpu.memory_space<vmem>>, vector<16xi32>,
      %add3A_1578 = arith.addi %add3A_1572, %get3A_1577 : vector<16xi32>
      %get3A_1579 = arith.constant 224 : index
      %get3A_1580 = tpu.vector_load %arg8[%get3A_1579] {strides = array<i32>} : memref<1024xi32, #tpu.memory_space<vmem>>, vector<16xi32>,
      %add3A_1581 = arith.addi %add3A_1575, %get3A_1580 : vector<16xi32>
      %get3A_1582 = arith.constant 240 : index
      %get3A_1583 = tpu.vector_load %arg8[%get3A_1582] {strides = array<i32>} : memref<1024xi32, #tpu.memory_space<vmem>>, vector<16xi32>,
      %add3A_1584 = arith.addi %add3A_1578, %get3A_1583 : vector<16xi32>
      %get3A_1585 = arith.constant 256 : index
      %get3A_1586 = tpu.vector_load %arg8[%get3A_1585] {strides = array<i32>} : memref<1024xi32, #tpu.memory_space<vmem>>, vector<16xi32>,
      %add3A_1587 = arith.addi %add3A_1581, %get3A_1586 : vector<16xi32>
      %get3A_1588 = arith.constant 272 : index
      %get3A_1589 = tpu.vector_load %arg8[%get3A_1588] {strides = array<i32>} : memref<1024xi32, #tpu.memory_space<vmem>>, vector<16xi32>,
      %add3A_1590 = arith.addi %add3A_1584, %get3A_1589 : vector<16xi32>
      %get3A_1591 = arith.constant 288 : index
      %get3A_1592 = tpu.vector_load %arg8[%get3A_1591] {strides = array<i32>} : memref<1024xi32, #tpu.memory_space<vmem>>, vector<16xi32>,
      %add3A_1593 = arith.addi %add3A_1587, %get3A_1592 : vector<16xi32>
      %get3A_1594 = arith.constant 304 : index
      %get3A_1595 = tpu.vector_load %arg8[%get3A_1594] {strides = array<i32>} : memref<1024xi32, #tpu.memory_space<vmem>>, vector<16xi32>,
      %add3A_1596 = arith.addi %add3A_1590, %get3A_1595 : vector<16xi32>
      %get3A_1597 = arith.constant 320 : index
      %get3A_1598 = tpu.vector_load %arg8[%get3A_1597] {strides = array<i32>} : memref<1024xi32, #tpu.memory_space<vmem>>, vector<16xi32>,
      %add3A_1599 = arith.addi %add3A_1593, %get3A_1598 : vector<16xi32>
      %get3A_1600 = arith.constant 336 : index
      %get3A_1601 = tpu.vector_load %arg8[%get3A_1600] {strides = array<i32>} : memref<1024xi32, #tpu.memory_space<vmem>>, vector<16xi32>,
      %add3A_1602 = arith.addi %add3A_1596, %get3A_1601 : vector<16xi32>
      %get3A_1603 = arith.constant 352 : index
      %get3A_1604 = tpu.vector_load %arg8[%get3A_1603] {strides = array<i32>} : memref<1024xi32, #tpu.memory_space<vmem>>, vector<16xi32>,
      %add3A_1605 = arith.addi %add3A_1599, %get3A_1604 : vector<16xi32>
      %get3A_1606 = arith.constant 368 : index
      %get3A_1607 = tpu.vector_load %arg8[%get3A_1606] {strides = array<i32>} : memref<1024xi32, #tpu.memory_space<vmem>>, vector<16xi32>,
      %add3A_1608 = arith.addi %add3A_1602, %get3A_1607 : vector<16xi32>
      %get3A_1609 = arith.constant 384 : index
      %get3A_1610 = tpu.vector_load %arg8[%get3A_1609] {strides = array<i32>} : memref<1024xi32, #tpu.memory_space<vmem>>, vector<16xi32>,
      %add3A_1611 = arith.addi %add3A_1605, %get3A_1610 : vector<16xi32>
      %get3A_1612 = arith.constant 400 : index
      %get3A_1613 = tpu.vector_load %arg8[%get3A_1612] {strides = array<i32>} : memref<1024xi32, #tpu.memory_space<vmem>>, vector<16xi32>,
      %add3A_1614 = arith.addi %add3A_1608, %get3A_1613 : vector<16xi32>
      %get3A_1615 = arith.constant 416 : index
      %get3A_1616 = tpu.vector_load %arg8[%get3A_1615] {strides = array<i32>} : memref<1024xi32, #tpu.memory_space<vmem>>, vector<16xi32>,
      %add3A_1617 = arith.addi %add3A_1611, %get3A_1616 : vector<16xi32>
      %get3A_1618 = arith.constant 432 : index
      %get3A_1619 = tpu.vector_load %arg8[%get3A_1618] {strides = array<i32>} : memref<1024xi32, #tpu.memory_space<vmem>>, vector<16xi32>,
      %add3A_1620 = arith.addi %add3A_1614, %get3A_1619 : vector<16xi32>
      %get3A_1621 = arith.constant 448 : index
      %get3A_1622 = tpu.vector_load %arg8[%get3A_1621] {strides = array<i32>} : memref<1024xi32, #tpu.memory_space<vmem>>, vector<16xi32>,
      %add3A_1623 = arith.addi %add3A_1617, %get3A_1622 : vector<16xi32>
      %get3A_1624 = arith.constant 464 : index
      %get3A_1625 = tpu.vector_load %arg8[%get3A_1624] {strides = array<i32>} : memref<1024xi32, #tpu.memory_space<vmem>>, vector<16xi32>,
      %add3A_1626 = arith.addi %add3A_1620, %get3A_1625 : vector<16xi32>
      %get3A_1627 = arith.constant 480 : index
      %get3A_1628 = tpu.vector_load %arg8[%get3A_1627] {strides = array<i32>} : memref<1024xi32, #tpu.memory_space<vmem>>, vector<16xi32>,
      %add3A_1629 = arith.addi %add3A_1623, %get3A_1628 : vector<16xi32>
      %get3A_1630 = arith.constant 496 : index
      %get3A_1631 = tpu.vector_load %arg8[%get3A_1630] {strides = array<i32>} : memref<1024xi32, #tpu.memory_space<vmem>>, vector<16xi32>,
      %add3A_1632 = arith.addi %add3A_1626, %get3A_1631 : vector<16xi32>
      %shift_left3A_1633 = vector.broadcast %sub3A_838 : i32 to vector<16xi32>
      %shift_left3A_1634 = arith.shli %iota3A, %shift_left3A_1633 : vector<16xi32>
      %or3A_1635 = arith.ori %while3A_833, %shift_left3A_1634 : vector<16xi32>
      %xor3A_1636 = arith.constant -2147483648 : i32
      %xor3A_1637 = vector.broadcast %xor3A_1636 : i32 to vector<16xi32>
      %xor3A_1638 = arith.xori %or3A_1635, %xor3A_1637 : vector<16xi32>
      %shift_left3A_1639 = vector.broadcast %sub3A_838 : i32 to vector<16xi32>
      %shift_left3A_1640 = arith.shli %iota3A, %shift_left3A_1639 : vector<16xi32>
      %or3A_1641 = arith.ori %while3A_834, %shift_left3A_1640 : vector<16xi32>
      %or3A_1642 = vector.broadcast %sub3A_842 : i32 to vector<16xi32>
      %or3A_1643 = arith.ori %or3A_1641, %or3A_1642 : vector<16xi32>
      %xor3A_1644 = arith.constant -2147483648 : i32
      %xor3A_1645 = vector.broadcast %xor3A_1644 : i32 to vector<16xi32>
      %xor3A_1646 = arith.xori %or3A_1643, %xor3A_1645 : vector<16xi32>
      %ge3A_1647 = arith.constant 1024 : i32
      %ge3A_1648 = vector.broadcast %ge3A_1647 : i32 to vector<16xi32>
      %ge3A_1649 = arith.cmpi sge, %add3A_1629, %ge3A_1648 : vector<16xi32>
      %le3A = arith.cmpi sle, %xor3A_1638, %select_n3A_384 : vector<16xi32>
      %or3A_1650 = arith.ori %ge3A_1649, %le3A : vector<16xi1>
      %ge3A_1651 = arith.constant 1 : i32
      %ge3A_1652 = vector.broadcast %ge3A_1651 : i32 to vector<16xi32>
      %ge3A_1653 = arith.cmpi sge, %iota3A, %ge3A_1652 : vector<16xi32>
      %and3A_1654 = arith.andi %or3A_1650, %ge3A_1653 : vector<16xi1>
      %ge3A_1655 = arith.constant 1024 : i32
      %ge3A_1656 = vector.broadcast %ge3A_1655 : i32 to vector<16xi32>
      %ge3A_1657 = arith.cmpi sge, %add3A_1632, %ge3A_1656 : vector<16xi32>
      %ge3A_1658 = arith.cmpi sge, %xor3A_1646, %select_n3A_392 : vector<16xi32>
      %or3A_1659 = arith.ori %ge3A_1657, %ge3A_1658 : vector<16xi1>
      %le3A_1660 = arith.constant 14 : i32
      %le3A_1661 = vector.broadcast %le3A_1660 : i32 to vector<16xi32>
      %le3A_1662 = arith.cmpi sle, %iota3A, %le3A_1661 : vector<16xi32>
      %and3A_1663 = arith.andi %or3A_1659, %le3A_1662 : vector<16xi1>
      %all_reduce_population_count3A = tpu.all_reduce %and3A_1654 {dim = 0 : i64, kind = #tpu.reduction_kind<sum>} : vector<16xi1> -> vector<16xi32>
      %broadcast_in_dim3A_1664 = arith.constant 15 : i32
      %broadcast_in_dim3A_1665 = vector.broadcast %broadcast_in_dim3A_1664 : i32 to vector<16xi32>
      %all_reduce_population_count3A_1666 = tpu.all_reduce %and3A_1663 {dim = 0 : i64, kind = #tpu.reduction_kind<sum>} : vector<16xi1> -> vector<16xi32>
      %sub3A_1667 = arith.subi %broadcast_in_dim3A_1665, %all_reduce_population_count3A_1666 : vector<16xi32>
      %shift_left3A_1668 = vector.broadcast %sub3A_838 : i32 to vector<16xi32>
      %shift_left3A_1669 = arith.shli %all_reduce_population_count3A, %shift_left3A_1668 : vector<16xi32>
      %or3A_1670 = arith.ori %while3A_833, %shift_left3A_1669 : vector<16xi32>
      %shift_left3A_1671 = vector.broadcast %sub3A_838 : i32 to vector<16xi32>
      %shift_left3A_1672 = arith.shli %sub3A_1667, %shift_left3A_1671 : vector<16xi32>
      %or3A_1673 = arith.ori %while3A_834, %shift_left3A_1672 : vector<16xi32>
      scf.yield %or3A_1670, %or3A_1673 : vector<16xi32>, vector<16xi32>
    }
    %xor3A_518 = arith.constant -2147483648 : i32
    %xor3A_519 = vector.broadcast %xor3A_518 : i32 to vector<16xi32>
    %xor3A_520 = arith.xori %while3A_517#0, %xor3A_519 : vector<16xi32>
    %xor3A_521 = arith.constant -2147483648 : i32
    %xor3A_522 = vector.broadcast %xor3A_521 : i32 to vector<16xi32>
    %xor3A_523 = arith.xori %while3A_517#1, %xor3A_522 : vector<16xi32>
    %ge3A_524 = arith.constant 0 : i32
    %ge3A_525 = vector.broadcast %ge3A_524 : i32 to vector<16xi32>
    %ge3A_526 = arith.cmpi sge, %xor3A_520, %ge3A_525 : vector<16xi32>
    %sub3A_527 = arith.constant -2147483648 : i32
    %sub3A_528 = vector.broadcast %sub3A_527 : i32 to vector<16xi32>
    %sub3A_529 = arith.subi %sub3A_528, %xor3A_520 : vector<16xi32>
    %select_n3A_530 = arith.select %ge3A_526, %xor3A_520, %sub3A_529 : vector<16xi1>, vector<16xi32>
    %bitcast3A_531 = vector.bitcast %select_n3A_530 : vector<16xi32> to vector<16xf32>
    %ge3A_532 = arith.constant 0 : i32
    %ge3A_533 = vector.broadcast %ge3A_532 : i32 to vector<16xi32>
    %ge3A_534 = arith.cmpi sge, %xor3A_523, %ge3A_533 : vector<16xi32>
    %sub3A_535 = arith.constant -2147483648 : i32
    %sub3A_536 = vector.broadcast %sub3A_535 : i32 to vector<16xi32>
    %sub3A_537 = arith.subi %sub3A_536, %xor3A_523 : vector<16xi32>
    %select_n3A_538 = arith.select %ge3A_534, %xor3A_523, %sub3A_537 : vector<16xi1>, vector<16xi32>
    %bitcast3A_539 = vector.bitcast %select_n3A_538 : vector<16xi32> to vector<16xf32>
    %while3A_540 = arith.constant 0 : i32
    %while3A_541 = arith.subi %select_n3A_336, %while3A_540 : i32
    %while3A_542 = arith.addi %while3A_540, %while3A_541 : i32
    %while3A_543 = arith.constant 1 : i32
    %while3A_544 = arith.divsi %while3A_541, %while3A_543 : i32
    %while3A_545 = arith.muli %while3A_544, %while3A_543 : i32
    %while3A_546 = arith.addi %while3A_540, %while3A_545 : i32
    %while3A_547 = arith.constant 1 : i32
    %while3A_548:2 = scf.for %while3A_832 = %while3A_540 to %while3A_546 step %while3A_547 iter_args(%while3A_833 = %broadcast_in_dim3A_3, %while3A_834 = %broadcast_in_dim3A_1) -> (vector<16xf32>, vector<16xi32>)  : i32 {
      %mul3A_835 = arith.constant 16 : i32
      %mul3A_836 = arith.muli %while3A_832, %mul3A_835 : i32
      %get3A_837 = arith.index_cast %mul3A_836 : i32 to index
      %get3A_838 = tpu.vector_load %arg5[%get3A_837] {strides = array<i32>} : memref<16400xf32, #tpu.memory_space<vmem>>, vector<16xf32>,
      %gt3A_839 = arith.cmpf ogt, %get3A_838, %bitcast3A_531 : vector<16xf32>
      %select_n3A_840 = arith.select %gt3A_839, %get3A_838, %broadcast_in_dim3A_3 : vector<16xi1>, vector<16xf32>
      %add3A_841 = arith.addf %while3A_833, %select_n3A_840 : vector<16xf32>
      %all_reduce_population_count3A = tpu.all_reduce %gt3A_839 {dim = 0 : i64, kind = #tpu.reduction_kind<sum>} : vector<16xi1> -> vector<16xi32>
      %add3A_842 = arith.addi %while3A_834, %all_reduce_population_count3A : vector<16xi32>
      scf.yield %add3A_841, %add3A_842 : vector<16xf32>, vector<16xi32>
    }
    %while3A_549 = arith.constant 1 : i32
    %while3A_550:2 = scf.for %while3A_832 = %while3A_546 to %while3A_542 step %while3A_549 iter_args(%while3A_833 = %while3A_548#0, %while3A_834 = %while3A_548#1) -> (vector<16xf32>, vector<16xi32>)  : i32 {
      %mul3A_835 = arith.constant 16 : i32
      %mul3A_836 = arith.muli %while3A_832, %mul3A_835 : i32
      %get3A_837 = arith.index_cast %mul3A_836 : i32 to index
      %get3A_838 = tpu.vector_load %arg5[%get3A_837] {strides = array<i32>} : memref<16400xf32, #tpu.memory_space<vmem>>, vector<16xf32>,
      %gt3A_839 = arith.cmpf ogt, %get3A_838, %bitcast3A_531 : vector<16xf32>
      %select_n3A_840 = arith.select %gt3A_839, %get3A_838, %broadcast_in_dim3A_3 : vector<16xi1>, vector<16xf32>
      %add3A_841 = arith.addf %while3A_833, %select_n3A_840 : vector<16xf32>
      %all_reduce_population_count3A = tpu.all_reduce %gt3A_839 {dim = 0 : i64, kind = #tpu.reduction_kind<sum>} : vector<16xi1> -> vector<16xi32>
      %add3A_842 = arith.addi %while3A_834, %all_reduce_population_count3A : vector<16xi32>
      scf.yield %add3A_841, %add3A_842 : vector<16xf32>, vector<16xi32>
    }
    %while3A_551 = arith.constant 0 : i32
    %while3A_552 = arith.subi %select_n3A_370, %while3A_551 : i32
    %while3A_553 = arith.addi %while3A_551, %while3A_552 : i32
    %while3A_554 = arith.constant 1 : i32
    %while3A_555 = arith.divsi %while3A_552, %while3A_554 : i32
    %while3A_556 = arith.muli %while3A_555, %while3A_554 : i32
    %while3A_557 = arith.addi %while3A_551, %while3A_556 : i32
    %while3A_558 = arith.constant 1 : i32
    %while3A_559:2 = scf.for %while3A_832 = %while3A_551 to %while3A_557 step %while3A_558 iter_args(%while3A_833 = %broadcast_in_dim3A_3, %while3A_834 = %broadcast_in_dim3A_1) -> (vector<16xf32>, vector<16xi32>)  : i32 {
      %mul3A_835 = arith.constant 16 : i32
      %mul3A_836 = arith.muli %while3A_832, %mul3A_835 : i32
      %get3A_837 = arith.index_cast %mul3A_836 : i32 to index
      %get3A_838 = tpu.vector_load %arg6[%get3A_837] {strides = array<i32>} : memref<16400xf32, #tpu.memory_space<vmem>>, vector<16xf32>,
      %lt3A_839 = arith.cmpf olt, %get3A_838, %bitcast3A_539 : vector<16xf32>
      %select_n3A_840 = arith.select %lt3A_839, %get3A_838, %broadcast_in_dim3A_3 : vector<16xi1>, vector<16xf32>
      %add3A_841 = arith.addf %while3A_833, %select_n3A_840 : vector<16xf32>
      %all_reduce_population_count3A = tpu.all_reduce %lt3A_839 {dim = 0 : i64, kind = #tpu.reduction_kind<sum>} : vector<16xi1> -> vector<16xi32>
      %add3A_842 = arith.addi %while3A_834, %all_reduce_population_count3A : vector<16xi32>
      scf.yield %add3A_841, %add3A_842 : vector<16xf32>, vector<16xi32>
    }
    %while3A_560 = arith.constant 1 : i32
    %while3A_561:2 = scf.for %while3A_832 = %while3A_557 to %while3A_553 step %while3A_560 iter_args(%while3A_833 = %while3A_559#0, %while3A_834 = %while3A_559#1) -> (vector<16xf32>, vector<16xi32>)  : i32 {
      %mul3A_835 = arith.constant 16 : i32
      %mul3A_836 = arith.muli %while3A_832, %mul3A_835 : i32
      %get3A_837 = arith.index_cast %mul3A_836 : i32 to index
      %get3A_838 = tpu.vector_load %arg6[%get3A_837] {strides = array<i32>} : memref<16400xf32, #tpu.memory_space<vmem>>, vector<16xf32>,
      %lt3A_839 = arith.cmpf olt, %get3A_838, %bitcast3A_539 : vector<16xf32>
      %select_n3A_840 = arith.select %lt3A_839, %get3A_838, %broadcast_in_dim3A_3 : vector<16xi1>, vector<16xf32>
      %add3A_841 = arith.addf %while3A_833, %select_n3A_840 : vector<16xf32>
      %all_reduce_population_count3A = tpu.all_reduce %lt3A_839 {dim = 0 : i64, kind = #tpu.reduction_kind<sum>} : vector<16xi1> -> vector<16xi32>
      %add3A_842 = arith.addi %while3A_834, %all_reduce_population_count3A : vector<16xi32>
      scf.yield %add3A_841, %add3A_842 : vector<16xf32>, vector<16xi32>
    }
    %swap3A_562 = arith.constant 0 : index
    %swap3A_563 = tpu.vector_load %arg7[%swap3A_562] {strides = array<i32>} : memref<64xi32, #tpu.memory_space<vmem>>, vector<16xi32>,
    tpu.vector_store %arg7[%swap3A_562], %while3A_550#1 {strides = array<i32>} : memref<64xi32, #tpu.memory_space<vmem>>, vector<16xi32>,
    %swap3A_564 = arith.constant 16 : index
    %swap3A_565 = tpu.vector_load %arg7[%swap3A_564] {strides = array<i32>} : memref<64xi32, #tpu.memory_space<vmem>>, vector<16xi32>,
    tpu.vector_store %arg7[%swap3A_564], %while3A_561#1 {strides = array<i32>} : memref<64xi32, #tpu.memory_space<vmem>>, vector<16xi32>,
    %bitcast3A_566 = vector.bitcast %while3A_550#0 : vector<16xf32> to vector<16xi32>
    %swap3A_567 = arith.constant 32 : index
    %swap3A_568 = tpu.vector_load %arg7[%swap3A_567] {strides = array<i32>} : memref<64xi32, #tpu.memory_space<vmem>>, vector<16xi32>,
    tpu.vector_store %arg7[%swap3A_567], %bitcast3A_566 {strides = array<i32>} : memref<64xi32, #tpu.memory_space<vmem>>, vector<16xi32>,
    %bitcast3A_569 = vector.bitcast %while3A_561#0 : vector<16xf32> to vector<16xi32>
    %swap3A_570 = arith.constant 48 : index
    %swap3A_571 = tpu.vector_load %arg7[%swap3A_570] {strides = array<i32>} : memref<64xi32, #tpu.memory_space<vmem>>, vector<16xi32>,
    tpu.vector_store %arg7[%swap3A_570], %bitcast3A_569 {strides = array<i32>} : memref<64xi32, #tpu.memory_space<vmem>>, vector<16xi32>,
    %mul3A_572 = arith.constant 64 : i32
    %mul3A_573 = arith.muli %arg1, %mul3A_572 : i32
    "tpu.region"() ({
      %run_scoped3A = tpu.sem_alloc : memref<!tpu.dma_semaphore, #tpu.memory_space<semaphore_mem>>
      %dma_start3A = tpu.memref_slice %arg12[%mul3A_573] : memref<1024xi32, #tpu.memory_space<vmem_shared>> -> memref<64xi32, #tpu.memory_space<vmem_shared>>
      %dma_start3A_832 = tpu.memref_slice %arg12[%mul3A_573] : memref<1024xi32, #tpu.memory_space<vmem_shared>> -> memref<64xi32, #tpu.memory_space<vmem_shared>>
      tpu.enqueue_dma source(%arg7 : memref<64xi32, #tpu.memory_space<vmem>>) target(%dma_start3A_832 : memref<64xi32, #tpu.memory_space<vmem_shared>>) target_semaphore(%run_scoped3A : memref<!tpu.dma_semaphore, #tpu.memory_space<semaphore_mem>>)
      %dma_wait3A = tpu.memref_slice %arg12[%mul3A_573] : memref<1024xi32, #tpu.memory_space<vmem_shared>> -> memref<64xi32, #tpu.memory_space<vmem_shared>>
      %dma_wait3A_833 = tpu.memref_slice %arg12[%mul3A_573] : memref<1024xi32, #tpu.memory_space<vmem_shared>> -> memref<64xi32, #tpu.memory_space<vmem_shared>>
      tpu.wait_dma2 semaphore(%run_scoped3A : memref<!tpu.dma_semaphore, #tpu.memory_space<semaphore_mem>>) src(%arg7 : memref<64xi32, #tpu.memory_space<vmem>>) dst(%dma_wait3A_833 : memref<64xi32, #tpu.memory_space<vmem_shared>>)
      tpu.yield
    }) : () -> ()
    %barrier3A_574 = arith.constant 0 : index
    tpu.barrier barrier_id(%barrier3A_574)
    "tpu.region"() ({
      %run_scoped3A = tpu.sem_alloc : memref<!tpu.dma_semaphore, #tpu.memory_space<semaphore_mem>>
      tpu.enqueue_dma source(%arg12 : memref<1024xi32, #tpu.memory_space<vmem_shared>>) target(%arg8 : memref<1024xi32, #tpu.memory_space<vmem>>) target_semaphore(%run_scoped3A : memref<!tpu.dma_semaphore, #tpu.memory_space<semaphore_mem>>)
      tpu.wait_dma2 semaphore(%run_scoped3A : memref<!tpu.dma_semaphore, #tpu.memory_space<semaphore_mem>>) src(%arg12 : memref<1024xi32, #tpu.memory_space<vmem_shared>>) dst(%arg8 : memref<1024xi32, #tpu.memory_space<vmem>>)
      tpu.yield
    }) : () -> ()
    %get3A_575 = arith.constant 0 : index
    %get3A_576 = tpu.vector_load %arg8[%get3A_575] {strides = array<i32>} : memref<1024xi32, #tpu.memory_space<vmem>>, vector<16xi32>,
    %get3A_577 = arith.constant 16 : index
    %get3A_578 = tpu.vector_load %arg8[%get3A_577] {strides = array<i32>} : memref<1024xi32, #tpu.memory_space<vmem>>, vector<16xi32>,
    %get3A_579 = arith.constant 32 : index
    %get3A_580 = tpu.vector_load %arg8[%get3A_579] {strides = array<i32>} : memref<1024xi32, #tpu.memory_space<vmem>>, vector<16xi32>,
    %bitcast3A_581 = vector.bitcast %get3A_580 : vector<16xi32> to vector<16xf32>
    %get3A_582 = arith.constant 48 : index
    %get3A_583 = tpu.vector_load %arg8[%get3A_582] {strides = array<i32>} : memref<1024xi32, #tpu.memory_space<vmem>>, vector<16xi32>,
    %bitcast3A_584 = vector.bitcast %get3A_583 : vector<16xi32> to vector<16xf32>
    %get3A_585 = arith.constant 64 : index
    %get3A_586 = tpu.vector_load %arg8[%get3A_585] {strides = array<i32>} : memref<1024xi32, #tpu.memory_space<vmem>>, vector<16xi32>,
    %add3A_587 = arith.addi %get3A_576, %get3A_586 : vector<16xi32>
    %get3A_588 = arith.constant 80 : index
    %get3A_589 = tpu.vector_load %arg8[%get3A_588] {strides = array<i32>} : memref<1024xi32, #tpu.memory_space<vmem>>, vector<16xi32>,
    %add3A_590 = arith.addi %get3A_578, %get3A_589 : vector<16xi32>
    %get3A_591 = arith.constant 96 : index
    %get3A_592 = tpu.vector_load %arg8[%get3A_591] {strides = array<i32>} : memref<1024xi32, #tpu.memory_space<vmem>>, vector<16xi32>,
    %bitcast3A_593 = vector.bitcast %get3A_592 : vector<16xi32> to vector<16xf32>
    %add3A_594 = arith.addf %bitcast3A_581, %bitcast3A_593 : vector<16xf32>
    %get3A_595 = arith.constant 112 : index
    %get3A_596 = tpu.vector_load %arg8[%get3A_595] {strides = array<i32>} : memref<1024xi32, #tpu.memory_space<vmem>>, vector<16xi32>,
    %bitcast3A_597 = vector.bitcast %get3A_596 : vector<16xi32> to vector<16xf32>
    %add3A_598 = arith.addf %bitcast3A_584, %bitcast3A_597 : vector<16xf32>
    %get3A_599 = arith.constant 128 : index
    %get3A_600 = tpu.vector_load %arg8[%get3A_599] {strides = array<i32>} : memref<1024xi32, #tpu.memory_space<vmem>>, vector<16xi32>,
    %add3A_601 = arith.addi %add3A_587, %get3A_600 : vector<16xi32>
    %get3A_602 = arith.constant 144 : index
    %get3A_603 = tpu.vector_load %arg8[%get3A_602] {strides = array<i32>} : memref<1024xi32, #tpu.memory_space<vmem>>, vector<16xi32>,
    %add3A_604 = arith.addi %add3A_590, %get3A_603 : vector<16xi32>
    %get3A_605 = arith.constant 160 : index
    %get3A_606 = tpu.vector_load %arg8[%get3A_605] {strides = array<i32>} : memref<1024xi32, #tpu.memory_space<vmem>>, vector<16xi32>,
    %bitcast3A_607 = vector.bitcast %get3A_606 : vector<16xi32> to vector<16xf32>
    %add3A_608 = arith.addf %add3A_594, %bitcast3A_607 : vector<16xf32>
    %get3A_609 = arith.constant 176 : index
    %get3A_610 = tpu.vector_load %arg8[%get3A_609] {strides = array<i32>} : memref<1024xi32, #tpu.memory_space<vmem>>, vector<16xi32>,
    %bitcast3A_611 = vector.bitcast %get3A_610 : vector<16xi32> to vector<16xf32>
    %add3A_612 = arith.addf %add3A_598, %bitcast3A_611 : vector<16xf32>
    %get3A_613 = arith.constant 192 : index
    %get3A_614 = tpu.vector_load %arg8[%get3A_613] {strides = array<i32>} : memref<1024xi32, #tpu.memory_space<vmem>>, vector<16xi32>,
    %add3A_615 = arith.addi %add3A_601, %get3A_614 : vector<16xi32>
    %get3A_616 = arith.constant 208 : index
    %get3A_617 = tpu.vector_load %arg8[%get3A_616] {strides = array<i32>} : memref<1024xi32, #tpu.memory_space<vmem>>, vector<16xi32>,
    %add3A_618 = arith.addi %add3A_604, %get3A_617 : vector<16xi32>
    %get3A_619 = arith.constant 224 : index
    %get3A_620 = tpu.vector_load %arg8[%get3A_619] {strides = array<i32>} : memref<1024xi32, #tpu.memory_space<vmem>>, vector<16xi32>,
    %bitcast3A_621 = vector.bitcast %get3A_620 : vector<16xi32> to vector<16xf32>
    %add3A_622 = arith.addf %add3A_608, %bitcast3A_621 : vector<16xf32>
    %get3A_623 = arith.constant 240 : index
    %get3A_624 = tpu.vector_load %arg8[%get3A_623] {strides = array<i32>} : memref<1024xi32, #tpu.memory_space<vmem>>, vector<16xi32>,
    %bitcast3A_625 = vector.bitcast %get3A_624 : vector<16xi32> to vector<16xf32>
    %add3A_626 = arith.addf %add3A_612, %bitcast3A_625 : vector<16xf32>
    %get3A_627 = arith.constant 256 : index
    %get3A_628 = tpu.vector_load %arg8[%get3A_627] {strides = array<i32>} : memref<1024xi32, #tpu.memory_space<vmem>>, vector<16xi32>,
    %add3A_629 = arith.addi %add3A_615, %get3A_628 : vector<16xi32>
    %get3A_630 = arith.constant 272 : index
    %get3A_631 = tpu.vector_load %arg8[%get3A_630] {strides = array<i32>} : memref<1024xi32, #tpu.memory_space<vmem>>, vector<16xi32>,
    %add3A_632 = arith.addi %add3A_618, %get3A_631 : vector<16xi32>
    %get3A_633 = arith.constant 288 : index
    %get3A_634 = tpu.vector_load %arg8[%get3A_633] {strides = array<i32>} : memref<1024xi32, #tpu.memory_space<vmem>>, vector<16xi32>,
    %bitcast3A_635 = vector.bitcast %get3A_634 : vector<16xi32> to vector<16xf32>
    %add3A_636 = arith.addf %add3A_622, %bitcast3A_635 : vector<16xf32>
    %get3A_637 = arith.constant 304 : index
    %get3A_638 = tpu.vector_load %arg8[%get3A_637] {strides = array<i32>} : memref<1024xi32, #tpu.memory_space<vmem>>, vector<16xi32>,
    %bitcast3A_639 = vector.bitcast %get3A_638 : vector<16xi32> to vector<16xf32>
    %add3A_640 = arith.addf %add3A_626, %bitcast3A_639 : vector<16xf32>
    %get3A_641 = arith.constant 320 : index
    %get3A_642 = tpu.vector_load %arg8[%get3A_641] {strides = array<i32>} : memref<1024xi32, #tpu.memory_space<vmem>>, vector<16xi32>,
    %add3A_643 = arith.addi %add3A_629, %get3A_642 : vector<16xi32>
    %get3A_644 = arith.constant 336 : index
    %get3A_645 = tpu.vector_load %arg8[%get3A_644] {strides = array<i32>} : memref<1024xi32, #tpu.memory_space<vmem>>, vector<16xi32>,
    %add3A_646 = arith.addi %add3A_632, %get3A_645 : vector<16xi32>
    %get3A_647 = arith.constant 352 : index
    %get3A_648 = tpu.vector_load %arg8[%get3A_647] {strides = array<i32>} : memref<1024xi32, #tpu.memory_space<vmem>>, vector<16xi32>,
    %bitcast3A_649 = vector.bitcast %get3A_648 : vector<16xi32> to vector<16xf32>
    %add3A_650 = arith.addf %add3A_636, %bitcast3A_649 : vector<16xf32>
    %get3A_651 = arith.constant 368 : index
    %get3A_652 = tpu.vector_load %arg8[%get3A_651] {strides = array<i32>} : memref<1024xi32, #tpu.memory_space<vmem>>, vector<16xi32>,
    %bitcast3A_653 = vector.bitcast %get3A_652 : vector<16xi32> to vector<16xf32>
    %add3A_654 = arith.addf %add3A_640, %bitcast3A_653 : vector<16xf32>
    %get3A_655 = arith.constant 384 : index
    %get3A_656 = tpu.vector_load %arg8[%get3A_655] {strides = array<i32>} : memref<1024xi32, #tpu.memory_space<vmem>>, vector<16xi32>,
    %add3A_657 = arith.addi %add3A_643, %get3A_656 : vector<16xi32>
    %get3A_658 = arith.constant 400 : index
    %get3A_659 = tpu.vector_load %arg8[%get3A_658] {strides = array<i32>} : memref<1024xi32, #tpu.memory_space<vmem>>, vector<16xi32>,
    %add3A_660 = arith.addi %add3A_646, %get3A_659 : vector<16xi32>
    %get3A_661 = arith.constant 416 : index
    %get3A_662 = tpu.vector_load %arg8[%get3A_661] {strides = array<i32>} : memref<1024xi32, #tpu.memory_space<vmem>>, vector<16xi32>,
    %bitcast3A_663 = vector.bitcast %get3A_662 : vector<16xi32> to vector<16xf32>
    %add3A_664 = arith.addf %add3A_650, %bitcast3A_663 : vector<16xf32>
    %get3A_665 = arith.constant 432 : index
    %get3A_666 = tpu.vector_load %arg8[%get3A_665] {strides = array<i32>} : memref<1024xi32, #tpu.memory_space<vmem>>, vector<16xi32>,
    %bitcast3A_667 = vector.bitcast %get3A_666 : vector<16xi32> to vector<16xf32>
    %add3A_668 = arith.addf %add3A_654, %bitcast3A_667 : vector<16xf32>
    %get3A_669 = arith.constant 448 : index
    %get3A_670 = tpu.vector_load %arg8[%get3A_669] {strides = array<i32>} : memref<1024xi32, #tpu.memory_space<vmem>>, vector<16xi32>,
    %add3A_671 = arith.addi %add3A_657, %get3A_670 : vector<16xi32>
    %get3A_672 = arith.constant 464 : index
    %get3A_673 = tpu.vector_load %arg8[%get3A_672] {strides = array<i32>} : memref<1024xi32, #tpu.memory_space<vmem>>, vector<16xi32>,
    %add3A_674 = arith.addi %add3A_660, %get3A_673 : vector<16xi32>
    %get3A_675 = arith.constant 480 : index
    %get3A_676 = tpu.vector_load %arg8[%get3A_675] {strides = array<i32>} : memref<1024xi32, #tpu.memory_space<vmem>>, vector<16xi32>,
    %bitcast3A_677 = vector.bitcast %get3A_676 : vector<16xi32> to vector<16xf32>
    %add3A_678 = arith.addf %add3A_664, %bitcast3A_677 : vector<16xf32>
    %get3A_679 = arith.constant 496 : index
    %get3A_680 = tpu.vector_load %arg8[%get3A_679] {strides = array<i32>} : memref<1024xi32, #tpu.memory_space<vmem>>, vector<16xi32>,
    %bitcast3A_681 = vector.bitcast %get3A_680 : vector<16xi32> to vector<16xf32>
    %add3A_682 = arith.addf %add3A_668, %bitcast3A_681 : vector<16xf32>
    %get3A_683 = arith.constant 512 : index
    %get3A_684 = tpu.vector_load %arg8[%get3A_683] {strides = array<i32>} : memref<1024xi32, #tpu.memory_space<vmem>>, vector<16xi32>,
    %add3A_685 = arith.addi %add3A_671, %get3A_684 : vector<16xi32>
    %get3A_686 = arith.constant 528 : index
    %get3A_687 = tpu.vector_load %arg8[%get3A_686] {strides = array<i32>} : memref<1024xi32, #tpu.memory_space<vmem>>, vector<16xi32>,
    %add3A_688 = arith.addi %add3A_674, %get3A_687 : vector<16xi32>
    %get3A_689 = arith.constant 544 : index
    %get3A_690 = tpu.vector_load %arg8[%get3A_689] {strides = array<i32>} : memref<1024xi32, #tpu.memory_space<vmem>>, vector<16xi32>,
    %bitcast3A_691 = vector.bitcast %get3A_690 : vector<16xi32> to vector<16xf32>
    %add3A_692 = arith.addf %add3A_678, %bitcast3A_691 : vector<16xf32>
    %get3A_693 = arith.constant 560 : index
    %get3A_694 = tpu.vector_load %arg8[%get3A_693] {strides = array<i32>} : memref<1024xi32, #tpu.memory_space<vmem>>, vector<16xi32>,
    %bitcast3A_695 = vector.bitcast %get3A_694 : vector<16xi32> to vector<16xf32>
    %add3A_696 = arith.addf %add3A_682, %bitcast3A_695 : vector<16xf32>
    %get3A_697 = arith.constant 576 : index
    %get3A_698 = tpu.vector_load %arg8[%get3A_697] {strides = array<i32>} : memref<1024xi32, #tpu.memory_space<vmem>>, vector<16xi32>,
    %add3A_699 = arith.addi %add3A_685, %get3A_698 : vector<16xi32>
    %get3A_700 = arith.constant 592 : index
    %get3A_701 = tpu.vector_load %arg8[%get3A_700] {strides = array<i32>} : memref<1024xi32, #tpu.memory_space<vmem>>, vector<16xi32>,
    %add3A_702 = arith.addi %add3A_688, %get3A_701 : vector<16xi32>
    %get3A_703 = arith.constant 608 : index
    %get3A_704 = tpu.vector_load %arg8[%get3A_703] {strides = array<i32>} : memref<1024xi32, #tpu.memory_space<vmem>>, vector<16xi32>,
    %bitcast3A_705 = vector.bitcast %get3A_704 : vector<16xi32> to vector<16xf32>
    %add3A_706 = arith.addf %add3A_692, %bitcast3A_705 : vector<16xf32>
    %get3A_707 = arith.constant 624 : index
    %get3A_708 = tpu.vector_load %arg8[%get3A_707] {strides = array<i32>} : memref<1024xi32, #tpu.memory_space<vmem>>, vector<16xi32>,
    %bitcast3A_709 = vector.bitcast %get3A_708 : vector<16xi32> to vector<16xf32>
    %add3A_710 = arith.addf %add3A_696, %bitcast3A_709 : vector<16xf32>
    %get3A_711 = arith.constant 640 : index
    %get3A_712 = tpu.vector_load %arg8[%get3A_711] {strides = array<i32>} : memref<1024xi32, #tpu.memory_space<vmem>>, vector<16xi32>,
    %add3A_713 = arith.addi %add3A_699, %get3A_712 : vector<16xi32>
    %get3A_714 = arith.constant 656 : index
    %get3A_715 = tpu.vector_load %arg8[%get3A_714] {strides = array<i32>} : memref<1024xi32, #tpu.memory_space<vmem>>, vector<16xi32>,
    %add3A_716 = arith.addi %add3A_702, %get3A_715 : vector<16xi32>
    %get3A_717 = arith.constant 672 : index
    %get3A_718 = tpu.vector_load %arg8[%get3A_717] {strides = array<i32>} : memref<1024xi32, #tpu.memory_space<vmem>>, vector<16xi32>,
    %bitcast3A_719 = vector.bitcast %get3A_718 : vector<16xi32> to vector<16xf32>
    %add3A_720 = arith.addf %add3A_706, %bitcast3A_719 : vector<16xf32>
    %get3A_721 = arith.constant 688 : index
    %get3A_722 = tpu.vector_load %arg8[%get3A_721] {strides = array<i32>} : memref<1024xi32, #tpu.memory_space<vmem>>, vector<16xi32>,
    %bitcast3A_723 = vector.bitcast %get3A_722 : vector<16xi32> to vector<16xf32>
    %add3A_724 = arith.addf %add3A_710, %bitcast3A_723 : vector<16xf32>
    %get3A_725 = arith.constant 704 : index
    %get3A_726 = tpu.vector_load %arg8[%get3A_725] {strides = array<i32>} : memref<1024xi32, #tpu.memory_space<vmem>>, vector<16xi32>,
    %add3A_727 = arith.addi %add3A_713, %get3A_726 : vector<16xi32>
    %get3A_728 = arith.constant 720 : index
    %get3A_729 = tpu.vector_load %arg8[%get3A_728] {strides = array<i32>} : memref<1024xi32, #tpu.memory_space<vmem>>, vector<16xi32>,
    %add3A_730 = arith.addi %add3A_716, %get3A_729 : vector<16xi32>
    %get3A_731 = arith.constant 736 : index
    %get3A_732 = tpu.vector_load %arg8[%get3A_731] {strides = array<i32>} : memref<1024xi32, #tpu.memory_space<vmem>>, vector<16xi32>,
    %bitcast3A_733 = vector.bitcast %get3A_732 : vector<16xi32> to vector<16xf32>
    %add3A_734 = arith.addf %add3A_720, %bitcast3A_733 : vector<16xf32>
    %get3A_735 = arith.constant 752 : index
    %get3A_736 = tpu.vector_load %arg8[%get3A_735] {strides = array<i32>} : memref<1024xi32, #tpu.memory_space<vmem>>, vector<16xi32>,
    %bitcast3A_737 = vector.bitcast %get3A_736 : vector<16xi32> to vector<16xf32>
    %add3A_738 = arith.addf %add3A_724, %bitcast3A_737 : vector<16xf32>
    %get3A_739 = arith.constant 768 : index
    %get3A_740 = tpu.vector_load %arg8[%get3A_739] {strides = array<i32>} : memref<1024xi32, #tpu.memory_space<vmem>>, vector<16xi32>,
    %add3A_741 = arith.addi %add3A_727, %get3A_740 : vector<16xi32>
    %get3A_742 = arith.constant 784 : index
    %get3A_743 = tpu.vector_load %arg8[%get3A_742] {strides = array<i32>} : memref<1024xi32, #tpu.memory_space<vmem>>, vector<16xi32>,
    %add3A_744 = arith.addi %add3A_730, %get3A_743 : vector<16xi32>
    %get3A_745 = arith.constant 800 : index
    %get3A_746 = tpu.vector_load %arg8[%get3A_745] {strides = array<i32>} : memref<1024xi32, #tpu.memory_space<vmem>>, vector<16xi32>,
    %bitcast3A_747 = vector.bitcast %get3A_746 : vector<16xi32> to vector<16xf32>
    %add3A_748 = arith.addf %add3A_734, %bitcast3A_747 : vector<16xf32>
    %get3A_749 = arith.constant 816 : index
    %get3A_750 = tpu.vector_load %arg8[%get3A_749] {strides = array<i32>} : memref<1024xi32, #tpu.memory_space<vmem>>, vector<16xi32>,
    %bitcast3A_751 = vector.bitcast %get3A_750 : vector<16xi32> to vector<16xf32>
    %add3A_752 = arith.addf %add3A_738, %bitcast3A_751 : vector<16xf32>
    %get3A_753 = arith.constant 832 : index
    %get3A_754 = tpu.vector_load %arg8[%get3A_753] {strides = array<i32>} : memref<1024xi32, #tpu.memory_space<vmem>>, vector<16xi32>,
    %add3A_755 = arith.addi %add3A_741, %get3A_754 : vector<16xi32>
    %get3A_756 = arith.constant 848 : index
    %get3A_757 = tpu.vector_load %arg8[%get3A_756] {strides = array<i32>} : memref<1024xi32, #tpu.memory_space<vmem>>, vector<16xi32>,
    %add3A_758 = arith.addi %add3A_744, %get3A_757 : vector<16xi32>
    %get3A_759 = arith.constant 864 : index
    %get3A_760 = tpu.vector_load %arg8[%get3A_759] {strides = array<i32>} : memref<1024xi32, #tpu.memory_space<vmem>>, vector<16xi32>,
    %bitcast3A_761 = vector.bitcast %get3A_760 : vector<16xi32> to vector<16xf32>
    %add3A_762 = arith.addf %add3A_748, %bitcast3A_761 : vector<16xf32>
    %get3A_763 = arith.constant 880 : index
    %get3A_764 = tpu.vector_load %arg8[%get3A_763] {strides = array<i32>} : memref<1024xi32, #tpu.memory_space<vmem>>, vector<16xi32>,
    %bitcast3A_765 = vector.bitcast %get3A_764 : vector<16xi32> to vector<16xf32>
    %add3A_766 = arith.addf %add3A_752, %bitcast3A_765 : vector<16xf32>
    %get3A_767 = arith.constant 896 : index
    %get3A_768 = tpu.vector_load %arg8[%get3A_767] {strides = array<i32>} : memref<1024xi32, #tpu.memory_space<vmem>>, vector<16xi32>,
    %add3A_769 = arith.addi %add3A_755, %get3A_768 : vector<16xi32>
    %get3A_770 = arith.constant 912 : index
    %get3A_771 = tpu.vector_load %arg8[%get3A_770] {strides = array<i32>} : memref<1024xi32, #tpu.memory_space<vmem>>, vector<16xi32>,
    %add3A_772 = arith.addi %add3A_758, %get3A_771 : vector<16xi32>
    %get3A_773 = arith.constant 928 : index
    %get3A_774 = tpu.vector_load %arg8[%get3A_773] {strides = array<i32>} : memref<1024xi32, #tpu.memory_space<vmem>>, vector<16xi32>,
    %bitcast3A_775 = vector.bitcast %get3A_774 : vector<16xi32> to vector<16xf32>
    %add3A_776 = arith.addf %add3A_762, %bitcast3A_775 : vector<16xf32>
    %get3A_777 = arith.constant 944 : index
    %get3A_778 = tpu.vector_load %arg8[%get3A_777] {strides = array<i32>} : memref<1024xi32, #tpu.memory_space<vmem>>, vector<16xi32>,
    %bitcast3A_779 = vector.bitcast %get3A_778 : vector<16xi32> to vector<16xf32>
    %add3A_780 = arith.addf %add3A_766, %bitcast3A_779 : vector<16xf32>
    %get3A_781 = arith.constant 960 : index
    %get3A_782 = tpu.vector_load %arg8[%get3A_781] {strides = array<i32>} : memref<1024xi32, #tpu.memory_space<vmem>>, vector<16xi32>,
    %add3A_783 = arith.addi %add3A_769, %get3A_782 : vector<16xi32>
    %get3A_784 = arith.constant 976 : index
    %get3A_785 = tpu.vector_load %arg8[%get3A_784] {strides = array<i32>} : memref<1024xi32, #tpu.memory_space<vmem>>, vector<16xi32>,
    %add3A_786 = arith.addi %add3A_772, %get3A_785 : vector<16xi32>
    %get3A_787 = arith.constant 992 : index
    %get3A_788 = tpu.vector_load %arg8[%get3A_787] {strides = array<i32>} : memref<1024xi32, #tpu.memory_space<vmem>>, vector<16xi32>,
    %bitcast3A_789 = vector.bitcast %get3A_788 : vector<16xi32> to vector<16xf32>
    %add3A_790 = arith.addf %add3A_776, %bitcast3A_789 : vector<16xf32>
    %get3A_791 = arith.constant 1008 : index
    %get3A_792 = tpu.vector_load %arg8[%get3A_791] {strides = array<i32>} : memref<1024xi32, #tpu.memory_space<vmem>>, vector<16xi32>,
    %bitcast3A_793 = vector.bitcast %get3A_792 : vector<16xi32> to vector<16xf32>
    %add3A_794 = arith.addf %add3A_780, %bitcast3A_793 : vector<16xf32>
    %reduce_sum3A = arith.constant true
    %reduce_sum3A_795 = vector.broadcast %reduce_sum3A : i1 to vector<16xi1>
    %reduce_sum3A_796 = tpu.scan <sum>, %add3A_790 masked %reduce_sum3A_795 : vector<16xf32>, vector<16xi1> -> vector<16xf32>
    %reduce_sum3A_797 = vector.extract %reduce_sum3A_796[15] : f32 from vector<16xf32>
    %reduce_sum3A_798 = arith.constant true
    %reduce_sum3A_799 = vector.broadcast %reduce_sum3A_798 : i1 to vector<16xi1>
    %reduce_sum3A_800 = tpu.scan <sum>, %add3A_794 masked %reduce_sum3A_799 : vector<16xf32>, vector<16xi1> -> vector<16xf32>
    %reduce_sum3A_801 = vector.extract %reduce_sum3A_800[15] : f32 from vector<16xf32>
    %broadcast_in_dim3A_802 = arith.constant 1024 : i32
    %broadcast_in_dim3A_803 = vector.broadcast %broadcast_in_dim3A_802 : i32 to vector<16xi32>
    %sub3A_804 = arith.subi %broadcast_in_dim3A_803, %add3A_783 : vector<16xi32>
    %convert_element_type3A_805 = arith.sitofp %sub3A_804 : vector<16xi32> to vector<16xf32>
    %broadcast_in_dim3A_806 = arith.constant 1024 : i32
    %broadcast_in_dim3A_807 = vector.broadcast %broadcast_in_dim3A_806 : i32 to vector<16xi32>
    %sub3A_808 = arith.subi %broadcast_in_dim3A_807, %add3A_786 : vector<16xi32>
    %convert_element_type3A_809 = arith.sitofp %sub3A_808 : vector<16xi32> to vector<16xf32>
    %broadcast_in_dim3A_810 = vector.broadcast %reduce_sum3A_797 : f32 to vector<16xf32>
    %mul3A_811 = arith.mulf %convert_element_type3A_805, %bitcast3A_531 : vector<16xf32>
    %add3A_812 = arith.addf %broadcast_in_dim3A_810, %mul3A_811 : vector<16xf32>
    %broadcast_in_dim3A_813 = vector.broadcast %reduce_sum3A_801 : f32 to vector<16xf32>
    %mul3A_814 = arith.mulf %convert_element_type3A_809, %bitcast3A_539 : vector<16xf32>
    %add3A_815 = arith.addf %broadcast_in_dim3A_813, %mul3A_814 : vector<16xf32>
    %sub3A_816 = arith.subf %add3A_812, %add3A_815 : vector<16xf32>
    %mul3A_817 = arith.constant 2.000000e+00 : f32
    %mul3A_818 = vector.broadcast %mul3A_817 : f32 to vector<16xf32>
    %mul3A_819 = arith.mulf %mul3A_818, %sub3A_816 : vector<16xf32>
    %sub3A_820 = arith.subf %bitcast3A_147, %bitcast3A_155 : vector<16xf32>
    %sub3A_821 = arith.subf %mul3A_819, %sub3A_820 : vector<16xf32>
    %swap3A_822 = arith.constant 0 : index
    %swap3A_823 = tpu.vector_load %arg9[%swap3A_822] {strides = array<i32>} : memref<16xf32, #tpu.memory_space<vmem>>, vector<16xf32>,
    tpu.vector_store %arg9[%swap3A_822], %sub3A_821 {strides = array<i32>} : memref<16xf32, #tpu.memory_space<vmem>>, vector<16xf32>,
    %eq3A_824 = arith.constant 0 : i32
    %eq3A_825 = arith.cmpi eq, %arg0, %eq3A_824 : i32
    %eq3A_826 = arith.constant 0 : i32
    %eq3A_827 = arith.cmpi eq, %arg1, %eq3A_826 : i32
    %and3A_828 = arith.andi %eq3A_825, %eq3A_827 : i1
    %convert_element_type3A_829 = arith.extui %and3A_828 : i1 to i32
    %cond3A_830 = arith.constant 0 : i32
    %cond3A_831 = arith.cmpi ne, %convert_element_type3A_829, %cond3A_830 : i32
    scf.if %cond3A_831 {
      "tpu.region"() ({
        %run_scoped3A = tpu.sem_alloc : memref<!tpu.dma_semaphore, #tpu.memory_space<semaphore_mem>>
        tpu.enqueue_dma source(%arg9 : memref<16xf32, #tpu.memory_space<vmem>>) target(%arg3 : memref<16xf32, #tpu.memory_space<hbm>>) target_semaphore(%run_scoped3A : memref<!tpu.dma_semaphore, #tpu.memory_space<semaphore_mem>>)
        tpu.wait_dma2 semaphore(%run_scoped3A : memref<!tpu.dma_semaphore, #tpu.memory_space<semaphore_mem>>) src(%arg9 : memref<16xf32, #tpu.memory_space<vmem>>) dst(%arg3 : memref<16xf32, #tpu.memory_space<hbm>>)
        tpu.yield
      }) : () -> ()
    } else {
    }
    return
  }
}

</mosaic_0001>

<sc_bundles>
// kernel: kernel.3.cloned.1.call-start
scs
__scs_entry_jumppad:
0x0: {  	(pc) =	sbr.rel $0x88, $3  }
0x1: {  	(tag) =	ssettag $0x0;
	lr =	simm.s32 $0x1  }
0x2: {  	[smem:$0x3FA0] =	sst lr;
	_ =	strace $0xD0000000  }
0x3: {  	_ = 	snop  }
0x4: {  	_ = 	snop  }
0x5: {  	_ = 	snop  }
0x6: {  	_ = 	snop  }
0x7: {  	_ = 	snop  }
__scs_overlays_trampoline_lowered:
0x8: {  	[smem:$0x3FAF] =	sst s0  }
0x9: {  	[smem:$0x3FB0] =	sst s1  }
0xa: {  	[smem:$0x3FB1] =	sst s2  }
0xb: {  	[smem:$0x3FB2] =	sst s3  }
0xc: {  	[smem:$0x3FB3] =	sst s4  }
0xd: {  	[smem:$0x3FB4] =	sst s5  }
0xe: {  	[smem:$0x3FB5] =	sst s6  }
0xf: {  	[smem:$0x3FB6] =	sst s7  }
0x10: {  	[smem:$0x3FB7] =	sst s8  }
0x11: {  	[smem:$0x3FB8] =	sst s9;
	s0 =	simm.s32 @!p0 $0x0  }
0x12: {  	s1 =	sld [smem:$0x3F9E];
	s0 =	simm.s32 @p0 $0x1  }
0x13: {  	[smem:$0x3FB9] =	sst s0;
	s0 =	simm.s32 @!p1 $0x0  }
0x14: {  	s2 =	sld [smem:$0x3F9D];
	s0 =	simm.s32 @p1 $0x1  }
0x15: {  	[smem:$0x3FBA] =	sst s0;
	s0 =	simm.s32 @!p2 $0x0  }
0x16: {  	s3 =	sld [smem:$0x3FDB];
	s0 =	simm.s32 @p2 $0x1  }
0x17: {  	s4 =	simm.s32 $0x1BF5;
	[smem:$0x3FBC] =	sst s0  }
0x18: {  	s0 =	sld [smem:$0x3F9F];
	_ =	swait.ge [sflag:s4], $0x0  }
0x19: {  	s7 =	sld [smem:$0x3FA0]  }
0x1a: {  	s8 =	sadd.s32 $0xFFFFE003, lr  }
0x1b: {  	s9 =	sadd.s32 $0xFFFFFEF7, lr;
	s5 =	simm.s32 $0xFFFFFFFF;
	p2 =	slt.u32 s8, $0xFFFFF086  }
0x1c: {  	p1 =	slt.u32 s9, $0xF7A;
	s5 =	simm.s32 @!p2 $0x0  }
0x1d: {  	s5 =	simm.s32 @p1 $0x1;
	p0 =	seq.s32 s7, s2  }
0x1e: {  	s7 =	smul.u32 @!p0 $0xF7A, s2;
	p2 =	seq.s32 @!p0 s5, $0x0  }
0x1f: {  	s9 =	smul.u32 $0xF7A, s1;
	s8 =	simm.s32 @!p0 $0x1BF5;
	p2 =	por !p2, p0  }
0x20: {  	[sflag:s8] =	ssyncset.s32 @!p0 $0xFFFFF086;
	s6 =	sadd.s32 @!p0 s3, s7;
	s7 =	simm.s32 @!p0 $0x108  }
0x21: {  	s3 =	sadd.s32 s3, s9;
	s6 =	sadd.s32 @!p0 $0x88, s6;
	s7 =	simm.s32 @p2 $0x1082  }
0x22: {  	[simem:s7], [sflag:s8] =	dma.local @!p0 [hbm:s6], $0xF7A  }
0x23: {  	s9 =	sor.u32 $0xD0000000, s2;
	s6 =	simm.s32 $0x108;
	_ =	swait.ge @!p0 [sflag:s8], $0x0  }
0x24: {  	s3 =	sadd.s32 $0x88, s3;
	s6 =	simm.s32 @!p1 $0x1082;
	[sflag:s4] =	ssyncset.s32 $0xFFFFF086  }
0x25: {  	[simem:s6], [sflag:s4] =	dma.local [hbm:s3], $0xF7A  }
0x26: {  	[smem:$0x3FA0] =	sst s1;
	(tag) =	ssettag s2;
	_ =	strace s9  }
0x27: {  	s1 =	sld [smem:$0x3FB0]  }
0x28: {  	s2 =	sld [smem:$0x3FB1]  }
0x29: {  	s4 =	sld [smem:$0x3FB3]  }
0x2a: {  	p0 =	seq.s32 s5, $0x0;
	s5 =	sld [smem:$0x3FB4]  }
0x2b: {  	s6 =	sld [smem:$0x3FB5]  }
0x2c: {  	s7 =	sld [smem:$0x3FB6]  }
0x2d: {  	s3 =	simm.s32 $0x108;
	s8 =	sld [smem:$0x3FB7]  }
0x2e: {  	s3 =	simm.s32 @!p0 $0x1082;
	s9 =	sld [smem:$0x3FB8]  }
0x2f: {  	lr =	sadd.s32 s0, s3;
	s0 =	sld [smem:$0x3FAF]  }
0x30: {  	s3 =	sld [smem:$0x3FB2]  }
0x31: {  	[smem:$0x3FBB] =	sst s10  }
0x32: {  	s10 =	sld [smem:$0x3FB9];
	_ =	sdelay $0x3  }
0x33: {  	p0 =	seq.s32 s10, $0x1;
	s10 =	sld [smem:$0x3FBB];
	_ =	sdelay $0x3  }
0x34: {  	[smem:$0x3FBB] =	sst s10  }
0x35: {  	s10 =	sld [smem:$0x3FBA];
	_ =	sdelay $0x3  }
0x36: {  	p1 =	seq.s32 s10, $0x1;
	s10 =	sld [smem:$0x3FBB];
	_ =	sdelay $0x3  }
0x37: {  	[smem:$0x3FBB] =	sst s10  }
0x38: {  	s10 =	sld [smem:$0x3FBC]  }
0x39: {  	_ = 	snop;
	(pc) =	sbr.ind lr, $3  }
0x3a: {  	_ = 	snop  }
0x3b: {  	_ = 	snop  }
0x3c: {  	p2 =	seq.s32 s10, $0x1;
	s10 =	sld [smem:$0x3FBB]  }
0x3d: {  	_ =	shalt  }
0x3e: {  	_ =	shalt  }
0x3f: {  	_ =	shalt  }
0x40: {  	_ =	shalt  }
0x41: {  	_ =	shalt  }
0x42: {  	_ =	shalt  }
0x43: {  	_ =	shalt  }
0x44: {  	_ =	shalt  }
0x45: {  	_ =	shalt  }
0x46: {  	_ =	shalt  }
0x47: {  	_ =	shalt  }
0x48: {  	_ =	shalt  }
0x49: {  	_ =	shalt  }
0x4a: {  	_ =	shalt  }
0x4b: {  	_ =	shalt  }
0x4c: {  	_ =	shalt  }
0x4d: {  	_ =	shalt  }
0x4e: {  	_ =	shalt  }
0x4f: {  	_ =	shalt  }
0x50: {  	_ =	shalt  }
0x51: {  	_ =	shalt  }
0x52: {  	_ =	shalt  }
0x53: {  	_ =	shalt  }
0x54: {  	_ =	shalt  }
0x55: {  	_ =	shalt  }
0x56: {  	_ =	shalt  }
0x57: {  	_ =	shalt  }
0x58: {  	_ =	shalt  }
0x59: {  	_ =	shalt  }
0x5a: {  	_ =	shalt  }
0x5b: {  	_ =	shalt  }
0x5c: {  	_ =	shalt  }
0x5d: {  	_ =	shalt  }
0x5e: {  	_ =	shalt  }
0x5f: {  	_ =	shalt  }
0x60: {  	_ =	shalt  }
0x61: {  	_ =	shalt  }
0x62: {  	_ =	shalt  }
0x63: {  	_ =	shalt  }
0x64: {  	_ =	shalt  }
0x65: {  	_ =	shalt  }
0x66: {  	_ =	shalt  }
0x67: {  	_ =	shalt  }
0x68: {  	_ =	shalt  }
0x69: {  	_ =	shalt  }
0x6a: {  	_ =	shalt  }
0x6b: {  	_ =	shalt  }
0x6c: {  	_ =	shalt  }
0x6d: {  	_ =	shalt  }
0x6e: {  	_ =	shalt  }
0x6f: {  	_ =	shalt  }
0x70: {  	_ =	shalt  }
0x71: {  	_ =	shalt  }
0x72: {  	_ =	shalt  }
0x73: {  	_ =	shalt  }
0x74: {  	_ =	shalt  }
0x75: {  	_ =	shalt  }
0x76: {  	_ =	shalt  }
0x77: {  	_ =	shalt  }
0x78: {  	_ =	shalt  }
0x79: {  	_ =	shalt  }
0x7a: {  	_ =	shalt  }
0x7b: {  	_ =	shalt  }
0x7c: {  	_ =	shalt  }
0x7d: {  	_ =	shalt  }
0x7e: {  	_ =	shalt  }
0x7f: {  	_ =	shalt  }
0x80: {  	_ =	shalt  }
0x81: {  	_ =	shalt  }
0x82: {  	_ =	shalt  }
0x83: {  	_ =	shalt  }
0x84: {  	_ =	shalt  }
0x85: {  	_ =	shalt  }
0x86: {  	_ =	shalt  }
0x87: {  	_ =	shalt  }
.Lfunc_end0:
.L_simem_size_0:
called_computation_lowered:
.L_overlay_start_0:
0x88: {  	s0 =	sld [smem:$0x3FD9]  }
0x89: {  	s1 =	sld [smem:$0x3FFE];
	_ =	sdelay $0x3  }
0x8a: {  	s0 =	sadd.s32 s1, s0  }
0x8b: {  	[smem:$0x3FC7] =	sst s0  }
0x8c: {  	_ = 	snop  }
0x8d: {  	s0 =	sld [smem:$0x3FD0];
	(tm) =	ssettm $0x1  }
0x8e: {  	s16 =	sld [smem:$0x3FFB];
	_ =	sdelay $0x3  }
0x8f: {  	_ =	strace s16  }
0x90: {  	s1 =	sld [smem:$0x3FFC];
	_ =	sdelay $0x3  }
0x91: {  	_ =	strace s1  }
0x92: {  	s1 =	sld [smem:$0x3FFD];
	_ =	sdelay $0x3  }
0x93: {  	_ =	strace s1  }
0x94: {  	_ =	strace $0x8FFFFFFF  }
0x95: {  	s17 =	sld [smem:$0x3FDB];
	_ =	sdelay $0x1  }
0x96: {  	s2 =	simm.s32 $_scs_section_size  }
0x97: {  	s3 =	simm.s32 $_size__tile_overlayer_lowered;
	s4 =	simm.s32 $_tile_overlayer_lowered  }
0x98: {  	s20 =	simm.s32 $0x1BFF;
	s19 =	sshll.u32 s4, $0x1;
	s1 =	sadd.s32 s2, s17  }
0x99: {  	s5 =	simm.s32 $0x0;
	s18 =	sshll.u32 s3, $0x1;
	s3 =	sadd.s32 s19, s1  }
0x9a: {  	[timem:s5], [sflag:s20] =	dma.local [hbm:s3], s18  }
0x9b: {  	_ =	swait.ge [sflag:s20], s18  }
0x9c: {  	s2 =	ssub.s32 $0x0, s18;
	[sflag:s20] =	ssyncset.done $0x0  }
0x9d: {  	[sflag:s20] =	ssyncadd.s32 s2;
	_ =	sdelay $0x1  }
0x9e: {  	s21 =	simm.s32 $0x1B8B  }
0x9f: {  	_ =	swait.ge [sflag:s21], $0x1  }
0xa0: {  	[sflag:s21] =	ssyncset.done $0x0  }
0xa1: {  	s23 =	simm.s32 $0x1B8E;
	s22 =	sld [smem:$0x3FFE];
	[sflag:s21] =	ssyncadd.s32 $0xFFFFFFFF  }
0xa2: {  	s24 =	simm.s32 $execute0_lowered;
	[smem:$0x3FD2] =	sst s23  }
0xa3: {  	s3 =	sshll.u32 s24, $0x1;
	_ =	strace $0x80000046;
	[dreg:$0x1] =	wrdreg $0xFFFFFFFF  }
0xa4: {  	s25 =	simm.s32 $_size_execute0_lowered;
	s1 =	sadd.s32 s1, s3;
	[dreg:$0x0] =	wrdreg $0x0  }
0xa5: {  	s3 =	sshll.u32 s25, $0x1;
	[dreg:$0x2] =	wrdreg s1  }
0xa6: {  	[dreg:$0x3] =	wrdreg s3  }
0xa7: {  	[dreg:$0x4] =	wrdreg $0xC0  }
0xa8: {  	_ =	task [dreg:s5], $0x5FFFF  }
0xa9: {  	[dreg:$0x1] =	wrdreg $0xFFFFFFFF  }
0xaa: {  	[dreg:$0x0] =	wrdreg $0x60  }
0xab: {  	[dreg:$0x2] =	wrdreg s22  }
0xac: {  	[dreg:$0x3] =	wrdreg s0  }
0xad: {  	[dreg:$0x4] =	wrdreg $0xC6800  }
0xae: {  	[dreg:$0x5] =	wrdreg $0xC6C00  }
0xaf: {  	[dreg:$0x6] =	wrdreg $0x9  }
0xb0: {  	_ =	task.clear_ibuf [dreg:s5], $0x7FFFF;
	_ =	strace $0x90000046  }
0xb1: {  	s26 =	simm.s32 $0x9;
	_ =	strace $0x80000048  }
0xb2: {  	_ =	swait.ge [sflag:s26], $0x1  }
0xb3: {  	[sflag:s26] =	ssyncadd.s32 $0xFFFFFFFF  }
0xb4: {  	_ =	strace $0x90000048  }
0xb5: {  	_ =	sfence  }
0xb6: {  	s28 =	sld [smem:$0x0];
	_ =	sdelay $0x1  }
0xb7: {  	s29 =	srdreg.scid  }
0xb8: {  	s30 =	sshll.u32 s29, $0xD;
	s31 =	sshrl.u32 s29, $0x2  }
0xb9: {  	s2 =	sand.u32 $0x4000, s30;
	s1 =	sand.u32 $0x1, s29;
	s0 =	sadd.s32 s31, s28  }
0xba: {  	s1 =	sor.u32 s2, s1;
	s0 =	sshll.u32 s0, $0x11  }
0xbb: {  	s0 =	sor.u32 s0, s1  }
0xbc: {  	s0 =	sadd.s32 $0x8F2B, s0  }
0xbd: {  	[sflag:s0] =	ssyncadd.remote.s32 $0x1  }
0xbe: {  	_ =	sfence.sel $0xFFFF  }
0xbf: {  	[dreg:$0x0] =	wrdreg $0xFFFFFFFF;
	(pc) =	sbr.abs _section_cstart, $3  }
0xc0: {  	[dreg:$0x1] =	wrdreg $0xFFFFFFFF  }
0xc1: {  	_ =	task.clear_ibuf [dreg:s5], $0x2FFFF;
	_ =	strace $0x9FFFFFFF  }
0xc2: {  	(tm) =	ssettm $0x7FFFFFFF  }
0xc3: {  	_ =	shalt  }
tec
execute0_lowered:
.L_overlay_start_1:
0x0: {  	(tag) =	ssettag $0x1  }
0x1: {  	s5 =	rddreg [dreg:$0x0]  }
0x2: {  	s1 =	rddreg [dreg:$0x1]  }
0x3: {  	s4 =	rddreg [dreg:$0x2]  }
0x4: {  	s3 =	rddreg [dreg:$0x3];
	s2 =	stileid.u32  }
0x5: {  	s0 =	rddreg [dreg:$0x4];
	s6 =	simm.s32 $0x0;
	s7 =	sshll.u32 s2, $0xB  }
0x6: {  	[smem:$0x7FF] =	sst s6;
	s5 =	sadd.s32 s7, s5  }
0x7: {  	s30 =	simm.s32 $0x1;
	_ =	strace $0x80000047;
	s5 =	sadd.s32 $0x400, s5  }
0x8: {  	[tilespmem:s6], [sflag:$0x1] =	stream.linear.gather [hbm4b:s5+s6], $0x4000, $0x38;
	[tilespmem:$0xC700] =	vst v63  }
0x9: {  	_ =	swait.ge [sflag:s30], $0x4000  }
0xa: {  	[sflag:s30] =	ssyncset.done $0x0  }
0xb: {  	s31 =	simm.s32 $0x40;
	[sflag:s30] =	ssyncadd.s32 $0xFFFFC000  }
0xc: {  	v2 =	vld [tilespmem:s31+$0xFFFFFFC0]  }
0xd: {  	v3 =	vld [tilespmem:s31+$0xFFFFFFD0]  }
0xe: {  	v4 =	vld [tilespmem:s31+$0xFFFFFFE0]  }
0xf: {  	v0 =	vld [tilespmem:s31+$0xFFFFFFF0]  }
0x10: {  	v5 =	vimm.f32 $-Inf;
	v6 =	vimm.f32 $+Inf;
	v1 =	vld [tilespmem:s31+$0x0]  }
0x11: {  	v5 =	vmax.f32 v5, v2;
	v6 =	vmin.f32 v6, v2;
	v2 =	vld [tilespmem:s31+$0x10]  }
0x12: {  	v5 =	vmax.f32 v5, v3;
	v6 =	vmin.f32 v6, v3;
	v3 =	vld [tilespmem:s31+$0x20]  }
0x13: {  	s5 =	simm.s32 $0x0;
	s6 =	simm.s32 $0xC0;
	v5 =	vmax.f32 v5, v4;
	v6 =	vmin.f32 v6, v4;
	v4 =	vld [tilespmem:s31+$0x30]  }
.LBB2_1:
0x14: {  	v7 =	vld [tilespmem:s6+$0xFFFFFFC0];
	s5 =	sadd.s32 $0x8, s5;
	v5 =	vmax.f32 v5, v0;
	v0 =	vmin.f32 v6, v0  }
0x15: {  	v6 =	vld [tilespmem:s6+$0xFFFFFFD0];
	p0 =	slt.u32 s5, $0x3F8;
	v5 =	vmax.f32 v5, v1;
	v0 =	vmin.f32 v0, v1  }
0x16: {  	v8 =	vld [tilespmem:s6+$0xFFFFFFE0];
	v1 =	vmax.f32 v5, v2;
	v2 =	vmin.f32 v0, v2  }
.Ltmp0:
0x17: {  	v0 =	vld [tilespmem:s6+$0xFFFFFFF0];
	v5 =	vmax.f32 v1, v3;
	v2 =	vmin.f32 v2, v3;
	(pc) =	sbr.rel @p0 .LBB2_1-.Ltmp0, $4  }
0x18: {  	v1 =	vld [tilespmem:s6+$0x0];
	v3 =	vmax.f32 v5, v4;
	v2 =	vmin.f32 v2, v4  }
0x19: {  	v3 =	vmax.f32 v3, v7;
	v4 =	vmin.f32 v2, v7;
	v2 =	vld [tilespmem:s6+$0x10]  }
0x1a: {  	v5 =	vmax.f32 v3, v6;
	v4 =	vmin.f32 v4, v6;
	v3 =	vld [tilespmem:s6+$0x20]  }
0x1b: {  	v5 =	vmax.f32 v5, v8;
	v6 =	vmin.f32 v4, v8;
	v4 =	vld [tilespmem:s6+$0x30];
	s6 =	sadd.s32 $0x80, s6  }
0x1c: {  	v5 =	vmax.f32 v5, v0  }
0x1d: {  	v0 =	vmin.f32 v6, v0;
	v5 =	vmax.f32 v5, v1  }
0x1e: {  	v0 =	vmin.f32 v0, v1;
	v1 =	vmax.f32 v5, v2  }
0x1f: {  	v0 =	vmin.f32 v0, v2;
	v1 =	vmax.f32 v1, v3  }
0x20: {  	v0 =	vmin.f32 v0, v3;
	v1 =	vmax.f32 v1, v4  }
0x21: {  	v0 =	vmin.f32 v0, v4;
	v2 =	vsub.s32 $0x80000000, v1  }
0x22: {  	vm0 =	vlt.s32 v1, $0x0;
	v3 =	vsub.s32 $0x80000000, v0;
	vm1 =	vlt.s32 v0, $0x0  }
0x23: {  	v1 =	vsel vm0, v2, v1;
	v0 =	vsel vm1, v3, v0  }
0x24: {  	s5 =	sshll.u32 s2, $0x5;
	v0 =	vxor.u32 $0xFFFFFFFF, v0;
	[tilespmem:$0xC100] =	vst v1  }
0x25: {  	s7 =	simm.s32 $0xC100;
	s28 =	simm.s32 $0x1;
	s6 =	sadd.s32 s5, s4;
	[tilespmem:$0xC110] =	vst v0  }
0x26: {  	[spmem:s6] =	stream.linear.scatter [tilespmem:s7], [sflag:$0x1], $0x20, $0x38;
	[tilespmem:$0xC700] =	vst v63  }
0x27: {  	_ =	swait.ge [sflag:s28], $0x20  }
0x28: {  	[sflag:s28] =	ssyncset.done $0x0  }
0x29: {  	[sflag:s28] =	ssyncadd.s32 $0xFFFFFFE0  }
0x2a: {  	s8 =	simm.s32 $0xC180;
	[bflag:$0x0] =	sbarrier.arrive $0xFFFF  }
0x2b: {  	[tilespmem:s8], [sflag:$0x1] =	stream.linear.gather [spmem:s4], $0x200, $0x38;
	[tilespmem:$0xC700] =	vst v63  }
0x2c: {  	_ =	swait.ge [sflag:s28], $0x200  }
0x2d: {  	[sflag:s28] =	ssyncset.done $0x0  }
0x2e: {  	[sflag:s28] =	ssyncadd.s32 $0xFFFFFE00  }
0x2f: {  	v0 =	vld [tilespmem:$0xC180]  }
0x30: {  	v1 =	vld [tilespmem:$0xC190]  }
0x31: {  	v2 =	vld [tilespmem:$0xC1A0]  }
0x32: {  	v3 =	vld [tilespmem:$0xC1B0]  }
0x33: {  	v4 =	vld [tilespmem:$0xC1C0]  }
0x34: {  	v5 =	vld [tilespmem:$0xC1D0]  }
0x35: {  	v6 =	vld [tilespmem:$0xC1E0]  }
0x36: {  	v7 =	vld [tilespmem:$0xC1F0];
	vm0 =	vgt.s32 v0, v2  }
0x37: {  	v0 =	vsel vm0, v0, v2;
	vm0 =	vgt.s32 v1, v3;
	v2 =	vld [tilespmem:$0xC200]  }
0x38: {  	v1 =	vsel vm0, v1, v3;
	vm0 =	vgt.s32 v0, v4;
	v3 =	vld [tilespmem:$0xC210]  }
0x39: {  	v0 =	vsel vm0, v0, v4;
	vm0 =	vgt.s32 v1, v5;
	v4 =	vld [tilespmem:$0xC220]  }
0x3a: {  	v1 =	vsel vm0, v1, v5;
	vm0 =	vgt.s32 v0, v6;
	v5 =	vld [tilespmem:$0xC230]  }
0x3b: {  	v0 =	vsel vm0, v0, v6;
	vm0 =	vgt.s32 v1, v7;
	v6 =	vld [tilespmem:$0xC240]  }
0x3c: {  	v1 =	vsel vm0, v1, v7;
	vm0 =	vgt.s32 v0, v2;
	v7 =	vld [tilespmem:$0xC250]  }
0x3d: {  	v0 =	vsel vm0, v0, v2;
	vm0 =	vgt.s32 v1, v3;
	v2 =	vld [tilespmem:$0xC260]  }
0x3e: {  	v1 =	vsel vm0, v1, v3;
	vm0 =	vgt.s32 v0, v4;
	v3 =	vld [tilespmem:$0xC270]  }
0x3f: {  	v0 =	vsel vm0, v0, v4;
	vm0 =	vgt.s32 v1, v5;
	v4 =	vld [tilespmem:$0xC280]  }
0x40: {  	v1 =	vsel vm0, v1, v5;
	vm0 =	vgt.s32 v0, v6;
	v5 =	vld [tilespmem:$0xC290]  }
0x41: {  	v0 =	vsel vm0, v0, v6;
	vm0 =	vgt.s32 v1, v7;
	v6 =	vld [tilespmem:$0xC2A0]  }
0x42: {  	v1 =	vsel vm0, v1, v7;
	vm0 =	vgt.s32 v0, v2;
	v7 =	vld [tilespmem:$0xC2B0]  }
0x43: {  	v0 =	vsel vm0, v0, v2;
	vm0 =	vgt.s32 v1, v3;
	v2 =	vld [tilespmem:$0xC2C0]  }
0x44: {  	v1 =	vsel vm0, v1, v3;
	vm0 =	vgt.s32 v0, v4;
	v3 =	vld [tilespmem:$0xC2D0]  }
0x45: {  	v0 =	vsel vm0, v0, v4;
	vm0 =	vgt.s32 v1, v5;
	v4 =	vld [tilespmem:$0xC2E0]  }
0x46: {  	v1 =	vsel vm0, v1, v5;
	vm0 =	vgt.s32 v0, v6;
	v5 =	vld [tilespmem:$0xC2F0]  }
0x47: {  	v0 =	vsel vm0, v0, v6;
	vm0 =	vgt.s32 v1, v7;
	v6 =	vld [tilespmem:$0xC300]  }
0x48: {  	v1 =	vsel vm0, v1, v7;
	vm0 =	vgt.s32 v0, v2;
	v7 =	vld [tilespmem:$0xC310]  }
0x49: {  	v0 =	vsel vm0, v0, v2;
	vm0 =	vgt.s32 v1, v3;
	v2 =	vld [tilespmem:$0xC320]  }
0x4a: {  	v1 =	vsel vm0, v1, v3;
	vm0 =	vgt.s32 v0, v4;
	v3 =	vld [tilespmem:$0xC330]  }
0x4b: {  	v0 =	vsel vm0, v0, v4;
	vm0 =	vgt.s32 v1, v5;
	v4 =	vld [tilespmem:$0xC340]  }
0x4c: {  	v1 =	vsel vm0, v1, v5;
	vm0 =	vgt.s32 v0, v6;
	v5 =	vld [tilespmem:$0xC350]  }
0x4d: {  	v0 =	vsel vm0, v0, v6;
	vm0 =	vgt.s32 v1, v7;
	v6 =	vld [tilespmem:$0xC360]  }
0x4e: {  	v1 =	vsel vm0, v1, v7;
	vm0 =	vgt.s32 v0, v2;
	v7 =	vld [tilespmem:$0xC370]  }
0x4f: {  	v0 =	vsel vm0, v0, v2;
	vm0 =	vgt.s32 v1, v3  }
0x50: {  	v1 =	vsel vm0, v1, v3;
	vm0 =	vgt.s32 v0, v4  }
0x51: {  	v0 =	vsel vm0, v0, v4;
	vm0 =	vgt.s32 v1, v5  }
0x52: {  	v1 =	vsel vm0, v1, v5;
	vm0 =	vgt.s32 v0, v6  }
0x53: {  	v0 =	vsel vm0, v0, v6;
	vm0 =	vgt.s32 v1, v7  }
0x54: {  	v1 =	vsel vm0, v1, v7;
	v0 =	vxor.u32 $0x80000000, v0  }
0x55: {  	(xrf0) =	vmax.scan.msk.u32 $0xffff, v0;
	v0 =	vxor.u32 $0x7FFFFFFF, v1  }
0x56: {  	(xrf0) =	vmin.scan.msk.u32 $0xffff, v0;
	_ =	sdelay $0x4  }
0x57: {  	v0, _, _ =	vpop (xrf0)  }
0x58: {  	(v2sf) =	vpush v0, $0xF;
	v0, _, _ =	vpop (xrf0)  }
0x59: {  	(v2sf) =	vpush v0, $0xF;
	_ =	sdelay $0xd  }
0x5a: {  	s29 =	spop (v2sf)  }
0x5b: {  	s7 =	sxor.u32 $0x80000000, s29;
	s30 =	spop (v2sf)  }
0x5c: {  	v4 =	vmov s7;
	s8 =	sxor.u32 $0x80000000, s30  }
0x5d: {  	v5 =	vmov s8;
	v0 =	vsub.s32 $0x80000000, v4  }
0x5e: {  	vm0 =	vlt.s32 v4, $0x0;
	v2 =	vsub.s32 $0x80000000, v5;
	vm1 =	vlt.s32 v5, $0x0  }
0x5f: {  	v1 =	vnsel vm0, s7, v0;
	v2 =	vnsel vm1, s8, v2  }
0x60: {  	v0 =	vsub.f32 v1, v2  }
0x61: {  	s31 =	simm.s32 $0x40  }
0x62: {  	v9 =	vld [tilespmem:s31+$0xFFFFFFD0];
	[tilespmem:$0x1FFE0] =	vst v0  }
0x63: {  	v7 =	vld [tilespmem:s31+$0x20]  }
0x64: {  	v8 =	vld [tilespmem:s31+$0x30]  }
0x65: {  	v0 =	vmul.f32 $6.250000090e-03, v0;
	v14 =	vld [tilespmem:s31+$0xFFFFFFC0]  }
0x66: {  	v12 =	vld [tilespmem:s31+$0xFFFFFFE0]  }
0x67: {  	v10 =	vld [tilespmem:s31+$0xFFFFFFF0];
	v3 =	vadd.f32 v2, v0;
	v6 =	vsub.f32 v1, v0  }
0x68: {  	v15 =	vld [tilespmem:s31+$0x0]  }
0x69: {  	v11 =	vimm.s32 $0x0;
	v13 =	vld [tilespmem:s31+$0x10];
	vm6 =	vle.f32 v9, v3;
	vm5 =	vge.f32 v9, v6  }
0x6a: {  	v16 =	vimm.s32 $0xFFFFFFFF;
	v0 =	vsel vm6, $0x1, v11;
	v18 =	vsel vm5, $0x1, v11  }
0x6b: {  	v19 =	vmpcnt.ones.xlane vm5;
	v20 =	vmpcnt.ones.xlane vm6;
	vm4 =	vge.f32 v7, v6  }
0x6c: {  	vm1 =	vle.f32 v7, v3;
	vm2 =	vge.f32 v8, v6;
	vm9 =	vge.f32 v14, v6  }
0x6d: {  	vm12 =	vle.f32 v14, v3;
	vm14 =	vle.f32 v12, v3;
	vm11 =	vle.f32 v10, v3  }
0x6e: {  	vm3 =	vge.f32 v15, v6;
	vm0 =	vge.f32 v10, v6;
	vm10 =	vge.f32 v13, v6  }
0x6f: {  	(xrf0) =	vadd.scan.msk.s32 $0xffff, v0;
	vm8 =	vle.f32 v15, v3;
	vm13 =	vge.f32 v12, v6;
	v0 =	vsel vm9, $0x1, v11  }
0x70: {  	vm7 =	vle.f32 v13, v3;
	v17 =	vsel vm4, $0x1, v11;
	(xrf0) =	vadd.scan.msk.s32 $0xffff, v0;
	v0 =	vsel vm14, $0x1, v11  }
0x71: {  	v21 =	vmpcnt.ones.xlane vm12;
	v22 =	vsel vm12, $0x1, v11;
	v24 =	vmpcnt.ones.xlane vm9;
	(xrf0) =	vadd.scan.msk.s32 $0xffff, v0  }
0x72: {  	v23 =	vsel vm2, $0x1, v11;
	v26 =	vmpcnt.ones.xlane vm3;
	v31 =	vmpcnt.ones.xlane vm0;
	(xrf0) =	vadd.scan.msk.s32 $0xffff, v22  }
0x73: {  	v32 =	vsel vm11, $0x1, v11;
	v33 =	vmpcnt.ones.xlane vm10;
	v35 =	vmpcnt.ones.xlane vm2;
	(xrf0) =	vadd.scan.msk.s32 $0xffff, v17  }
0x74: {  	v62 =	vsel vm0, $0x1, v11;
	v63 =	vsel vm7, $0x1, v11;
	v0 =	vsel vm13, $0x1, v11;
	(xrf0) =	vadd.scan.msk.s32 $0xffff, v18  }
0x75: {  	v25 =	vadd.s32 v16, v21;
	v27 =	vadd.s32 v16, v24;
	v17 =	vmpcnt.ones.xlane vm13;
	v28, _, _ =	vpop (xrf0);
	(xrf0) =	vadd.scan.msk.s32 $0xffff, v0  }
0x76: {  	v24 =	vsel vm3, $0x1, v11;
	v21 =	vadd.s32 v25, v20;
	v30 =	vadd.s32 v27, v19;
	v29, _, _ =	vpop (xrf0);
	(xrf0) =	vadd.scan.msk.s32 $0xffff, v23  }
0x77: {  	v20 =	vsel vm10, $0x1, v11;
	v22 =	vmpcnt.ones.xlane vm11;
	v18 =	vadd.s32 v30, v17;
	v0, _, _ =	vpop (xrf0);
	(xrf0) =	vadd.scan.msk.s32 $0xffff, v24  }
0x78: {  	v23 =	vadd.s32 v18, v31;
	v31, _, _ =	vpop (xrf0);
	(xrf0) =	vadd.scan.msk.s32 $0xffff, v20;
	v20 =	vadd.s32 v25, v28;
	v25 =	vmpcnt.ones.xlane vm4  }
0x79: {  	v17 =	vmpcnt.ones.xlane vm7;
	v29 =	vadd.s32 v16, v29;
	v24 =	vadd.s32 v23, v26;
	v34, _, _ =	vpop (xrf0)  }
0x7a: {  	v19 =	vadd.s32 v21, v0;
	v26 =	vadd.s32 v16, v31;
	v16 =	vsel vm8, $0x1, v11;
	v28, _, _ =	vpop (xrf0)  }
0x7b: {  	v31 =	vadd.s32 v24, v33;
	(xrf0) =	vadd.scan.msk.s32 $0xffff, v32;
	v27 =	vadd.s32 v27, v28;
	v28 =	vimm.s32 $0x0;
	v36, _, _ =	vpop (xrf0)  }
0x7c: {  	v0 =	vmpcnt.ones.xlane vm14;
	(xrf0) =	vadd.scan.msk.s32 $0xffff, v16;
	v16 =	vadd.s32 v31, v25;
	v28 =	vsel vm0, $0xFFFFFFFF, v28;
	v25, _, _ =	vpop (xrf0)  }
0x7d: {  	s7 =	simm.s32 $0x4000;
	(xrf0) =	vadd.scan.msk.s32 $0xffff, v63;
	[tilespmem:$0x1FFF0] =	vst v28;
	v28 =	vadd.s32 v31, v34;
	v25 =	vadd.s32 v16, v25  }
0x7e: {  	s9 =	simm.s32 $0x0;
	s10 =	simm.s32 $0xC0;
	s8 =	simm.s32 $0x8080;
	(xrf0) =	vadd.scan.msk.s32 $0xffff, v62;
	v16 =	vadd.s32 v16, v35;
	[tilespmem:v29+s7+$0x0] =	vst.idx.msk vm9, v14;
	v29 =	vadd.s32 v30, v36;
	v30, _, _ =	vpop (xrf0)  }
.LBB2_3:
0x7f: {  	_ = 	snop  }
0x80: {  	vm9 =	vle.f32 v8, v3;
	v33, _, _ =	vpop (xrf0)  }
0x81: {  	v31 =	vld [tilespmem:s10+$0xFFFFFFD0];
	v32 =	vsel vm1, $0x1, v11;
	[tilespmem:v26+s8+$0x0] =	vst.idx.msk vm12, v14;
	v53 =	vsel vm9, $0x1, v11;
	v35, _, _ =	vpop (xrf0)  }
0x82: {  	v26 =	vld [tilespmem:s10+$0x20];
	[tilespmem:v28+s7+$0x0] =	vst.idx.msk vm4, v7;
	v0 =	vadd.s32 v21, v0;
	v21 =	vmpcnt.ones.xlane vm8;
	v28, _, _ =	vpop (xrf0);
	(xrf0) =	vadd.scan.msk.s32 $0xffff, v53  }
0x83: {  	vm0 =	vmmov vm6;
	vm15 =	vmmov vm1;
	[tilespmem:v27+s7+$0x0] =	vst.idx.msk vm5, v9;
	v14 =	vld [tilespmem:s10+$0xFFFFFFC0];
	v22 =	vadd.s32 v0, v22  }
0x84: {  	v54 =	vld [tilespmem:s10+$0xFFFFFFE0];
	[tilespmem:v29+s7+$0x0] =	vst.idx.msk vm13, v12;
	v21 =	vadd.s32 v22, v21;
	v22 =	vadd.s32 v22, v28;
	v28, _, _ =	vpop (xrf0);
	(xrf0) =	vadd.scan.msk.s32 $0xffff, v32  }
0x85: {  	v52 =	vld [tilespmem:s10+$0x30];
	[tilespmem:v25+s7+$0x0] =	vst.idx.msk vm2, v8;
	v27 =	vmpcnt.ones.xlane vm15  }
0x86: {  	v23 =	vadd.s32 v23, v30;
	v25 =	vmpcnt.ones.xlane vm9;
	[tilespmem:v19+s8+$0x0] =	vst.idx.msk vm14, v12;
	v17 =	vadd.s32 v21, v17  }
0x87: {  	vm6 =	vle.f32 v31, v3;
	v28 =	vadd.s32 v21, v28;
	v30, _, _ =	vpop (xrf0);
	v12 =	vadd.s32 v17, v27  }
0x88: {  	v55 =	vsel vm6, $0x1, v11;
	vm2 =	vge.f32 v14, v6;
	v25 =	vadd.s32 v12, v25;
	v21, _, _ =	vpop (xrf0)  }
0x89: {  	[tilespmem:v20+s8+$0x0] =	vst.idx.msk vm0, v9;
	(xrf0) =	vadd.scan.msk.s32 $0xffff, v55;
	v20 =	vadd.s32 v12, v21;
	v12 =	vsel vm2, $0x1, v11  }
0x8a: {  	v9, _, _ =	vpop (xrf0);
	(xrf0) =	vadd.scan.msk.s32 $0xffff, v12;
	v12 =	vld [tilespmem:$0x1FFF0];
	_ =	sdelay $0x1  }
0x8b: {  	vm1 =	vmmov vm11;
	v34 =	vimm.s32 $0x0  }
0x8c: {  	v56 =	vld [tilespmem:s10+$0xFFFFFFF0];
	v34 =	vsel vm1, $0xFFFFFFFF, v34;
	v24 =	vadd.s32 v24, v33  }
0x8d: {  	[tilespmem:$0x1FFC0] =	vst v34  }
0x8e: {  	vm0 =	vnez.u8 v12;
	v12 =	vld [tilespmem:$0x1FFC0]  }
0x8f: {  	v29 =	vld [tilespmem:s10+$0x10];
	v0 =	vadd.s32 v0, v35;
	vm5 =	vge.f32 v31, v6  }
0x90: {  	vm4 =	vge.f32 v26, v6;
	vm1 =	vle.f32 v26, v3;
	vm14 =	vle.f32 v54, v3  }
0x91: {  	vm11 =	vle.f32 v56, v3;
	v18 =	vadd.s32 v18, v30;
	[tilespmem:v24+s7+$0x0] =	vst.idx.msk vm10, v13  }
0x92: {  	v30 =	vimm.s32 $0x0;
	v19 =	vsel vm5, $0x1, v11;
	vm12 =	vle.f32 v14, v3;
	v24 =	vld [tilespmem:s10+$0x0];
	[tilespmem:v23+s7+$0x0] =	vst.idx.msk vm3, v15  }
0x93: {  	v60 =	vsel vm11, $0x1, v11;
	v30 =	vsel vm1, $0xFFFFFFFF, v30;
	[tilespmem:v28+s8+$0x0] =	vst.idx.msk vm7, v13;
	vm7 =	vnez.u8 v12  }
0x94: {  	vm1 =	vge.f32 v52, v6;
	v23 =	vmpcnt.ones.xlane vm5;
	vm10 =	vge.f32 v29, v6;
	[tilespmem:$0x1FFD0] =	vst v30  }
0x95: {  	v30 =	vsel vm4, $0x1, v11;
	v61 =	vmpcnt.ones.xlane vm1;
	[tilespmem:v22+s8+$0x0] =	vst.idx.msk vm8, v15;
	v15 =	vadd.s32 v17, v9  }
0x96: {  	v27 =	vsel vm1, $0x1, v11;
	v22 =	vmpcnt.ones.xlane vm11;
	v21 =	vmpcnt.ones.xlane vm6  }
0x97: {  	v13 =	vmpcnt.ones.xlane vm12;
	v17 =	vsel vm12, $0x1, v11;
	[tilespmem:v18+s7+$0x0] =	vst.idx.msk vm0, v10;
	v18 =	vsel vm14, $0x1, v11  }
0x98: {  	vm3 =	vge.f32 v24, v6;
	vm8 =	vle.f32 v24, v3;
	v28, _, _ =	vpop (xrf0);
	[tilespmem:v20+s8+$0x0] =	vst.idx.msk vm9, v8;
	(xrf0) =	vadd.scan.msk.s32 $0xffff, v18  }
0x99: {  	v9 =	vmovc v31;
	v31 =	vmpcnt.ones.xlane vm3;
	(xrf0) =	vadd.scan.msk.s32 $0xffff, v17;
	[tilespmem:v0+s8+$0x0] =	vst.idx.msk vm7, v10;
	v0 =	vmpcnt.ones.xlane vm2  }
0x9a: {  	v37 =	vsel vm8, $0x1, v11;
	v20 =	vadd.s32 v25, v13;
	[tilespmem:v15+s8+$0x0] =	vst.idx.msk vm15, v7;
	(xrf0) =	vadd.scan.msk.s32 $0xffff, v30;
	v30, _, _ =	vpop (xrf0)  }
0x9b: {  	v21 =	vadd.s32 v20, v21;
	v12 =	vmovc v54;
	v57 =	vadd.s32 v16, v0;
	v16 =	vadd.s32 v16, v30  }
0x9c: {  	v8 =	vmovc v52;
	v7 =	vmovc v26;
	v26 =	vsel vm10, $0x1, v11;
	v20 =	vadd.s32 v20, v28;
	vm13 =	vge.f32 v12, v6  }
0x9d: {  	v13 =	vmovc v29;
	v28 =	vimm.s32 $0x0;
	vm0 =	vge.f32 v56, v6;
	v58 =	vsel vm13, $0x1, v11;
	(xrf0) =	vadd.scan.msk.s32 $0xffff, v19  }
0x9e: {  	v15 =	vmovc v24;
	v28 =	vsel vm0, $0xFFFFFFFF, v28;
	v62 =	vsel vm0, $0x1, v11;
	vm7 =	vle.f32 v29, v3;
	(xrf0) =	vadd.scan.msk.s32 $0xffff, v58  }
0x9f: {  	v17 =	vmpcnt.ones.xlane vm13;
	v29 =	vsel vm3, $0x1, v11;
	v63 =	vsel vm7, $0x1, v11;
	v0, _, _ =	vpop (xrf0);
	(xrf0) =	vadd.scan.msk.s32 $0xffff, v27  }
0xa0: {  	s9 =	sadd.s32 $0x8, s9;
	v59 =	vadd.s32 v57, v23;
	v23 =	vmpcnt.ones.xlane vm0;
	v27, _, _ =	vpop (xrf0);
	(xrf0) =	vadd.scan.msk.s32 $0xffff, v29;
	[tilespmem:v16+s7+$0x0] =	vst.idx.msk vm2, v14;
	v16 =	vld [tilespmem:$0x1FFD0]  }
0xa1: {  	p0 =	slt.u32 s9, $0x3F8;
	[tilespmem:$0x1FFF0] =	vst v28;
	v10 =	vmovc v56;
	v18 =	vadd.s32 v59, v17;
	v17 =	vmpcnt.ones.xlane vm7;
	v19 =	vadd.s32 v21, v0  }
.Ltmp1:
0xa2: {  	v23 =	vadd.s32 v18, v23;
	v0 =	vmpcnt.ones.xlane vm14;
	v29 =	vmpcnt.ones.xlane vm10;
	(xrf0) =	vadd.scan.msk.s32 $0xffff, v26;
	v30, _, _ =	vpop (xrf0);
	(pc) =	sbr.rel @p0 .LBB2_3-.Ltmp1, $4  }
0xa3: {  	v24 =	vadd.s32 v23, v31;
	v31 =	vmpcnt.ones.xlane vm4;
	v26 =	vadd.s32 v25, v27;
	v27, _, _ =	vpop (xrf0);
	(xrf0) =	vadd.scan.msk.s32 $0xffff, v60  }
0xa4: {  	v29 =	vadd.s32 v24, v29;
	vm2 =	vmmov vm1;
	v27 =	vadd.s32 v57, v27;
	v36, _, _ =	vpop (xrf0);
	(xrf0) =	vadd.scan.msk.s32 $0xffff, v37  }
0xa5: {  	v28 =	vadd.s32 v29, v30;
	(xrf0) =	vadd.scan.msk.s32 $0xffff, v63;
	v25, _, _ =	vpop (xrf0);
	vm1 =	vnez.u8 v16;
	v16 =	vadd.s32 v29, v31  }
0xa6: {  	s10 =	sadd.s32 $0x80, s10;
	(xrf0) =	vadd.scan.msk.s32 $0xffff, v62;
	v30, _, _ =	vpop (xrf0);
	v29 =	vadd.s32 v59, v36;
	v25 =	vadd.s32 v16, v25;
	v16 =	vadd.s32 v16, v61  }
0xa7: {  	_ =	sdelay $0x4  }
0xa8: {  	vm0 =	vle.f32 v8, v3;
	v32 =	vsel vm1, $0x1, v11;
	[tilespmem:v26+s8+$0x0] =	vst.idx.msk vm12, v14  }
0xa9: {  	vm6 =	vmmov vm6;
	[tilespmem:v27+s7+$0x0] =	vst.idx.msk vm5, v9;
	v23 =	vadd.s32 v23, v30;
	v31, _, _ =	vpop (xrf0);
	v11 =	vsel vm0, $0x1, v11  }
0xaa: {  	v0 =	vadd.s32 v21, v0;
	[tilespmem:v28+s7+$0x0] =	vst.idx.msk vm4, v7;
	(xrf0) =	vadd.scan.msk.s32 $0xffff, v11;
	v11 =	vmpcnt.ones.xlane vm8;
	v63, _, _ =	vpop (xrf0)  }
0xab: {  	[tilespmem:v29+s7+$0x0] =	vst.idx.msk vm13, v12;
	v22 =	vadd.s32 v0, v22;
	v62 =	vadd.s32 v24, v31;
	v28, _, _ =	vpop (xrf0)  }
0xac: {  	[tilespmem:v25+s7+$0x0] =	vst.idx.msk vm2, v8;
	v11 =	vadd.s32 v22, v11;
	v22 =	vadd.s32 v22, v28;
	v30, _, _ =	vpop (xrf0)  }
0xad: {  	[tilespmem:v19+s8+$0x0] =	vst.idx.msk vm14, v12;
	v24 =	vadd.s32 v11, v30  }
0xae: {  	[tilespmem:v23+s7+$0x0] =	vst.idx.msk vm3, v15  }
0xaf: {  	[tilespmem:v20+s8+$0x0] =	vst.idx.msk vm6, v9  }
0xb0: {  	[tilespmem:v62+s7+$0x0] =	vst.idx.msk vm10, v13  }
0xb1: {  	(xrf0) =	vadd.scan.msk.s32 $0xffff, v32;
	[tilespmem:v22+s8+$0x0] =	vst.idx.msk vm8, v15  }
0xb2: {  	[tilespmem:v24+s8+$0x0] =	vst.idx.msk vm7, v13  }
0xb3: {  	vm9 =	vmmov vm1;
	v13 =	vld [tilespmem:$0x1FFF0]  }
0xb4: {  	v31 =	vmpcnt.ones.xlane vm9  }
0xb5: {  	v32, _, _ =	vpop (xrf0);
	v11 =	vadd.s32 v11, v17  }
0xb6: {  	v34 =	vadd.s32 v11, v31;
	v35, _, _ =	vpop (xrf0)  }
0xb7: {  	v9 =	vadd.s32 v34, v35;
	v36, _, _ =	vpop (xrf0)  }
0xb8: {  	v11 =	vadd.s32 v11, v36;
	vm13 =	vnez.u8 v13  }
0xb9: {  	v33 =	vadd.s32 v18, v32  }
0xba: {  	v0 =	vadd.s32 v0, v63;
	_ =	sdelay $0x1  }
0xbb: {  	[tilespmem:v9+s8+$0x0] =	vst.idx.msk vm0, v8  }
0xbc: {  	v37 =	vmpcnt.ones.xlane vm0;
	[tilespmem:v11+s8+$0x0] =	vst.idx.msk vm9, v7  }
0xbd: {  	[tilespmem:v33+s7+$0x0] =	vst.idx.msk vm13, v10  }
0xbe: {  	v9 =	vadd.s32 $0x1, v16;
	[tilespmem:v0+s8+$0x0] =	vst.idx.msk vm11, v10;
	v0 =	vadd.s32 v34, v37  }
0xbf: {  	v8 =	vadd.s32 $0x1, v0;
	[tilespmem:$0xC100] =	vst v9  }
0xc0: {  	s6 =	sadd.s32 $0x200, s6;
	s28 =	simm.s32 $0xC100;
	[tilespmem:$0xC110] =	vst v8  }
0xc1: {  	[spmem:s6] =	stream.linear.scatter [tilespmem:s28], [sflag:$0x1], $0x20, $0x38;
	[tilespmem:$0xC700] =	vst v63  }
0xc2: {  	s6 =	simm.s32 $0x1  }
0xc3: {  	_ =	swait.ge [sflag:s6], $0x20  }
0xc4: {  	[sflag:s6] =	ssyncset.done $0x0  }
0xc5: {  	[sflag:s6] =	ssyncadd.s32 $0xFFFFFFE0  }
0xc6: {  	s29 =	sadd.s32 $0x200, s4;
	s30 =	simm.s32 $0xC180;
	[bflag:$0x0] =	sbarrier.arrive $0xFFFF  }
0xc7: {  	[tilespmem:s30], [sflag:$0x1] =	stream.linear.gather [spmem:s29], $0x200, $0x38;
	[tilespmem:$0xC700] =	vst v63  }
0xc8: {  	_ =	swait.ge [sflag:s6], $0x200  }
0xc9: {  	[sflag:s6] =	ssyncset.done $0x0  }
0xca: {  	[sflag:s6] =	ssyncadd.s32 $0xFFFFFE00  }
0xcb: {  	v0 =	vld [tilespmem:$0xC180]  }
0xcc: {  	v7 =	vld [tilespmem:$0xC190]  }
0xcd: {  	v10 =	vld [tilespmem:$0xC1A0]  }
0xce: {  	v11 =	vld [tilespmem:$0xC1B0]  }
0xcf: {  	v38 =	vld [tilespmem:$0xC1C0]  }
0xd0: {  	v39 =	vld [tilespmem:$0xC1D0]  }
0xd1: {  	v40 =	vld [tilespmem:$0xC1E0]  }
0xd2: {  	v41 =	vld [tilespmem:$0xC1F0]  }
0xd3: {  	v42 =	vld [tilespmem:$0xC200]  }
0xd4: {  	v43 =	vld [tilespmem:$0xC210]  }
0xd5: {  	v44 =	vld [tilespmem:$0xC220]  }
0xd6: {  	v45 =	vld [tilespmem:$0xC230]  }
0xd7: {  	v46 =	vld [tilespmem:$0xC240]  }
0xd8: {  	v47 =	vld [tilespmem:$0xC250]  }
0xd9: {  	v48 =	vld [tilespmem:$0xC260]  }
0xda: {  	v49 =	vld [tilespmem:$0xC270]  }
0xdb: {  	v50 =	vld [tilespmem:$0xC280]  }
0xdc: {  	v51 =	vld [tilespmem:$0xC290]  }
0xdd: {  	v52 =	vld [tilespmem:$0xC2A0]  }
0xde: {  	v53 =	vld [tilespmem:$0xC2B0]  }
0xdf: {  	v54 =	vld [tilespmem:$0xC2C0]  }
0xe0: {  	v55 =	vld [tilespmem:$0xC2D0]  }
0xe1: {  	v56 =	vld [tilespmem:$0xC300];
	v0 =	vadd.s32 v0, v10;
	v7 =	vadd.s32 v7, v11  }
0xe2: {  	v57 =	vld [tilespmem:$0xC310];
	v0 =	vadd.s32 v38, v0;
	v7 =	vadd.s32 v39, v7  }
0xe3: {  	v58 =	vld [tilespmem:$0xC320];
	v0 =	vadd.s32 v40, v0;
	v7 =	vadd.s32 v41, v7  }
0xe4: {  	v59 =	vld [tilespmem:$0xC330];
	v0 =	vadd.s32 v42, v0;
	v7 =	vadd.s32 v43, v7  }
0xe5: {  	v10 =	vld [tilespmem:$0xC2E0];
	v0 =	vadd.s32 v44, v0;
	v7 =	vadd.s32 v45, v7  }
0xe6: {  	v11 =	vld [tilespmem:$0xC2F0];
	v0 =	vadd.s32 v46, v0;
	v7 =	vadd.s32 v47, v7  }
0xe7: {  	v60 =	vld [tilespmem:$0xC340];
	v0 =	vadd.s32 v48, v0;
	v7 =	vadd.s32 v49, v7  }
0xe8: {  	v61 =	vld [tilespmem:$0xC350];
	v0 =	vadd.s32 v50, v0;
	v7 =	vadd.s32 v51, v7  }
0xe9: {  	v62 =	vld [tilespmem:$0xC360];
	v0 =	vadd.s32 v52, v0;
	v7 =	vadd.s32 v53, v7  }
0xea: {  	v63 =	vld [tilespmem:$0xC370];
	v0 =	vadd.s32 v54, v0;
	v7 =	vadd.s32 v55, v7  }
0xeb: {  	v0 =	vadd.s32 v10, v0;
	v7 =	vadd.s32 v11, v7  }
0xec: {  	v0 =	vadd.s32 v56, v0;
	v7 =	vadd.s32 v57, v7  }
0xed: {  	v0 =	vadd.s32 v58, v0;
	v7 =	vadd.s32 v59, v7  }
0xee: {  	v0 =	vadd.s32 v60, v0;
	v7 =	vadd.s32 v61, v7  }
0xef: {  	v0 =	vadd.s32 v62, v0;
	v7 =	vadd.s32 v63, v7  }
0xf0: {  	vm14 =	vlt.s32 v0, $0x400;
	vm15 =	vlt.s32 v7, $0x400  }
0xf1: {  	v7 =	vimm.s32 $0x0;
	vm2 =	vmor vm14, vm15  }
0xf2: {  	v0 =	vsel vm2, $0x1, v7  }
0xf3: {  	v0 =	vor.u32 $0x80000000, v0  }
0xf4: {  	(xrf0) =	vmax.scan.msk.u32 $0xffff, v0;
	_ =	sdelay $0x5  }
0xf5: {  	v0, _, _ =	vpop (xrf0)  }
0xf6: {  	(v2sf) =	vpush v0, $0xF;
	_ =	sdelay $0xe  }
0xf7: {  	s31 =	spop (v2sf)  }
0xf8: {  	p0 =	slt.u32 s31, $0x80000001  }
.Ltmp2:
0xf9: {  	_ = 	snop;
	(pc) =	sbr.rel @p0 .LBB2_8-.Ltmp2, $3  }
0xfa: {  	_ =	sdelay $0x1  }
0xfb: {  	[tilespmem:$0xC600] =	vst v9  }
0xfc: {  	vm12 =	vmmov vm11;
	[tilespmem:$0xC610] =	vst v8;
	v6 =	vsel vm14, v2, v6;
	v2 =	vsel vm15, v1, v3  }
0xfd: {  	s7 =	simm.s32 $0x40  }
0xfe: {  	v8 =	vld [tilespmem:s7+$0xFFFFFFD0]  }
0xff: {  	v1 =	vld [tilespmem:s7+$0x20]  }
0x100: {  	v3 =	vld [tilespmem:s7+$0x30]  }
0x101: {  	v12 =	vld [tilespmem:s7+$0xFFFFFFC0]  }
0x102: {  	v10 =	vld [tilespmem:s7+$0xFFFFFFE0]  }
0x103: {  	v9 =	vld [tilespmem:s7+$0xFFFFFFF0]  }
0x104: {  	v13 =	vld [tilespmem:s7+$0x0]  }
0x105: {  	v11 =	vld [tilespmem:s7+$0x10]  }
0x106: {  	v14 =	vimm.s32 $0xFFFFFFFF;
	vm6 =	vle.f32 v8, v2  }
0x107: {  	vm5 =	vge.f32 v8, v6;
	vm4 =	vge.f32 v1, v6;
	vm1 =	vle.f32 v1, v2  }
0x108: {  	vm2 =	vge.f32 v3, v6;
	vm9 =	vge.f32 v12, v6;
	vm12 =	vle.f32 v12, v2  }
0x109: {  	vm14 =	vle.f32 v10, v2;
	vm11 =	vle.f32 v9, v2;
	vm3 =	vge.f32 v13, v6  }
0x10a: {  	vm0 =	vge.f32 v9, v6;
	vm10 =	vge.f32 v11, v6;
	v0 =	vsel vm6, $0x1, v7  }
0x10b: {  	vm8 =	vle.f32 v13, v2;
	vm13 =	vge.f32 v10, v6;
	vm7 =	vle.f32 v11, v2;
	(xrf0) =	vadd.scan.msk.s32 $0xffff, v0  }
0x10c: {  	v15 =	vsel vm4, $0x1, v7;
	v16 =	vsel vm5, $0x1, v7;
	v0 =	vsel vm9, $0x1, v7  }
0x10d: {  	v17 =	vmpcnt.ones.xlane vm5;
	v18 =	vmpcnt.ones.xlane vm6;
	(xrf0) =	vadd.scan.msk.s32 $0xffff, v0;
	v0 =	vsel vm14, $0x1, v7  }
0x10e: {  	v19 =	vmpcnt.ones.xlane vm12;
	v20 =	vsel vm12, $0x1, v7;
	v22 =	vmpcnt.ones.xlane vm9;
	(xrf0) =	vadd.scan.msk.s32 $0xffff, v0  }
0x10f: {  	v21 =	vsel vm2, $0x1, v7;
	v24 =	vmpcnt.ones.xlane vm3;
	v29 =	vmpcnt.ones.xlane vm0;
	(xrf0) =	vadd.scan.msk.s32 $0xffff, v20  }
0x110: {  	v30 =	vsel vm11, $0x1, v7;
	v31 =	vmpcnt.ones.xlane vm10;
	v33 =	vmpcnt.ones.xlane vm2;
	(xrf0) =	vadd.scan.msk.s32 $0xffff, v15  }
0x111: {  	v23 =	vadd.s32 v14, v19;
	v25 =	vadd.s32 v14, v22;
	v0 =	vsel vm13, $0x1, v7;
	v26, _, _ =	vpop (xrf0);
	(xrf0) =	vadd.scan.msk.s32 $0xffff, v16  }
0x112: {  	v22 =	vsel vm3, $0x1, v7;
	v19 =	vadd.s32 v23, v18;
	v15 =	vmpcnt.ones.xlane vm13;
	(xrf0) =	vadd.scan.msk.s32 $0xffff, v0  }
0x113: {  	v18 =	vsel vm10, $0x1, v7;
	v28 =	vadd.s32 v25, v17;
	v20 =	vmpcnt.ones.xlane vm11;
	v27, _, _ =	vpop (xrf0);
	(xrf0) =	vadd.scan.msk.s32 $0xffff, v21  }
0x114: {  	v16 =	vadd.s32 v28, v15;
	v15 =	vmpcnt.ones.xlane vm7;
	v0, _, _ =	vpop (xrf0);
	v27 =	vadd.s32 v14, v27;
	(xrf0) =	vadd.scan.msk.s32 $0xffff, v22  }
0x115: {  	v21 =	vadd.s32 v16, v29;
	v29, _, _ =	vpop (xrf0);
	(xrf0) =	vadd.scan.msk.s32 $0xffff, v18;
	v18 =	vadd.s32 v23, v26;
	v23 =	vmpcnt.ones.xlane vm4  }
0x116: {  	v17 =	vadd.s32 v19, v0;
	v0 =	vmpcnt.ones.xlane vm14;
	v22 =	vadd.s32 v21, v24;
	v32, _, _ =	vpop (xrf0)  }
0x117: {  	v24 =	vadd.s32 v14, v29;
	v14 =	vsel vm8, $0x1, v7;
	v29 =	vadd.s32 v22, v31;
	v26, _, _ =	vpop (xrf0)  }
0x118: {  	v31 =	vsel vm7, $0x1, v7;
	(xrf0) =	vadd.scan.msk.s32 $0xffff, v30;
	v25 =	vadd.s32 v25, v26;
	v26 =	vimm.s32 $0x0;
	v34, _, _ =	vpop (xrf0)  }
0x119: {  	v30 =	vsel vm0, $0x1, v7;
	(xrf0) =	vadd.scan.msk.s32 $0xffff, v14;
	v14 =	vadd.s32 v29, v23;
	v26 =	vsel vm0, $0xFFFFFFFF, v26;
	v23, _, _ =	vpop (xrf0)  }
0x11a: {  	s7 =	simm.s32 $0x4000;
	(xrf0) =	vadd.scan.msk.s32 $0xffff, v31;
	[tilespmem:$0x1FFB0] =	vst v26;
	v26 =	vadd.s32 v29, v32;
	v23 =	vadd.s32 v14, v23  }
0x11b: {  	s8 =	simm.s32 $0x8080;
	s9 =	simm.s32 $0x0;
	s10 =	simm.s32 $0xC0;
	(xrf0) =	vadd.scan.msk.s32 $0xffff, v30;
	v14 =	vadd.s32 v14, v33;
	[tilespmem:v27+s7+$0x0] =	vst.idx.msk vm9, v12;
	v27 =	vadd.s32 v28, v34;
	v28, _, _ =	vpop (xrf0)  }
.LBB2_6:
0x11c: {  	_ = 	snop  }
0x11d: {  	vm9 =	vle.f32 v3, v2;
	v31, _, _ =	vpop (xrf0)  }
0x11e: {  	v29 =	vld [tilespmem:s10+$0xFFFFFFD0];
	v30 =	vsel vm1, $0x1, v7;
	[tilespmem:v24+s8+$0x0] =	vst.idx.msk vm12, v12;
	v22 =	vadd.s32 v22, v31;
	v31 =	vsel vm9, $0x1, v7;
	v33, _, _ =	vpop (xrf0)  }
0x11f: {  	v24 =	vld [tilespmem:s10+$0x20];
	[tilespmem:v26+s7+$0x0] =	vst.idx.msk vm4, v1;
	v0 =	vadd.s32 v19, v0;
	v19 =	vmpcnt.ones.xlane vm8;
	v26, _, _ =	vpop (xrf0);
	(xrf0) =	vadd.scan.msk.s32 $0xffff, v31  }
0x120: {  	vm0 =	vmmov vm6;
	vm15 =	vmmov vm1;
	[tilespmem:v25+s7+$0x0] =	vst.idx.msk vm5, v8;
	v12 =	vld [tilespmem:s10+$0xFFFFFFC0];
	v20 =	vadd.s32 v0, v20  }
0x121: {  	v58 =	vld [tilespmem:s10+$0x30];
	[tilespmem:v23+s7+$0x0] =	vst.idx.msk vm2, v3;
	v19 =	vadd.s32 v20, v19;
	v20 =	vadd.s32 v20, v26;
	v26, _, _ =	vpop (xrf0);
	(xrf0) =	vadd.scan.msk.s32 $0xffff, v30  }
0x122: {  	v25 =	vmpcnt.ones.xlane vm15;
	v31 =	vld [tilespmem:s10+$0xFFFFFFE0];
	[tilespmem:v27+s7+$0x0] =	vst.idx.msk vm13, v10  }
0x123: {  	v21 =	vadd.s32 v21, v28;
	v23 =	vmpcnt.ones.xlane vm9;
	v15 =	vadd.s32 v19, v15;
	[tilespmem:v17+s8+$0x0] =	vst.idx.msk vm14, v10  }
0x124: {  	vm6 =	vle.f32 v29, v2;
	v26 =	vadd.s32 v19, v26;
	v28, _, _ =	vpop (xrf0);
	v10 =	vadd.s32 v15, v25  }
0x125: {  	v30 =	vsel vm6, $0x1, v7;
	vm2 =	vge.f32 v12, v6;
	v23 =	vadd.s32 v10, v23;
	v19, _, _ =	vpop (xrf0)  }
0x126: {  	[tilespmem:v18+s8+$0x0] =	vst.idx.msk vm0, v8;
	(xrf0) =	vadd.scan.msk.s32 $0xffff, v30;
	v18 =	vadd.s32 v10, v19;
	v10 =	vsel vm2, $0x1, v7  }
0x127: {  	v8, _, _ =	vpop (xrf0);
	(xrf0) =	vadd.scan.msk.s32 $0xffff, v10;
	v10 =	vld [tilespmem:$0x1FFB0];
	_ =	sdelay $0x1  }
0x128: {  	vm1 =	vmmov vm11;
	v32 =	vimm.s32 $0x0  }
0x129: {  	v59 =	vld [tilespmem:s10+$0xFFFFFFF0];
	v32 =	vsel vm1, $0xFFFFFFFF, v32  }
0x12a: {  	[tilespmem:$0x1FF90] =	vst v32  }
0x12b: {  	vm0 =	vnez.u8 v10;
	v10 =	vld [tilespmem:$0x1FF90]  }
0x12c: {  	v0 =	vadd.s32 v0, v33  }
0x12d: {  	vm5 =	vge.f32 v29, v6;
	vm4 =	vge.f32 v24, v6;
	vm1 =	vle.f32 v24, v2  }
0x12e: {  	v27 =	vld [tilespmem:s10+$0x10];
	vm11 =	vle.f32 v59, v2;
	v16 =	vadd.s32 v16, v28;
	v28 =	vimm.s32 $0x0;
	[tilespmem:v22+s7+$0x0] =	vst.idx.msk vm10, v11  }
0x12f: {  	v17 =	vsel vm5, $0x1, v7;
	vm12 =	vle.f32 v12, v2;
	v61 =	vsel vm11, $0x1, v7;
	v22 =	vld [tilespmem:s10+$0x0];
	[tilespmem:v21+s7+$0x0] =	vst.idx.msk vm3, v13  }
0x130: {  	v28 =	vsel vm1, $0xFFFFFFFF, v28;
	vm1 =	vge.f32 v58, v6;
	[tilespmem:v26+s8+$0x0] =	vst.idx.msk vm7, v11;
	vm7 =	vnez.u8 v10  }
0x131: {  	v21 =	vmpcnt.ones.xlane vm5;
	[tilespmem:$0x1FFA0] =	vst v28;
	v28 =	vsel vm4, $0x1, v7;
	vm14 =	vle.f32 v31, v2  }
0x132: {  	v25 =	vsel vm1, $0x1, v7;
	v62 =	vmpcnt.ones.xlane vm1;
	[tilespmem:v20+s8+$0x0] =	vst.idx.msk vm8, v13;
	v13 =	vadd.s32 v15, v8  }
0x133: {  	vm10 =	vge.f32 v27, v6;
	v20 =	vmpcnt.ones.xlane vm11;
	v19 =	vmpcnt.ones.xlane vm6  }
0x134: {  	v11 =	vmpcnt.ones.xlane vm12;
	v15 =	vsel vm12, $0x1, v7;
	[tilespmem:v16+s7+$0x0] =	vst.idx.msk vm0, v9;
	v16 =	vsel vm14, $0x1, v7  }
0x135: {  	vm3 =	vge.f32 v22, v6;
	vm8 =	vle.f32 v22, v2;
	v26, _, _ =	vpop (xrf0);
	[tilespmem:v18+s8+$0x0] =	vst.idx.msk vm9, v3;
	(xrf0) =	vadd.scan.msk.s32 $0xffff, v16  }
0x136: {  	v8 =	vmovc v29;
	v29 =	vmpcnt.ones.xlane vm3;
	(xrf0) =	vadd.scan.msk.s32 $0xffff, v15;
	[tilespmem:v0+s8+$0x0] =	vst.idx.msk vm7, v9;
	v0 =	vmpcnt.ones.xlane vm2  }
0x137: {  	v35 =	vsel vm8, $0x1, v7;
	v18 =	vadd.s32 v23, v11;
	[tilespmem:v13+s8+$0x0] =	vst.idx.msk vm15, v1;
	(xrf0) =	vadd.scan.msk.s32 $0xffff, v28;
	v28, _, _ =	vpop (xrf0)  }
0x138: {  	v19 =	vadd.s32 v18, v19;
	v10 =	vmovc v31;
	v30 =	vadd.s32 v14, v0;
	v14 =	vadd.s32 v14, v28  }
0x139: {  	v1 =	vmovc v24;
	v24 =	vsel vm10, $0x1, v7;
	v18 =	vadd.s32 v18, v26;
	vm13 =	vge.f32 v10, v6  }
0x13a: {  	v3 =	vmovc v58;
	v26 =	vimm.s32 $0x0;
	vm0 =	vge.f32 v59, v6;
	v60 =	vsel vm13, $0x1, v7;
	(xrf0) =	vadd.scan.msk.s32 $0xffff, v17  }
0x13b: {  	v11 =	vmovc v27;
	v26 =	vsel vm0, $0xFFFFFFFF, v26;
	v15 =	vmpcnt.ones.xlane vm13;
	vm7 =	vle.f32 v27, v2;
	(xrf0) =	vadd.scan.msk.s32 $0xffff, v60  }
0x13c: {  	v27 =	vsel vm3, $0x1, v7;
	v31 =	vadd.s32 v30, v21;
	v21 =	vmpcnt.ones.xlane vm0;
	v0, _, _ =	vpop (xrf0);
	(xrf0) =	vadd.scan.msk.s32 $0xffff, v25  }
0x13d: {  	s9 =	sadd.s32 $0x8, s9;
	v63 =	vsel vm7, $0x1, v7;
	v16 =	vadd.s32 v31, v15;
	v25, _, _ =	vpop (xrf0);
	(xrf0) =	vadd.scan.msk.s32 $0xffff, v27;
	[tilespmem:v14+s7+$0x0] =	vst.idx.msk vm2, v12;
	v14 =	vld [tilespmem:$0x1FFA0]  }
0x13e: {  	p0 =	slt.u32 s9, $0x3F8;
	v13 =	vmovc v22;
	[tilespmem:$0x1FFB0] =	vst v26;
	v9 =	vmovc v59;
	v15 =	vmpcnt.ones.xlane vm7;
	v21 =	vadd.s32 v16, v21;
	v27 =	vmpcnt.ones.xlane vm10  }
.Ltmp3:
0x13f: {  	v17 =	vadd.s32 v19, v0;
	v0 =	vmpcnt.ones.xlane vm14;
	v22 =	vadd.s32 v21, v29;
	(xrf0) =	vadd.scan.msk.s32 $0xffff, v24;
	v28, _, _ =	vpop (xrf0);
	(pc) =	sbr.rel @p0 .LBB2_6-.Ltmp3, $4  }
0x140: {  	v29 =	vmpcnt.ones.xlane vm4;
	v24 =	vadd.s32 v23, v25;
	v27 =	vadd.s32 v22, v27;
	v25, _, _ =	vpop (xrf0);
	(xrf0) =	vadd.scan.msk.s32 $0xffff, v61  }
0x141: {  	vm2 =	vmmov vm1;
	v25 =	vadd.s32 v30, v25;
	v30 =	vsel vm0, $0x1, v7;
	v34, _, _ =	vpop (xrf0);
	(xrf0) =	vadd.scan.msk.s32 $0xffff, v35  }
0x142: {  	v26 =	vadd.s32 v27, v28;
	(xrf0) =	vadd.scan.msk.s32 $0xffff, v63;
	v23, _, _ =	vpop (xrf0);
	vm1 =	vnez.u8 v14;
	v14 =	vadd.s32 v27, v29  }
0x143: {  	s10 =	sadd.s32 $0x80, s10;
	(xrf0) =	vadd.scan.msk.s32 $0xffff, v30;
	v28, _, _ =	vpop (xrf0);
	v27 =	vadd.s32 v31, v34;
	v23 =	vadd.s32 v14, v23;
	v14 =	vadd.s32 v14, v62  }
0x144: {  	_ =	sdelay $0x4  }
0x145: {  	[tilespmem:v24+s8+$0x0] =	vst.idx.msk vm12, v12  }
0x146: {  	vm6 =	vmmov vm6;
	[tilespmem:v25+s7+$0x0] =	vst.idx.msk vm5, v8;
	v21 =	vadd.s32 v21, v28;
	v29, _, _ =	vpop (xrf0)  }
0x147: {  	v0 =	vadd.s32 v19, v0;
	v54 =	vmpcnt.ones.xlane vm8;
	[tilespmem:v26+s7+$0x0] =	vst.idx.msk vm4, v1;
	v55, _, _ =	vpop (xrf0)  }
0x148: {  	[tilespmem:v27+s7+$0x0] =	vst.idx.msk vm13, v10;
	v20 =	vadd.s32 v0, v20;
	v52 =	vadd.s32 v22, v29;
	v56, _, _ =	vpop (xrf0)  }
0x149: {  	[tilespmem:v23+s7+$0x0] =	vst.idx.msk vm2, v3;
	v19 =	vadd.s32 v20, v54;
	v20 =	vadd.s32 v20, v56;
	v57, _, _ =	vpop (xrf0)  }
0x14a: {  	[tilespmem:v17+s8+$0x0] =	vst.idx.msk vm14, v10;
	v24 =	vadd.s32 v19, v57  }
0x14b: {  	vm0 =	vle.f32 v3, v2;
	[tilespmem:v21+s7+$0x0] =	vst.idx.msk vm3, v13  }
0x14c: {  	v53 =	vsel vm0, $0x1, v7;
	[tilespmem:v18+s8+$0x0] =	vst.idx.msk vm6, v8  }
0x14d: {  	v30 =	vsel vm1, $0x1, v7;
	(xrf0) =	vadd.scan.msk.s32 $0xffff, v53;
	[tilespmem:v52+s7+$0x0] =	vst.idx.msk vm10, v11  }
0x14e: {  	(xrf0) =	vadd.scan.msk.s32 $0xffff, v30;
	[tilespmem:v20+s8+$0x0] =	vst.idx.msk vm8, v13  }
0x14f: {  	[tilespmem:v24+s8+$0x0] =	vst.idx.msk vm7, v11  }
0x150: {  	vm12 =	vmmov vm1;
	v11 =	vld [tilespmem:$0x1FFB0]  }
0x151: {  	v58 =	vmpcnt.ones.xlane vm12  }
0x152: {  	v15 =	vadd.s32 v19, v15;
	v59, _, _ =	vpop (xrf0)  }
0x153: {  	v10 =	vadd.s32 v15, v58;
	v61, _, _ =	vpop (xrf0)  }
0x154: {  	v8 =	vadd.s32 v10, v61;
	v62, _, _ =	vpop (xrf0)  }
0x155: {  	v63 =	vadd.s32 v15, v62;
	vm15 =	vnez.u8 v11  }
0x156: {  	v60 =	vadd.s32 v16, v59  }
0x157: {  	v0 =	vadd.s32 v0, v55;
	_ =	sdelay $0x1  }
0x158: {  	[tilespmem:v8+s8+$0x0] =	vst.idx.msk vm0, v3  }
0x159: {  	[tilespmem:v63+s8+$0x0] =	vst.idx.msk vm12, v1;
	v11 =	vmpcnt.ones.xlane vm0  }
0x15a: {  	[tilespmem:v60+s7+$0x0] =	vst.idx.msk vm15, v9  }
0x15b: {  	[tilespmem:v0+s8+$0x0] =	vst.idx.msk vm11, v9;
	v0 =	vadd.s32 v10, v11;
	v9 =	vadd.s32 $0x1, v14  }
0x15c: {  	v8 =	vadd.s32 $0x1, v0;
	[tilespmem:$0xC600] =	vst v9  }
0x15d: {  	vm13 =	vmmov vm11;
	[tilespmem:$0xC610] =	vst v8  }
.LBB2_8:
0x15e: {  	v0 =	vsub.s32 $0x80000000, v6;
	vm0 =	vlt.s32 v6, $0x0  }
0x15f: {  	vm9 =	vlt.s32 v2, $0x0;
	v1 =	vsel vm0, v0, v6;
	v0 =	vsub.s32 $0x80000000, v2  }
0x160: {  	v2 =	vsel vm9, v0, v2  }
0x161: {  	v0 =	vxor.u32 v4, v1;
	v6 =	vxor.u32 v5, v2  }
0x162: {  	v3 =	vcvt.s32.f32 v0;
	v10 =	vcvt.s32.f32 v6  }
0x163: {  	vm10 =	veq.s32 v1, v4  }
0x164: {  	vm11 =	veq.s32 v2, v5;
	v3 =	vshrl.u32 v3, $0x17;
	v10 =	vshrl.u32 v10, $0x17  }
0x165: {  	vm1 =	vlt.s32 v0, $0x0;
	v3 =	vadd.s32 $0xFFFFFF81, v3;
	v10 =	vadd.s32 $0xFFFFFF81, v10  }
0x166: {  	vm12 =	vlt.s32 v6, $0x0;
	v3 =	vsel vm10, $0xFFFFFC18, v3;
	v0 =	vsel vm11, $0xFFFFFC18, v10  }
0x167: {  	v3 =	vsel vm1, $0x1F, v3;
	v0 =	vsel vm12, $0x1F, v0  }
0x168: {  	vm0 =	vgt.s32 v3, v0  }
0x169: {  	v0 =	vsel vm0, v3, v0  }
0x16a: {  	v3 =	vsub.s32 $0x1F, v0  }
0x16b: {  	v6 =	vimm.s32 $0x1F;
	v59 =	vshll.u32 v3, $0x10  }
0x16c: {  	v11 =	vxor.u32 $0x80000000, v9;
	vm0 =	vne.s32 v6, v0;
	v10 =	vshra.s32 v59, $0x1F  }
0x16d: {  	v6 =	vshra.s32 v3, $0x1F;
	v60 =	vsel vm0, $0x1, v7;
	v0 =	vand.u32 $0x3, v10  }
0x16e: {  	v6 =	vor.u32 v60, v6;
	v0 =	vadd.s32 v0, v3;
	v3 =	vand.u32 $0x3, v3  }
0x16f: {  	(xrf0) =	vmax.scan.msk.u32 $0xffff, v11;
	vm13 =	vne.s32 v6, $0x1;
	v0 =	vshll.u32 v0, $0x10;
	vm14 =	vne.s32 v3, $0x0  }
0x170: {  	v3 =	vxor.u32 $0x80000000, v8;
	v0 =	vshra.s32 v0, $0x10;
	vm0 =	vmand vm14, vm13  }
0x171: {  	(xrf0) =	vmax.scan.msk.u32 $0xffff, v3;
	v0 =	vshra.s32 v0, $0x2;
	v3 =	vsel vm0, $0xFFFFFFFF, v7  }
0x172: {  	v0 =	vadd.s32 v0, v3  }
0x173: {  	vm15 =	vgt.s32 v0, $0x0  }
0x174: {  	v0 =	vnsel vm15, $0x0, v0  }
0x175: {  	v3, _, _ =	vpop (xrf0);
	v0 =	vmin.u32 v0, $0x8  }
0x176: {  	(v2sf) =	vpush v3, $0xF;
	v3 =	vor.u32 $0x80000000, v0  }
0x177: {  	(xrf0) =	vmax.scan.msk.u32 $0xffff, v3  }
0x178: {  	v6, _, _ =	vpop (xrf0)  }
0x179: {  	(v2sf) =	vpush v6, $0xF;
	_ =	sdelay $0x3  }
0x17a: {  	v3, _, _ =	vpop (xrf0)  }
0x17b: {  	(v2sf) =	vpush v3, $0xF;
	_ =	sdelay $0x7  }
0x17c: {  	s7 =	spop (v2sf)  }
0x17d: {  	s7 =	sadd.s32 $0x8000000F, s7  }
0x17e: {  	s9 =	spop (v2sf);
	s10 =	sand.u32 $0xF, s7  }
0x17f: {  	p0 =	slt.s32 s7, $0x1;
	p1 =	sne.s32 s10, $0x0;
	s29 =	sadd.s32 $0x8000000F, s9  }
0x180: {  	s10 =	simm.s32 $0x1;
	p0 =	por !p0, !p1;
	s9 =	sshra.s32 s29, $0x1F  }
0x181: {  	s11 =	sand.u32 $0xF, s29;
	p5 =	slt.s32 s29, $0x1;
	p0 =	por !p0, !p0  }
0x182: {  	s9 =	sshrl.u32 s9, $0x1C;
	p6 =	sne.s32 s11, $0x0;
	s10 =	simm.s32 @!p0 $0x0  }
0x183: {  	v3 =	vlaneseq.u32;
	s9 =	sadd.s32 s9, s29;
	p0 =	por !p5, !p6;
	s31 =	spop (v2sf)  }
0x184: {  	v6 =	vadd.s32 v3, v9;
	s30 =	sshra.s32 s9, $0x4;
	p0 =	por !p0, !p0;
	s9 =	sxor.u32 $0x80000000, s31  }
0x185: {  	v7 =	vadd.s32 v3, v8;
	s6 =	simm.s32 @!p0 $0x0;
	p0 =	sgt.s32 s9, $0x7  }
.Ltmp4:
0x186: {  	v0 =	vshll.u32 v0, $0x2;
	s8 =	sshra.s32 s7, $0x1F;
	(pc) =	sbr.rel @p0 .LBB2_26-.Ltmp4, $4  }
0x187: {  	v61 =	vimm.s32 $0xFFFFFFFF;
	v0 =	vsub.s32 $0x20, v0;
	s8 =	sshrl.u32 s8, $0x1C  }
0x188: {  	v62 =	vimm.f32 $-Inf;
	v63 =	vimm.f32 $+Inf;
	v0 =	vshll.u32 v61, v0;
	s8 =	sadd.s32 s8, s7;
	s7 =	simm.s32 $0x4000  }
0x189: {  	s12 =	simm.s32 $0x8080;
	v4 =	vxor.u32 $0x80000000, v4;
	v0 =	vnsel vm15, $0x0, v0;
	s8 =	sshra.s32 s8, $0x4;
	[tilespmem:v6+s7+$0x0] =	vst.idx.msk $0xffff, v62;
	v6 =	vxor.u32 $0x80000000, v5  }
0x18a: {  	v5 =	vand.u32 v4, v0;
	[tilespmem:v7+s12+$0x0] =	vst.idx.msk $0xffff, v63;
	v4 =	vand.u32 v6, v0;
	s8 =	ssub.s32 s8, s10;
	s6 =	ssub.s32 s30, s6  }
.Ltmp5:
0x18b: {  	(pc) =	sbr.rel .LBB2_10-.Ltmp5, $4  }
0x18c: {  	_ = 	snop  }
0x18d: {  	v16 =	vimm.s32 $0xB;
	p0 =	sgt.s32 s8, $0x0  }
0x18e: {  	v17 =	vimm.s32 $0xC;
	v18 =	vimm.s32 $0xD;
	v19 =	vimm.s32 $0xE;
	s10 =	simm.s32 $0xFFFFFFFF;
	p1 =	sgt.s32 s6, $0x0;
	s11 =	simm.s32 $0xC100  }
0x18f: {  	vm11 =	vcmask $0x2F34;
	vm12 =	vcmask $0x3338;
	vm13 =	vcmask $0x373C;
	s12 =	simm.s32 $0x1;
	s13 =	simm.s32 $0xC180;
	s14 =	smov.u32 s9  }
.LBB2_14:
0x190: {  	v0 =	vimm.s32 $0x0;
	v6 =	vimm.s32 $0x0  }
0x191: {  	v7 =	vimm.s32 $0x0;
	v14 =	vimm.s32 $0x0;
	v24 =	vimm.s32 $0x0  }
0x192: {  	v20 =	vimm.s32 $0x0;
	v23 =	vimm.s32 $0x0;
	v13 =	vimm.s32 $0x0  }
0x193: {  	v12 =	vimm.s32 $0x0;
	v11 =	vimm.s32 $0x0;
	v10 =	vimm.s32 $0x0  }
0x194: {  	v9 =	vimm.s32 $0x0;
	v8 =	vimm.s32 $0x0;
	v35 =	vimm.s32 $0x0  }
.LBB2_25:
0x195: {  	vm0 =	vcmask $0x308;
	vm1 =	vcmask $0x70C  }
0x196: {  	vm2 =	vcmask $0xB10;
	vm3 =	vcmask $0xF14;
	vm4 =	vcmask $0x1318  }
0x197: {  	vm5 =	vcmask $0x171C;
	vm6 =	vcmask $0x1B20;
	vm7 =	vcmask $0x1F24  }
0x198: {  	vm8 =	vcmask $0x2328;
	v32 =	vsel vm11, $0x0, v34;
	v34 =	vsel vm12, $0x0, v33  }
0x199: {  	vm15 =	vmmov $0x7fff;
	v15 =	vsel vm0, $0x0, v25;
	v58 =	vsel vm1, $0x0, v27  }
0x19a: {  	v59 =	vsel vm2, $0x0, v29;
	v60 =	vsel vm3, $0x0, v31;
	v61 =	vsel vm4, $0x0, v37  }
0x19b: {  	v62 =	vsel vm5, $0x0, v38;
	v63 =	vsel vm6, $0x0, v39;
	v29 =	vsel vm7, $0x0, v43  }
0x19c: {  	v30 =	vsel vm8, $0x0, v44;
	v0 =	vsel vm0, $0x0, v0;
	vm0 =	vcmask $0x272C  }
0x19d: {  	v6 =	vsel vm1, $0x0, v6;
	vm1 =	vcmask $0x2B30;
	v37 =	vsel vm15, $0x0, v22  }
0x19e: {  	v15 =	vadd.s32 v15, v58;
	v31 =	vsel vm0, $0x0, v40;
	v0 =	vadd.s32 v21, v0  }
0x19f: {  	v15 =	vadd.s32 v59, v15;
	v0 =	vadd.s32 v6, v0;
	v6 =	vsel vm2, $0x0, v7  }
0x1a0: {  	v7 =	vsel vm1, $0x0, v36;
	v36 =	vsel vm13, $0x0, v28;
	v15 =	vadd.s32 v60, v15  }
0x1a1: {  	v0 =	vadd.s32 v6, v0;
	v6 =	vsel vm3, $0x0, v14;
	v15 =	vadd.s32 v61, v15  }
0x1a2: {  	v0 =	vadd.s32 v6, v0;
	v6 =	vsel vm4, $0x0, v24;
	v15 =	vadd.s32 v62, v15  }
0x1a3: {  	v0 =	vadd.s32 v6, v0;
	v6 =	vsel vm5, $0x0, v20;
	v15 =	vadd.s32 v63, v15  }
0x1a4: {  	v0 =	vadd.s32 v6, v0;
	v6 =	vsel vm6, $0x0, v23;
	v15 =	vadd.s32 v29, v15  }
0x1a5: {  	s17 =	ssub.s32 s14, s9;
	v0 =	vadd.s32 v6, v0;
	v6 =	vsel vm7, $0x0, v13;
	v15 =	vadd.s32 v30, v15  }
0x1a6: {  	s18 =	sshrl.u32 s17, $0x1F;
	v0 =	vadd.s32 v6, v0;
	v6 =	vsel vm8, $0x0, v12;
	v15 =	vadd.s32 v31, v15  }
0x1a7: {  	s18 =	sadd.s32 s18, s17;
	v0 =	vadd.s32 v6, v0;
	v6 =	vsel vm0, $0x0, v11;
	v7 =	vadd.s32 v7, v15  }
0x1a8: {  	s18 =	sand.u32 $0x1FFFFE, s18;
	v0 =	vadd.s32 v6, v0;
	v6 =	vsel vm1, $0x0, v10;
	v7 =	vadd.s32 v32, v7  }
0x1a9: {  	s17 =	ssub.s32 s17, s18;
	v0 =	vadd.s32 v6, v0;
	v6 =	vsel vm11, $0x0, v9;
	v7 =	vadd.s32 v34, v7  }
0x1aa: {  	s17 =	sshll.u32 s17, $0xB;
	v0 =	vadd.s32 v6, v0;
	v6 =	vsel vm12, $0x0, v8;
	v7 =	vadd.s32 v36, v7  }
0x1ab: {  	s17 =	sshra.s32 s17, $0x2;
	v0 =	vadd.s32 v6, v0;
	v6 =	vsel vm13, $0x0, v35;
	v7 =	vadd.s32 v37, v7  }
0x1ac: {  	s17 =	sadd.s32 s17, s4;
	v0 =	vadd.s32 v6, v0;
	[tilespmem:$0xC100] =	vst v7  }
0x1ad: {  	s31 =	sadd.s32 s5, s17;
	[tilespmem:$0xC110] =	vst v0  }
0x1ae: {  	[spmem:s31] =	stream.linear.scatter [tilespmem:s11], [sflag:$0x1], $0x20, $0x38;
	[tilespmem:$0xC700] =	vst v63  }
0x1af: {  	_ =	swait.ge [sflag:s12], $0x20  }
0x1b0: {  	[sflag:s12] =	ssyncset.done $0x0  }
0x1b1: {  	[sflag:s12] =	ssyncadd.s32 $0xFFFFFFE0  }
0x1b2: {  	[bflag:$0x0] =	sbarrier.arrive $0xFFFF  }
0x1b3: {  	[tilespmem:s13], [sflag:$0x1] =	stream.linear.gather [spmem:s17], $0x200, $0x38;
	[tilespmem:$0xC700] =	vst v63  }
0x1b4: {  	_ =	swait.ge [sflag:s12], $0x200  }
0x1b5: {  	[sflag:s12] =	ssyncset.done $0x0  }
0x1b6: {  	[sflag:s12] =	ssyncadd.s32 $0xFFFFFE00  }
0x1b7: {  	v0 =	vld [tilespmem:$0xC180]  }
0x1b8: {  	v6 =	vld [tilespmem:$0xC190]  }
0x1b9: {  	v7 =	vld [tilespmem:$0xC1A0]  }
0x1ba: {  	v38 =	vld [tilespmem:$0xC1B0]  }
0x1bb: {  	v39 =	vld [tilespmem:$0xC1C0]  }
0x1bc: {  	v40 =	vld [tilespmem:$0xC1D0]  }
0x1bd: {  	v41 =	vld [tilespmem:$0xC1E0]  }
0x1be: {  	v42 =	vld [tilespmem:$0xC1F0]  }
0x1bf: {  	v43 =	vld [tilespmem:$0xC200]  }
0x1c0: {  	v44 =	vld [tilespmem:$0xC210]  }
0x1c1: {  	v15 =	vld [tilespmem:$0xC220]  }
0x1c2: {  	v20 =	vld [tilespmem:$0xC230]  }
0x1c3: {  	v45 =	vld [tilespmem:$0xC240]  }
0x1c4: {  	v46 =	vld [tilespmem:$0xC250]  }
0x1c5: {  	v47 =	vld [tilespmem:$0xC260]  }
0x1c6: {  	v48 =	vld [tilespmem:$0xC270]  }
0x1c7: {  	v49 =	vld [tilespmem:$0xC280]  }
0x1c8: {  	v26 =	vld [tilespmem:$0xC290]  }
0x1c9: {  	v50 =	vld [tilespmem:$0xC2A0]  }
0x1ca: {  	v51 =	vld [tilespmem:$0xC2B0]  }
0x1cb: {  	v52 =	vld [tilespmem:$0xC2C0]  }
0x1cc: {  	v53 =	vld [tilespmem:$0xC2E0];
	v6 =	vadd.s32 v6, v38  }
0x1cd: {  	v54 =	vld [tilespmem:$0xC2F0];
	v0 =	vadd.s32 v0, v7;
	v6 =	vadd.s32 v40, v6  }
0x1ce: {  	v55 =	vld [tilespmem:$0xC300];
	v0 =	vadd.s32 v39, v0;
	v6 =	vadd.s32 v42, v6  }
0x1cf: {  	v56 =	vld [tilespmem:$0xC310];
	v0 =	vadd.s32 v41, v0;
	v6 =	vadd.s32 v44, v6  }
0x1d0: {  	v7 =	vld [tilespmem:$0xC2D0];
	v0 =	vadd.s32 v43, v0;
	v6 =	vadd.s32 v20, v6  }
0x1d1: {  	v57 =	vld [tilespmem:$0xC320];
	v0 =	vadd.s32 v15, v0;
	v6 =	vadd.s32 v46, v6  }
0x1d2: {  	v58 =	vld [tilespmem:$0xC330];
	v0 =	vadd.s32 v45, v0;
	v6 =	vadd.s32 v48, v6  }
0x1d3: {  	v60 =	vmov s15;
	v59 =	vld [tilespmem:$0xC340];
	v0 =	vadd.s32 v47, v0;
	v6 =	vadd.s32 v26, v6  }
0x1d4: {  	v61 =	vmov s16;
	v15 =	vld [tilespmem:$0xC350];
	v0 =	vadd.s32 v49, v0;
	v6 =	vadd.s32 v51, v6  }
0x1d5: {  	v62 =	vshll.u32 v3, v60;
	v0 =	vadd.s32 v50, v0;
	v6 =	vadd.s32 v7, v6;
	v7 =	vld [tilespmem:$0xC370]  }
0x1d6: {  	v63 =	vor.u32 v4, v62;
	v20 =	vld [tilespmem:$0xC360];
	v0 =	vadd.s32 v52, v0;
	v6 =	vadd.s32 v54, v6  }
0x1d7: {  	v8 =	vor.u32 v61, v63;
	v0 =	vadd.s32 v53, v0;
	v6 =	vadd.s32 v56, v6  }
0x1d8: {  	v8 =	vxor.u32 $0x80000000, v8;
	v0 =	vadd.s32 v55, v0;
	v6 =	vadd.s32 v58, v6  }
0x1d9: {  	vm4 =	vge.s32 v8, v2;
	v0 =	vadd.s32 v57, v0;
	v6 =	vadd.s32 v15, v6  }
0x1da: {  	v0 =	vadd.s32 v59, v0;
	v6 =	vadd.s32 v7, v6;
	v7 =	vor.u32 v5, v62  }
0x1db: {  	v0 =	vadd.s32 v20, v0;
	v7 =	vxor.u32 $0x80000000, v7;
	vm7 =	vgt.s32 v6, $0x3FF  }
0x1dc: {  	s14 =	sadd.s32 $0x1, s14;
	vm5 =	vgt.s32 v0, $0x3FF;
	vm0 =	vmor vm4, vm7;
	vm6 =	vle.s32 v7, v1  }
0x1dd: {  	p2 =	sne.s32 s14, $0x8;
	vm7 =	vcmask $0x3F04;
	vm1 =	vmor vm6, vm5;
	vm0 =	vmand vm0, vm15  }
.Ltmp6:
0x1de: {  	v0 =	vmpcnt.ones.xlane vm0;
	vm0 =	vmand vm1, vm7;
	(pc) =	sbr.rel @!p2 .LBB2_26-.Ltmp6, $4  }
0x1df: {  	v6 =	vmpcnt.ones.xlane vm0  }
0x1e0: {  	v0 =	vsub.s32 $0xF, v0  }
0x1e1: {  	v6 =	vshll.u32 v6, v60;
	v0 =	vshll.u32 v0, v60  }
0x1e2: {  	v5 =	vor.u32 v5, v6;
	v4 =	vor.u32 v4, v0  }
.LBB2_10:
0x1e3: {  	v0 =	vimm.s32 $0x1  }
0x1e4: {  	v21 =	vimm.s32 $0x0;
	v25 =	vimm.s32 $0x0;
	v27 =	vimm.s32 $0x0  }
0x1e5: {  	s15 =	sshll.u32 s14, $0x2;
	v29 =	vimm.s32 $0x0;
	v31 =	vimm.s32 $0x0;
	v37 =	vimm.s32 $0x0  }
0x1e6: {  	v38 =	vimm.s32 $0x0;
	v39 =	vimm.s32 $0x0;
	v43 =	vimm.s32 $0x0;
	s15 =	ssub.s32 $0x1C, s15  }
0x1e7: {  	v44 =	vimm.s32 $0x0;
	v49 =	vshll.u32 v0, s15;
	v0 =	vimm.s32 $0x2  }
0x1e8: {  	v40 =	vimm.s32 $0x0;
	v50 =	vshll.u32 v0, s15;
	v0 =	vimm.s32 $0x3  }
0x1e9: {  	v36 =	vimm.s32 $0x0;
	v48 =	vshll.u32 v0, s15;
	v0 =	vimm.s32 $0x4  }
0x1ea: {  	v34 =	vimm.s32 $0x0;
	v46 =	vshll.u32 v0, s15;
	v0 =	vimm.s32 $0x5  }
0x1eb: {  	v33 =	vimm.s32 $0x0;
	v47 =	vshll.u32 v0, s15;
	v0 =	vimm.s32 $0x6  }
.Ltmp7:
0x1ec: {  	v28 =	vimm.s32 $0x0;
	v45 =	vshll.u32 v0, s15;
	v0 =	vimm.s32 $0x7;
	(pc) =	sbr.rel @!p0 .LBB2_13-.Ltmp7, $4  }
0x1ed: {  	v22 =	vimm.s32 $0x0;
	v41 =	vshll.u32 v0, s15;
	v0 =	vimm.s32 $0x8  }
0x1ee: {  	v30 =	vshll.u32 v16, s15;
	v42 =	vshll.u32 v0, s15;
	v0 =	vimm.s32 $0x9  }
0x1ef: {  	v26 =	vshll.u32 v17, s15;
	v35 =	vshll.u32 v0, s15;
	v0 =	vimm.s32 $0xA  }
0x1f0: {  	v23 =	vshll.u32 v18, s15;
	v24 =	vshll.u32 v19, s15;
	v32 =	vshll.u32 v0, s15  }
0x1f1: {  	v0 =	vor.u32 v5, v49  }
0x1f2: {  	v0 =	vxor.u32 $0x80000000, v0  }
0x1f3: {  	vm0 =	vlt.s32 v5, $0x0;
	v7 =	vor.u32 v5, v50;
	v6 =	vsub.s32 $0x80000000, v0  }
0x1f4: {  	v22 =	vsel vm0, v0, v6;
	v0 =	vxor.u32 $0x80000000, v7  }
0x1f5: {  	v8 =	vor.u32 v5, v46;
	v7 =	vor.u32 v5, v48;
	v6 =	vsub.s32 $0x80000000, v0  }
0x1f6: {  	v9 =	vor.u32 v5, v47;
	v25 =	vsel vm0, v0, v6;
	v0 =	vxor.u32 $0x80000000, v7  }
0x1f7: {  	v57 =	vor.u32 v5, v41;
	v6 =	vxor.u32 $0x80000000, v8;
	v7 =	vsub.s32 $0x80000000, v0  }
0x1f8: {  	v8 =	vsub.s32 $0x80000000, v6;
	v27 =	vsel vm0, v0, v7;
	v0 =	vxor.u32 $0x80000000, v9  }
0x1f9: {  	v28 =	vsel vm0, v6, v8;
	v7 =	vor.u32 v5, v45;
	v6 =	vsub.s32 $0x80000000, v0  }
0x1fa: {  	v58 =	vor.u32 v5, v42;
	v29 =	vsel vm0, v0, v6;
	v0 =	vxor.u32 $0x80000000, v7  }
0x1fb: {  	vm7 =	vlt.s32 v58, $0x0;
	v6 =	vxor.u32 $0x80000000, v57;
	v7 =	vsub.s32 $0x80000000, v0  }
0x1fc: {  	v8 =	vsub.s32 $0x80000000, v6;
	v31 =	vsel vm0, v0, v7;
	v0 =	vxor.u32 $0x80000000, v58  }
0x1fd: {  	v33 =	vsel vm0, v6, v8;
	v7 =	vor.u32 v5, v35;
	v6 =	vsub.s32 $0x80000000, v0  }
0x1fe: {  	v34 =	vsel vm7, v0, v6;
	v0 =	vxor.u32 $0x80000000, v7;
	v6 =	vor.u32 v5, v32  }
0x1ff: {  	vm4 =	vlt.s32 v7, $0x0;
	v7 =	vsub.s32 $0x80000000, v0;
	v59 =	vxor.u32 $0x80000000, v6  }
0x200: {  	vm5 =	vlt.s32 v6, $0x0;
	v36 =	vsel vm4, v0, v7;
	v0 =	vsub.s32 $0x80000000, v59  }
0x201: {  	v6 =	vor.u32 v5, v26;
	v37 =	vsel vm5, v59, v0;
	v0 =	vor.u32 v5, v30  }
0x202: {  	v7 =	vxor.u32 $0x80000000, v0;
	vm6 =	vlt.s32 v0, $0x0;
	v0 =	vxor.u32 $0x80000000, v6  }
0x203: {  	vm14 =	vlt.s32 v6, $0x0;
	v6 =	vsub.s32 $0x80000000, v0  }
0x204: {  	v61 =	vor.u32 v5, v24;
	v39 =	vsel vm14, v0, v6;
	v0 =	vor.u32 v5, v23  }
0x205: {  	p3 =	seq.s32 s8, $0x1;
	v6 =	vxor.u32 $0x80000000, v0;
	vm7 =	vlt.s32 v0, $0x0;
	v0 =	vimm.s32 $0xF  }
.Ltmp8:
0x206: {  	v62 =	vxor.u32 $0x80000000, v61;
	v0 =	vshll.u32 v0, s15;
	(pc) =	sbr.rel @p3 .LBB2_12-.Ltmp8, $4  }
0x207: {  	v10 =	vsub.s32 $0x80000000, v62;
	v60 =	vsub.s32 $0x80000000, v7;
	v0 =	vor.u32 v5, v0  }
0x208: {  	v38 =	vsel vm6, v7, v60;
	vm14 =	vlt.s32 v61, $0x0;
	v63 =	vxor.u32 $0x80000000, v0  }
0x209: {  	s16 =	simm.s32 $0x4000;
	v7 =	vsub.s32 $0x80000000, v6;
	vm15 =	vlt.s32 v0, $0x0;
	v0 =	vsub.s32 $0x80000000, v63  }
0x20a: {  	s17 =	sadd.s32 $0xFFFFFFFF, s8;
	p2 =	por $0x0, $0x0;
	v53 =	vld [tilespmem:s16+$0x0];
	v43 =	vsel vm14, v62, v10;
	v40 =	vsel vm7, v6, v7;
	v44 =	vsel vm15, v63, v0  }
0x20b: {  	_ =	sdelay $0x1  }
0x20c: {  	v57 =	vimm.s32 $0x0;
	v58 =	vimm.s32 $0x0;
	v60 =	vimm.s32 $0x0  }
0x20d: {  	v61 =	vimm.s32 $0x0;
	v62 =	vimm.s32 $0x0;
	v63 =	vimm.s32 $0x0  }
0x20e: {  	v20 =	vimm.s32 $0x0;
	v59 =	vimm.s32 $0x0;
	vm0 =	vge.f32 v53, v22  }
0x20f: {  	vm14 =	vge.f32 v53, v25;
	vm15 =	vge.f32 v53, v44;
	vm1 =	vge.f32 v53, v27  }
0x210: {  	vm2 =	vge.f32 v53, v28;
	vm3 =	vge.f32 v53, v29;
	vm4 =	vge.f32 v53, v31  }
0x211: {  	vm5 =	vge.f32 v53, v33;
	vm6 =	vge.f32 v53, v34;
	vm7 =	vge.f32 v53, v36  }
0x212: {  	vm8 =	vge.f32 v53, v37;
	v0 =	vmpcnt.ones.xlane vm15;
	v6 =	vmpcnt.ones.xlane vm14  }
0x213: {  	vm9 =	vge.f32 v53, v38;
	v10 =	vmpcnt.ones.xlane vm1;
	v7 =	vmpcnt.ones.xlane vm3  }
0x214: {  	p3 =	seq.s32 s17, $0x1;
	vm15 =	vge.f32 v53, v39;
	v8 =	vmpcnt.ones.xlane vm4;
	v9 =	vmpcnt.ones.xlane vm5  }
.Ltmp9:
0x215: {  	v11 =	vmpcnt.ones.xlane vm7;
	v51 =	vadd.s32 v21, v0;
	v0 =	vmpcnt.ones.xlane vm0;
	(pc) =	sbr.rel @p3 .LBB2_16-.Ltmp9, $4  }
0x216: {  	vm14 =	vge.f32 v53, v43;
	v12 =	vmpcnt.ones.xlane vm8;
	v13 =	vmpcnt.ones.xlane vm9  }
0x217: {  	vm0 =	vge.f32 v53, v40;
	v52 =	vadd.s32 v21, v0;
	v0 =	vmpcnt.ones.xlane vm2  }
0x218: {  	s16 =	simm.s32 $0x4010;
	v54 =	vadd.s32 v21, v6;
	v55 =	vadd.s32 v21, v10;
	v10 =	vmpcnt.ones.xlane vm6  }
0x219: {  	s17 =	sadd.s32 $0xFFFFFFFF, s17;
	p2 =	por $0x1, $0x1;
	v53 =	vld [tilespmem:s16+$0x0];
	v6 =	vimm.s32 $0x0;
	v56 =	vadd.s32 v21, v0;
	v0 =	vimm.s32 $0x0  }
.LBB2_17:
0x21a: {  	p3 =	seq.s32 s17, $0x1;
	v57 =	vadd.s32 v57, v7;
	v7 =	vmpcnt.ones.xlane vm15;
	v14 =	vmpcnt.ones.xlane vm0  }
0x21b: {  	v58 =	vadd.s32 v58, v8;
	v60 =	vadd.s32 v60, v9;
	v8 =	vmpcnt.ones.xlane vm14  }
0x21c: {  	v61 =	vadd.s32 v61, v10;
	v62 =	vadd.s32 v62, v11;
	v63 =	vadd.s32 v63, v12  }
0x21d: {  	v0 =	vadd.s32 v0, v13;
	v20 =	vadd.s32 v20, v7;
	v6 =	vadd.s32 v6, v14  }
0x21e: {  	vm0 =	vge.f32 v53, v22;
	vm1 =	vge.f32 v53, v25;
	vm2 =	vge.f32 v53, v44  }
0x21f: {  	vm3 =	vge.f32 v53, v27;
	vm4 =	vge.f32 v53, v28;
	v7 =	vmpcnt.ones.xlane vm2  }
0x220: {  	vm5 =	vge.f32 v53, v31;
	vm6 =	vge.f32 v53, v33;
	vm2 =	vge.f32 v53, v29  }
0x221: {  	vm7 =	vge.f32 v53, v34;
	vm8 =	vge.f32 v53, v36;
	v51 =	vadd.s32 v51, v7  }
0x222: {  	vm9 =	vge.f32 v53, v37;
	vm10 =	vge.f32 v53, v38;
	vm15 =	vge.f32 v53, v39  }
0x223: {  	vm14 =	vge.f32 v53, v43;
	v7 =	vmpcnt.ones.xlane vm0;
	vm0 =	vge.f32 v53, v40  }
.Ltmp10:
0x224: {  	v59 =	vadd.s32 v59, v8;
	v9 =	vmpcnt.ones.xlane vm1;
	v10 =	vmpcnt.ones.xlane vm3;
	(pc) =	sbr.rel @!p3 .LBB2_17-.Ltmp10, $4  }
0x225: {  	v12 =	vmpcnt.ones.xlane vm4;
	v52 =	vadd.s32 v52, v7;
	v7 =	vmpcnt.ones.xlane vm2  }
0x226: {  	v8 =	vmpcnt.ones.xlane vm5;
	v54 =	vadd.s32 v54, v9;
	v9 =	vmpcnt.ones.xlane vm6  }
0x227: {  	s16 =	sadd.s32 $0x10, s16;
	v11 =	vmpcnt.ones.xlane vm8;
	v55 =	vadd.s32 v55, v10;
	v10 =	vmpcnt.ones.xlane vm7  }
0x228: {  	s17 =	sadd.s32 $0xFFFFFFFF, s17;
	v13 =	vmpcnt.ones.xlane vm10;
	v56 =	vadd.s32 v56, v12;
	v12 =	vmpcnt.ones.xlane vm9;
	v53 =	vld [tilespmem:s16+$0x0]  }
.LBB2_18:
0x229: {  	v7 =	vadd.s32 @p2 v57, v7;
	v14 =	vmpcnt.ones.xlane @p2 vm15  }
0x22a: {  	v57 =	vmpcnt.ones.xlane @p2 vm0;
	v8 =	vadd.s32 @p2 v58, v8;
	v9 =	vadd.s32 @p2 v60, v9  }
0x22b: {  	v58 =	vmpcnt.ones.xlane @p2 vm14;
	v10 =	vadd.s32 @p2 v61, v10;
	v11 =	vadd.s32 @p2 v62, v11  }
0x22c: {  	v12 =	vadd.s32 @p2 v63, v12;
	v0 =	vadd.s32 @p2 v0, v13;
	v7 =	vpsel p2, v7, v21  }
0x22d: {  	v8 =	vpsel p2, v8, v21;
	v9 =	vpsel p2, v9, v21;
	v10 =	vpsel p2, v10, v21  }
0x22e: {  	v11 =	vpsel p2, v11, v21;
	v13 =	vadd.s32 @p2 v20, v14;
	v6 =	vadd.s32 @p2 v6, v57  }
0x22f: {  	v12 =	vpsel p2, v12, v21;
	v0 =	vpsel p2, v0, v21;
	v13 =	vpsel p2, v13, v21  }
0x230: {  	v6 =	vpsel p2, v6, v21;
	vm0 =	vge.f32 v53, v22;
	vm1 =	vge.f32 v53, v25  }
0x231: {  	vm2 =	vge.f32 v53, v44;
	vm3 =	vge.f32 v53, v27;
	vm4 =	vge.f32 v53, v28  }
0x232: {  	vm5 =	vge.f32 v53, v31;
	vm6 =	vge.f32 v53, v33;
	vm7 =	vge.f32 v53, v34  }
0x233: {  	vm8 =	vge.f32 v53, v36;
	vm9 =	vge.f32 v53, v37;
	vm10 =	vge.f32 v53, v38  }
0x234: {  	vm14 =	vge.f32 v53, v39;
	v61 =	vmpcnt.ones.xlane vm2;
	v62 =	vmpcnt.ones.xlane vm0  }
0x235: {  	vm15 =	vge.f32 v53, v43;
	v20 =	vmpcnt.ones.xlane vm1;
	v28 =	vmpcnt.ones.xlane vm3  }
0x236: {  	v33 =	vadd.s32 @p2 v59, v58;
	v63 =	vmpcnt.ones.xlane vm4;
	v57 =	vmpcnt.ones.xlane vm6  }
0x237: {  	vm2 =	vge.f32 v53, v29;
	v58 =	vmpcnt.ones.xlane vm8;
	v59 =	vmpcnt.ones.xlane vm9  }
0x238: {  	vm0 =	vge.f32 v53, v40;
	v60 =	vmpcnt.ones.xlane vm10;
	v44 =	vmpcnt.ones.xlane vm2  }
0x239: {  	v22 =	vadd.s32 v51, v61;
	v25 =	vadd.s32 v52, v62;
	v27 =	vadd.s32 v54, v20  }
0x23a: {  	v20 =	vmpcnt.ones.xlane vm5;
	v29 =	vadd.s32 v55, v28;
	v28 =	vmpcnt.ones.xlane vm7  }
0x23b: {  	v31 =	vadd.s32 v56, v63;
	v61 =	vpsel p2, v33, v21;
	v62 =	vmpcnt.ones.xlane vm0  }
0x23c: {  	v39 =	vadd.s32 v9, v57;
	v63 =	vmpcnt.ones.xlane vm15;
	v40 =	vadd.s32 v12, v59  }
0x23d: {  	v36 =	vadd.s32 v0, v60;
	v37 =	vadd.s32 v7, v44;
	v7 =	vmpcnt.ones.xlane vm14  }
0x23e: {  	v44 =	vadd.s32 v11, v58;
	v38 =	vadd.s32 v8, v20;
	v43 =	vadd.s32 v10, v28  }
0x23f: {  	v33 =	vadd.s32 v6, v62;
	v28 =	vadd.s32 v61, v63;
	v34 =	vadd.s32 v13, v7  }
.LBB2_13:
.Ltmp11:
0x240: {  	(pc) =	sbr.rel @!p1 .LBB2_14-.Ltmp11, $3  }
0x241: {  	_ =	sdelay $0x1  }
0x242: {  	s16 =	sshll.u32 s10, s15  }
0x243: {  	s16 =	sxor.u32 $0xFFFFFFFF, s16  }
0x244: {  	v0 =	vor.u32 s16, v4;
	vm0 =	vlt.s32 v4, $0x0;
	v53 =	vor.u32 v4, v42  }
0x245: {  	v54 =	vor.u32 v4, v35;
	v58 =	vor.u32 v4, v26;
	v6 =	vxor.u32 $0x80000000, v0  }
0x246: {  	v8 =	vor.u32 v49, v0;
	v9 =	vor.u32 v50, v0;
	v10 =	vor.u32 v48, v0  }
0x247: {  	v14 =	vor.u32 v46, v0;
	v51 =	vor.u32 v47, v0;
	v7 =	vsub.s32 $0x80000000, v6  }
0x248: {  	v52 =	vor.u32 v45, v0;
	v49 =	vsel vm0, v6, v7;
	v6 =	vxor.u32 $0x80000000, v8  }
0x249: {  	v0 =	vor.u32 v41, v0;
	v7 =	vxor.u32 $0x80000000, v9;
	v8 =	vsub.s32 $0x80000000, v6  }
0x24a: {  	v9 =	vsub.s32 $0x80000000, v7;
	v50 =	vsel vm0, v6, v8;
	v6 =	vxor.u32 $0x80000000, v10  }
0x24b: {  	vm14 =	vlt.s32 v53, $0x0;
	v48 =	vsel vm0, v7, v9;
	v7 =	vsub.s32 $0x80000000, v6  }
0x24c: {  	v56 =	vor.u32 s16, v54;
	v46 =	vsel vm0, v6, v7;
	v6 =	vxor.u32 $0x80000000, v14  }
0x24d: {  	vm5 =	vlt.s32 v54, $0x0;
	v7 =	vxor.u32 $0x80000000, v51;
	v8 =	vsub.s32 $0x80000000, v6  }
0x24e: {  	v9 =	vsub.s32 $0x80000000, v7;
	v45 =	vsel vm0, v6, v8;
	v6 =	vxor.u32 $0x80000000, v52  }
0x24f: {  	v59 =	vor.u32 s16, v58;
	v47 =	vsel vm0, v7, v9;
	v7 =	vsub.s32 $0x80000000, v6  }
0x250: {  	v0 =	vxor.u32 $0x80000000, v0;
	v41 =	vsel vm0, v6, v7;
	v6 =	vor.u32 s16, v53  }
0x251: {  	vm7 =	vlt.s32 v58, $0x0;
	v7 =	vsub.s32 $0x80000000, v0;
	v6 =	vxor.u32 $0x80000000, v6  }
0x252: {  	v35 =	vsel vm0, v0, v7;
	v0 =	vxor.u32 $0x80000000, v56;
	v55 =	vsub.s32 $0x80000000, v6  }
0x253: {  	v7 =	vor.u32 v4, v32;
	v42 =	vsel vm14, v6, v55;
	v6 =	vsub.s32 $0x80000000, v0  }
0x254: {  	v32 =	vsel vm5, v0, v6;
	v0 =	vor.u32 s16, v7;
	v6 =	vor.u32 v4, v30  }
0x255: {  	vm6 =	vlt.s32 v7, $0x0;
	v0 =	vxor.u32 $0x80000000, v0;
	v7 =	vor.u32 s16, v6  }
0x256: {  	vm14 =	vlt.s32 v6, $0x0;
	v57 =	vsub.s32 $0x80000000, v0;
	v7 =	vxor.u32 $0x80000000, v7  }
0x257: {  	p3 =	sne.s32 s6, $0x1;
	v6 =	vsub.s32 $0x80000000, v7;
	v26 =	vsel vm6, v0, v57;
	v0 =	vxor.u32 $0x80000000, v59  }
.Ltmp12:
0x258: {  	v30 =	vsel vm14, v7, v6;
	v6 =	vor.u32 v4, v23;
	v7 =	vor.u32 v4, v24;
	(pc) =	sbr.rel @!p3 .LBB2_20-.Ltmp12, $4  }
0x259: {  	v60 =	vsub.s32 $0x80000000, v0;
	v61 =	vor.u32 s16, v6;
	v62 =	vor.u32 s16, v7  }
0x25a: {  	vm14 =	vlt.s32 v6, $0x0;
	v9 =	vxor.u32 $0x80000000, v61;
	v6 =	vxor.u32 $0x80000000, v62  }
0x25b: {  	s17 =	simm.s32 $0x8080;
	vm15 =	vlt.s32 v7, $0x0;
	v63 =	vsub.s32 $0x80000000, v9;
	v7 =	vsub.s32 $0x80000000, v6  }
0x25c: {  	s18 =	sadd.s32 $0xFFFFFFFF, s6;
	p2 =	por $0x0, $0x0;
	v54 =	vld [tilespmem:s17+$0x0];
	v23 =	vsel vm7, v0, v60;
	v24 =	vsel vm14, v9, v63;
	v51 =	vsel vm15, v6, v7  }
0x25d: {  	_ =	sdelay $0x1  }
0x25e: {  	v58 =	vimm.s32 $0x0;
	v59 =	vimm.s32 $0x0;
	v61 =	vimm.s32 $0x0  }
0x25f: {  	v62 =	vimm.s32 $0x0;
	v63 =	vimm.s32 $0x0;
	v20 =	vimm.s32 $0x0  }
0x260: {  	v60 =	vimm.s32 $0x0;
	vm0 =	vle.f32 v54, v49;
	vm1 =	vle.f32 v54, v50  }
0x261: {  	vm2 =	vle.f32 v54, v51;
	vm3 =	vle.f32 v54, v48;
	vm4 =	vle.f32 v54, v46  }
0x262: {  	vm5 =	vle.f32 v54, v47;
	vm6 =	vle.f32 v54, v41;
	vm7 =	vle.f32 v54, v35  }
0x263: {  	vm8 =	vle.f32 v54, v42;
	vm9 =	vle.f32 v54, v32;
	v0 =	vmpcnt.ones.xlane vm2  }
0x264: {  	vm10 =	vle.f32 v54, v26;
	v6 =	vmpcnt.ones.xlane vm1;
	v7 =	vmpcnt.ones.xlane vm3  }
0x265: {  	vm15 =	vle.f32 v54, v30;
	v9 =	vmpcnt.ones.xlane vm5;
	v10 =	vmpcnt.ones.xlane vm6  }
0x266: {  	p3 =	sne.s32 s18, $0x1;
	vm2 =	vle.f32 v54, v45;
	v11 =	vmpcnt.ones.xlane vm7;
	v12 =	vmpcnt.ones.xlane vm8  }
.Ltmp13:
0x267: {  	v13 =	vmpcnt.ones.xlane vm9;
	v52 =	vadd.s32 v21, v0;
	v0 =	vmpcnt.ones.xlane vm0;
	(pc) =	sbr.rel @!p3 .LBB2_22-.Ltmp13, $4  }
0x268: {  	vm14 =	vle.f32 v54, v24;
	v14 =	vmpcnt.ones.xlane vm10;
	v8 =	vmpcnt.ones.xlane vm2  }
0x269: {  	vm0 =	vle.f32 v54, v23;
	v53 =	vadd.s32 v21, v0;
	v0 =	vmpcnt.ones.xlane vm4  }
0x26a: {  	s17 =	simm.s32 $0x8090;
	v55 =	vadd.s32 v21, v6;
	v56 =	vadd.s32 v21, v7;
	v6 =	vimm.s32 $0x0  }
0x26b: {  	s18 =	sadd.s32 $0xFFFFFFFF, s18;
	p2 =	por $0x1, $0x1;
	v54 =	vld [tilespmem:s17+$0x0];
	v7 =	vimm.s32 $0x0;
	v57 =	vadd.s32 v21, v0;
	v0 =	vimm.s32 $0x0  }
.LBB2_23:
0x26c: {  	p3 =	sne.s32 s18, $0x1;
	v58 =	vadd.s32 v58, v8;
	v8 =	vmpcnt.ones.xlane vm15;
	v15 =	vmpcnt.ones.xlane vm0  }
0x26d: {  	v59 =	vadd.s32 v59, v9;
	v61 =	vadd.s32 v61, v10;
	v9 =	vmpcnt.ones.xlane vm14  }
0x26e: {  	v62 =	vadd.s32 v62, v11;
	v63 =	vadd.s32 v63, v12;
	v0 =	vadd.s32 v0, v13  }
0x26f: {  	v20 =	vadd.s32 v20, v14;
	v6 =	vadd.s32 v6, v8;
	v7 =	vadd.s32 v7, v15  }
0x270: {  	vm0 =	vle.f32 v54, v49;
	vm1 =	vle.f32 v54, v50;
	vm2 =	vle.f32 v54, v51  }
0x271: {  	vm3 =	vle.f32 v54, v48;
	vm4 =	vle.f32 v54, v46;
	v8 =	vmpcnt.ones.xlane vm2  }
0x272: {  	vm5 =	vle.f32 v54, v47;
	vm6 =	vle.f32 v54, v41;
	vm2 =	vle.f32 v54, v45  }
0x273: {  	vm7 =	vle.f32 v54, v35;
	vm8 =	vle.f32 v54, v42;
	v52 =	vadd.s32 v52, v8  }
0x274: {  	vm9 =	vle.f32 v54, v32;
	vm10 =	vle.f32 v54, v26;
	vm15 =	vle.f32 v54, v30  }
0x275: {  	vm14 =	vle.f32 v54, v24;
	v8 =	vmpcnt.ones.xlane vm0;
	vm0 =	vle.f32 v54, v23  }
.Ltmp14:
0x276: {  	v60 =	vadd.s32 v60, v9;
	v10 =	vmpcnt.ones.xlane vm1;
	v11 =	vmpcnt.ones.xlane vm3;
	(pc) =	sbr.rel @p3 .LBB2_23-.Ltmp14, $4  }
0x277: {  	v13 =	vmpcnt.ones.xlane vm4;
	v53 =	vadd.s32 v53, v8;
	v8 =	vmpcnt.ones.xlane vm2  }
0x278: {  	v9 =	vmpcnt.ones.xlane vm5;
	v55 =	vadd.s32 v55, v10;
	v10 =	vmpcnt.ones.xlane vm6  }
0x279: {  	s17 =	sadd.s32 $0x10, s17;
	v12 =	vmpcnt.ones.xlane vm8;
	v56 =	vadd.s32 v56, v11;
	v11 =	vmpcnt.ones.xlane vm7  }
0x27a: {  	s18 =	sadd.s32 $0xFFFFFFFF, s18;
	v14 =	vmpcnt.ones.xlane vm10;
	v57 =	vadd.s32 v57, v13;
	v13 =	vmpcnt.ones.xlane vm9;
	v54 =	vld [tilespmem:s17+$0x0]  }
.LBB2_24:
0x27b: {  	v8 =	vadd.s32 @p2 v58, v8  }
0x27c: {  	v15 =	vmpcnt.ones.xlane @p2 vm15;
	v58 =	vmpcnt.ones.xlane @p2 vm0;
	v9 =	vadd.s32 @p2 v59, v9  }
0x27d: {  	v10 =	vadd.s32 @p2 v61, v10;
	v59 =	vmpcnt.ones.xlane @p2 vm14;
	v11 =	vadd.s32 @p2 v62, v11  }
0x27e: {  	v12 =	vadd.s32 @p2 v63, v12;
	v13 =	vadd.s32 @p2 v0, v13;
	v14 =	vadd.s32 @p2 v20, v14  }
0x27f: {  	v8 =	vpsel p2, v8, v21;
	v9 =	vpsel p2, v9, v21;
	v10 =	vpsel p2, v10, v21  }
0x280: {  	v11 =	vpsel p2, v11, v21;
	v12 =	vpsel p2, v12, v21;
	v15 =	vadd.s32 @p2 v6, v15  }
0x281: {  	v20 =	vadd.s32 @p2 v7, v58;
	v61 =	vpsel p2, v14, v21;
	v15 =	vpsel p2, v15, v21  }
0x282: {  	v62 =	vpsel p2, v20, v21;
	vm0 =	vle.f32 v54, v49;
	vm1 =	vle.f32 v54, v50  }
0x283: {  	vm2 =	vle.f32 v54, v51;
	vm3 =	vle.f32 v54, v48;
	vm4 =	vle.f32 v54, v46  }
0x284: {  	vm5 =	vle.f32 v54, v47;
	vm6 =	vle.f32 v54, v41;
	vm7 =	vle.f32 v54, v35  }
0x285: {  	vm8 =	vle.f32 v54, v42;
	vm9 =	vle.f32 v54, v32;
	vm10 =	vle.f32 v54, v26  }
0x286: {  	vm14 =	vle.f32 v54, v30;
	v0 =	vmpcnt.ones.xlane vm2;
	v6 =	vmpcnt.ones.xlane vm1  }
0x287: {  	vm15 =	vle.f32 v54, v24;
	v7 =	vmpcnt.ones.xlane vm3;
	v24 =	vmpcnt.ones.xlane vm4  }
0x288: {  	vm2 =	vle.f32 v54, v45;
	v41 =	vmpcnt.ones.xlane vm6;
	v58 =	vmpcnt.ones.xlane vm9  }
0x289: {  	v63 =	vmpcnt.ones.xlane vm15;
	v30 =	vmpcnt.ones.xlane vm2;
	v35 =	vadd.s32 v52, v0  }
0x28a: {  	v0 =	vmpcnt.ones.xlane vm0;
	vm0 =	vle.f32 v54, v23;
	v23 =	vadd.s32 @p2 v60, v59  }
0x28b: {  	v54 =	vmpcnt.ones.xlane vm5;
	v59 =	vmpcnt.ones.xlane vm10;
	v60 =	vpsel p2, v13, v21  }
0x28c: {  	v20 =	vadd.s32 v10, v41;
	v21 =	vpsel p2, v23, v21;
	v14 =	vadd.s32 v8, v30  }
0x28d: {  	v8 =	vmpcnt.ones.xlane vm14;
	v30 =	vmpcnt.ones.xlane vm0;
	v26 =	vadd.s32 v53, v0  }
.Ltmp15:
0x28e: {  	v0 =	vadd.s32 v55, v6;
	v6 =	vadd.s32 v56, v7;
	v55 =	vmpcnt.ones.xlane vm7;
	(pc) =	sbr.rel .LBB2_25-.Ltmp15, $4  }
0x28f: {  	v56 =	vmpcnt.ones.xlane vm8;
	v7 =	vadd.s32 v57, v24;
	v24 =	vadd.s32 v9, v54  }
0x290: {  	vm7 =	vmmov $0x1;
	v10 =	vadd.s32 v15, v8;
	v9 =	vadd.s32 v62, v30  }
0x291: {  	v8 =	vadd.s32 v21, v63;
	v21 =	vnsel vm7, $0x0, v26;
	v23 =	vadd.s32 v11, v55  }
0x292: {  	v13 =	vadd.s32 v12, v56;
	v12 =	vadd.s32 v60, v58;
	v11 =	vadd.s32 v61, v59  }
.LBB2_12:
.Ltmp16:
0x293: {  	v57 =	vimm.s32 $0x0;
	v58 =	vimm.s32 $0x0;
	v60 =	vimm.s32 $0x0;
	(pc) =	sbr.rel .LBB2_18-.Ltmp16, $4  }
0x294: {  	v61 =	vimm.s32 $0x0;
	v62 =	vimm.s32 $0x0;
	v63 =	vimm.s32 $0x0  }
0x295: {  	v0 =	vimm.s32 $0x0;
	v20 =	vimm.s32 $0x0;
	v6 =	vimm.s32 $0x0  }
0x296: {  	v51 =	vimm.s32 $0x0;
	v59 =	vimm.s32 $0x0;
	v52 =	vimm.s32 $0x0  }
0x297: {  	v54 =	vimm.s32 $0x0;
	v55 =	vimm.s32 $0x0;
	v56 =	vimm.s32 $0x0  }
.LBB2_20:
.Ltmp17:
0x298: {  	v58 =	vimm.s32 $0x0;
	v59 =	vimm.s32 $0x0;
	v61 =	vimm.s32 $0x0;
	(pc) =	sbr.rel .LBB2_24-.Ltmp17, $4  }
0x299: {  	v62 =	vimm.s32 $0x0;
	v63 =	vimm.s32 $0x0;
	v0 =	vimm.s32 $0x0  }
0x29a: {  	v20 =	vimm.s32 $0x0;
	v6 =	vimm.s32 $0x0;
	v7 =	vimm.s32 $0x0  }
0x29b: {  	v52 =	vimm.s32 $0x0;
	v60 =	vimm.s32 $0x0;
	v53 =	vimm.s32 $0x0  }
0x29c: {  	v55 =	vimm.s32 $0x0;
	v56 =	vimm.s32 $0x0;
	v57 =	vimm.s32 $0x0  }
.LBB2_16:
.Ltmp18:
0x29d: {  	(pc) =	sbr.rel .LBB2_18-.Ltmp18, $4  }
0x29e: {  	v57 =	vimm.s32 $0x0  }
0x29f: {  	v58 =	vimm.s32 $0x0;
	v60 =	vimm.s32 $0x0;
	v61 =	vimm.s32 $0x0  }
0x2a0: {  	v62 =	vimm.s32 $0x0;
	v63 =	vimm.s32 $0x0;
	v0 =	vimm.s32 $0x0  }
0x2a1: {  	v20 =	vimm.s32 $0x0;
	v6 =	vimm.s32 $0x0;
	v59 =	vimm.s32 $0x0  }
.LBB2_22:
.Ltmp19:
0x2a2: {  	(pc) =	sbr.rel .LBB2_24-.Ltmp19, $4  }
0x2a3: {  	v58 =	vimm.s32 $0x0  }
0x2a4: {  	v59 =	vimm.s32 $0x0;
	v61 =	vimm.s32 $0x0;
	v62 =	vimm.s32 $0x0  }
0x2a5: {  	v63 =	vimm.s32 $0x0;
	v0 =	vimm.s32 $0x0;
	v20 =	vimm.s32 $0x0  }
0x2a6: {  	v6 =	vimm.s32 $0x0;
	v7 =	vimm.s32 $0x0;
	v60 =	vimm.s32 $0x0  }
.LBB2_26:
0x2a7: {  	p0 =	sgt.s32 s8, $0x0  }
.Ltmp20:
0x2a8: {  	_ = 	snop;
	(pc) =	sbr.rel @!p0 .LBB2_27-.Ltmp20, $4  }
0x2a9: {  	v1 =	vxor.u32 $0x80000000, v5;
	v2 =	vxor.u32 $0x80000000, v4  }
0x2aa: {  	vm0 =	vlt.s32 v5, $0x0;
	v0 =	vimm.s32 $0x0;
	v3 =	vsub.s32 $0x80000000, v1  }
0x2ab: {  	v5 =	vimm.s32 $0x0;
	v6 =	vsub.s32 $0x80000000, v2;
	v1 =	vsel vm0, v1, v3  }
0x2ac: {  	s4 =	sshll.u32 s2, $0x6;
	vm0 =	vlt.s32 v4, $0x0;
	v3 =	vimm.f32 $0.0e+00;
	v4 =	vimm.f32 $0.0e+00  }
0x2ad: {  	v4 =	vld [tilespmem:s7+$0x0];
	p0 =	seq.s32 s8, $0x1  }
.Ltmp21:
0x2ae: {  	_ = 	snop;
	(pc) =	sbr.rel @p0 .LBB2_34-.Ltmp21, $2  }
0x2af: {  	_ =	sdelay $0x2  }
0x2b0: {  	s5 =	sadd.s32 $0xFFFFFFFF, s8;
	s7 =	simm.s32 $0x4010;
	v5 =	vimm.f32 $0.0e+00;
	v7 =	vimm.s32 $0x0;
	vm1 =	vgt.f32 v4, v1  }
.LBB2_33:
0x2b1: {  	p0 =	seq.s32 s5, $0x1;
	s5 =	sadd.s32 $0xFFFFFFFF, s5;
	v8 =	vnsel vm1, $0x0, v4;
	v4 =	vld [tilespmem:s7+$0x0];
	v9 =	vmpcnt.ones.xlane vm1  }
.Ltmp22:
0x2b2: {  	v5 =	vadd.f32 v8, v5;
	(pc) =	sbr.rel @!p0 .LBB2_33-.Ltmp22, $2  }
0x2b3: {  	v7 =	vadd.s32 v7, v9;
	_ =	sdelay $0x2  }
0x2b4: {  	s7 =	sadd.s32 $0x10, s7;
	vm1 =	vgt.f32 v4, v1  }
.LBB2_34:
0x2b5: {  	v8 =	vmpcnt.ones.xlane vm1  }
0x2b6: {  	v4 =	vnsel vm1, $0x0, v4  }
0x2b7: {  	v4 =	vadd.f32 v4, v5;
	v5 =	vadd.s32 v7, v8  }
.LBB2_27:
0x2b8: {  	p0 =	sgt.s32 s6, $0x0  }
.Ltmp23:
0x2b9: {  	_ = 	snop;
	(pc) =	sbr.rel @!p0 .LBB2_31-.Ltmp23, $2  }
0x2ba: {  	_ =	sdelay $0x2  }
0x2bb: {  	s4 =	sadd.s32 s4, s3;
	v2 =	vsel vm0, v2, v6  }
0x2bc: {  	s5 =	simm.s32 $0x8080  }
0x2bd: {  	p0 =	sne.s32 s6, $0x1;
	v6 =	vld [tilespmem:s5+$0x0]  }
.Ltmp24:
0x2be: {  	_ = 	snop;
	(pc) =	sbr.rel @!p0 .LBB2_30-.Ltmp24, $2  }
0x2bf: {  	_ =	sdelay $0x2  }
0x2c0: {  	s5 =	sadd.s32 $0xFFFFFFFF, s6;
	s6 =	simm.s32 $0x8090;
	vm0 =	vlt.f32 v6, v2  }
.LBB2_29:
0x2c1: {  	p0 =	sne.s32 s5, $0x1;
	s5 =	sadd.s32 $0xFFFFFFFF, s5;
	v7 =	vnsel vm0, $0x0, v6;
	v6 =	vld [tilespmem:s6+$0x0];
	v8 =	vmpcnt.ones.xlane vm0  }
.Ltmp25:
0x2c2: {  	v3 =	vadd.f32 v7, v3;
	(pc) =	sbr.rel @p0 .LBB2_29-.Ltmp25, $2  }
0x2c3: {  	v0 =	vadd.s32 v0, v8;
	_ =	sdelay $0x2  }
0x2c4: {  	s6 =	sadd.s32 $0x10, s6;
	vm0 =	vlt.f32 v6, v2  }
.LBB2_30:
0x2c5: {  	v7 =	vmpcnt.ones.xlane vm0  }
0x2c6: {  	v6 =	vnsel vm0, $0x0, v6  }
0x2c7: {  	v3 =	vadd.f32 v6, v3;
	v0 =	vadd.s32 v0, v7  }
.LBB2_31:
0x2c8: {  	[tilespmem:$0xC100] =	vst v5  }
0x2c9: {  	[tilespmem:$0xC110] =	vst v0  }
0x2ca: {  	[tilespmem:$0xC120] =	vst v4  }
0x2cb: {  	s5 =	simm.s32 $0xC100;
	s30 =	simm.s32 $0x1;
	[tilespmem:$0xC130] =	vst v3  }
0x2cc: {  	[spmem:s4] =	stream.linear.scatter [tilespmem:s5], [sflag:$0x1], $0x40, $0x38;
	[tilespmem:$0xC700] =	vst v63  }
0x2cd: {  	_ =	swait.ge [sflag:s30], $0x40  }
0x2ce: {  	[sflag:s30] =	ssyncset.done $0x0  }
0x2cf: {  	[sflag:s30] =	ssyncadd.s32 $0xFFFFFFC0  }
0x2d0: {  	s31 =	simm.s32 $0xC180;
	[bflag:$0x0] =	sbarrier.arrive $0xFFFF  }
0x2d1: {  	[tilespmem:s31], [sflag:$0x1] =	stream.linear.gather [spmem:s3], $0x400, $0x38;
	[tilespmem:$0xC700] =	vst v63  }
0x2d2: {  	_ =	swait.ge [sflag:s30], $0x400  }
0x2d3: {  	[sflag:s30] =	ssyncset.done $0x0  }
0x2d4: {  	[sflag:s30] =	ssyncadd.s32 $0xFFFFFC00  }
0x2d5: {  	v54 =	vld [tilespmem:$0xC180]  }
0x2d6: {  	v55 =	vld [tilespmem:$0xC190]  }
0x2d7: {  	v56 =	vld [tilespmem:$0xC1A0]  }
0x2d8: {  	v57 =	vld [tilespmem:$0xC1B0]  }
0x2d9: {  	v6 =	vld [tilespmem:$0xC1C0]  }
0x2da: {  	v7 =	vld [tilespmem:$0xC1D0]  }
0x2db: {  	v8 =	vld [tilespmem:$0xC1E0]  }
0x2dc: {  	v9 =	vld [tilespmem:$0xC1F0]  }
0x2dd: {  	v10 =	vld [tilespmem:$0xC200]  }
0x2de: {  	v11 =	vld [tilespmem:$0xC210]  }
0x2df: {  	v12 =	vld [tilespmem:$0xC220]  }
0x2e0: {  	v13 =	vld [tilespmem:$0xC230]  }
0x2e1: {  	v14 =	vld [tilespmem:$0xC240]  }
0x2e2: {  	v15 =	vld [tilespmem:$0xC250]  }
0x2e3: {  	v16 =	vld [tilespmem:$0xC260]  }
0x2e4: {  	v17 =	vld [tilespmem:$0xC270]  }
0x2e5: {  	v18 =	vld [tilespmem:$0xC280]  }
0x2e6: {  	v19 =	vld [tilespmem:$0xC290]  }
0x2e7: {  	v20 =	vld [tilespmem:$0xC2A0]  }
0x2e8: {  	v21 =	vld [tilespmem:$0xC2B0]  }
0x2e9: {  	v22 =	vld [tilespmem:$0xC2C0]  }
0x2ea: {  	v23 =	vld [tilespmem:$0xC2D0]  }
0x2eb: {  	v24 =	vld [tilespmem:$0xC2E0]  }
0x2ec: {  	v25 =	vld [tilespmem:$0xC2F0]  }
0x2ed: {  	v26 =	vld [tilespmem:$0xC300]  }
0x2ee: {  	v27 =	vld [tilespmem:$0xC310]  }
0x2ef: {  	v28 =	vld [tilespmem:$0xC320]  }
0x2f0: {  	v29 =	vld [tilespmem:$0xC330]  }
0x2f1: {  	v30 =	vld [tilespmem:$0xC340]  }
0x2f2: {  	v31 =	vld [tilespmem:$0xC350]  }
0x2f3: {  	v58 =	vld [tilespmem:$0xC360]  }
0x2f4: {  	v59 =	vld [tilespmem:$0xC370];
	v4 =	vadd.f32 v8, v56  }
0x2f5: {  	v60 =	vld [tilespmem:$0xC380];
	v5 =	vadd.f32 v9, v57  }
0x2f6: {  	v61 =	vld [tilespmem:$0xC390];
	v4 =	vadd.f32 v12, v4  }
0x2f7: {  	v62 =	vld [tilespmem:$0xC3A0];
	v5 =	vadd.f32 v13, v5  }
0x2f8: {  	v63 =	vld [tilespmem:$0xC3B0];
	v4 =	vadd.f32 v16, v4  }
0x2f9: {  	v32 =	vld [tilespmem:$0xC3C0];
	v5 =	vadd.f32 v17, v5  }
0x2fa: {  	v33 =	vld [tilespmem:$0xC3D0];
	v4 =	vadd.f32 v20, v4  }
0x2fb: {  	v34 =	vld [tilespmem:$0xC3E0];
	v5 =	vadd.f32 v21, v5  }
0x2fc: {  	v35 =	vld [tilespmem:$0xC3F0];
	v4 =	vadd.f32 v24, v4  }
0x2fd: {  	v36 =	vld [tilespmem:$0xC400];
	v5 =	vadd.f32 v25, v5  }
0x2fe: {  	v37 =	vld [tilespmem:$0xC410];
	v4 =	vadd.f32 v28, v4  }
0x2ff: {  	v38 =	vld [tilespmem:$0xC420];
	v5 =	vadd.f32 v29, v5  }
0x300: {  	v39 =	vld [tilespmem:$0xC430];
	v4 =	vadd.f32 v58, v4  }
0x301: {  	v40 =	vld [tilespmem:$0xC440];
	v5 =	vadd.f32 v59, v5  }
0x302: {  	v41 =	vld [tilespmem:$0xC460];
	v4 =	vadd.f32 v62, v4  }
0x303: {  	v42 =	vld [tilespmem:$0xC470];
	v5 =	vadd.f32 v63, v5  }
0x304: {  	v43 =	vld [tilespmem:$0xC4A0];
	v4 =	vadd.f32 v34, v4  }
0x305: {  	v44 =	vld [tilespmem:$0xC4B0];
	v5 =	vadd.f32 v35, v5  }
0x306: {  	v45 =	vld [tilespmem:$0xC4E0];
	v4 =	vadd.f32 v38, v4  }
0x307: {  	v46 =	vld [tilespmem:$0xC4F0];
	v5 =	vadd.f32 v39, v5  }
0x308: {  	v47 =	vld [tilespmem:$0xC520];
	v4 =	vadd.f32 v41, v4  }
0x309: {  	v48 =	vld [tilespmem:$0xC530];
	v5 =	vadd.f32 v42, v5  }
0x30a: {  	v49 =	vld [tilespmem:$0xC560];
	v4 =	vadd.f32 v43, v4  }
0x30b: {  	v50 =	vld [tilespmem:$0xC570];
	v0 =	vadd.s32 v6, v54;
	v3 =	vadd.s32 v7, v55;
	v5 =	vadd.f32 v44, v5  }
0x30c: {  	v51 =	vld [tilespmem:$0xC450];
	v0 =	vadd.s32 v10, v0;
	v3 =	vadd.s32 v11, v3;
	v4 =	vadd.f32 v45, v4  }
0x30d: {  	v52 =	vld [tilespmem:$0xC480];
	v0 =	vadd.s32 v14, v0;
	v3 =	vadd.s32 v15, v3;
	v5 =	vadd.f32 v46, v5  }
0x30e: {  	v53 =	vld [tilespmem:$0xC490];
	v0 =	vadd.s32 v18, v0;
	v3 =	vadd.s32 v19, v3;
	v4 =	vadd.f32 v47, v4  }
0x30f: {  	v54 =	vld [tilespmem:$0xC4C0];
	v0 =	vadd.s32 v22, v0;
	v3 =	vadd.s32 v23, v3;
	v5 =	vadd.f32 v48, v5  }
0x310: {  	v55 =	vld [tilespmem:$0xC4D0];
	v0 =	vadd.s32 v26, v0;
	v3 =	vadd.s32 v27, v3;
	v4 =	vadd.f32 v49, v4  }
0x311: {  	v56 =	vld [tilespmem:$0xC500];
	v0 =	vadd.s32 v30, v0;
	v3 =	vadd.s32 v31, v3;
	v5 =	vadd.f32 v50, v5  }
0x312: {  	v57 =	vld [tilespmem:$0xC510];
	v0 =	vadd.s32 v60, v0;
	v3 =	vadd.s32 v61, v3;
	(xrf2) =	vadd.scan.msk.f32 $0xffff, v4  }
0x313: {  	v0 =	vadd.s32 v32, v0;
	v3 =	vadd.s32 v33, v3;
	v58 =	vld [tilespmem:$0xC540];
	(xrf2) =	vadd.scan.msk.f32 $0xffff, v5  }
0x314: {  	v0 =	vadd.s32 v36, v0;
	v3 =	vadd.s32 v37, v3;
	v59 =	vld [tilespmem:$0xC550]  }
0x315: {  	v0 =	vadd.s32 v40, v0;
	v3 =	vadd.s32 v51, v3  }
0x316: {  	v0 =	vadd.s32 v52, v0;
	v3 =	vadd.s32 v53, v3  }
0x317: {  	v0 =	vadd.s32 v54, v0;
	v3 =	vadd.s32 v55, v3  }
0x318: {  	v0 =	vadd.s32 v56, v0;
	v3 =	vadd.s32 v57, v3  }
0x319: {  	v0 =	vadd.s32 v58, v0;
	v3 =	vadd.s32 v59, v3  }
0x31a: {  	v0 =	vsub.s32 $0x400, v0;
	v3 =	vsub.s32 $0x400, v3  }
0x31b: {  	v0 =	vcvt.s32.f32 v0;
	v3 =	vcvt.s32.f32 v3  }
0x31c: {  	v60, _, _ =	vpop (xrf2)  }
0x31d: {  	v0 =	vmul.f32 v0, v1;
	v2 =	vmul.f32 v3, v2;
	v61, _, _ =	vpop (xrf2)  }
0x31e: {  	v4 =	vbroadcast v60, $0xF;
	v62 =	vbroadcast v61, $0xF;
	_ =	sdelay $0x1  }
0x31f: {  	v0 =	vadd.f32 v4, v0;
	v1 =	vadd.f32 v62, v2  }
0x320: {  	v63 =	vld [tilespmem:$0x1FFE0]  }
0x321: {  	v0 =	vsub.f32 v0, v1;
	_ =	sdelay $0x1  }
0x322: {  	v0 =	vadd.f32 v0, v0;
	_ =	sdelay $0x1  }
0x323: {  	v0 =	vsub.f32 v0, v63;
	_ =	sdelay $0x1  }
0x324: {  	p0 =	sne.s32 s2, $0x0;
	[tilespmem:$0xC580] =	vst v0  }
0x325: {  	_ =	sfence.sel @p0 $0x180000  }
0x326: {  	[bflag:$0x0] =	sbarrier.arrive @p0 $0xFFFF  }
0x327: {  	_ =	strace @p0 $0x90000047  }
0x328: {  	s2 =	simm.s32 @!p0 $0x0;
	s3 =	simm.s32 @!p0 $0xC580;
	[bflag:$0x2] =	sbarrier.arrive @p0 $0xFFFF  }
0x329: {  	[hbm4b:s1+s2] =	stream.linear.scatter @!p0 [tilespmem:s3], [sflag:$0x1], $0x80, $0x38;
	[tilespmem:$0xC700] =	vst v63  }
0x32a: {  	s1 =	simm.s32 @!p0 $0x1  }
0x32b: {  	_ =	swait.ge @!p0 [sflag:s1], $0x80  }
0x32c: {  	[sflag:s1] =	ssyncset.done @!p0 $0x0  }
0x32d: {  	[sflag:s1] =	ssyncadd.s32 @!p0 $0xFFFFFF80  }
0x32e: {  	_ =	sfence.sel @!p0 $0x180000  }
0x32f: {  	[bflag:$0x0] =	sbarrier.arrive @!p0 $0xFFFF  }
0x330: {  	_ =	strace @!p0 $0x90000047  }
0x331: {  	s0 =	sadd.s32 @!p0 $0x100000, s0;
	[bflag:$0x2] =	sbarrier.arrive @!p0 $0xFFFF  }
0x332: {  	[sflag:s0] =	ssyncadd.tile.s32 @!p0 $0x1;
	_ =	shalt  }
.Lfunc_end2:
_tile_overlayer_lowered:
.L_overlay_start_2:
0x333: {  	(tag) =	ssettag $0x2  }
0x334: {  	s0 =	rddreg [dreg:$0x0];
	s2 =	stileid.u32  }
0x335: {  	s1 =	rddreg [dreg:$0x1];
	p0 =	sne.s32 s2, $0x0  }
0x336: {  	s3 =	rddreg [dreg:$0x2];
	[bflag:$0x3] =	sbarrier.arrive $0xFFFF;
	s2 =	simm.s32 @!p0 $0x1C01  }
0x337: {  	[timem:s3], [sflag:s2] =	dma.local @!p0 [hbm:s0], s1  }
0x338: {  	s0 =	simm.s32 @!p0 $0x1  }
0x339: {  	_ =	swait.ge @!p0 [sflag:s0], s1  }
0x33a: {  	s1 =	ssub.s32 @!p0 $0x0, s1;
	[sflag:s0] =	ssyncset.done @!p0 $0x0  }
0x33b: {  	[sflag:s0] =	ssyncadd.s32 @!p0 s1  }
0x33c: {  	[bflag:$0x3] =	sbarrier.arrive $0xFFFF  }
0x33d: {  	_ =	shalt  }

</sc_bundles>
